<compile_context>
chip_gen: v7x
topology: tpu7x:2x2x1
jax: 0.10.2.dev20260603
libtpu: 0.0.44.dev20260713+nightly
codegen_flags: <defaults>
</compile_context>

<pallas_src>
import functools

import jax
import jax.numpy as jnp
from jax import lax
from jax.experimental import pallas as pl
from jax.experimental.pallas import tpu as pltpu
from jax.experimental.pallas import tpu_sc as plsc

B = 1024
A = 200
AP = 208
NE = 100000
NR = 400
ED = 128
RD = 128
HD = 128
HUGE = 1e20
EPS = 1e-20

NC = 2
NS = 16
NW = NC * NS
BPW = B // NW


def _sc_gather_epq(ent_hbm, rel_hbm, e_hbm, p_hbm, q_hbm,
                   eo_hbm, po_hbm, qo_hbm,
                   eidx, pidx, qidx, erows, prows, qrows, sem):
    wid = lax.axis_index("s") * NC + lax.axis_index("c")
    base = pl.multiple_of(wid * BPW, BPW)
    pltpu.sync_copy(e_hbm.at[pl.ds(base, BPW)], eidx)
    pltpu.sync_copy(p_hbm.at[pl.ds(base, BPW)], pidx)
    pltpu.sync_copy(q_hbm.at[pl.ds(base, BPW)], qidx)
    c1 = pltpu.async_copy(ent_hbm.at[eidx], erows, sem)
    c2 = pltpu.async_copy(ent_hbm.at[pidx], prows, sem)
    c3 = pltpu.async_copy(rel_hbm.at[qidx], qrows, sem)
    c1.wait()
    c2.wait()
    c3.wait()
    pltpu.sync_copy(erows, eo_hbm.at[pl.ds(base, BPW)])
    pltpu.sync_copy(prows, po_hbm.at[pl.ds(base, BPW)])
    pltpu.sync_copy(qrows, qo_hbm.at[pl.ds(base, BPW)])


def _gather_epq(ent, rel, e, p, q):
    mesh = plsc.VectorSubcoreMesh(core_axis_name="c", subcore_axis_name="s")
    f = functools.partial(
        pl.kernel, mesh=mesh,
        out_type=[jax.ShapeDtypeStruct((B, ED), jnp.float32),
                  jax.ShapeDtypeStruct((B, ED), jnp.float32),
                  jax.ShapeDtypeStruct((B, RD), jnp.float32)],
        scratch_types=[
            pltpu.VMEM((BPW,), jnp.int32),
            pltpu.VMEM((BPW,), jnp.int32),
            pltpu.VMEM((BPW,), jnp.int32),
            pltpu.VMEM((BPW, ED), jnp.float32),
            pltpu.VMEM((BPW, ED), jnp.float32),
            pltpu.VMEM((BPW, RD), jnp.float32),
            pltpu.SemaphoreType.DMA,
        ],
    )(_sc_gather_epq)
    return f(ent, rel, e, p, q)


NCHUNK = AP // 16


def _sc_scores(ent_hbm, es_hbm, rsf_hbm, x2_hbm, rs1_hbm, out_hbm,
               esl, rslf, x2l, scl, rows, relbuf, semA, semB):
    wid = lax.axis_index("s") * NC + lax.axis_index("c")
    base = pl.multiple_of(wid * BPW, BPW)
    pltpu.sync_copy(es_hbm.at[pl.ds(base, BPW)], esl)
    pltpu.sync_copy(rsf_hbm.at[pl.ds(base, BPW)], rslf)
    pltpu.sync_copy(x2_hbm.at[pl.ds(base, BPW)], x2l)

    lane = lax.iota(jnp.int32, 16)
    lmask = {k: (lane & k) != 0 for k in (1, 2, 4, 8)}

    def fire(b, slot, sem):
        for lo, n in ((0, 104), (104, 96)):
            sl = pl.ds(lo, n)
            pltpu.async_copy(ent_hbm.at[esl.at[b, sl]],
                             rows.at[slot, sl], sem)
            pltpu.async_copy(rs1_hbm.at[rslf.at[b, sl]],
                             relbuf.at[slot, sl], sem)

    def drain(slot, sem):
        pltpu.make_async_copy(ent_hbm.at[pl.ds(0, A)],
                              rows.at[slot, pl.ds(0, A)], sem).wait()
        pltpu.make_async_copy(rs1_hbm.at[pl.ds(0, A)],
                              relbuf.at[slot, pl.ds(0, A)], sem).wait()

    def merge(va, vb, k):
        pa = va.at[lane ^ k].get(mode="promise_in_bounds")
        pb = vb.at[lane ^ k].get(mode="promise_in_bounds")
        return jnp.where(lmask[k], vb + pb, va + pa)

    def compute(b, slot):
        x2c = [x2l[b, pl.ds(16 * g, 16)] for g in range(8)]

        def body_c(c, _):
            vs = []
            for j in range(16):
                a = c * 16 + j
                acc = rows[slot, a, pl.ds(0, 16)] * x2c[0]
                for g in range(1, 8):
                    acc = acc + rows[slot, a, pl.ds(16 * g, 16)] * x2c[g]
                vs.append(acc)
            for k in (1, 2, 4, 8):
                vs = [merge(vs[2 * i], vs[2 * i + 1], k)
                      for i in range(len(vs) // 2)]
            relv = relbuf[slot, pl.ds(c * 16, 16)]
            scl[b, pl.ds(c * 16, 16)] = vs[0] + relv
            return _

        lax.fori_loop(0, NCHUNK, body_c, None)

    fire(0, 0, semA)

    def body_g(g, _):
        b0 = g * 2
        fire(b0 + 1, 1, semB)
        drain(0, semA)
        compute(b0, 0)

        @pl.when(g < BPW // 2 - 1)
        def _prefetch():
            fire(b0 + 2, 0, semA)

        drain(1, semB)
        compute(b0 + 1, 1)
        return _

    lax.fori_loop(0, BPW // 2, body_g, None)
    pltpu.sync_copy(scl, out_hbm.at[pl.ds(base, BPW)])


def _scores_sc(ent, es_pad, rsf_pad, x2e, RS):
    mesh = plsc.VectorSubcoreMesh(core_axis_name="c", subcore_axis_name="s")
    f = functools.partial(
        pl.kernel, mesh=mesh,
        out_type=jax.ShapeDtypeStruct((B, AP), jnp.float32),
        scratch_types=[
            pltpu.VMEM((BPW, A), jnp.int32),
            pltpu.VMEM((BPW, A), jnp.int32),
            pltpu.VMEM((BPW, 128), jnp.float32),
            pltpu.VMEM((BPW, AP), jnp.float32),
            pltpu.VMEM((2, AP, ED), jnp.float32),
            pltpu.VMEM((2, AP), jnp.float32),
            pltpu.SemaphoreType.DMA,
            pltpu.SemaphoreType.DMA,
        ],
        compiler_params=pltpu.CompilerParams(use_tc_tiling_on_sc=False),
    )(_sc_scores)
    return f(ent, es_pad, rsf_pad, x2e, RS.reshape(B * NR))


def _tc_dense_body(E, H, Q, P, rel,
                   W1a, W1b, W1c, b1, W2, b2, W3, b3, W4, b4,
                   W5a, W5b, b5, W6a, W6b, b6, Wta, Wtb, batt,
                   x2e_o, rs_o, ratt_o):
    f32 = jnp.float32
    dot = functools.partial(jnp.dot, preferred_element_type=f32)

    X = jax.nn.relu(dot(E[...], W1a[...]) + dot(H[...], W1b[...])
                    + dot(Q[...], W1c[...]) + b1[...])
    X2 = dot(X, W2[...]) + b2[...]
    pei = dot(P[...], W3[...]) + b3[...]
    R = rel[...]
    K = dot(R, W4[...]) + b4[...]
    la = lax.dot_general(pei, K, (((1,), (1,)), ((), ())),
                         preferred_element_type=f32)
    la = la - jnp.max(la, axis=-1, keepdims=True)
    ex = jnp.exp(la)
    sm = ex / jnp.sum(ex, axis=-1, keepdims=True)
    beta = dot(sm, R)
    rsum = jnp.sum(R, axis=0, keepdims=True)
    alpha = dot(rsum, W5a[...]) + float(NR) * dot(P[...], W5b[...]) + b5[...]
    V_A = dot(alpha, W6a[...]) + dot(beta, W6b[...]) + b6[...]
    att_in = dot(X2, Wta[...]) + dot(V_A, Wtb[...]) + batt[...]
    lg = lax.dot_general(att_in, R, (((1,), (1,)), ((), ())),
                         preferred_element_type=f32)
    lg = lg - jnp.max(lg, axis=-1, keepdims=True)
    exg = jnp.exp(lg)
    ratt_o[...] = exg / jnp.sum(exg, axis=-1, keepdims=True)
    rs_o[...] = lax.dot_general(X2[:, :RD], R, (((1,), (1,)), ((), ())),
                                preferred_element_type=f32)
    x2e_o[...] = X2[:, RD:]


def _tc_dense(E, H, Q, P, rel, W1, b1, W2, b2, W3, b3, W4, b4,
              W5, b5, W6, b6, Watt, batt):
    BB = B
    grid = (1,)
    row = lambda i: (0, 0)
    rep = lambda i: (0, 0)
    rep1 = lambda i: (0,)
    specs = [
        pl.BlockSpec((BB, ED), row),
        pl.BlockSpec((BB, HD), row),
        pl.BlockSpec((BB, RD), row),
        pl.BlockSpec((BB, ED), row),
        pl.BlockSpec((NR, RD), rep),
        pl.BlockSpec((ED, 256), rep),
        pl.BlockSpec((HD, 256), rep),
        pl.BlockSpec((RD, 256), rep),
        pl.BlockSpec((256,), rep1),
        pl.BlockSpec((256, 256), rep),
        pl.BlockSpec((256,), rep1),
        pl.BlockSpec((ED, RD), rep),
        pl.BlockSpec((RD,), rep1),
        pl.BlockSpec((RD, RD), rep),
        pl.BlockSpec((RD,), rep1),
        pl.BlockSpec((RD, RD), rep),
        pl.BlockSpec((ED, RD), rep),
        pl.BlockSpec((RD,), rep1),
        pl.BlockSpec((RD, RD), rep),
        pl.BlockSpec((RD, RD), rep),
        pl.BlockSpec((RD,), rep1),
        pl.BlockSpec((256, RD), rep),
        pl.BlockSpec((RD, RD), rep),
        pl.BlockSpec((RD,), rep1),
    ]
    out_specs = [
        pl.BlockSpec((BB, 128), row),
        pl.BlockSpec((BB, NR), row),
        pl.BlockSpec((BB, NR), row),
    ]
    out_shape = [
        jax.ShapeDtypeStruct((B, 128), jnp.float32),
        jax.ShapeDtypeStruct((B, NR), jnp.float32),
        jax.ShapeDtypeStruct((B, NR), jnp.float32),
    ]
    W1a, W1b, W1c = W1[:ED], W1[ED:ED + HD], W1[ED + HD:]
    W5a, W5b = W5[:RD], W5[RD:]
    W6a, W6b = W6[:RD], W6[RD:]
    Wta, Wtb = Watt[:256], Watt[256:]
    return pl.pallas_call(
        _tc_dense_body, grid=grid, in_specs=specs, out_specs=out_specs,
        out_shape=out_shape,
    )(E, H, Q, P, rel, W1a, W1b, W1c, b1, W2, b2, W3, b3, W4, b4,
      W5a, W5b, b5, W6a, W6b, b6, Wta, Wtb, batt)


def _tc_softmax_body(s_ref, m_ref, dist_o, ent_o):
    s = s_ref[...][:, :A] - (1.0 - m_ref[...]) * HUGE
    s = s - jnp.max(s, axis=-1, keepdims=True)
    p = jnp.exp(s)
    dist = p / jnp.sum(p, axis=-1, keepdims=True)
    dist_o[...] = dist
    ent_o[...] = -jnp.sum(dist * jnp.log(dist + EPS), axis=-1, keepdims=True)


def _tc_softmax(scores, mask):
    row = lambda i: (0, 0)
    return pl.pallas_call(
        _tc_softmax_body, grid=(1,),
        in_specs=[pl.BlockSpec((B, AP), row), pl.BlockSpec((B, A), row)],
        out_specs=[pl.BlockSpec((B, A), row), pl.BlockSpec((B, 1), row)],
        out_shape=[jax.ShapeDtypeStruct((B, A), jnp.float32),
                   jax.ShapeDtypeStruct((B, 1), jnp.float32)],
    )(scores, mask)


def kernel(e, q, pred_id, r_space, e_space, action_mask, H, entity_emb,
           relation_emb, W1, b1, W2, b2, W3, b3, W4, b4, W5, b5, W6, b6,
           Watt, batt):
    i32 = jnp.int32
    e = e.astype(i32)
    q = q.astype(i32)
    pred = pred_id.reshape(B).astype(i32)
    es_i = e_space.astype(i32)
    rsf_i = r_space.astype(i32) + (jnp.arange(B, dtype=i32) * NR)[:, None]

    E, P, Q = _gather_epq(entity_emb, relation_emb, e, pred, q)
    x2e, RS, ratt = _tc_dense(E, H, Q, P, relation_emb, W1, b1, W2, b2,
                              W3, b3, W4, b4, W5, b5, W6, b6, Watt, batt)
    scores = _scores_sc(entity_emb, es_i, rsf_i, x2e, RS)
    dist, ent = _tc_softmax(scores, action_mask)
    return dist, ent.reshape(B), ratt

# --- scband reference (transcript-rebuilt; emitter-appended) ---
"""Pipeline reference for scband-graph-search-policy-23862838297041 (READ-ONLY COPY).

The authoritative reference and input builder live on the scoring server;
editing this copy changes nothing except your own understanding.
"""

import jax, jax.numpy as jnp
import numpy as np

B = 1024; A = 200; NE = 100000; NR = 400; ED = 128; RD = 128; HD = 128; AD = 256
HUGE = 1e20
EPS = 1e-20


def _lin(k, fin, fout):
    s = 1.0 / np.sqrt(fin)
    kw, kb = jax.random.split(k)
    W = jax.random.uniform(kw, (fin, fout), minval=-s, maxval=s, dtype=jnp.float32)
    b = jax.random.uniform(kb, (fout,), minval=-s, maxval=s, dtype=jnp.float32)
    return W, b


def setup_inputs(seed: int = 0) -> dict:
    key = jax.random.key(seed)
    ks = jax.random.split(key, 20)
    e = jax.random.randint(ks[0], (B,), 0, NE)
    q = jax.random.randint(ks[1], (B,), 0, NR)
    pred_id = jax.random.randint(ks[2], (B, 1), 0, NE)
    r_space = jax.random.randint(ks[3], (B, A), 0, NR)
    e_space = jax.random.randint(ks[4], (B, A), 0, NE)
    mask = (jax.random.uniform(ks[5], (B, A)) < 0.7).astype(jnp.float32)
    action_mask = mask.at[:, 0].set(1.0)
    H = jax.random.normal(ks[6], (B, HD), dtype=jnp.float32)
    entity_emb = jax.random.normal(ks[7], (NE, ED), dtype=jnp.float32) * 0.1
    relation_emb = jax.random.normal(ks[8], (NR, RD), dtype=jnp.float32) * 0.1
    W1, b1 = _lin(ks[9], ED + HD + RD, AD)
    W2, b2 = _lin(ks[10], AD, AD)
    W3, b3 = _lin(ks[11], ED, RD)
    W4, b4 = _lin(ks[12], RD, RD)
    W5, b5 = _lin(ks[13], RD + ED, RD)
    W6, b6 = _lin(ks[14], RD + RD, RD)
    Watt, batt = _lin(ks[15], AD + RD, RD)
    return {"e": e, "q": q, "pred_id": pred_id, "r_space": r_space, "e_space": e_space,
            "action_mask": action_mask, "H": H, "entity_emb": entity_emb, "relation_emb": relation_emb,
            "W1": W1, "b1": b1, "W2": W2, "b2": b2, "W3": W3, "b3": b3, "W4": W4, "b4": b4,
            "W5": W5, "b5": b5, "W6": W6, "b6": b6, "Watt": Watt, "batt": batt}


def reference(e, q, pred_id, r_space, e_space, action_mask, H, entity_emb, relation_emb,
              W1, b1, W2, b2, W3, b3, W4, b4, W5, b5, W6, b6, Watt, batt):
    # state encoding: X = W2(dropout(relu(W1([E; H; Q]))))  (dropout = identity in eval)
    Q = jnp.take(relation_emb, q, axis=0)
    E = jnp.take(entity_emb, e, axis=0)
    X = jnp.concatenate([E, H, Q], axis=-1)
    X = jax.nn.relu(X @ W1 + b1)
    X2 = X @ W2 + b2
    # predicted-entity guided relation attention (pred_id supplied instead of multinomial sample)
    pred_emb = jnp.take(entity_emb, pred_id, axis=0)            # [B, 1, ED]
    pred_ent_info = pred_emb @ W3 + b3                          # [B, 1, RD]
    relation_K = relation_emb @ W4 + b4                         # [NR, RD]
    local_att = pred_ent_info @ relation_K.T                    # [B, 1, NR]
    beta = (jax.nn.softmax(local_att, axis=-1) @ relation_emb).sum(axis=1)   # [B, RD]
    cat_ar = jnp.concatenate([
        jnp.broadcast_to(relation_emb[None, :, :], (pred_emb.shape[0], NR, RD)),
        jnp.broadcast_to(pred_emb, (pred_emb.shape[0], NR, ED))], axis=-1).sum(axis=1)  # [B, RD+ED]
    alpha = cat_ar @ W5 + b5                                    # [B, RD]
    V_A = jnp.concatenate([alpha, beta], axis=-1) @ W6 + b6     # [B, RD]
    att_in = jnp.concatenate([X2, V_A], axis=-1) @ Watt + batt  # [B, RD]
    relation_att = jax.nn.softmax(att_in @ relation_emb.T, axis=-1)  # [B, NR]
    # policy_nn_fun over padded action space: A_emb = [rel_emb[r]; ent_emb[e]]
    A_emb = jnp.concatenate([jnp.take(relation_emb, r_space, axis=0),
                             jnp.take(entity_emb, e_space, axis=0)], axis=-1)  # [B, A, AD]
    scores = jnp.einsum('bad,bd->ba', A_emb, X2) - (1.0 - action_mask) * HUGE
    action_dist = jax.nn.softmax(scores, axis=-1)
    entropy = -jnp.sum(action_dist * jnp.log(action_dist + EPS), axis=-1)
    return (action_dist, entropy, relation_att)

if __name__ == "__main__":
    import jax
    _d = setup_inputs()
    print(jax.jit(kernel)(*tuple(_d.values())))

</pallas_src>

<mosaic_0001>
#map = affine_map<(d0, d1) -> (0, 0)>
#map1 = affine_map<(d0, d1) -> (0)>
module attributes {stable_mosaic.version = 14 : i64} {
  func.func @_sc_scores(%arg0: i32, %arg1: i32, %arg2: memref<100000x128xf32, #tpu.memory_space<hbm>>, %arg3: memref<1024x200xi32, #tpu.memory_space<hbm>>, %arg4: memref<1024x200xi32, #tpu.memory_space<hbm>>, %arg5: memref<1024x128xf32, #tpu.memory_space<hbm>>, %arg6: memref<409600xf32, #tpu.memory_space<hbm>>, %arg7: memref<1024x208xf32, #tpu.memory_space<hbm>>, %arg8: memref<32x200xi32, #tpu.memory_space<vmem>>, %arg9: memref<32x200xi32, #tpu.memory_space<vmem>>, %arg10: memref<32x128xf32, #tpu.memory_space<vmem>>, %arg11: memref<32x208xf32, #tpu.memory_space<vmem>>, %arg12: memref<2x208x128xf32, #tpu.memory_space<vmem>>, %arg13: memref<2x208xf32, #tpu.memory_space<vmem>>, %arg14: memref<!tpu.dma_semaphore, #tpu.memory_space<semaphore_mem>>, %arg15: memref<!tpu.dma_semaphore, #tpu.memory_space<semaphore_mem>>) attributes {dimension_semantics = [#tpu.dimension_semantics<core_parallel>, #tpu.dimension_semantics<subcore_parallel>], iteration_bounds = array<i64: 2, 16>, scalar_prefetch = 0 : i64, scratch_operands = 8 : i64, tpu.core_type = #tpu.core_type<sc_vector_subcore>, window_params = [{transform_indices = #map}, {transform_indices = #map}, {transform_indices = #map}, {transform_indices = #map}, {transform_indices = #map1}, {transform_indices = #map}]} {
    %mul3A = arith.constant 2 : i32
    %mul3A_0 = arith.muli %arg1, %mul3A : i32
    %add3A = arith.addi %mul3A_0, %arg0 : i32
    %mul3A_1 = arith.constant 32 : i32
    %mul3A_2 = arith.muli %add3A, %mul3A_1 : i32
    %multiple_of3A = tpu.assume_multiple %mul3A_2, 32 : i32
    "tpu.region"() ({
      %run_scoped3A = tpu.sem_alloc : memref<!tpu.dma_semaphore, #tpu.memory_space<semaphore_mem>>
      %dma_start3A_72 = arith.constant 0 : i32
      %dma_start3A_73 = tpu.memref_slice %arg3[%multiple_of3A, %dma_start3A_72] : memref<1024x200xi32, #tpu.memory_space<hbm>> -> memref<32x200xi32, #tpu.memory_space<hbm>>
      %dma_start3A_74 = arith.constant 0 : i32
      %dma_start3A_75 = tpu.memref_slice %arg3[%multiple_of3A, %dma_start3A_74] : memref<1024x200xi32, #tpu.memory_space<hbm>> -> memref<32x200xi32, #tpu.memory_space<hbm>>
      tpu.enqueue_dma source(%dma_start3A_75 : memref<32x200xi32, #tpu.memory_space<hbm>>) target(%arg8 : memref<32x200xi32, #tpu.memory_space<vmem>>) target_semaphore(%run_scoped3A : memref<!tpu.dma_semaphore, #tpu.memory_space<semaphore_mem>>)
      %dma_wait3A = arith.constant 0 : i32
      %dma_wait3A_76 = tpu.memref_slice %arg3[%multiple_of3A, %dma_wait3A] : memref<1024x200xi32, #tpu.memory_space<hbm>> -> memref<32x200xi32, #tpu.memory_space<hbm>>
      %dma_wait3A_77 = arith.constant 0 : i32
      %dma_wait3A_78 = tpu.memref_slice %arg3[%multiple_of3A, %dma_wait3A_77] : memref<1024x200xi32, #tpu.memory_space<hbm>> -> memref<32x200xi32, #tpu.memory_space<hbm>>
      tpu.wait_dma2 semaphore(%run_scoped3A : memref<!tpu.dma_semaphore, #tpu.memory_space<semaphore_mem>>) src(%dma_wait3A_78 : memref<32x200xi32, #tpu.memory_space<hbm>>) dst(%arg8 : memref<32x200xi32, #tpu.memory_space<vmem>>)
      tpu.yield
    }) : () -> ()
    "tpu.region"() ({
      %run_scoped3A = tpu.sem_alloc : memref<!tpu.dma_semaphore, #tpu.memory_space<semaphore_mem>>
      %dma_start3A_72 = arith.constant 0 : i32
      %dma_start3A_73 = tpu.memref_slice %arg4[%multiple_of3A, %dma_start3A_72] : memref<1024x200xi32, #tpu.memory_space<hbm>> -> memref<32x200xi32, #tpu.memory_space<hbm>>
      %dma_start3A_74 = arith.constant 0 : i32
      %dma_start3A_75 = tpu.memref_slice %arg4[%multiple_of3A, %dma_start3A_74] : memref<1024x200xi32, #tpu.memory_space<hbm>> -> memref<32x200xi32, #tpu.memory_space<hbm>>
      tpu.enqueue_dma source(%dma_start3A_75 : memref<32x200xi32, #tpu.memory_space<hbm>>) target(%arg9 : memref<32x200xi32, #tpu.memory_space<vmem>>) target_semaphore(%run_scoped3A : memref<!tpu.dma_semaphore, #tpu.memory_space<semaphore_mem>>)
      %dma_wait3A = arith.constant 0 : i32
      %dma_wait3A_76 = tpu.memref_slice %arg4[%multiple_of3A, %dma_wait3A] : memref<1024x200xi32, #tpu.memory_space<hbm>> -> memref<32x200xi32, #tpu.memory_space<hbm>>
      %dma_wait3A_77 = arith.constant 0 : i32
      %dma_wait3A_78 = tpu.memref_slice %arg4[%multiple_of3A, %dma_wait3A_77] : memref<1024x200xi32, #tpu.memory_space<hbm>> -> memref<32x200xi32, #tpu.memory_space<hbm>>
      tpu.wait_dma2 semaphore(%run_scoped3A : memref<!tpu.dma_semaphore, #tpu.memory_space<semaphore_mem>>) src(%dma_wait3A_78 : memref<32x200xi32, #tpu.memory_space<hbm>>) dst(%arg9 : memref<32x200xi32, #tpu.memory_space<vmem>>)
      tpu.yield
    }) : () -> ()
    "tpu.region"() ({
      %run_scoped3A = tpu.sem_alloc : memref<!tpu.dma_semaphore, #tpu.memory_space<semaphore_mem>>
      %dma_start3A_72 = arith.constant 0 : i32
      %dma_start3A_73 = tpu.memref_slice %arg5[%multiple_of3A, %dma_start3A_72] : memref<1024x128xf32, #tpu.memory_space<hbm>> -> memref<32x128xf32, #tpu.memory_space<hbm>>
      %dma_start3A_74 = arith.constant 0 : i32
      %dma_start3A_75 = tpu.memref_slice %arg5[%multiple_of3A, %dma_start3A_74] : memref<1024x128xf32, #tpu.memory_space<hbm>> -> memref<32x128xf32, #tpu.memory_space<hbm>>
      tpu.enqueue_dma source(%dma_start3A_75 : memref<32x128xf32, #tpu.memory_space<hbm>>) target(%arg10 : memref<32x128xf32, #tpu.memory_space<vmem>>) target_semaphore(%run_scoped3A : memref<!tpu.dma_semaphore, #tpu.memory_space<semaphore_mem>>)
      %dma_wait3A = arith.constant 0 : i32
      %dma_wait3A_76 = tpu.memref_slice %arg5[%multiple_of3A, %dma_wait3A] : memref<1024x128xf32, #tpu.memory_space<hbm>> -> memref<32x128xf32, #tpu.memory_space<hbm>>
      %dma_wait3A_77 = arith.constant 0 : i32
      %dma_wait3A_78 = tpu.memref_slice %arg5[%multiple_of3A, %dma_wait3A_77] : memref<1024x128xf32, #tpu.memory_space<hbm>> -> memref<32x128xf32, #tpu.memory_space<hbm>>
      tpu.wait_dma2 semaphore(%run_scoped3A : memref<!tpu.dma_semaphore, #tpu.memory_space<semaphore_mem>>) src(%dma_wait3A_78 : memref<32x128xf32, #tpu.memory_space<hbm>>) dst(%arg10 : memref<32x128xf32, #tpu.memory_space<vmem>>)
      tpu.yield
    }) : () -> ()
    %iota3A = tpu.iota {dimensions = array<i32: 0>} : vector<16xi32>
    %and3A = arith.constant 1 : i32
    %and3A_3 = vector.broadcast %and3A : i32 to vector<16xi32>
    %and3A_4 = arith.andi %iota3A, %and3A_3 : vector<16xi32>
    %ne3A = arith.constant 0 : i32
    %ne3A_5 = vector.broadcast %ne3A : i32 to vector<16xi32>
    %ne3A_6 = arith.cmpi ne, %and3A_4, %ne3A_5 : vector<16xi32>
    %and3A_7 = arith.constant 2 : i32
    %and3A_8 = vector.broadcast %and3A_7 : i32 to vector<16xi32>
    %and3A_9 = arith.andi %iota3A, %and3A_8 : vector<16xi32>
    %ne3A_10 = arith.constant 0 : i32
    %ne3A_11 = vector.broadcast %ne3A_10 : i32 to vector<16xi32>
    %ne3A_12 = arith.cmpi ne, %and3A_9, %ne3A_11 : vector<16xi32>
    %and3A_13 = arith.constant 4 : i32
    %and3A_14 = vector.broadcast %and3A_13 : i32 to vector<16xi32>
    %and3A_15 = arith.andi %iota3A, %and3A_14 : vector<16xi32>
    %ne3A_16 = arith.constant 0 : i32
    %ne3A_17 = vector.broadcast %ne3A_16 : i32 to vector<16xi32>
    %ne3A_18 = arith.cmpi ne, %and3A_15, %ne3A_17 : vector<16xi32>
    %and3A_19 = arith.constant 8 : i32
    %and3A_20 = vector.broadcast %and3A_19 : i32 to vector<16xi32>
    %and3A_21 = arith.andi %iota3A, %and3A_20 : vector<16xi32>
    %ne3A_22 = arith.constant 0 : i32
    %ne3A_23 = vector.broadcast %ne3A_22 : i32 to vector<16xi32>
    %ne3A_24 = arith.cmpi ne, %and3A_21, %ne3A_23 : vector<16xi32>
    %dma_start3A = arith.constant 0 : i32
    %dma_start3A_25 = arith.constant 0 : i32
    %dma_start3A_26 = arith.constant 0 : i32
    %dma_start3A_27 = arith.constant 0 : i32
    %dma_start3A_28 = tpu.memref_slice %arg12[%dma_start3A_25, %dma_start3A_26, %dma_start3A_27] : memref<2x208x128xf32, #tpu.memory_space<vmem>> -> memref<1x104x128xf32, #tpu.memory_space<vmem>>
    %dma_start3A_29 = tpu.memref_squeeze %dma_start3A_28 : memref<1x104x128xf32, #tpu.memory_space<vmem>> -> memref<104x128xf32, #tpu.memory_space<vmem>>
    %dma_start3A_30 = arith.constant 0 : i32
    %dma_start3A_31 = tpu.memref_slice %arg8[%dma_start3A, %dma_start3A_30] : memref<32x200xi32, #tpu.memory_space<vmem>> -> memref<1x104xi32, #tpu.memory_space<vmem>>
    %dma_start3A_32 = tpu.memref_squeeze %dma_start3A_31 : memref<1x104xi32, #tpu.memory_space<vmem>> -> memref<104xi32, #tpu.memory_space<vmem>>
    %dma_start3A_33 = arith.constant 0 : i32
    %dma_start3A_34 = arith.constant 0 : i32
    %dma_start3A_35 = tpu.memref_slice %arg2[%dma_start3A_33, %dma_start3A_34] : memref<100000x128xf32, #tpu.memory_space<hbm>> -> memref<100000x128xf32, #tpu.memory_space<hbm>>
    tpu.enqueue_indirect_dma source(%dma_start3A_35 : memref<100000x128xf32, #tpu.memory_space<hbm>>) target(%dma_start3A_29 : memref<104x128xf32, #tpu.memory_space<vmem>>) offsets(%dma_start3A_32 : memref<104xi32, #tpu.memory_space<vmem>>) semaphore(%arg14 : memref<!tpu.dma_semaphore, #tpu.memory_space<semaphore_mem>>)
    %dma_start3A_36 = arith.constant 0 : i32
    %dma_start3A_37 = arith.constant 0 : i32
    %dma_start3A_38 = arith.constant 0 : i32
    %dma_start3A_39 = tpu.memref_slice %arg13[%dma_start3A_37, %dma_start3A_38] : memref<2x208xf32, #tpu.memory_space<vmem>> -> memref<1x104xf32, #tpu.memory_space<vmem>>
    %dma_start3A_40 = tpu.memref_squeeze %dma_start3A_39 : memref<1x104xf32, #tpu.memory_space<vmem>> -> memref<104xf32, #tpu.memory_space<vmem>>
    %dma_start3A_41 = arith.constant 0 : i32
    %dma_start3A_42 = tpu.memref_slice %arg9[%dma_start3A_36, %dma_start3A_41] : memref<32x200xi32, #tpu.memory_space<vmem>> -> memref<1x104xi32, #tpu.memory_space<vmem>>
    %dma_start3A_43 = tpu.memref_squeeze %dma_start3A_42 : memref<1x104xi32, #tpu.memory_space<vmem>> -> memref<104xi32, #tpu.memory_space<vmem>>
    %dma_start3A_44 = arith.constant 0 : i32
    %dma_start3A_45 = tpu.memref_slice %arg6[%dma_start3A_44] : memref<409600xf32, #tpu.memory_space<hbm>> -> memref<409600xf32, #tpu.memory_space<hbm>>
    tpu.enqueue_indirect_dma source(%dma_start3A_45 : memref<409600xf32, #tpu.memory_space<hbm>>) target(%dma_start3A_40 : memref<104xf32, #tpu.memory_space<vmem>>) offsets(%dma_start3A_43 : memref<104xi32, #tpu.memory_space<vmem>>) semaphore(%arg14 : memref<!tpu.dma_semaphore, #tpu.memory_space<semaphore_mem>>)
    %dma_start3A_46 = arith.constant 0 : i32
    %dma_start3A_47 = arith.constant 0 : i32
    %dma_start3A_48 = arith.constant 104 : i32
    %dma_start3A_49 = arith.constant 0 : i32
    %dma_start3A_50 = tpu.memref_slice %arg12[%dma_start3A_47, %dma_start3A_48, %dma_start3A_49] : memref<2x208x128xf32, #tpu.memory_space<vmem>> -> memref<1x96x128xf32, #tpu.memory_space<vmem>>
    %dma_start3A_51 = tpu.memref_squeeze %dma_start3A_50 : memref<1x96x128xf32, #tpu.memory_space<vmem>> -> memref<96x128xf32, #tpu.memory_space<vmem>>
    %dma_start3A_52 = arith.constant 104 : i32
    %dma_start3A_53 = tpu.memref_slice %arg8[%dma_start3A_46, %dma_start3A_52] : memref<32x200xi32, #tpu.memory_space<vmem>> -> memref<1x96xi32, #tpu.memory_space<vmem>>
    %dma_start3A_54 = tpu.memref_squeeze %dma_start3A_53 : memref<1x96xi32, #tpu.memory_space<vmem>> -> memref<96xi32, #tpu.memory_space<vmem>>
    %dma_start3A_55 = arith.constant 0 : i32
    %dma_start3A_56 = arith.constant 0 : i32
    %dma_start3A_57 = tpu.memref_slice %arg2[%dma_start3A_55, %dma_start3A_56] : memref<100000x128xf32, #tpu.memory_space<hbm>> -> memref<100000x128xf32, #tpu.memory_space<hbm>>
    tpu.enqueue_indirect_dma source(%dma_start3A_57 : memref<100000x128xf32, #tpu.memory_space<hbm>>) target(%dma_start3A_51 : memref<96x128xf32, #tpu.memory_space<vmem>>) offsets(%dma_start3A_54 : memref<96xi32, #tpu.memory_space<vmem>>) semaphore(%arg14 : memref<!tpu.dma_semaphore, #tpu.memory_space<semaphore_mem>>)
    %dma_start3A_58 = arith.constant 0 : i32
    %dma_start3A_59 = arith.constant 0 : i32
    %dma_start3A_60 = arith.constant 104 : i32
    %dma_start3A_61 = tpu.memref_slice %arg13[%dma_start3A_59, %dma_start3A_60] : memref<2x208xf32, #tpu.memory_space<vmem>> -> memref<1x96xf32, #tpu.memory_space<vmem>>
    %dma_start3A_62 = tpu.memref_squeeze %dma_start3A_61 : memref<1x96xf32, #tpu.memory_space<vmem>> -> memref<96xf32, #tpu.memory_space<vmem>>
    %dma_start3A_63 = arith.constant 104 : i32
    %dma_start3A_64 = tpu.memref_slice %arg9[%dma_start3A_58, %dma_start3A_63] : memref<32x200xi32, #tpu.memory_space<vmem>> -> memref<1x96xi32, #tpu.memory_space<vmem>>
    %dma_start3A_65 = tpu.memref_squeeze %dma_start3A_64 : memref<1x96xi32, #tpu.memory_space<vmem>> -> memref<96xi32, #tpu.memory_space<vmem>>
    %dma_start3A_66 = arith.constant 0 : i32
    %dma_start3A_67 = tpu.memref_slice %arg6[%dma_start3A_66] : memref<409600xf32, #tpu.memory_space<hbm>> -> memref<409600xf32, #tpu.memory_space<hbm>>
    tpu.enqueue_indirect_dma source(%dma_start3A_67 : memref<409600xf32, #tpu.memory_space<hbm>>) target(%dma_start3A_62 : memref<96xf32, #tpu.memory_space<vmem>>) offsets(%dma_start3A_65 : memref<96xi32, #tpu.memory_space<vmem>>) semaphore(%arg14 : memref<!tpu.dma_semaphore, #tpu.memory_space<semaphore_mem>>)
    %scan3A = arith.constant 0 : i32
    %scan3A_68 = arith.constant 16 : i32
    %scan3A_69 = arith.addi %scan3A, %scan3A_68 : i32
    %scan3A_70 = arith.constant 1 : i32
    scf.for %scan3A_72 = %scan3A to %scan3A_69 step %scan3A_70  : i32 {
      %mul3A_73 = arith.constant 2 : i32
      %mul3A_74 = arith.muli %scan3A_72, %mul3A_73 : i32
      %add3A_75 = arith.constant 1 : i32
      %add3A_76 = arith.addi %mul3A_74, %add3A_75 : i32
      %dma_start3A_77 = arith.constant 1 : i32
      %dma_start3A_78 = arith.constant 0 : i32
      %dma_start3A_79 = arith.constant 0 : i32
      %dma_start3A_80 = tpu.memref_slice %arg12[%dma_start3A_77, %dma_start3A_78, %dma_start3A_79] : memref<2x208x128xf32, #tpu.memory_space<vmem>> -> memref<1x104x128xf32, #tpu.memory_space<vmem>>
      %dma_start3A_81 = tpu.memref_squeeze %dma_start3A_80 : memref<1x104x128xf32, #tpu.memory_space<vmem>> -> memref<104x128xf32, #tpu.memory_space<vmem>>
      %dma_start3A_82 = arith.constant 0 : i32
      %dma_start3A_83 = tpu.memref_slice %arg8[%add3A_76, %dma_start3A_82] : memref<32x200xi32, #tpu.memory_space<vmem>> -> memref<1x104xi32, #tpu.memory_space<vmem>>
      %dma_start3A_84 = tpu.memref_squeeze %dma_start3A_83 : memref<1x104xi32, #tpu.memory_space<vmem>> -> memref<104xi32, #tpu.memory_space<vmem>>
      %dma_start3A_85 = arith.constant 0 : i32
      %dma_start3A_86 = arith.constant 0 : i32
      %dma_start3A_87 = tpu.memref_slice %arg2[%dma_start3A_85, %dma_start3A_86] : memref<100000x128xf32, #tpu.memory_space<hbm>> -> memref<100000x128xf32, #tpu.memory_space<hbm>>
      tpu.enqueue_indirect_dma source(%dma_start3A_87 : memref<100000x128xf32, #tpu.memory_space<hbm>>) target(%dma_start3A_81 : memref<104x128xf32, #tpu.memory_space<vmem>>) offsets(%dma_start3A_84 : memref<104xi32, #tpu.memory_space<vmem>>) semaphore(%arg15 : memref<!tpu.dma_semaphore, #tpu.memory_space<semaphore_mem>>)
      %dma_start3A_88 = arith.constant 1 : i32
      %dma_start3A_89 = arith.constant 0 : i32
      %dma_start3A_90 = tpu.memref_slice %arg13[%dma_start3A_88, %dma_start3A_89] : memref<2x208xf32, #tpu.memory_space<vmem>> -> memref<1x104xf32, #tpu.memory_space<vmem>>
      %dma_start3A_91 = tpu.memref_squeeze %dma_start3A_90 : memref<1x104xf32, #tpu.memory_space<vmem>> -> memref<104xf32, #tpu.memory_space<vmem>>
      %dma_start3A_92 = arith.constant 0 : i32
      %dma_start3A_93 = tpu.memref_slice %arg9[%add3A_76, %dma_start3A_92] : memref<32x200xi32, #tpu.memory_space<vmem>> -> memref<1x104xi32, #tpu.memory_space<vmem>>
      %dma_start3A_94 = tpu.memref_squeeze %dma_start3A_93 : memref<1x104xi32, #tpu.memory_space<vmem>> -> memref<104xi32, #tpu.memory_space<vmem>>
      %dma_start3A_95 = arith.constant 0 : i32
      %dma_start3A_96 = tpu.memref_slice %arg6[%dma_start3A_95] : memref<409600xf32, #tpu.memory_space<hbm>> -> memref<409600xf32, #tpu.memory_space<hbm>>
      tpu.enqueue_indirect_dma source(%dma_start3A_96 : memref<409600xf32, #tpu.memory_space<hbm>>) target(%dma_start3A_91 : memref<104xf32, #tpu.memory_space<vmem>>) offsets(%dma_start3A_94 : memref<104xi32, #tpu.memory_space<vmem>>) semaphore(%arg15 : memref<!tpu.dma_semaphore, #tpu.memory_space<semaphore_mem>>)
      %dma_start3A_97 = arith.constant 1 : i32
      %dma_start3A_98 = arith.constant 104 : i32
      %dma_start3A_99 = arith.constant 0 : i32
      %dma_start3A_100 = tpu.memref_slice %arg12[%dma_start3A_97, %dma_start3A_98, %dma_start3A_99] : memref<2x208x128xf32, #tpu.memory_space<vmem>> -> memref<1x96x128xf32, #tpu.memory_space<vmem>>
      %dma_start3A_101 = tpu.memref_squeeze %dma_start3A_100 : memref<1x96x128xf32, #tpu.memory_space<vmem>> -> memref<96x128xf32, #tpu.memory_space<vmem>>
      %dma_start3A_102 = arith.constant 104 : i32
      %dma_start3A_103 = tpu.memref_slice %arg8[%add3A_76, %dma_start3A_102] : memref<32x200xi32, #tpu.memory_space<vmem>> -> memref<1x96xi32, #tpu.memory_space<vmem>>
      %dma_start3A_104 = tpu.memref_squeeze %dma_start3A_103 : memref<1x96xi32, #tpu.memory_space<vmem>> -> memref<96xi32, #tpu.memory_space<vmem>>
      %dma_start3A_105 = arith.constant 0 : i32
      %dma_start3A_106 = arith.constant 0 : i32
      %dma_start3A_107 = tpu.memref_slice %arg2[%dma_start3A_105, %dma_start3A_106] : memref<100000x128xf32, #tpu.memory_space<hbm>> -> memref<100000x128xf32, #tpu.memory_space<hbm>>
      tpu.enqueue_indirect_dma source(%dma_start3A_107 : memref<100000x128xf32, #tpu.memory_space<hbm>>) target(%dma_start3A_101 : memref<96x128xf32, #tpu.memory_space<vmem>>) offsets(%dma_start3A_104 : memref<96xi32, #tpu.memory_space<vmem>>) semaphore(%arg15 : memref<!tpu.dma_semaphore, #tpu.memory_space<semaphore_mem>>)
      %dma_start3A_108 = arith.constant 1 : i32
      %dma_start3A_109 = arith.constant 104 : i32
      %dma_start3A_110 = tpu.memref_slice %arg13[%dma_start3A_108, %dma_start3A_109] : memref<2x208xf32, #tpu.memory_space<vmem>> -> memref<1x96xf32, #tpu.memory_space<vmem>>
      %dma_start3A_111 = tpu.memref_squeeze %dma_start3A_110 : memref<1x96xf32, #tpu.memory_space<vmem>> -> memref<96xf32, #tpu.memory_space<vmem>>
      %dma_start3A_112 = arith.constant 104 : i32
      %dma_start3A_113 = tpu.memref_slice %arg9[%add3A_76, %dma_start3A_112] : memref<32x200xi32, #tpu.memory_space<vmem>> -> memref<1x96xi32, #tpu.memory_space<vmem>>
      %dma_start3A_114 = tpu.memref_squeeze %dma_start3A_113 : memref<1x96xi32, #tpu.memory_space<vmem>> -> memref<96xi32, #tpu.memory_space<vmem>>
      %dma_start3A_115 = arith.constant 0 : i32
      %dma_start3A_116 = tpu.memref_slice %arg6[%dma_start3A_115] : memref<409600xf32, #tpu.memory_space<hbm>> -> memref<409600xf32, #tpu.memory_space<hbm>>
      tpu.enqueue_indirect_dma source(%dma_start3A_116 : memref<409600xf32, #tpu.memory_space<hbm>>) target(%dma_start3A_111 : memref<96xf32, #tpu.memory_space<vmem>>) offsets(%dma_start3A_114 : memref<96xi32, #tpu.memory_space<vmem>>) semaphore(%arg15 : memref<!tpu.dma_semaphore, #tpu.memory_space<semaphore_mem>>)
      %dma_wait3A = arith.constant 0 : i32
      %dma_wait3A_117 = arith.constant 0 : i32
      %dma_wait3A_118 = arith.constant 0 : i32
      %dma_wait3A_119 = tpu.memref_slice %arg12[%dma_wait3A, %dma_wait3A_117, %dma_wait3A_118] : memref<2x208x128xf32, #tpu.memory_space<vmem>> -> memref<1x200x128xf32, #tpu.memory_space<vmem>>
      %dma_wait3A_120 = tpu.memref_squeeze %dma_wait3A_119 : memref<1x200x128xf32, #tpu.memory_space<vmem>> -> memref<200x128xf32, #tpu.memory_space<vmem>>
      %dma_wait3A_121 = arith.constant 0 : i32
      %dma_wait3A_122 = arith.constant 0 : i32
      %dma_wait3A_123 = tpu.memref_slice %arg2[%dma_wait3A_121, %dma_wait3A_122] : memref<100000x128xf32, #tpu.memory_space<hbm>> -> memref<200x128xf32, #tpu.memory_space<hbm>>
      %dma_wait3A_124 = arith.constant 0 : i32
      %dma_wait3A_125 = arith.constant 0 : i32
      %dma_wait3A_126 = tpu.memref_slice %arg12[%dma_wait3A, %dma_wait3A_124, %dma_wait3A_125] : memref<2x208x128xf32, #tpu.memory_space<vmem>> -> memref<1x200x128xf32, #tpu.memory_space<vmem>>
      %dma_wait3A_127 = tpu.memref_squeeze %dma_wait3A_126 : memref<1x200x128xf32, #tpu.memory_space<vmem>> -> memref<200x128xf32, #tpu.memory_space<vmem>>
      %dma_wait3A_128 = arith.constant 0 : i32
      %dma_wait3A_129 = arith.constant 0 : i32
      %dma_wait3A_130 = tpu.memref_slice %arg2[%dma_wait3A_128, %dma_wait3A_129] : memref<100000x128xf32, #tpu.memory_space<hbm>> -> memref<200x128xf32, #tpu.memory_space<hbm>>
      tpu.wait_dma2 semaphore(%arg14 : memref<!tpu.dma_semaphore, #tpu.memory_space<semaphore_mem>>) src(%dma_wait3A_130 : memref<200x128xf32, #tpu.memory_space<hbm>>) dst(%dma_wait3A_127 : memref<200x128xf32, #tpu.memory_space<vmem>>)
      %dma_wait3A_131 = arith.constant 0 : i32
      %dma_wait3A_132 = arith.constant 0 : i32
      %dma_wait3A_133 = tpu.memref_slice %arg13[%dma_wait3A_131, %dma_wait3A_132] : memref<2x208xf32, #tpu.memory_space<vmem>> -> memref<1x200xf32, #tpu.memory_space<vmem>>
      %dma_wait3A_134 = tpu.memref_squeeze %dma_wait3A_133 : memref<1x200xf32, #tpu.memory_space<vmem>> -> memref<200xf32, #tpu.memory_space<vmem>>
      %dma_wait3A_135 = arith.constant 0 : i32
      %dma_wait3A_136 = tpu.memref_slice %arg6[%dma_wait3A_135] : memref<409600xf32, #tpu.memory_space<hbm>> -> memref<200xf32, #tpu.memory_space<hbm>>
      %dma_wait3A_137 = arith.constant 0 : i32
      %dma_wait3A_138 = tpu.memref_slice %arg13[%dma_wait3A_131, %dma_wait3A_137] : memref<2x208xf32, #tpu.memory_space<vmem>> -> memref<1x200xf32, #tpu.memory_space<vmem>>
      %dma_wait3A_139 = tpu.memref_squeeze %dma_wait3A_138 : memref<1x200xf32, #tpu.memory_space<vmem>> -> memref<200xf32, #tpu.memory_space<vmem>>
      %dma_wait3A_140 = arith.constant 0 : i32
      %dma_wait3A_141 = tpu.memref_slice %arg6[%dma_wait3A_140] : memref<409600xf32, #tpu.memory_space<hbm>> -> memref<200xf32, #tpu.memory_space<hbm>>
      tpu.wait_dma2 semaphore(%arg14 : memref<!tpu.dma_semaphore, #tpu.memory_space<semaphore_mem>>) src(%dma_wait3A_141 : memref<200xf32, #tpu.memory_space<hbm>>) dst(%dma_wait3A_139 : memref<200xf32, #tpu.memory_space<vmem>>)
      %get3A = arith.index_cast %mul3A_74 : i32 to index
      %get3A_142 = arith.constant 0 : index
      %get3A_143 = tpu.vector_load %arg10[%get3A, %get3A_142] {strides = array<i32>} : memref<32x128xf32, #tpu.memory_space<vmem>>, vector<1x16xf32>,
      %get3A_144 = vector.shape_cast %get3A_143 : vector<1x16xf32> to vector<16xf32>
      %get3A_145 = arith.index_cast %mul3A_74 : i32 to index
      %get3A_146 = arith.constant 16 : index
      %get3A_147 = tpu.vector_load %arg10[%get3A_145, %get3A_146] {strides = array<i32>} : memref<32x128xf32, #tpu.memory_space<vmem>>, vector<1x16xf32>,
      %get3A_148 = vector.shape_cast %get3A_147 : vector<1x16xf32> to vector<16xf32>
      %get3A_149 = arith.index_cast %mul3A_74 : i32 to index
      %get3A_150 = arith.constant 32 : index
      %get3A_151 = tpu.vector_load %arg10[%get3A_149, %get3A_150] {strides = array<i32>} : memref<32x128xf32, #tpu.memory_space<vmem>>, vector<1x16xf32>,
      %get3A_152 = vector.shape_cast %get3A_151 : vector<1x16xf32> to vector<16xf32>
      %get3A_153 = arith.index_cast %mul3A_74 : i32 to index
      %get3A_154 = arith.constant 48 : index
      %get3A_155 = tpu.vector_load %arg10[%get3A_153, %get3A_154] {strides = array<i32>} : memref<32x128xf32, #tpu.memory_space<vmem>>, vector<1x16xf32>,
      %get3A_156 = vector.shape_cast %get3A_155 : vector<1x16xf32> to vector<16xf32>
      %get3A_157 = arith.index_cast %mul3A_74 : i32 to index
      %get3A_158 = arith.constant 64 : index
      %get3A_159 = tpu.vector_load %arg10[%get3A_157, %get3A_158] {strides = array<i32>} : memref<32x128xf32, #tpu.memory_space<vmem>>, vector<1x16xf32>,
      %get3A_160 = vector.shape_cast %get3A_159 : vector<1x16xf32> to vector<16xf32>
      %get3A_161 = arith.index_cast %mul3A_74 : i32 to index
      %get3A_162 = arith.constant 80 : index
      %get3A_163 = tpu.vector_load %arg10[%get3A_161, %get3A_162] {strides = array<i32>} : memref<32x128xf32, #tpu.memory_space<vmem>>, vector<1x16xf32>,
      %get3A_164 = vector.shape_cast %get3A_163 : vector<1x16xf32> to vector<16xf32>
      %get3A_165 = arith.index_cast %mul3A_74 : i32 to index
      %get3A_166 = arith.constant 96 : index
      %get3A_167 = tpu.vector_load %arg10[%get3A_165, %get3A_166] {strides = array<i32>} : memref<32x128xf32, #tpu.memory_space<vmem>>, vector<1x16xf32>,
      %get3A_168 = vector.shape_cast %get3A_167 : vector<1x16xf32> to vector<16xf32>
      %get3A_169 = arith.index_cast %mul3A_74 : i32 to index
      %get3A_170 = arith.constant 112 : index
      %get3A_171 = tpu.vector_load %arg10[%get3A_169, %get3A_170] {strides = array<i32>} : memref<32x128xf32, #tpu.memory_space<vmem>>, vector<1x16xf32>,
      %get3A_172 = vector.shape_cast %get3A_171 : vector<1x16xf32> to vector<16xf32>
      %scan3A_173 = arith.constant 0 : i32
      %scan3A_174 = arith.constant 13 : i32
      %scan3A_175 = arith.addi %scan3A_173, %scan3A_174 : i32
      %scan3A_176 = arith.constant 1 : i32
      scf.for %scan3A_245 = %scan3A_173 to %scan3A_175 step %scan3A_176  : i32 {
        %mul3A_246 = arith.constant 16 : i32
        %mul3A_247 = arith.muli %scan3A_245, %mul3A_246 : i32
        %add3A_248 = arith.constant 0 : i32
        %add3A_249 = arith.addi %mul3A_247, %add3A_248 : i32
        %get3A_250 = arith.constant 0 : i32
        %get3A_251 = arith.index_cast %get3A_250 : i32 to index
        %get3A_252 = arith.index_cast %add3A_249 : i32 to index
        %get3A_253 = arith.constant 0 : index
        %get3A_254 = tpu.vector_load %arg12[%get3A_251, %get3A_252, %get3A_253] {strides = array<i32>} : memref<2x208x128xf32, #tpu.memory_space<vmem>>, vector<1x1x16xf32>,
        %get3A_255 = vector.shape_cast %get3A_254 : vector<1x1x16xf32> to vector<16xf32>
        %mul3A_256 = arith.mulf %get3A_255, %get3A_144 : vector<16xf32>
        %get3A_257 = arith.constant 0 : i32
        %get3A_258 = arith.index_cast %get3A_257 : i32 to index
        %get3A_259 = arith.index_cast %add3A_249 : i32 to index
        %get3A_260 = arith.constant 16 : index
        %get3A_261 = tpu.vector_load %arg12[%get3A_258, %get3A_259, %get3A_260] {strides = array<i32>} : memref<2x208x128xf32, #tpu.memory_space<vmem>>, vector<1x1x16xf32>,
        %get3A_262 = vector.shape_cast %get3A_261 : vector<1x1x16xf32> to vector<16xf32>
        %mul3A_263 = arith.mulf %get3A_262, %get3A_148 : vector<16xf32>
        %add3A_264 = arith.addf %mul3A_256, %mul3A_263 : vector<16xf32>
        %get3A_265 = arith.constant 0 : i32
        %get3A_266 = arith.index_cast %get3A_265 : i32 to index
        %get3A_267 = arith.index_cast %add3A_249 : i32 to index
        %get3A_268 = arith.constant 32 : index
        %get3A_269 = tpu.vector_load %arg12[%get3A_266, %get3A_267, %get3A_268] {strides = array<i32>} : memref<2x208x128xf32, #tpu.memory_space<vmem>>, vector<1x1x16xf32>,
        %get3A_270 = vector.shape_cast %get3A_269 : vector<1x1x16xf32> to vector<16xf32>
        %mul3A_271 = arith.mulf %get3A_270, %get3A_152 : vector<16xf32>
        %add3A_272 = arith.addf %add3A_264, %mul3A_271 : vector<16xf32>
        %get3A_273 = arith.constant 0 : i32
        %get3A_274 = arith.index_cast %get3A_273 : i32 to index
        %get3A_275 = arith.index_cast %add3A_249 : i32 to index
        %get3A_276 = arith.constant 48 : index
        %get3A_277 = tpu.vector_load %arg12[%get3A_274, %get3A_275, %get3A_276] {strides = array<i32>} : memref<2x208x128xf32, #tpu.memory_space<vmem>>, vector<1x1x16xf32>,
        %get3A_278 = vector.shape_cast %get3A_277 : vector<1x1x16xf32> to vector<16xf32>
        %mul3A_279 = arith.mulf %get3A_278, %get3A_156 : vector<16xf32>
        %add3A_280 = arith.addf %add3A_272, %mul3A_279 : vector<16xf32>
        %get3A_281 = arith.constant 0 : i32
        %get3A_282 = arith.index_cast %get3A_281 : i32 to index
        %get3A_283 = arith.index_cast %add3A_249 : i32 to index
        %get3A_284 = arith.constant 64 : index
        %get3A_285 = tpu.vector_load %arg12[%get3A_282, %get3A_283, %get3A_284] {strides = array<i32>} : memref<2x208x128xf32, #tpu.memory_space<vmem>>, vector<1x1x16xf32>,
        %get3A_286 = vector.shape_cast %get3A_285 : vector<1x1x16xf32> to vector<16xf32>
        %mul3A_287 = arith.mulf %get3A_286, %get3A_160 : vector<16xf32>
        %add3A_288 = arith.addf %add3A_280, %mul3A_287 : vector<16xf32>
        %get3A_289 = arith.constant 0 : i32
        %get3A_290 = arith.index_cast %get3A_289 : i32 to index
        %get3A_291 = arith.index_cast %add3A_249 : i32 to index
        %get3A_292 = arith.constant 80 : index
        %get3A_293 = tpu.vector_load %arg12[%get3A_290, %get3A_291, %get3A_292] {strides = array<i32>} : memref<2x208x128xf32, #tpu.memory_space<vmem>>, vector<1x1x16xf32>,
        %get3A_294 = vector.shape_cast %get3A_293 : vector<1x1x16xf32> to vector<16xf32>
        %mul3A_295 = arith.mulf %get3A_294, %get3A_164 : vector<16xf32>
        %add3A_296 = arith.addf %add3A_288, %mul3A_295 : vector<16xf32>
        %get3A_297 = arith.constant 0 : i32
        %get3A_298 = arith.index_cast %get3A_297 : i32 to index
        %get3A_299 = arith.index_cast %add3A_249 : i32 to index
        %get3A_300 = arith.constant 96 : index
        %get3A_301 = tpu.vector_load %arg12[%get3A_298, %get3A_299, %get3A_300] {strides = array<i32>} : memref<2x208x128xf32, #tpu.memory_space<vmem>>, vector<1x1x16xf32>,
        %get3A_302 = vector.shape_cast %get3A_301 : vector<1x1x16xf32> to vector<16xf32>
        %mul3A_303 = arith.mulf %get3A_302, %get3A_168 : vector<16xf32>
        %add3A_304 = arith.addf %add3A_296, %mul3A_303 : vector<16xf32>
        %get3A_305 = arith.constant 0 : i32
        %get3A_306 = arith.index_cast %get3A_305 : i32 to index
        %get3A_307 = arith.index_cast %add3A_249 : i32 to index
        %get3A_308 = arith.constant 112 : index
        %get3A_309 = tpu.vector_load %arg12[%get3A_306, %get3A_307, %get3A_308] {strides = array<i32>} : memref<2x208x128xf32, #tpu.memory_space<vmem>>, vector<1x1x16xf32>,
        %get3A_310 = vector.shape_cast %get3A_309 : vector<1x1x16xf32> to vector<16xf32>
        %mul3A_311 = arith.mulf %get3A_310, %get3A_172 : vector<16xf32>
        %add3A_312 = arith.addf %add3A_304, %mul3A_311 : vector<16xf32>
        %mul3A_313 = arith.constant 16 : i32
        %mul3A_314 = arith.muli %scan3A_245, %mul3A_313 : i32
        %add3A_315 = arith.constant 1 : i32
        %add3A_316 = arith.addi %mul3A_314, %add3A_315 : i32
        %get3A_317 = arith.constant 0 : i32
        %get3A_318 = arith.index_cast %get3A_317 : i32 to index
        %get3A_319 = arith.index_cast %add3A_316 : i32 to index
        %get3A_320 = arith.constant 0 : index
        %get3A_321 = tpu.vector_load %arg12[%get3A_318, %get3A_319, %get3A_320] {strides = array<i32>} : memref<2x208x128xf32, #tpu.memory_space<vmem>>, vector<1x1x16xf32>,
        %get3A_322 = vector.shape_cast %get3A_321 : vector<1x1x16xf32> to vector<16xf32>
        %mul3A_323 = arith.mulf %get3A_322, %get3A_144 : vector<16xf32>
        %get3A_324 = arith.constant 0 : i32
        %get3A_325 = arith.index_cast %get3A_324 : i32 to index
        %get3A_326 = arith.index_cast %add3A_316 : i32 to index
        %get3A_327 = arith.constant 16 : index
        %get3A_328 = tpu.vector_load %arg12[%get3A_325, %get3A_326, %get3A_327] {strides = array<i32>} : memref<2x208x128xf32, #tpu.memory_space<vmem>>, vector<1x1x16xf32>,
        %get3A_329 = vector.shape_cast %get3A_328 : vector<1x1x16xf32> to vector<16xf32>
        %mul3A_330 = arith.mulf %get3A_329, %get3A_148 : vector<16xf32>
        %add3A_331 = arith.addf %mul3A_323, %mul3A_330 : vector<16xf32>
        %get3A_332 = arith.constant 0 : i32
        %get3A_333 = arith.index_cast %get3A_332 : i32 to index
        %get3A_334 = arith.index_cast %add3A_316 : i32 to index
        %get3A_335 = arith.constant 32 : index
        %get3A_336 = tpu.vector_load %arg12[%get3A_333, %get3A_334, %get3A_335] {strides = array<i32>} : memref<2x208x128xf32, #tpu.memory_space<vmem>>, vector<1x1x16xf32>,
        %get3A_337 = vector.shape_cast %get3A_336 : vector<1x1x16xf32> to vector<16xf32>
        %mul3A_338 = arith.mulf %get3A_337, %get3A_152 : vector<16xf32>
        %add3A_339 = arith.addf %add3A_331, %mul3A_338 : vector<16xf32>
        %get3A_340 = arith.constant 0 : i32
        %get3A_341 = arith.index_cast %get3A_340 : i32 to index
        %get3A_342 = arith.index_cast %add3A_316 : i32 to index
        %get3A_343 = arith.constant 48 : index
        %get3A_344 = tpu.vector_load %arg12[%get3A_341, %get3A_342, %get3A_343] {strides = array<i32>} : memref<2x208x128xf32, #tpu.memory_space<vmem>>, vector<1x1x16xf32>,
        %get3A_345 = vector.shape_cast %get3A_344 : vector<1x1x16xf32> to vector<16xf32>
        %mul3A_346 = arith.mulf %get3A_345, %get3A_156 : vector<16xf32>
        %add3A_347 = arith.addf %add3A_339, %mul3A_346 : vector<16xf32>
        %get3A_348 = arith.constant 0 : i32
        %get3A_349 = arith.index_cast %get3A_348 : i32 to index
        %get3A_350 = arith.index_cast %add3A_316 : i32 to index
        %get3A_351 = arith.constant 64 : index
        %get3A_352 = tpu.vector_load %arg12[%get3A_349, %get3A_350, %get3A_351] {strides = array<i32>} : memref<2x208x128xf32, #tpu.memory_space<vmem>>, vector<1x1x16xf32>,
        %get3A_353 = vector.shape_cast %get3A_352 : vector<1x1x16xf32> to vector<16xf32>
        %mul3A_354 = arith.mulf %get3A_353, %get3A_160 : vector<16xf32>
        %add3A_355 = arith.addf %add3A_347, %mul3A_354 : vector<16xf32>
        %get3A_356 = arith.constant 0 : i32
        %get3A_357 = arith.index_cast %get3A_356 : i32 to index
        %get3A_358 = arith.index_cast %add3A_316 : i32 to index
        %get3A_359 = arith.constant 80 : index
        %get3A_360 = tpu.vector_load %arg12[%get3A_357, %get3A_358, %get3A_359] {strides = array<i32>} : memref<2x208x128xf32, #tpu.memory_space<vmem>>, vector<1x1x16xf32>,
        %get3A_361 = vector.shape_cast %get3A_360 : vector<1x1x16xf32> to vector<16xf32>
        %mul3A_362 = arith.mulf %get3A_361, %get3A_164 : vector<16xf32>
        %add3A_363 = arith.addf %add3A_355, %mul3A_362 : vector<16xf32>
        %get3A_364 = arith.constant 0 : i32
        %get3A_365 = arith.index_cast %get3A_364 : i32 to index
        %get3A_366 = arith.index_cast %add3A_316 : i32 to index
        %get3A_367 = arith.constant 96 : index
        %get3A_368 = tpu.vector_load %arg12[%get3A_365, %get3A_366, %get3A_367] {strides = array<i32>} : memref<2x208x128xf32, #tpu.memory_space<vmem>>, vector<1x1x16xf32>,
        %get3A_369 = vector.shape_cast %get3A_368 : vector<1x1x16xf32> to vector<16xf32>
        %mul3A_370 = arith.mulf %get3A_369, %get3A_168 : vector<16xf32>
        %add3A_371 = arith.addf %add3A_363, %mul3A_370 : vector<16xf32>
        %get3A_372 = arith.constant 0 : i32
        %get3A_373 = arith.index_cast %get3A_372 : i32 to index
        %get3A_374 = arith.index_cast %add3A_316 : i32 to index
        %get3A_375 = arith.constant 112 : index
        %get3A_376 = tpu.vector_load %arg12[%get3A_373, %get3A_374, %get3A_375] {strides = array<i32>} : memref<2x208x128xf32, #tpu.memory_space<vmem>>, vector<1x1x16xf32>,
        %get3A_377 = vector.shape_cast %get3A_376 : vector<1x1x16xf32> to vector<16xf32>
        %mul3A_378 = arith.mulf %get3A_377, %get3A_172 : vector<16xf32>
        %add3A_379 = arith.addf %add3A_371, %mul3A_378 : vector<16xf32>
        %mul3A_380 = arith.constant 16 : i32
        %mul3A_381 = arith.muli %scan3A_245, %mul3A_380 : i32
        %add3A_382 = arith.constant 2 : i32
        %add3A_383 = arith.addi %mul3A_381, %add3A_382 : i32
        %get3A_384 = arith.constant 0 : i32
        %get3A_385 = arith.index_cast %get3A_384 : i32 to index
        %get3A_386 = arith.index_cast %add3A_383 : i32 to index
        %get3A_387 = arith.constant 0 : index
        %get3A_388 = tpu.vector_load %arg12[%get3A_385, %get3A_386, %get3A_387] {strides = array<i32>} : memref<2x208x128xf32, #tpu.memory_space<vmem>>, vector<1x1x16xf32>,
        %get3A_389 = vector.shape_cast %get3A_388 : vector<1x1x16xf32> to vector<16xf32>
        %mul3A_390 = arith.mulf %get3A_389, %get3A_144 : vector<16xf32>
        %get3A_391 = arith.constant 0 : i32
        %get3A_392 = arith.index_cast %get3A_391 : i32 to index
        %get3A_393 = arith.index_cast %add3A_383 : i32 to index
        %get3A_394 = arith.constant 16 : index
        %get3A_395 = tpu.vector_load %arg12[%get3A_392, %get3A_393, %get3A_394] {strides = array<i32>} : memref<2x208x128xf32, #tpu.memory_space<vmem>>, vector<1x1x16xf32>,
        %get3A_396 = vector.shape_cast %get3A_395 : vector<1x1x16xf32> to vector<16xf32>
        %mul3A_397 = arith.mulf %get3A_396, %get3A_148 : vector<16xf32>
        %add3A_398 = arith.addf %mul3A_390, %mul3A_397 : vector<16xf32>
        %get3A_399 = arith.constant 0 : i32
        %get3A_400 = arith.index_cast %get3A_399 : i32 to index
        %get3A_401 = arith.index_cast %add3A_383 : i32 to index
        %get3A_402 = arith.constant 32 : index
        %get3A_403 = tpu.vector_load %arg12[%get3A_400, %get3A_401, %get3A_402] {strides = array<i32>} : memref<2x208x128xf32, #tpu.memory_space<vmem>>, vector<1x1x16xf32>,
        %get3A_404 = vector.shape_cast %get3A_403 : vector<1x1x16xf32> to vector<16xf32>
        %mul3A_405 = arith.mulf %get3A_404, %get3A_152 : vector<16xf32>
        %add3A_406 = arith.addf %add3A_398, %mul3A_405 : vector<16xf32>
        %get3A_407 = arith.constant 0 : i32
        %get3A_408 = arith.index_cast %get3A_407 : i32 to index
        %get3A_409 = arith.index_cast %add3A_383 : i32 to index
        %get3A_410 = arith.constant 48 : index
        %get3A_411 = tpu.vector_load %arg12[%get3A_408, %get3A_409, %get3A_410] {strides = array<i32>} : memref<2x208x128xf32, #tpu.memory_space<vmem>>, vector<1x1x16xf32>,
        %get3A_412 = vector.shape_cast %get3A_411 : vector<1x1x16xf32> to vector<16xf32>
        %mul3A_413 = arith.mulf %get3A_412, %get3A_156 : vector<16xf32>
        %add3A_414 = arith.addf %add3A_406, %mul3A_413 : vector<16xf32>
        %get3A_415 = arith.constant 0 : i32
        %get3A_416 = arith.index_cast %get3A_415 : i32 to index
        %get3A_417 = arith.index_cast %add3A_383 : i32 to index
        %get3A_418 = arith.constant 64 : index
        %get3A_419 = tpu.vector_load %arg12[%get3A_416, %get3A_417, %get3A_418] {strides = array<i32>} : memref<2x208x128xf32, #tpu.memory_space<vmem>>, vector<1x1x16xf32>,
        %get3A_420 = vector.shape_cast %get3A_419 : vector<1x1x16xf32> to vector<16xf32>
        %mul3A_421 = arith.mulf %get3A_420, %get3A_160 : vector<16xf32>
        %add3A_422 = arith.addf %add3A_414, %mul3A_421 : vector<16xf32>
        %get3A_423 = arith.constant 0 : i32
        %get3A_424 = arith.index_cast %get3A_423 : i32 to index
        %get3A_425 = arith.index_cast %add3A_383 : i32 to index
        %get3A_426 = arith.constant 80 : index
        %get3A_427 = tpu.vector_load %arg12[%get3A_424, %get3A_425, %get3A_426] {strides = array<i32>} : memref<2x208x128xf32, #tpu.memory_space<vmem>>, vector<1x1x16xf32>,
        %get3A_428 = vector.shape_cast %get3A_427 : vector<1x1x16xf32> to vector<16xf32>
        %mul3A_429 = arith.mulf %get3A_428, %get3A_164 : vector<16xf32>
        %add3A_430 = arith.addf %add3A_422, %mul3A_429 : vector<16xf32>
        %get3A_431 = arith.constant 0 : i32
        %get3A_432 = arith.index_cast %get3A_431 : i32 to index
        %get3A_433 = arith.index_cast %add3A_383 : i32 to index
        %get3A_434 = arith.constant 96 : index
        %get3A_435 = tpu.vector_load %arg12[%get3A_432, %get3A_433, %get3A_434] {strides = array<i32>} : memref<2x208x128xf32, #tpu.memory_space<vmem>>, vector<1x1x16xf32>,
        %get3A_436 = vector.shape_cast %get3A_435 : vector<1x1x16xf32> to vector<16xf32>
        %mul3A_437 = arith.mulf %get3A_436, %get3A_168 : vector<16xf32>
        %add3A_438 = arith.addf %add3A_430, %mul3A_437 : vector<16xf32>
        %get3A_439 = arith.constant 0 : i32
        %get3A_440 = arith.index_cast %get3A_439 : i32 to index
        %get3A_441 = arith.index_cast %add3A_383 : i32 to index
        %get3A_442 = arith.constant 112 : index
        %get3A_443 = tpu.vector_load %arg12[%get3A_440, %get3A_441, %get3A_442] {strides = array<i32>} : memref<2x208x128xf32, #tpu.memory_space<vmem>>, vector<1x1x16xf32>,
        %get3A_444 = vector.shape_cast %get3A_443 : vector<1x1x16xf32> to vector<16xf32>
        %mul3A_445 = arith.mulf %get3A_444, %get3A_172 : vector<16xf32>
        %add3A_446 = arith.addf %add3A_438, %mul3A_445 : vector<16xf32>
        %mul3A_447 = arith.constant 16 : i32
        %mul3A_448 = arith.muli %scan3A_245, %mul3A_447 : i32
        %add3A_449 = arith.constant 3 : i32
        %add3A_450 = arith.addi %mul3A_448, %add3A_449 : i32
        %get3A_451 = arith.constant 0 : i32
        %get3A_452 = arith.index_cast %get3A_451 : i32 to index
        %get3A_453 = arith.index_cast %add3A_450 : i32 to index
        %get3A_454 = arith.constant 0 : index
        %get3A_455 = tpu.vector_load %arg12[%get3A_452, %get3A_453, %get3A_454] {strides = array<i32>} : memref<2x208x128xf32, #tpu.memory_space<vmem>>, vector<1x1x16xf32>,
        %get3A_456 = vector.shape_cast %get3A_455 : vector<1x1x16xf32> to vector<16xf32>
        %mul3A_457 = arith.mulf %get3A_456, %get3A_144 : vector<16xf32>
        %get3A_458 = arith.constant 0 : i32
        %get3A_459 = arith.index_cast %get3A_458 : i32 to index
        %get3A_460 = arith.index_cast %add3A_450 : i32 to index
        %get3A_461 = arith.constant 16 : index
        %get3A_462 = tpu.vector_load %arg12[%get3A_459, %get3A_460, %get3A_461] {strides = array<i32>} : memref<2x208x128xf32, #tpu.memory_space<vmem>>, vector<1x1x16xf32>,
        %get3A_463 = vector.shape_cast %get3A_462 : vector<1x1x16xf32> to vector<16xf32>
        %mul3A_464 = arith.mulf %get3A_463, %get3A_148 : vector<16xf32>
        %add3A_465 = arith.addf %mul3A_457, %mul3A_464 : vector<16xf32>
        %get3A_466 = arith.constant 0 : i32
        %get3A_467 = arith.index_cast %get3A_466 : i32 to index
        %get3A_468 = arith.index_cast %add3A_450 : i32 to index
        %get3A_469 = arith.constant 32 : index
        %get3A_470 = tpu.vector_load %arg12[%get3A_467, %get3A_468, %get3A_469] {strides = array<i32>} : memref<2x208x128xf32, #tpu.memory_space<vmem>>, vector<1x1x16xf32>,
        %get3A_471 = vector.shape_cast %get3A_470 : vector<1x1x16xf32> to vector<16xf32>
        %mul3A_472 = arith.mulf %get3A_471, %get3A_152 : vector<16xf32>
        %add3A_473 = arith.addf %add3A_465, %mul3A_472 : vector<16xf32>
        %get3A_474 = arith.constant 0 : i32
        %get3A_475 = arith.index_cast %get3A_474 : i32 to index
        %get3A_476 = arith.index_cast %add3A_450 : i32 to index
        %get3A_477 = arith.constant 48 : index
        %get3A_478 = tpu.vector_load %arg12[%get3A_475, %get3A_476, %get3A_477] {strides = array<i32>} : memref<2x208x128xf32, #tpu.memory_space<vmem>>, vector<1x1x16xf32>,
        %get3A_479 = vector.shape_cast %get3A_478 : vector<1x1x16xf32> to vector<16xf32>
        %mul3A_480 = arith.mulf %get3A_479, %get3A_156 : vector<16xf32>
        %add3A_481 = arith.addf %add3A_473, %mul3A_480 : vector<16xf32>
        %get3A_482 = arith.constant 0 : i32
        %get3A_483 = arith.index_cast %get3A_482 : i32 to index
        %get3A_484 = arith.index_cast %add3A_450 : i32 to index
        %get3A_485 = arith.constant 64 : index
        %get3A_486 = tpu.vector_load %arg12[%get3A_483, %get3A_484, %get3A_485] {strides = array<i32>} : memref<2x208x128xf32, #tpu.memory_space<vmem>>, vector<1x1x16xf32>,
        %get3A_487 = vector.shape_cast %get3A_486 : vector<1x1x16xf32> to vector<16xf32>
        %mul3A_488 = arith.mulf %get3A_487, %get3A_160 : vector<16xf32>
        %add3A_489 = arith.addf %add3A_481, %mul3A_488 : vector<16xf32>
        %get3A_490 = arith.constant 0 : i32
        %get3A_491 = arith.index_cast %get3A_490 : i32 to index
        %get3A_492 = arith.index_cast %add3A_450 : i32 to index
        %get3A_493 = arith.constant 80 : index
        %get3A_494 = tpu.vector_load %arg12[%get3A_491, %get3A_492, %get3A_493] {strides = array<i32>} : memref<2x208x128xf32, #tpu.memory_space<vmem>>, vector<1x1x16xf32>,
        %get3A_495 = vector.shape_cast %get3A_494 : vector<1x1x16xf32> to vector<16xf32>
        %mul3A_496 = arith.mulf %get3A_495, %get3A_164 : vector<16xf32>
        %add3A_497 = arith.addf %add3A_489, %mul3A_496 : vector<16xf32>
        %get3A_498 = arith.constant 0 : i32
        %get3A_499 = arith.index_cast %get3A_498 : i32 to index
        %get3A_500 = arith.index_cast %add3A_450 : i32 to index
        %get3A_501 = arith.constant 96 : index
        %get3A_502 = tpu.vector_load %arg12[%get3A_499, %get3A_500, %get3A_501] {strides = array<i32>} : memref<2x208x128xf32, #tpu.memory_space<vmem>>, vector<1x1x16xf32>,
        %get3A_503 = vector.shape_cast %get3A_502 : vector<1x1x16xf32> to vector<16xf32>
        %mul3A_504 = arith.mulf %get3A_503, %get3A_168 : vector<16xf32>
        %add3A_505 = arith.addf %add3A_497, %mul3A_504 : vector<16xf32>
        %get3A_506 = arith.constant 0 : i32
        %get3A_507 = arith.index_cast %get3A_506 : i32 to index
        %get3A_508 = arith.index_cast %add3A_450 : i32 to index
        %get3A_509 = arith.constant 112 : index
        %get3A_510 = tpu.vector_load %arg12[%get3A_507, %get3A_508, %get3A_509] {strides = array<i32>} : memref<2x208x128xf32, #tpu.memory_space<vmem>>, vector<1x1x16xf32>,
        %get3A_511 = vector.shape_cast %get3A_510 : vector<1x1x16xf32> to vector<16xf32>
        %mul3A_512 = arith.mulf %get3A_511, %get3A_172 : vector<16xf32>
        %add3A_513 = arith.addf %add3A_505, %mul3A_512 : vector<16xf32>
        %mul3A_514 = arith.constant 16 : i32
        %mul3A_515 = arith.muli %scan3A_245, %mul3A_514 : i32
        %add3A_516 = arith.constant 4 : i32
        %add3A_517 = arith.addi %mul3A_515, %add3A_516 : i32
        %get3A_518 = arith.constant 0 : i32
        %get3A_519 = arith.index_cast %get3A_518 : i32 to index
        %get3A_520 = arith.index_cast %add3A_517 : i32 to index
        %get3A_521 = arith.constant 0 : index
        %get3A_522 = tpu.vector_load %arg12[%get3A_519, %get3A_520, %get3A_521] {strides = array<i32>} : memref<2x208x128xf32, #tpu.memory_space<vmem>>, vector<1x1x16xf32>,
        %get3A_523 = vector.shape_cast %get3A_522 : vector<1x1x16xf32> to vector<16xf32>
        %mul3A_524 = arith.mulf %get3A_523, %get3A_144 : vector<16xf32>
        %get3A_525 = arith.constant 0 : i32
        %get3A_526 = arith.index_cast %get3A_525 : i32 to index
        %get3A_527 = arith.index_cast %add3A_517 : i32 to index
        %get3A_528 = arith.constant 16 : index
        %get3A_529 = tpu.vector_load %arg12[%get3A_526, %get3A_527, %get3A_528] {strides = array<i32>} : memref<2x208x128xf32, #tpu.memory_space<vmem>>, vector<1x1x16xf32>,
        %get3A_530 = vector.shape_cast %get3A_529 : vector<1x1x16xf32> to vector<16xf32>
        %mul3A_531 = arith.mulf %get3A_530, %get3A_148 : vector<16xf32>
        %add3A_532 = arith.addf %mul3A_524, %mul3A_531 : vector<16xf32>
        %get3A_533 = arith.constant 0 : i32
        %get3A_534 = arith.index_cast %get3A_533 : i32 to index
        %get3A_535 = arith.index_cast %add3A_517 : i32 to index
        %get3A_536 = arith.constant 32 : index
        %get3A_537 = tpu.vector_load %arg12[%get3A_534, %get3A_535, %get3A_536] {strides = array<i32>} : memref<2x208x128xf32, #tpu.memory_space<vmem>>, vector<1x1x16xf32>,
        %get3A_538 = vector.shape_cast %get3A_537 : vector<1x1x16xf32> to vector<16xf32>
        %mul3A_539 = arith.mulf %get3A_538, %get3A_152 : vector<16xf32>
        %add3A_540 = arith.addf %add3A_532, %mul3A_539 : vector<16xf32>
        %get3A_541 = arith.constant 0 : i32
        %get3A_542 = arith.index_cast %get3A_541 : i32 to index
        %get3A_543 = arith.index_cast %add3A_517 : i32 to index
        %get3A_544 = arith.constant 48 : index
        %get3A_545 = tpu.vector_load %arg12[%get3A_542, %get3A_543, %get3A_544] {strides = array<i32>} : memref<2x208x128xf32, #tpu.memory_space<vmem>>, vector<1x1x16xf32>,
        %get3A_546 = vector.shape_cast %get3A_545 : vector<1x1x16xf32> to vector<16xf32>
        %mul3A_547 = arith.mulf %get3A_546, %get3A_156 : vector<16xf32>
        %add3A_548 = arith.addf %add3A_540, %mul3A_547 : vector<16xf32>
        %get3A_549 = arith.constant 0 : i32
        %get3A_550 = arith.index_cast %get3A_549 : i32 to index
        %get3A_551 = arith.index_cast %add3A_517 : i32 to index
        %get3A_552 = arith.constant 64 : index
        %get3A_553 = tpu.vector_load %arg12[%get3A_550, %get3A_551, %get3A_552] {strides = array<i32>} : memref<2x208x128xf32, #tpu.memory_space<vmem>>, vector<1x1x16xf32>,
        %get3A_554 = vector.shape_cast %get3A_553 : vector<1x1x16xf32> to vector<16xf32>
        %mul3A_555 = arith.mulf %get3A_554, %get3A_160 : vector<16xf32>
        %add3A_556 = arith.addf %add3A_548, %mul3A_555 : vector<16xf32>
        %get3A_557 = arith.constant 0 : i32
        %get3A_558 = arith.index_cast %get3A_557 : i32 to index
        %get3A_559 = arith.index_cast %add3A_517 : i32 to index
        %get3A_560 = arith.constant 80 : index
        %get3A_561 = tpu.vector_load %arg12[%get3A_558, %get3A_559, %get3A_560] {strides = array<i32>} : memref<2x208x128xf32, #tpu.memory_space<vmem>>, vector<1x1x16xf32>,
        %get3A_562 = vector.shape_cast %get3A_561 : vector<1x1x16xf32> to vector<16xf32>
        %mul3A_563 = arith.mulf %get3A_562, %get3A_164 : vector<16xf32>
        %add3A_564 = arith.addf %add3A_556, %mul3A_563 : vector<16xf32>
        %get3A_565 = arith.constant 0 : i32
        %get3A_566 = arith.index_cast %get3A_565 : i32 to index
        %get3A_567 = arith.index_cast %add3A_517 : i32 to index
        %get3A_568 = arith.constant 96 : index
        %get3A_569 = tpu.vector_load %arg12[%get3A_566, %get3A_567, %get3A_568] {strides = array<i32>} : memref<2x208x128xf32, #tpu.memory_space<vmem>>, vector<1x1x16xf32>,
        %get3A_570 = vector.shape_cast %get3A_569 : vector<1x1x16xf32> to vector<16xf32>
        %mul3A_571 = arith.mulf %get3A_570, %get3A_168 : vector<16xf32>
        %add3A_572 = arith.addf %add3A_564, %mul3A_571 : vector<16xf32>
        %get3A_573 = arith.constant 0 : i32
        %get3A_574 = arith.index_cast %get3A_573 : i32 to index
        %get3A_575 = arith.index_cast %add3A_517 : i32 to index
        %get3A_576 = arith.constant 112 : index
        %get3A_577 = tpu.vector_load %arg12[%get3A_574, %get3A_575, %get3A_576] {strides = array<i32>} : memref<2x208x128xf32, #tpu.memory_space<vmem>>, vector<1x1x16xf32>,
        %get3A_578 = vector.shape_cast %get3A_577 : vector<1x1x16xf32> to vector<16xf32>
        %mul3A_579 = arith.mulf %get3A_578, %get3A_172 : vector<16xf32>
        %add3A_580 = arith.addf %add3A_572, %mul3A_579 : vector<16xf32>
        %mul3A_581 = arith.constant 16 : i32
        %mul3A_582 = arith.muli %scan3A_245, %mul3A_581 : i32
        %add3A_583 = arith.constant 5 : i32
        %add3A_584 = arith.addi %mul3A_582, %add3A_583 : i32
        %get3A_585 = arith.constant 0 : i32
        %get3A_586 = arith.index_cast %get3A_585 : i32 to index
        %get3A_587 = arith.index_cast %add3A_584 : i32 to index
        %get3A_588 = arith.constant 0 : index
        %get3A_589 = tpu.vector_load %arg12[%get3A_586, %get3A_587, %get3A_588] {strides = array<i32>} : memref<2x208x128xf32, #tpu.memory_space<vmem>>, vector<1x1x16xf32>,
        %get3A_590 = vector.shape_cast %get3A_589 : vector<1x1x16xf32> to vector<16xf32>
        %mul3A_591 = arith.mulf %get3A_590, %get3A_144 : vector<16xf32>
        %get3A_592 = arith.constant 0 : i32
        %get3A_593 = arith.index_cast %get3A_592 : i32 to index
        %get3A_594 = arith.index_cast %add3A_584 : i32 to index
        %get3A_595 = arith.constant 16 : index
        %get3A_596 = tpu.vector_load %arg12[%get3A_593, %get3A_594, %get3A_595] {strides = array<i32>} : memref<2x208x128xf32, #tpu.memory_space<vmem>>, vector<1x1x16xf32>,
        %get3A_597 = vector.shape_cast %get3A_596 : vector<1x1x16xf32> to vector<16xf32>
        %mul3A_598 = arith.mulf %get3A_597, %get3A_148 : vector<16xf32>
        %add3A_599 = arith.addf %mul3A_591, %mul3A_598 : vector<16xf32>
        %get3A_600 = arith.constant 0 : i32
        %get3A_601 = arith.index_cast %get3A_600 : i32 to index
        %get3A_602 = arith.index_cast %add3A_584 : i32 to index
        %get3A_603 = arith.constant 32 : index
        %get3A_604 = tpu.vector_load %arg12[%get3A_601, %get3A_602, %get3A_603] {strides = array<i32>} : memref<2x208x128xf32, #tpu.memory_space<vmem>>, vector<1x1x16xf32>,
        %get3A_605 = vector.shape_cast %get3A_604 : vector<1x1x16xf32> to vector<16xf32>
        %mul3A_606 = arith.mulf %get3A_605, %get3A_152 : vector<16xf32>
        %add3A_607 = arith.addf %add3A_599, %mul3A_606 : vector<16xf32>
        %get3A_608 = arith.constant 0 : i32
        %get3A_609 = arith.index_cast %get3A_608 : i32 to index
        %get3A_610 = arith.index_cast %add3A_584 : i32 to index
        %get3A_611 = arith.constant 48 : index
        %get3A_612 = tpu.vector_load %arg12[%get3A_609, %get3A_610, %get3A_611] {strides = array<i32>} : memref<2x208x128xf32, #tpu.memory_space<vmem>>, vector<1x1x16xf32>,
        %get3A_613 = vector.shape_cast %get3A_612 : vector<1x1x16xf32> to vector<16xf32>
        %mul3A_614 = arith.mulf %get3A_613, %get3A_156 : vector<16xf32>
        %add3A_615 = arith.addf %add3A_607, %mul3A_614 : vector<16xf32>
        %get3A_616 = arith.constant 0 : i32
        %get3A_617 = arith.index_cast %get3A_616 : i32 to index
        %get3A_618 = arith.index_cast %add3A_584 : i32 to index
        %get3A_619 = arith.constant 64 : index
        %get3A_620 = tpu.vector_load %arg12[%get3A_617, %get3A_618, %get3A_619] {strides = array<i32>} : memref<2x208x128xf32, #tpu.memory_space<vmem>>, vector<1x1x16xf32>,
        %get3A_621 = vector.shape_cast %get3A_620 : vector<1x1x16xf32> to vector<16xf32>
        %mul3A_622 = arith.mulf %get3A_621, %get3A_160 : vector<16xf32>
        %add3A_623 = arith.addf %add3A_615, %mul3A_622 : vector<16xf32>
        %get3A_624 = arith.constant 0 : i32
        %get3A_625 = arith.index_cast %get3A_624 : i32 to index
        %get3A_626 = arith.index_cast %add3A_584 : i32 to index
        %get3A_627 = arith.constant 80 : index
        %get3A_628 = tpu.vector_load %arg12[%get3A_625, %get3A_626, %get3A_627] {strides = array<i32>} : memref<2x208x128xf32, #tpu.memory_space<vmem>>, vector<1x1x16xf32>,
        %get3A_629 = vector.shape_cast %get3A_628 : vector<1x1x16xf32> to vector<16xf32>
        %mul3A_630 = arith.mulf %get3A_629, %get3A_164 : vector<16xf32>
        %add3A_631 = arith.addf %add3A_623, %mul3A_630 : vector<16xf32>
        %get3A_632 = arith.constant 0 : i32
        %get3A_633 = arith.index_cast %get3A_632 : i32 to index
        %get3A_634 = arith.index_cast %add3A_584 : i32 to index
        %get3A_635 = arith.constant 96 : index
        %get3A_636 = tpu.vector_load %arg12[%get3A_633, %get3A_634, %get3A_635] {strides = array<i32>} : memref<2x208x128xf32, #tpu.memory_space<vmem>>, vector<1x1x16xf32>,
        %get3A_637 = vector.shape_cast %get3A_636 : vector<1x1x16xf32> to vector<16xf32>
        %mul3A_638 = arith.mulf %get3A_637, %get3A_168 : vector<16xf32>
        %add3A_639 = arith.addf %add3A_631, %mul3A_638 : vector<16xf32>
        %get3A_640 = arith.constant 0 : i32
        %get3A_641 = arith.index_cast %get3A_640 : i32 to index
        %get3A_642 = arith.index_cast %add3A_584 : i32 to index
        %get3A_643 = arith.constant 112 : index
        %get3A_644 = tpu.vector_load %arg12[%get3A_641, %get3A_642, %get3A_643] {strides = array<i32>} : memref<2x208x128xf32, #tpu.memory_space<vmem>>, vector<1x1x16xf32>,
        %get3A_645 = vector.shape_cast %get3A_644 : vector<1x1x16xf32> to vector<16xf32>
        %mul3A_646 = arith.mulf %get3A_645, %get3A_172 : vector<16xf32>
        %add3A_647 = arith.addf %add3A_639, %mul3A_646 : vector<16xf32>
        %mul3A_648 = arith.constant 16 : i32
        %mul3A_649 = arith.muli %scan3A_245, %mul3A_648 : i32
        %add3A_650 = arith.constant 6 : i32
        %add3A_651 = arith.addi %mul3A_649, %add3A_650 : i32
        %get3A_652 = arith.constant 0 : i32
        %get3A_653 = arith.index_cast %get3A_652 : i32 to index
        %get3A_654 = arith.index_cast %add3A_651 : i32 to index
        %get3A_655 = arith.constant 0 : index
        %get3A_656 = tpu.vector_load %arg12[%get3A_653, %get3A_654, %get3A_655] {strides = array<i32>} : memref<2x208x128xf32, #tpu.memory_space<vmem>>, vector<1x1x16xf32>,
        %get3A_657 = vector.shape_cast %get3A_656 : vector<1x1x16xf32> to vector<16xf32>
        %mul3A_658 = arith.mulf %get3A_657, %get3A_144 : vector<16xf32>
        %get3A_659 = arith.constant 0 : i32
        %get3A_660 = arith.index_cast %get3A_659 : i32 to index
        %get3A_661 = arith.index_cast %add3A_651 : i32 to index
        %get3A_662 = arith.constant 16 : index
        %get3A_663 = tpu.vector_load %arg12[%get3A_660, %get3A_661, %get3A_662] {strides = array<i32>} : memref<2x208x128xf32, #tpu.memory_space<vmem>>, vector<1x1x16xf32>,
        %get3A_664 = vector.shape_cast %get3A_663 : vector<1x1x16xf32> to vector<16xf32>
        %mul3A_665 = arith.mulf %get3A_664, %get3A_148 : vector<16xf32>
        %add3A_666 = arith.addf %mul3A_658, %mul3A_665 : vector<16xf32>
        %get3A_667 = arith.constant 0 : i32
        %get3A_668 = arith.index_cast %get3A_667 : i32 to index
        %get3A_669 = arith.index_cast %add3A_651 : i32 to index
        %get3A_670 = arith.constant 32 : index
        %get3A_671 = tpu.vector_load %arg12[%get3A_668, %get3A_669, %get3A_670] {strides = array<i32>} : memref<2x208x128xf32, #tpu.memory_space<vmem>>, vector<1x1x16xf32>,
        %get3A_672 = vector.shape_cast %get3A_671 : vector<1x1x16xf32> to vector<16xf32>
        %mul3A_673 = arith.mulf %get3A_672, %get3A_152 : vector<16xf32>
        %add3A_674 = arith.addf %add3A_666, %mul3A_673 : vector<16xf32>
        %get3A_675 = arith.constant 0 : i32
        %get3A_676 = arith.index_cast %get3A_675 : i32 to index
        %get3A_677 = arith.index_cast %add3A_651 : i32 to index
        %get3A_678 = arith.constant 48 : index
        %get3A_679 = tpu.vector_load %arg12[%get3A_676, %get3A_677, %get3A_678] {strides = array<i32>} : memref<2x208x128xf32, #tpu.memory_space<vmem>>, vector<1x1x16xf32>,
        %get3A_680 = vector.shape_cast %get3A_679 : vector<1x1x16xf32> to vector<16xf32>
        %mul3A_681 = arith.mulf %get3A_680, %get3A_156 : vector<16xf32>
        %add3A_682 = arith.addf %add3A_674, %mul3A_681 : vector<16xf32>
        %get3A_683 = arith.constant 0 : i32
        %get3A_684 = arith.index_cast %get3A_683 : i32 to index
        %get3A_685 = arith.index_cast %add3A_651 : i32 to index
        %get3A_686 = arith.constant 64 : index
        %get3A_687 = tpu.vector_load %arg12[%get3A_684, %get3A_685, %get3A_686] {strides = array<i32>} : memref<2x208x128xf32, #tpu.memory_space<vmem>>, vector<1x1x16xf32>,
        %get3A_688 = vector.shape_cast %get3A_687 : vector<1x1x16xf32> to vector<16xf32>
        %mul3A_689 = arith.mulf %get3A_688, %get3A_160 : vector<16xf32>
        %add3A_690 = arith.addf %add3A_682, %mul3A_689 : vector<16xf32>
        %get3A_691 = arith.constant 0 : i32
        %get3A_692 = arith.index_cast %get3A_691 : i32 to index
        %get3A_693 = arith.index_cast %add3A_651 : i32 to index
        %get3A_694 = arith.constant 80 : index
        %get3A_695 = tpu.vector_load %arg12[%get3A_692, %get3A_693, %get3A_694] {strides = array<i32>} : memref<2x208x128xf32, #tpu.memory_space<vmem>>, vector<1x1x16xf32>,
        %get3A_696 = vector.shape_cast %get3A_695 : vector<1x1x16xf32> to vector<16xf32>
        %mul3A_697 = arith.mulf %get3A_696, %get3A_164 : vector<16xf32>
        %add3A_698 = arith.addf %add3A_690, %mul3A_697 : vector<16xf32>
        %get3A_699 = arith.constant 0 : i32
        %get3A_700 = arith.index_cast %get3A_699 : i32 to index
        %get3A_701 = arith.index_cast %add3A_651 : i32 to index
        %get3A_702 = arith.constant 96 : index
        %get3A_703 = tpu.vector_load %arg12[%get3A_700, %get3A_701, %get3A_702] {strides = array<i32>} : memref<2x208x128xf32, #tpu.memory_space<vmem>>, vector<1x1x16xf32>,
        %get3A_704 = vector.shape_cast %get3A_703 : vector<1x1x16xf32> to vector<16xf32>
        %mul3A_705 = arith.mulf %get3A_704, %get3A_168 : vector<16xf32>
        %add3A_706 = arith.addf %add3A_698, %mul3A_705 : vector<16xf32>
        %get3A_707 = arith.constant 0 : i32
        %get3A_708 = arith.index_cast %get3A_707 : i32 to index
        %get3A_709 = arith.index_cast %add3A_651 : i32 to index
        %get3A_710 = arith.constant 112 : index
        %get3A_711 = tpu.vector_load %arg12[%get3A_708, %get3A_709, %get3A_710] {strides = array<i32>} : memref<2x208x128xf32, #tpu.memory_space<vmem>>, vector<1x1x16xf32>,
        %get3A_712 = vector.shape_cast %get3A_711 : vector<1x1x16xf32> to vector<16xf32>
        %mul3A_713 = arith.mulf %get3A_712, %get3A_172 : vector<16xf32>
        %add3A_714 = arith.addf %add3A_706, %mul3A_713 : vector<16xf32>
        %mul3A_715 = arith.constant 16 : i32
        %mul3A_716 = arith.muli %scan3A_245, %mul3A_715 : i32
        %add3A_717 = arith.constant 7 : i32
        %add3A_718 = arith.addi %mul3A_716, %add3A_717 : i32
        %get3A_719 = arith.constant 0 : i32
        %get3A_720 = arith.index_cast %get3A_719 : i32 to index
        %get3A_721 = arith.index_cast %add3A_718 : i32 to index
        %get3A_722 = arith.constant 0 : index
        %get3A_723 = tpu.vector_load %arg12[%get3A_720, %get3A_721, %get3A_722] {strides = array<i32>} : memref<2x208x128xf32, #tpu.memory_space<vmem>>, vector<1x1x16xf32>,
        %get3A_724 = vector.shape_cast %get3A_723 : vector<1x1x16xf32> to vector<16xf32>
        %mul3A_725 = arith.mulf %get3A_724, %get3A_144 : vector<16xf32>
        %get3A_726 = arith.constant 0 : i32
        %get3A_727 = arith.index_cast %get3A_726 : i32 to index
        %get3A_728 = arith.index_cast %add3A_718 : i32 to index
        %get3A_729 = arith.constant 16 : index
        %get3A_730 = tpu.vector_load %arg12[%get3A_727, %get3A_728, %get3A_729] {strides = array<i32>} : memref<2x208x128xf32, #tpu.memory_space<vmem>>, vector<1x1x16xf32>,
        %get3A_731 = vector.shape_cast %get3A_730 : vector<1x1x16xf32> to vector<16xf32>
        %mul3A_732 = arith.mulf %get3A_731, %get3A_148 : vector<16xf32>
        %add3A_733 = arith.addf %mul3A_725, %mul3A_732 : vector<16xf32>
        %get3A_734 = arith.constant 0 : i32
        %get3A_735 = arith.index_cast %get3A_734 : i32 to index
        %get3A_736 = arith.index_cast %add3A_718 : i32 to index
        %get3A_737 = arith.constant 32 : index
        %get3A_738 = tpu.vector_load %arg12[%get3A_735, %get3A_736, %get3A_737] {strides = array<i32>} : memref<2x208x128xf32, #tpu.memory_space<vmem>>, vector<1x1x16xf32>,
        %get3A_739 = vector.shape_cast %get3A_738 : vector<1x1x16xf32> to vector<16xf32>
        %mul3A_740 = arith.mulf %get3A_739, %get3A_152 : vector<16xf32>
        %add3A_741 = arith.addf %add3A_733, %mul3A_740 : vector<16xf32>
        %get3A_742 = arith.constant 0 : i32
        %get3A_743 = arith.index_cast %get3A_742 : i32 to index
        %get3A_744 = arith.index_cast %add3A_718 : i32 to index
        %get3A_745 = arith.constant 48 : index
        %get3A_746 = tpu.vector_load %arg12[%get3A_743, %get3A_744, %get3A_745] {strides = array<i32>} : memref<2x208x128xf32, #tpu.memory_space<vmem>>, vector<1x1x16xf32>,
        %get3A_747 = vector.shape_cast %get3A_746 : vector<1x1x16xf32> to vector<16xf32>
        %mul3A_748 = arith.mulf %get3A_747, %get3A_156 : vector<16xf32>
        %add3A_749 = arith.addf %add3A_741, %mul3A_748 : vector<16xf32>
        %get3A_750 = arith.constant 0 : i32
        %get3A_751 = arith.index_cast %get3A_750 : i32 to index
        %get3A_752 = arith.index_cast %add3A_718 : i32 to index
        %get3A_753 = arith.constant 64 : index
        %get3A_754 = tpu.vector_load %arg12[%get3A_751, %get3A_752, %get3A_753] {strides = array<i32>} : memref<2x208x128xf32, #tpu.memory_space<vmem>>, vector<1x1x16xf32>,
        %get3A_755 = vector.shape_cast %get3A_754 : vector<1x1x16xf32> to vector<16xf32>
        %mul3A_756 = arith.mulf %get3A_755, %get3A_160 : vector<16xf32>
        %add3A_757 = arith.addf %add3A_749, %mul3A_756 : vector<16xf32>
        %get3A_758 = arith.constant 0 : i32
        %get3A_759 = arith.index_cast %get3A_758 : i32 to index
        %get3A_760 = arith.index_cast %add3A_718 : i32 to index
        %get3A_761 = arith.constant 80 : index
        %get3A_762 = tpu.vector_load %arg12[%get3A_759, %get3A_760, %get3A_761] {strides = array<i32>} : memref<2x208x128xf32, #tpu.memory_space<vmem>>, vector<1x1x16xf32>,
        %get3A_763 = vector.shape_cast %get3A_762 : vector<1x1x16xf32> to vector<16xf32>
        %mul3A_764 = arith.mulf %get3A_763, %get3A_164 : vector<16xf32>
        %add3A_765 = arith.addf %add3A_757, %mul3A_764 : vector<16xf32>
        %get3A_766 = arith.constant 0 : i32
        %get3A_767 = arith.index_cast %get3A_766 : i32 to index
        %get3A_768 = arith.index_cast %add3A_718 : i32 to index
        %get3A_769 = arith.constant 96 : index
        %get3A_770 = tpu.vector_load %arg12[%get3A_767, %get3A_768, %get3A_769] {strides = array<i32>} : memref<2x208x128xf32, #tpu.memory_space<vmem>>, vector<1x1x16xf32>,
        %get3A_771 = vector.shape_cast %get3A_770 : vector<1x1x16xf32> to vector<16xf32>
        %mul3A_772 = arith.mulf %get3A_771, %get3A_168 : vector<16xf32>
        %add3A_773 = arith.addf %add3A_765, %mul3A_772 : vector<16xf32>
        %get3A_774 = arith.constant 0 : i32
        %get3A_775 = arith.index_cast %get3A_774 : i32 to index
        %get3A_776 = arith.index_cast %add3A_718 : i32 to index
        %get3A_777 = arith.constant 112 : index
        %get3A_778 = tpu.vector_load %arg12[%get3A_775, %get3A_776, %get3A_777] {strides = array<i32>} : memref<2x208x128xf32, #tpu.memory_space<vmem>>, vector<1x1x16xf32>,
        %get3A_779 = vector.shape_cast %get3A_778 : vector<1x1x16xf32> to vector<16xf32>
        %mul3A_780 = arith.mulf %get3A_779, %get3A_172 : vector<16xf32>
        %add3A_781 = arith.addf %add3A_773, %mul3A_780 : vector<16xf32>
        %mul3A_782 = arith.constant 16 : i32
        %mul3A_783 = arith.muli %scan3A_245, %mul3A_782 : i32
        %add3A_784 = arith.constant 8 : i32
        %add3A_785 = arith.addi %mul3A_783, %add3A_784 : i32
        %get3A_786 = arith.constant 0 : i32
        %get3A_787 = arith.index_cast %get3A_786 : i32 to index
        %get3A_788 = arith.index_cast %add3A_785 : i32 to index
        %get3A_789 = arith.constant 0 : index
        %get3A_790 = tpu.vector_load %arg12[%get3A_787, %get3A_788, %get3A_789] {strides = array<i32>} : memref<2x208x128xf32, #tpu.memory_space<vmem>>, vector<1x1x16xf32>,
        %get3A_791 = vector.shape_cast %get3A_790 : vector<1x1x16xf32> to vector<16xf32>
        %mul3A_792 = arith.mulf %get3A_791, %get3A_144 : vector<16xf32>
        %get3A_793 = arith.constant 0 : i32
        %get3A_794 = arith.index_cast %get3A_793 : i32 to index
        %get3A_795 = arith.index_cast %add3A_785 : i32 to index
        %get3A_796 = arith.constant 16 : index
        %get3A_797 = tpu.vector_load %arg12[%get3A_794, %get3A_795, %get3A_796] {strides = array<i32>} : memref<2x208x128xf32, #tpu.memory_space<vmem>>, vector<1x1x16xf32>,
        %get3A_798 = vector.shape_cast %get3A_797 : vector<1x1x16xf32> to vector<16xf32>
        %mul3A_799 = arith.mulf %get3A_798, %get3A_148 : vector<16xf32>
        %add3A_800 = arith.addf %mul3A_792, %mul3A_799 : vector<16xf32>
        %get3A_801 = arith.constant 0 : i32
        %get3A_802 = arith.index_cast %get3A_801 : i32 to index
        %get3A_803 = arith.index_cast %add3A_785 : i32 to index
        %get3A_804 = arith.constant 32 : index
        %get3A_805 = tpu.vector_load %arg12[%get3A_802, %get3A_803, %get3A_804] {strides = array<i32>} : memref<2x208x128xf32, #tpu.memory_space<vmem>>, vector<1x1x16xf32>,
        %get3A_806 = vector.shape_cast %get3A_805 : vector<1x1x16xf32> to vector<16xf32>
        %mul3A_807 = arith.mulf %get3A_806, %get3A_152 : vector<16xf32>
        %add3A_808 = arith.addf %add3A_800, %mul3A_807 : vector<16xf32>
        %get3A_809 = arith.constant 0 : i32
        %get3A_810 = arith.index_cast %get3A_809 : i32 to index
        %get3A_811 = arith.index_cast %add3A_785 : i32 to index
        %get3A_812 = arith.constant 48 : index
        %get3A_813 = tpu.vector_load %arg12[%get3A_810, %get3A_811, %get3A_812] {strides = array<i32>} : memref<2x208x128xf32, #tpu.memory_space<vmem>>, vector<1x1x16xf32>,
        %get3A_814 = vector.shape_cast %get3A_813 : vector<1x1x16xf32> to vector<16xf32>
        %mul3A_815 = arith.mulf %get3A_814, %get3A_156 : vector<16xf32>
        %add3A_816 = arith.addf %add3A_808, %mul3A_815 : vector<16xf32>
        %get3A_817 = arith.constant 0 : i32
        %get3A_818 = arith.index_cast %get3A_817 : i32 to index
        %get3A_819 = arith.index_cast %add3A_785 : i32 to index
        %get3A_820 = arith.constant 64 : index
        %get3A_821 = tpu.vector_load %arg12[%get3A_818, %get3A_819, %get3A_820] {strides = array<i32>} : memref<2x208x128xf32, #tpu.memory_space<vmem>>, vector<1x1x16xf32>,
        %get3A_822 = vector.shape_cast %get3A_821 : vector<1x1x16xf32> to vector<16xf32>
        %mul3A_823 = arith.mulf %get3A_822, %get3A_160 : vector<16xf32>
        %add3A_824 = arith.addf %add3A_816, %mul3A_823 : vector<16xf32>
        %get3A_825 = arith.constant 0 : i32
        %get3A_826 = arith.index_cast %get3A_825 : i32 to index
        %get3A_827 = arith.index_cast %add3A_785 : i32 to index
        %get3A_828 = arith.constant 80 : index
        %get3A_829 = tpu.vector_load %arg12[%get3A_826, %get3A_827, %get3A_828] {strides = array<i32>} : memref<2x208x128xf32, #tpu.memory_space<vmem>>, vector<1x1x16xf32>,
        %get3A_830 = vector.shape_cast %get3A_829 : vector<1x1x16xf32> to vector<16xf32>
        %mul3A_831 = arith.mulf %get3A_830, %get3A_164 : vector<16xf32>
        %add3A_832 = arith.addf %add3A_824, %mul3A_831 : vector<16xf32>
        %get3A_833 = arith.constant 0 : i32
        %get3A_834 = arith.index_cast %get3A_833 : i32 to index
        %get3A_835 = arith.index_cast %add3A_785 : i32 to index
        %get3A_836 = arith.constant 96 : index
        %get3A_837 = tpu.vector_load %arg12[%get3A_834, %get3A_835, %get3A_836] {strides = array<i32>} : memref<2x208x128xf32, #tpu.memory_space<vmem>>, vector<1x1x16xf32>,
        %get3A_838 = vector.shape_cast %get3A_837 : vector<1x1x16xf32> to vector<16xf32>
        %mul3A_839 = arith.mulf %get3A_838, %get3A_168 : vector<16xf32>
        %add3A_840 = arith.addf %add3A_832, %mul3A_839 : vector<16xf32>
        %get3A_841 = arith.constant 0 : i32
        %get3A_842 = arith.index_cast %get3A_841 : i32 to index
        %get3A_843 = arith.index_cast %add3A_785 : i32 to index
        %get3A_844 = arith.constant 112 : index
        %get3A_845 = tpu.vector_load %arg12[%get3A_842, %get3A_843, %get3A_844] {strides = array<i32>} : memref<2x208x128xf32, #tpu.memory_space<vmem>>, vector<1x1x16xf32>,
        %get3A_846 = vector.shape_cast %get3A_845 : vector<1x1x16xf32> to vector<16xf32>
        %mul3A_847 = arith.mulf %get3A_846, %get3A_172 : vector<16xf32>
        %add3A_848 = arith.addf %add3A_840, %mul3A_847 : vector<16xf32>
        %mul3A_849 = arith.constant 16 : i32
        %mul3A_850 = arith.muli %scan3A_245, %mul3A_849 : i32
        %add3A_851 = arith.constant 9 : i32
        %add3A_852 = arith.addi %mul3A_850, %add3A_851 : i32
        %get3A_853 = arith.constant 0 : i32
        %get3A_854 = arith.index_cast %get3A_853 : i32 to index
        %get3A_855 = arith.index_cast %add3A_852 : i32 to index
        %get3A_856 = arith.constant 0 : index
        %get3A_857 = tpu.vector_load %arg12[%get3A_854, %get3A_855, %get3A_856] {strides = array<i32>} : memref<2x208x128xf32, #tpu.memory_space<vmem>>, vector<1x1x16xf32>,
        %get3A_858 = vector.shape_cast %get3A_857 : vector<1x1x16xf32> to vector<16xf32>
        %mul3A_859 = arith.mulf %get3A_858, %get3A_144 : vector<16xf32>
        %get3A_860 = arith.constant 0 : i32
        %get3A_861 = arith.index_cast %get3A_860 : i32 to index
        %get3A_862 = arith.index_cast %add3A_852 : i32 to index
        %get3A_863 = arith.constant 16 : index
        %get3A_864 = tpu.vector_load %arg12[%get3A_861, %get3A_862, %get3A_863] {strides = array<i32>} : memref<2x208x128xf32, #tpu.memory_space<vmem>>, vector<1x1x16xf32>,
        %get3A_865 = vector.shape_cast %get3A_864 : vector<1x1x16xf32> to vector<16xf32>
        %mul3A_866 = arith.mulf %get3A_865, %get3A_148 : vector<16xf32>
        %add3A_867 = arith.addf %mul3A_859, %mul3A_866 : vector<16xf32>
        %get3A_868 = arith.constant 0 : i32
        %get3A_869 = arith.index_cast %get3A_868 : i32 to index
        %get3A_870 = arith.index_cast %add3A_852 : i32 to index
        %get3A_871 = arith.constant 32 : index
        %get3A_872 = tpu.vector_load %arg12[%get3A_869, %get3A_870, %get3A_871] {strides = array<i32>} : memref<2x208x128xf32, #tpu.memory_space<vmem>>, vector<1x1x16xf32>,
        %get3A_873 = vector.shape_cast %get3A_872 : vector<1x1x16xf32> to vector<16xf32>
        %mul3A_874 = arith.mulf %get3A_873, %get3A_152 : vector<16xf32>
        %add3A_875 = arith.addf %add3A_867, %mul3A_874 : vector<16xf32>
        %get3A_876 = arith.constant 0 : i32
        %get3A_877 = arith.index_cast %get3A_876 : i32 to index
        %get3A_878 = arith.index_cast %add3A_852 : i32 to index
        %get3A_879 = arith.constant 48 : index
        %get3A_880 = tpu.vector_load %arg12[%get3A_877, %get3A_878, %get3A_879] {strides = array<i32>} : memref<2x208x128xf32, #tpu.memory_space<vmem>>, vector<1x1x16xf32>,
        %get3A_881 = vector.shape_cast %get3A_880 : vector<1x1x16xf32> to vector<16xf32>
        %mul3A_882 = arith.mulf %get3A_881, %get3A_156 : vector<16xf32>
        %add3A_883 = arith.addf %add3A_875, %mul3A_882 : vector<16xf32>
        %get3A_884 = arith.constant 0 : i32
        %get3A_885 = arith.index_cast %get3A_884 : i32 to index
        %get3A_886 = arith.index_cast %add3A_852 : i32 to index
        %get3A_887 = arith.constant 64 : index
        %get3A_888 = tpu.vector_load %arg12[%get3A_885, %get3A_886, %get3A_887] {strides = array<i32>} : memref<2x208x128xf32, #tpu.memory_space<vmem>>, vector<1x1x16xf32>,
        %get3A_889 = vector.shape_cast %get3A_888 : vector<1x1x16xf32> to vector<16xf32>
        %mul3A_890 = arith.mulf %get3A_889, %get3A_160 : vector<16xf32>
        %add3A_891 = arith.addf %add3A_883, %mul3A_890 : vector<16xf32>
        %get3A_892 = arith.constant 0 : i32
        %get3A_893 = arith.index_cast %get3A_892 : i32 to index
        %get3A_894 = arith.index_cast %add3A_852 : i32 to index
        %get3A_895 = arith.constant 80 : index
        %get3A_896 = tpu.vector_load %arg12[%get3A_893, %get3A_894, %get3A_895] {strides = array<i32>} : memref<2x208x128xf32, #tpu.memory_space<vmem>>, vector<1x1x16xf32>,
        %get3A_897 = vector.shape_cast %get3A_896 : vector<1x1x16xf32> to vector<16xf32>
        %mul3A_898 = arith.mulf %get3A_897, %get3A_164 : vector<16xf32>
        %add3A_899 = arith.addf %add3A_891, %mul3A_898 : vector<16xf32>
        %get3A_900 = arith.constant 0 : i32
        %get3A_901 = arith.index_cast %get3A_900 : i32 to index
        %get3A_902 = arith.index_cast %add3A_852 : i32 to index
        %get3A_903 = arith.constant 96 : index
        %get3A_904 = tpu.vector_load %arg12[%get3A_901, %get3A_902, %get3A_903] {strides = array<i32>} : memref<2x208x128xf32, #tpu.memory_space<vmem>>, vector<1x1x16xf32>,
        %get3A_905 = vector.shape_cast %get3A_904 : vector<1x1x16xf32> to vector<16xf32>
        %mul3A_906 = arith.mulf %get3A_905, %get3A_168 : vector<16xf32>
        %add3A_907 = arith.addf %add3A_899, %mul3A_906 : vector<16xf32>
        %get3A_908 = arith.constant 0 : i32
        %get3A_909 = arith.index_cast %get3A_908 : i32 to index
        %get3A_910 = arith.index_cast %add3A_852 : i32 to index
        %get3A_911 = arith.constant 112 : index
        %get3A_912 = tpu.vector_load %arg12[%get3A_909, %get3A_910, %get3A_911] {strides = array<i32>} : memref<2x208x128xf32, #tpu.memory_space<vmem>>, vector<1x1x16xf32>,
        %get3A_913 = vector.shape_cast %get3A_912 : vector<1x1x16xf32> to vector<16xf32>
        %mul3A_914 = arith.mulf %get3A_913, %get3A_172 : vector<16xf32>
        %add3A_915 = arith.addf %add3A_907, %mul3A_914 : vector<16xf32>
        %mul3A_916 = arith.constant 16 : i32
        %mul3A_917 = arith.muli %scan3A_245, %mul3A_916 : i32
        %add3A_918 = arith.constant 10 : i32
        %add3A_919 = arith.addi %mul3A_917, %add3A_918 : i32
        %get3A_920 = arith.constant 0 : i32
        %get3A_921 = arith.index_cast %get3A_920 : i32 to index
        %get3A_922 = arith.index_cast %add3A_919 : i32 to index
        %get3A_923 = arith.constant 0 : index
        %get3A_924 = tpu.vector_load %arg12[%get3A_921, %get3A_922, %get3A_923] {strides = array<i32>} : memref<2x208x128xf32, #tpu.memory_space<vmem>>, vector<1x1x16xf32>,
        %get3A_925 = vector.shape_cast %get3A_924 : vector<1x1x16xf32> to vector<16xf32>
        %mul3A_926 = arith.mulf %get3A_925, %get3A_144 : vector<16xf32>
        %get3A_927 = arith.constant 0 : i32
        %get3A_928 = arith.index_cast %get3A_927 : i32 to index
        %get3A_929 = arith.index_cast %add3A_919 : i32 to index
        %get3A_930 = arith.constant 16 : index
        %get3A_931 = tpu.vector_load %arg12[%get3A_928, %get3A_929, %get3A_930] {strides = array<i32>} : memref<2x208x128xf32, #tpu.memory_space<vmem>>, vector<1x1x16xf32>,
        %get3A_932 = vector.shape_cast %get3A_931 : vector<1x1x16xf32> to vector<16xf32>
        %mul3A_933 = arith.mulf %get3A_932, %get3A_148 : vector<16xf32>
        %add3A_934 = arith.addf %mul3A_926, %mul3A_933 : vector<16xf32>
        %get3A_935 = arith.constant 0 : i32
        %get3A_936 = arith.index_cast %get3A_935 : i32 to index
        %get3A_937 = arith.index_cast %add3A_919 : i32 to index
        %get3A_938 = arith.constant 32 : index
        %get3A_939 = tpu.vector_load %arg12[%get3A_936, %get3A_937, %get3A_938] {strides = array<i32>} : memref<2x208x128xf32, #tpu.memory_space<vmem>>, vector<1x1x16xf32>,
        %get3A_940 = vector.shape_cast %get3A_939 : vector<1x1x16xf32> to vector<16xf32>
        %mul3A_941 = arith.mulf %get3A_940, %get3A_152 : vector<16xf32>
        %add3A_942 = arith.addf %add3A_934, %mul3A_941 : vector<16xf32>
        %get3A_943 = arith.constant 0 : i32
        %get3A_944 = arith.index_cast %get3A_943 : i32 to index
        %get3A_945 = arith.index_cast %add3A_919 : i32 to index
        %get3A_946 = arith.constant 48 : index
        %get3A_947 = tpu.vector_load %arg12[%get3A_944, %get3A_945, %get3A_946] {strides = array<i32>} : memref<2x208x128xf32, #tpu.memory_space<vmem>>, vector<1x1x16xf32>,
        %get3A_948 = vector.shape_cast %get3A_947 : vector<1x1x16xf32> to vector<16xf32>
        %mul3A_949 = arith.mulf %get3A_948, %get3A_156 : vector<16xf32>
        %add3A_950 = arith.addf %add3A_942, %mul3A_949 : vector<16xf32>
        %get3A_951 = arith.constant 0 : i32
        %get3A_952 = arith.index_cast %get3A_951 : i32 to index
        %get3A_953 = arith.index_cast %add3A_919 : i32 to index
        %get3A_954 = arith.constant 64 : index
        %get3A_955 = tpu.vector_load %arg12[%get3A_952, %get3A_953, %get3A_954] {strides = array<i32>} : memref<2x208x128xf32, #tpu.memory_space<vmem>>, vector<1x1x16xf32>,
        %get3A_956 = vector.shape_cast %get3A_955 : vector<1x1x16xf32> to vector<16xf32>
        %mul3A_957 = arith.mulf %get3A_956, %get3A_160 : vector<16xf32>
        %add3A_958 = arith.addf %add3A_950, %mul3A_957 : vector<16xf32>
        %get3A_959 = arith.constant 0 : i32
        %get3A_960 = arith.index_cast %get3A_959 : i32 to index
        %get3A_961 = arith.index_cast %add3A_919 : i32 to index
        %get3A_962 = arith.constant 80 : index
        %get3A_963 = tpu.vector_load %arg12[%get3A_960, %get3A_961, %get3A_962] {strides = array<i32>} : memref<2x208x128xf32, #tpu.memory_space<vmem>>, vector<1x1x16xf32>,
        %get3A_964 = vector.shape_cast %get3A_963 : vector<1x1x16xf32> to vector<16xf32>
        %mul3A_965 = arith.mulf %get3A_964, %get3A_164 : vector<16xf32>
        %add3A_966 = arith.addf %add3A_958, %mul3A_965 : vector<16xf32>
        %get3A_967 = arith.constant 0 : i32
        %get3A_968 = arith.index_cast %get3A_967 : i32 to index
        %get3A_969 = arith.index_cast %add3A_919 : i32 to index
        %get3A_970 = arith.constant 96 : index
        %get3A_971 = tpu.vector_load %arg12[%get3A_968, %get3A_969, %get3A_970] {strides = array<i32>} : memref<2x208x128xf32, #tpu.memory_space<vmem>>, vector<1x1x16xf32>,
        %get3A_972 = vector.shape_cast %get3A_971 : vector<1x1x16xf32> to vector<16xf32>
        %mul3A_973 = arith.mulf %get3A_972, %get3A_168 : vector<16xf32>
        %add3A_974 = arith.addf %add3A_966, %mul3A_973 : vector<16xf32>
        %get3A_975 = arith.constant 0 : i32
        %get3A_976 = arith.index_cast %get3A_975 : i32 to index
        %get3A_977 = arith.index_cast %add3A_919 : i32 to index
        %get3A_978 = arith.constant 112 : index
        %get3A_979 = tpu.vector_load %arg12[%get3A_976, %get3A_977, %get3A_978] {strides = array<i32>} : memref<2x208x128xf32, #tpu.memory_space<vmem>>, vector<1x1x16xf32>,
        %get3A_980 = vector.shape_cast %get3A_979 : vector<1x1x16xf32> to vector<16xf32>
        %mul3A_981 = arith.mulf %get3A_980, %get3A_172 : vector<16xf32>
        %add3A_982 = arith.addf %add3A_974, %mul3A_981 : vector<16xf32>
        %mul3A_983 = arith.constant 16 : i32
        %mul3A_984 = arith.muli %scan3A_245, %mul3A_983 : i32
        %add3A_985 = arith.constant 11 : i32
        %add3A_986 = arith.addi %mul3A_984, %add3A_985 : i32
        %get3A_987 = arith.constant 0 : i32
        %get3A_988 = arith.index_cast %get3A_987 : i32 to index
        %get3A_989 = arith.index_cast %add3A_986 : i32 to index
        %get3A_990 = arith.constant 0 : index
        %get3A_991 = tpu.vector_load %arg12[%get3A_988, %get3A_989, %get3A_990] {strides = array<i32>} : memref<2x208x128xf32, #tpu.memory_space<vmem>>, vector<1x1x16xf32>,
        %get3A_992 = vector.shape_cast %get3A_991 : vector<1x1x16xf32> to vector<16xf32>
        %mul3A_993 = arith.mulf %get3A_992, %get3A_144 : vector<16xf32>
        %get3A_994 = arith.constant 0 : i32
        %get3A_995 = arith.index_cast %get3A_994 : i32 to index
        %get3A_996 = arith.index_cast %add3A_986 : i32 to index
        %get3A_997 = arith.constant 16 : index
        %get3A_998 = tpu.vector_load %arg12[%get3A_995, %get3A_996, %get3A_997] {strides = array<i32>} : memref<2x208x128xf32, #tpu.memory_space<vmem>>, vector<1x1x16xf32>,
        %get3A_999 = vector.shape_cast %get3A_998 : vector<1x1x16xf32> to vector<16xf32>
        %mul3A_1000 = arith.mulf %get3A_999, %get3A_148 : vector<16xf32>
        %add3A_1001 = arith.addf %mul3A_993, %mul3A_1000 : vector<16xf32>
        %get3A_1002 = arith.constant 0 : i32
        %get3A_1003 = arith.index_cast %get3A_1002 : i32 to index
        %get3A_1004 = arith.index_cast %add3A_986 : i32 to index
        %get3A_1005 = arith.constant 32 : index
        %get3A_1006 = tpu.vector_load %arg12[%get3A_1003, %get3A_1004, %get3A_1005] {strides = array<i32>} : memref<2x208x128xf32, #tpu.memory_space<vmem>>, vector<1x1x16xf32>,
        %get3A_1007 = vector.shape_cast %get3A_1006 : vector<1x1x16xf32> to vector<16xf32>
        %mul3A_1008 = arith.mulf %get3A_1007, %get3A_152 : vector<16xf32>
        %add3A_1009 = arith.addf %add3A_1001, %mul3A_1008 : vector<16xf32>
        %get3A_1010 = arith.constant 0 : i32
        %get3A_1011 = arith.index_cast %get3A_1010 : i32 to index
        %get3A_1012 = arith.index_cast %add3A_986 : i32 to index
        %get3A_1013 = arith.constant 48 : index
        %get3A_1014 = tpu.vector_load %arg12[%get3A_1011, %get3A_1012, %get3A_1013] {strides = array<i32>} : memref<2x208x128xf32, #tpu.memory_space<vmem>>, vector<1x1x16xf32>,
        %get3A_1015 = vector.shape_cast %get3A_1014 : vector<1x1x16xf32> to vector<16xf32>
        %mul3A_1016 = arith.mulf %get3A_1015, %get3A_156 : vector<16xf32>
        %add3A_1017 = arith.addf %add3A_1009, %mul3A_1016 : vector<16xf32>
        %get3A_1018 = arith.constant 0 : i32
        %get3A_1019 = arith.index_cast %get3A_1018 : i32 to index
        %get3A_1020 = arith.index_cast %add3A_986 : i32 to index
        %get3A_1021 = arith.constant 64 : index
        %get3A_1022 = tpu.vector_load %arg12[%get3A_1019, %get3A_1020, %get3A_1021] {strides = array<i32>} : memref<2x208x128xf32, #tpu.memory_space<vmem>>, vector<1x1x16xf32>,
        %get3A_1023 = vector.shape_cast %get3A_1022 : vector<1x1x16xf32> to vector<16xf32>
        %mul3A_1024 = arith.mulf %get3A_1023, %get3A_160 : vector<16xf32>
        %add3A_1025 = arith.addf %add3A_1017, %mul3A_1024 : vector<16xf32>
        %get3A_1026 = arith.constant 0 : i32
        %get3A_1027 = arith.index_cast %get3A_1026 : i32 to index
        %get3A_1028 = arith.index_cast %add3A_986 : i32 to index
        %get3A_1029 = arith.constant 80 : index
        %get3A_1030 = tpu.vector_load %arg12[%get3A_1027, %get3A_1028, %get3A_1029] {strides = array<i32>} : memref<2x208x128xf32, #tpu.memory_space<vmem>>, vector<1x1x16xf32>,
        %get3A_1031 = vector.shape_cast %get3A_1030 : vector<1x1x16xf32> to vector<16xf32>
        %mul3A_1032 = arith.mulf %get3A_1031, %get3A_164 : vector<16xf32>
        %add3A_1033 = arith.addf %add3A_1025, %mul3A_1032 : vector<16xf32>
        %get3A_1034 = arith.constant 0 : i32
        %get3A_1035 = arith.index_cast %get3A_1034 : i32 to index
        %get3A_1036 = arith.index_cast %add3A_986 : i32 to index
        %get3A_1037 = arith.constant 96 : index
        %get3A_1038 = tpu.vector_load %arg12[%get3A_1035, %get3A_1036, %get3A_1037] {strides = array<i32>} : memref<2x208x128xf32, #tpu.memory_space<vmem>>, vector<1x1x16xf32>,
        %get3A_1039 = vector.shape_cast %get3A_1038 : vector<1x1x16xf32> to vector<16xf32>
        %mul3A_1040 = arith.mulf %get3A_1039, %get3A_168 : vector<16xf32>
        %add3A_1041 = arith.addf %add3A_1033, %mul3A_1040 : vector<16xf32>
        %get3A_1042 = arith.constant 0 : i32
        %get3A_1043 = arith.index_cast %get3A_1042 : i32 to index
        %get3A_1044 = arith.index_cast %add3A_986 : i32 to index
        %get3A_1045 = arith.constant 112 : index
        %get3A_1046 = tpu.vector_load %arg12[%get3A_1043, %get3A_1044, %get3A_1045] {strides = array<i32>} : memref<2x208x128xf32, #tpu.memory_space<vmem>>, vector<1x1x16xf32>,
        %get3A_1047 = vector.shape_cast %get3A_1046 : vector<1x1x16xf32> to vector<16xf32>
        %mul3A_1048 = arith.mulf %get3A_1047, %get3A_172 : vector<16xf32>
        %add3A_1049 = arith.addf %add3A_1041, %mul3A_1048 : vector<16xf32>
        %mul3A_1050 = arith.constant 16 : i32
        %mul3A_1051 = arith.muli %scan3A_245, %mul3A_1050 : i32
        %add3A_1052 = arith.constant 12 : i32
        %add3A_1053 = arith.addi %mul3A_1051, %add3A_1052 : i32
        %get3A_1054 = arith.constant 0 : i32
        %get3A_1055 = arith.index_cast %get3A_1054 : i32 to index
        %get3A_1056 = arith.index_cast %add3A_1053 : i32 to index
        %get3A_1057 = arith.constant 0 : index
        %get3A_1058 = tpu.vector_load %arg12[%get3A_1055, %get3A_1056, %get3A_1057] {strides = array<i32>} : memref<2x208x128xf32, #tpu.memory_space<vmem>>, vector<1x1x16xf32>,
        %get3A_1059 = vector.shape_cast %get3A_1058 : vector<1x1x16xf32> to vector<16xf32>
        %mul3A_1060 = arith.mulf %get3A_1059, %get3A_144 : vector<16xf32>
        %get3A_1061 = arith.constant 0 : i32
        %get3A_1062 = arith.index_cast %get3A_1061 : i32 to index
        %get3A_1063 = arith.index_cast %add3A_1053 : i32 to index
        %get3A_1064 = arith.constant 16 : index
        %get3A_1065 = tpu.vector_load %arg12[%get3A_1062, %get3A_1063, %get3A_1064] {strides = array<i32>} : memref<2x208x128xf32, #tpu.memory_space<vmem>>, vector<1x1x16xf32>,
        %get3A_1066 = vector.shape_cast %get3A_1065 : vector<1x1x16xf32> to vector<16xf32>
        %mul3A_1067 = arith.mulf %get3A_1066, %get3A_148 : vector<16xf32>
        %add3A_1068 = arith.addf %mul3A_1060, %mul3A_1067 : vector<16xf32>
        %get3A_1069 = arith.constant 0 : i32
        %get3A_1070 = arith.index_cast %get3A_1069 : i32 to index
        %get3A_1071 = arith.index_cast %add3A_1053 : i32 to index
        %get3A_1072 = arith.constant 32 : index
        %get3A_1073 = tpu.vector_load %arg12[%get3A_1070, %get3A_1071, %get3A_1072] {strides = array<i32>} : memref<2x208x128xf32, #tpu.memory_space<vmem>>, vector<1x1x16xf32>,
        %get3A_1074 = vector.shape_cast %get3A_1073 : vector<1x1x16xf32> to vector<16xf32>
        %mul3A_1075 = arith.mulf %get3A_1074, %get3A_152 : vector<16xf32>
        %add3A_1076 = arith.addf %add3A_1068, %mul3A_1075 : vector<16xf32>
        %get3A_1077 = arith.constant 0 : i32
        %get3A_1078 = arith.index_cast %get3A_1077 : i32 to index
        %get3A_1079 = arith.index_cast %add3A_1053 : i32 to index
        %get3A_1080 = arith.constant 48 : index
        %get3A_1081 = tpu.vector_load %arg12[%get3A_1078, %get3A_1079, %get3A_1080] {strides = array<i32>} : memref<2x208x128xf32, #tpu.memory_space<vmem>>, vector<1x1x16xf32>,
        %get3A_1082 = vector.shape_cast %get3A_1081 : vector<1x1x16xf32> to vector<16xf32>
        %mul3A_1083 = arith.mulf %get3A_1082, %get3A_156 : vector<16xf32>
        %add3A_1084 = arith.addf %add3A_1076, %mul3A_1083 : vector<16xf32>
        %get3A_1085 = arith.constant 0 : i32
        %get3A_1086 = arith.index_cast %get3A_1085 : i32 to index
        %get3A_1087 = arith.index_cast %add3A_1053 : i32 to index
        %get3A_1088 = arith.constant 64 : index
        %get3A_1089 = tpu.vector_load %arg12[%get3A_1086, %get3A_1087, %get3A_1088] {strides = array<i32>} : memref<2x208x128xf32, #tpu.memory_space<vmem>>, vector<1x1x16xf32>,
        %get3A_1090 = vector.shape_cast %get3A_1089 : vector<1x1x16xf32> to vector<16xf32>
        %mul3A_1091 = arith.mulf %get3A_1090, %get3A_160 : vector<16xf32>
        %add3A_1092 = arith.addf %add3A_1084, %mul3A_1091 : vector<16xf32>
        %get3A_1093 = arith.constant 0 : i32
        %get3A_1094 = arith.index_cast %get3A_1093 : i32 to index
        %get3A_1095 = arith.index_cast %add3A_1053 : i32 to index
        %get3A_1096 = arith.constant 80 : index
        %get3A_1097 = tpu.vector_load %arg12[%get3A_1094, %get3A_1095, %get3A_1096] {strides = array<i32>} : memref<2x208x128xf32, #tpu.memory_space<vmem>>, vector<1x1x16xf32>,
        %get3A_1098 = vector.shape_cast %get3A_1097 : vector<1x1x16xf32> to vector<16xf32>
        %mul3A_1099 = arith.mulf %get3A_1098, %get3A_164 : vector<16xf32>
        %add3A_1100 = arith.addf %add3A_1092, %mul3A_1099 : vector<16xf32>
        %get3A_1101 = arith.constant 0 : i32
        %get3A_1102 = arith.index_cast %get3A_1101 : i32 to index
        %get3A_1103 = arith.index_cast %add3A_1053 : i32 to index
        %get3A_1104 = arith.constant 96 : index
        %get3A_1105 = tpu.vector_load %arg12[%get3A_1102, %get3A_1103, %get3A_1104] {strides = array<i32>} : memref<2x208x128xf32, #tpu.memory_space<vmem>>, vector<1x1x16xf32>,
        %get3A_1106 = vector.shape_cast %get3A_1105 : vector<1x1x16xf32> to vector<16xf32>
        %mul3A_1107 = arith.mulf %get3A_1106, %get3A_168 : vector<16xf32>
        %add3A_1108 = arith.addf %add3A_1100, %mul3A_1107 : vector<16xf32>
        %get3A_1109 = arith.constant 0 : i32
        %get3A_1110 = arith.index_cast %get3A_1109 : i32 to index
        %get3A_1111 = arith.index_cast %add3A_1053 : i32 to index
        %get3A_1112 = arith.constant 112 : index
        %get3A_1113 = tpu.vector_load %arg12[%get3A_1110, %get3A_1111, %get3A_1112] {strides = array<i32>} : memref<2x208x128xf32, #tpu.memory_space<vmem>>, vector<1x1x16xf32>,
        %get3A_1114 = vector.shape_cast %get3A_1113 : vector<1x1x16xf32> to vector<16xf32>
        %mul3A_1115 = arith.mulf %get3A_1114, %get3A_172 : vector<16xf32>
        %add3A_1116 = arith.addf %add3A_1108, %mul3A_1115 : vector<16xf32>
        %mul3A_1117 = arith.constant 16 : i32
        %mul3A_1118 = arith.muli %scan3A_245, %mul3A_1117 : i32
        %add3A_1119 = arith.constant 13 : i32
        %add3A_1120 = arith.addi %mul3A_1118, %add3A_1119 : i32
        %get3A_1121 = arith.constant 0 : i32
        %get3A_1122 = arith.index_cast %get3A_1121 : i32 to index
        %get3A_1123 = arith.index_cast %add3A_1120 : i32 to index
        %get3A_1124 = arith.constant 0 : index
        %get3A_1125 = tpu.vector_load %arg12[%get3A_1122, %get3A_1123, %get3A_1124] {strides = array<i32>} : memref<2x208x128xf32, #tpu.memory_space<vmem>>, vector<1x1x16xf32>,
        %get3A_1126 = vector.shape_cast %get3A_1125 : vector<1x1x16xf32> to vector<16xf32>
        %mul3A_1127 = arith.mulf %get3A_1126, %get3A_144 : vector<16xf32>
        %get3A_1128 = arith.constant 0 : i32
        %get3A_1129 = arith.index_cast %get3A_1128 : i32 to index
        %get3A_1130 = arith.index_cast %add3A_1120 : i32 to index
        %get3A_1131 = arith.constant 16 : index
        %get3A_1132 = tpu.vector_load %arg12[%get3A_1129, %get3A_1130, %get3A_1131] {strides = array<i32>} : memref<2x208x128xf32, #tpu.memory_space<vmem>>, vector<1x1x16xf32>,
        %get3A_1133 = vector.shape_cast %get3A_1132 : vector<1x1x16xf32> to vector<16xf32>
        %mul3A_1134 = arith.mulf %get3A_1133, %get3A_148 : vector<16xf32>
        %add3A_1135 = arith.addf %mul3A_1127, %mul3A_1134 : vector<16xf32>
        %get3A_1136 = arith.constant 0 : i32
        %get3A_1137 = arith.index_cast %get3A_1136 : i32 to index
        %get3A_1138 = arith.index_cast %add3A_1120 : i32 to index
        %get3A_1139 = arith.constant 32 : index
        %get3A_1140 = tpu.vector_load %arg12[%get3A_1137, %get3A_1138, %get3A_1139] {strides = array<i32>} : memref<2x208x128xf32, #tpu.memory_space<vmem>>, vector<1x1x16xf32>,
        %get3A_1141 = vector.shape_cast %get3A_1140 : vector<1x1x16xf32> to vector<16xf32>
        %mul3A_1142 = arith.mulf %get3A_1141, %get3A_152 : vector<16xf32>
        %add3A_1143 = arith.addf %add3A_1135, %mul3A_1142 : vector<16xf32>
        %get3A_1144 = arith.constant 0 : i32
        %get3A_1145 = arith.index_cast %get3A_1144 : i32 to index
        %get3A_1146 = arith.index_cast %add3A_1120 : i32 to index
        %get3A_1147 = arith.constant 48 : index
        %get3A_1148 = tpu.vector_load %arg12[%get3A_1145, %get3A_1146, %get3A_1147] {strides = array<i32>} : memref<2x208x128xf32, #tpu.memory_space<vmem>>, vector<1x1x16xf32>,
        %get3A_1149 = vector.shape_cast %get3A_1148 : vector<1x1x16xf32> to vector<16xf32>
        %mul3A_1150 = arith.mulf %get3A_1149, %get3A_156 : vector<16xf32>
        %add3A_1151 = arith.addf %add3A_1143, %mul3A_1150 : vector<16xf32>
        %get3A_1152 = arith.constant 0 : i32
        %get3A_1153 = arith.index_cast %get3A_1152 : i32 to index
        %get3A_1154 = arith.index_cast %add3A_1120 : i32 to index
        %get3A_1155 = arith.constant 64 : index
        %get3A_1156 = tpu.vector_load %arg12[%get3A_1153, %get3A_1154, %get3A_1155] {strides = array<i32>} : memref<2x208x128xf32, #tpu.memory_space<vmem>>, vector<1x1x16xf32>,
        %get3A_1157 = vector.shape_cast %get3A_1156 : vector<1x1x16xf32> to vector<16xf32>
        %mul3A_1158 = arith.mulf %get3A_1157, %get3A_160 : vector<16xf32>
        %add3A_1159 = arith.addf %add3A_1151, %mul3A_1158 : vector<16xf32>
        %get3A_1160 = arith.constant 0 : i32
        %get3A_1161 = arith.index_cast %get3A_1160 : i32 to index
        %get3A_1162 = arith.index_cast %add3A_1120 : i32 to index
        %get3A_1163 = arith.constant 80 : index
        %get3A_1164 = tpu.vector_load %arg12[%get3A_1161, %get3A_1162, %get3A_1163] {strides = array<i32>} : memref<2x208x128xf32, #tpu.memory_space<vmem>>, vector<1x1x16xf32>,
        %get3A_1165 = vector.shape_cast %get3A_1164 : vector<1x1x16xf32> to vector<16xf32>
        %mul3A_1166 = arith.mulf %get3A_1165, %get3A_164 : vector<16xf32>
        %add3A_1167 = arith.addf %add3A_1159, %mul3A_1166 : vector<16xf32>
        %get3A_1168 = arith.constant 0 : i32
        %get3A_1169 = arith.index_cast %get3A_1168 : i32 to index
        %get3A_1170 = arith.index_cast %add3A_1120 : i32 to index
        %get3A_1171 = arith.constant 96 : index
        %get3A_1172 = tpu.vector_load %arg12[%get3A_1169, %get3A_1170, %get3A_1171] {strides = array<i32>} : memref<2x208x128xf32, #tpu.memory_space<vmem>>, vector<1x1x16xf32>,
        %get3A_1173 = vector.shape_cast %get3A_1172 : vector<1x1x16xf32> to vector<16xf32>
        %mul3A_1174 = arith.mulf %get3A_1173, %get3A_168 : vector<16xf32>
        %add3A_1175 = arith.addf %add3A_1167, %mul3A_1174 : vector<16xf32>
        %get3A_1176 = arith.constant 0 : i32
        %get3A_1177 = arith.index_cast %get3A_1176 : i32 to index
        %get3A_1178 = arith.index_cast %add3A_1120 : i32 to index
        %get3A_1179 = arith.constant 112 : index
        %get3A_1180 = tpu.vector_load %arg12[%get3A_1177, %get3A_1178, %get3A_1179] {strides = array<i32>} : memref<2x208x128xf32, #tpu.memory_space<vmem>>, vector<1x1x16xf32>,
        %get3A_1181 = vector.shape_cast %get3A_1180 : vector<1x1x16xf32> to vector<16xf32>
        %mul3A_1182 = arith.mulf %get3A_1181, %get3A_172 : vector<16xf32>
        %add3A_1183 = arith.addf %add3A_1175, %mul3A_1182 : vector<16xf32>
        %mul3A_1184 = arith.constant 16 : i32
        %mul3A_1185 = arith.muli %scan3A_245, %mul3A_1184 : i32
        %add3A_1186 = arith.constant 14 : i32
        %add3A_1187 = arith.addi %mul3A_1185, %add3A_1186 : i32
        %get3A_1188 = arith.constant 0 : i32
        %get3A_1189 = arith.index_cast %get3A_1188 : i32 to index
        %get3A_1190 = arith.index_cast %add3A_1187 : i32 to index
        %get3A_1191 = arith.constant 0 : index
        %get3A_1192 = tpu.vector_load %arg12[%get3A_1189, %get3A_1190, %get3A_1191] {strides = array<i32>} : memref<2x208x128xf32, #tpu.memory_space<vmem>>, vector<1x1x16xf32>,
        %get3A_1193 = vector.shape_cast %get3A_1192 : vector<1x1x16xf32> to vector<16xf32>
        %mul3A_1194 = arith.mulf %get3A_1193, %get3A_144 : vector<16xf32>
        %get3A_1195 = arith.constant 0 : i32
        %get3A_1196 = arith.index_cast %get3A_1195 : i32 to index
        %get3A_1197 = arith.index_cast %add3A_1187 : i32 to index
        %get3A_1198 = arith.constant 16 : index
        %get3A_1199 = tpu.vector_load %arg12[%get3A_1196, %get3A_1197, %get3A_1198] {strides = array<i32>} : memref<2x208x128xf32, #tpu.memory_space<vmem>>, vector<1x1x16xf32>,
        %get3A_1200 = vector.shape_cast %get3A_1199 : vector<1x1x16xf32> to vector<16xf32>
        %mul3A_1201 = arith.mulf %get3A_1200, %get3A_148 : vector<16xf32>
        %add3A_1202 = arith.addf %mul3A_1194, %mul3A_1201 : vector<16xf32>
        %get3A_1203 = arith.constant 0 : i32
        %get3A_1204 = arith.index_cast %get3A_1203 : i32 to index
        %get3A_1205 = arith.index_cast %add3A_1187 : i32 to index
        %get3A_1206 = arith.constant 32 : index
        %get3A_1207 = tpu.vector_load %arg12[%get3A_1204, %get3A_1205, %get3A_1206] {strides = array<i32>} : memref<2x208x128xf32, #tpu.memory_space<vmem>>, vector<1x1x16xf32>,
        %get3A_1208 = vector.shape_cast %get3A_1207 : vector<1x1x16xf32> to vector<16xf32>
        %mul3A_1209 = arith.mulf %get3A_1208, %get3A_152 : vector<16xf32>
        %add3A_1210 = arith.addf %add3A_1202, %mul3A_1209 : vector<16xf32>
        %get3A_1211 = arith.constant 0 : i32
        %get3A_1212 = arith.index_cast %get3A_1211 : i32 to index
        %get3A_1213 = arith.index_cast %add3A_1187 : i32 to index
        %get3A_1214 = arith.constant 48 : index
        %get3A_1215 = tpu.vector_load %arg12[%get3A_1212, %get3A_1213, %get3A_1214] {strides = array<i32>} : memref<2x208x128xf32, #tpu.memory_space<vmem>>, vector<1x1x16xf32>,
        %get3A_1216 = vector.shape_cast %get3A_1215 : vector<1x1x16xf32> to vector<16xf32>
        %mul3A_1217 = arith.mulf %get3A_1216, %get3A_156 : vector<16xf32>
        %add3A_1218 = arith.addf %add3A_1210, %mul3A_1217 : vector<16xf32>
        %get3A_1219 = arith.constant 0 : i32
        %get3A_1220 = arith.index_cast %get3A_1219 : i32 to index
        %get3A_1221 = arith.index_cast %add3A_1187 : i32 to index
        %get3A_1222 = arith.constant 64 : index
        %get3A_1223 = tpu.vector_load %arg12[%get3A_1220, %get3A_1221, %get3A_1222] {strides = array<i32>} : memref<2x208x128xf32, #tpu.memory_space<vmem>>, vector<1x1x16xf32>,
        %get3A_1224 = vector.shape_cast %get3A_1223 : vector<1x1x16xf32> to vector<16xf32>
        %mul3A_1225 = arith.mulf %get3A_1224, %get3A_160 : vector<16xf32>
        %add3A_1226 = arith.addf %add3A_1218, %mul3A_1225 : vector<16xf32>
        %get3A_1227 = arith.constant 0 : i32
        %get3A_1228 = arith.index_cast %get3A_1227 : i32 to index
        %get3A_1229 = arith.index_cast %add3A_1187 : i32 to index
        %get3A_1230 = arith.constant 80 : index
        %get3A_1231 = tpu.vector_load %arg12[%get3A_1228, %get3A_1229, %get3A_1230] {strides = array<i32>} : memref<2x208x128xf32, #tpu.memory_space<vmem>>, vector<1x1x16xf32>,
        %get3A_1232 = vector.shape_cast %get3A_1231 : vector<1x1x16xf32> to vector<16xf32>
        %mul3A_1233 = arith.mulf %get3A_1232, %get3A_164 : vector<16xf32>
        %add3A_1234 = arith.addf %add3A_1226, %mul3A_1233 : vector<16xf32>
        %get3A_1235 = arith.constant 0 : i32
        %get3A_1236 = arith.index_cast %get3A_1235 : i32 to index
        %get3A_1237 = arith.index_cast %add3A_1187 : i32 to index
        %get3A_1238 = arith.constant 96 : index
        %get3A_1239 = tpu.vector_load %arg12[%get3A_1236, %get3A_1237, %get3A_1238] {strides = array<i32>} : memref<2x208x128xf32, #tpu.memory_space<vmem>>, vector<1x1x16xf32>,
        %get3A_1240 = vector.shape_cast %get3A_1239 : vector<1x1x16xf32> to vector<16xf32>
        %mul3A_1241 = arith.mulf %get3A_1240, %get3A_168 : vector<16xf32>
        %add3A_1242 = arith.addf %add3A_1234, %mul3A_1241 : vector<16xf32>
        %get3A_1243 = arith.constant 0 : i32
        %get3A_1244 = arith.index_cast %get3A_1243 : i32 to index
        %get3A_1245 = arith.index_cast %add3A_1187 : i32 to index
        %get3A_1246 = arith.constant 112 : index
        %get3A_1247 = tpu.vector_load %arg12[%get3A_1244, %get3A_1245, %get3A_1246] {strides = array<i32>} : memref<2x208x128xf32, #tpu.memory_space<vmem>>, vector<1x1x16xf32>,
        %get3A_1248 = vector.shape_cast %get3A_1247 : vector<1x1x16xf32> to vector<16xf32>
        %mul3A_1249 = arith.mulf %get3A_1248, %get3A_172 : vector<16xf32>
        %add3A_1250 = arith.addf %add3A_1242, %mul3A_1249 : vector<16xf32>
        %mul3A_1251 = arith.constant 16 : i32
        %mul3A_1252 = arith.muli %scan3A_245, %mul3A_1251 : i32
        %add3A_1253 = arith.constant 15 : i32
        %add3A_1254 = arith.addi %mul3A_1252, %add3A_1253 : i32
        %get3A_1255 = arith.constant 0 : i32
        %get3A_1256 = arith.index_cast %get3A_1255 : i32 to index
        %get3A_1257 = arith.index_cast %add3A_1254 : i32 to index
        %get3A_1258 = arith.constant 0 : index
        %get3A_1259 = tpu.vector_load %arg12[%get3A_1256, %get3A_1257, %get3A_1258] {strides = array<i32>} : memref<2x208x128xf32, #tpu.memory_space<vmem>>, vector<1x1x16xf32>,
        %get3A_1260 = vector.shape_cast %get3A_1259 : vector<1x1x16xf32> to vector<16xf32>
        %mul3A_1261 = arith.mulf %get3A_1260, %get3A_144 : vector<16xf32>
        %get3A_1262 = arith.constant 0 : i32
        %get3A_1263 = arith.index_cast %get3A_1262 : i32 to index
        %get3A_1264 = arith.index_cast %add3A_1254 : i32 to index
        %get3A_1265 = arith.constant 16 : index
        %get3A_1266 = tpu.vector_load %arg12[%get3A_1263, %get3A_1264, %get3A_1265] {strides = array<i32>} : memref<2x208x128xf32, #tpu.memory_space<vmem>>, vector<1x1x16xf32>,
        %get3A_1267 = vector.shape_cast %get3A_1266 : vector<1x1x16xf32> to vector<16xf32>
        %mul3A_1268 = arith.mulf %get3A_1267, %get3A_148 : vector<16xf32>
        %add3A_1269 = arith.addf %mul3A_1261, %mul3A_1268 : vector<16xf32>
        %get3A_1270 = arith.constant 0 : i32
        %get3A_1271 = arith.index_cast %get3A_1270 : i32 to index
        %get3A_1272 = arith.index_cast %add3A_1254 : i32 to index
        %get3A_1273 = arith.constant 32 : index
        %get3A_1274 = tpu.vector_load %arg12[%get3A_1271, %get3A_1272, %get3A_1273] {strides = array<i32>} : memref<2x208x128xf32, #tpu.memory_space<vmem>>, vector<1x1x16xf32>,
        %get3A_1275 = vector.shape_cast %get3A_1274 : vector<1x1x16xf32> to vector<16xf32>
        %mul3A_1276 = arith.mulf %get3A_1275, %get3A_152 : vector<16xf32>
        %add3A_1277 = arith.addf %add3A_1269, %mul3A_1276 : vector<16xf32>
        %get3A_1278 = arith.constant 0 : i32
        %get3A_1279 = arith.index_cast %get3A_1278 : i32 to index
        %get3A_1280 = arith.index_cast %add3A_1254 : i32 to index
        %get3A_1281 = arith.constant 48 : index
        %get3A_1282 = tpu.vector_load %arg12[%get3A_1279, %get3A_1280, %get3A_1281] {strides = array<i32>} : memref<2x208x128xf32, #tpu.memory_space<vmem>>, vector<1x1x16xf32>,
        %get3A_1283 = vector.shape_cast %get3A_1282 : vector<1x1x16xf32> to vector<16xf32>
        %mul3A_1284 = arith.mulf %get3A_1283, %get3A_156 : vector<16xf32>
        %add3A_1285 = arith.addf %add3A_1277, %mul3A_1284 : vector<16xf32>
        %get3A_1286 = arith.constant 0 : i32
        %get3A_1287 = arith.index_cast %get3A_1286 : i32 to index
        %get3A_1288 = arith.index_cast %add3A_1254 : i32 to index
        %get3A_1289 = arith.constant 64 : index
        %get3A_1290 = tpu.vector_load %arg12[%get3A_1287, %get3A_1288, %get3A_1289] {strides = array<i32>} : memref<2x208x128xf32, #tpu.memory_space<vmem>>, vector<1x1x16xf32>,
        %get3A_1291 = vector.shape_cast %get3A_1290 : vector<1x1x16xf32> to vector<16xf32>
        %mul3A_1292 = arith.mulf %get3A_1291, %get3A_160 : vector<16xf32>
        %add3A_1293 = arith.addf %add3A_1285, %mul3A_1292 : vector<16xf32>
        %get3A_1294 = arith.constant 0 : i32
        %get3A_1295 = arith.index_cast %get3A_1294 : i32 to index
        %get3A_1296 = arith.index_cast %add3A_1254 : i32 to index
        %get3A_1297 = arith.constant 80 : index
        %get3A_1298 = tpu.vector_load %arg12[%get3A_1295, %get3A_1296, %get3A_1297] {strides = array<i32>} : memref<2x208x128xf32, #tpu.memory_space<vmem>>, vector<1x1x16xf32>,
        %get3A_1299 = vector.shape_cast %get3A_1298 : vector<1x1x16xf32> to vector<16xf32>
        %mul3A_1300 = arith.mulf %get3A_1299, %get3A_164 : vector<16xf32>
        %add3A_1301 = arith.addf %add3A_1293, %mul3A_1300 : vector<16xf32>
        %get3A_1302 = arith.constant 0 : i32
        %get3A_1303 = arith.index_cast %get3A_1302 : i32 to index
        %get3A_1304 = arith.index_cast %add3A_1254 : i32 to index
        %get3A_1305 = arith.constant 96 : index
        %get3A_1306 = tpu.vector_load %arg12[%get3A_1303, %get3A_1304, %get3A_1305] {strides = array<i32>} : memref<2x208x128xf32, #tpu.memory_space<vmem>>, vector<1x1x16xf32>,
        %get3A_1307 = vector.shape_cast %get3A_1306 : vector<1x1x16xf32> to vector<16xf32>
        %mul3A_1308 = arith.mulf %get3A_1307, %get3A_168 : vector<16xf32>
        %add3A_1309 = arith.addf %add3A_1301, %mul3A_1308 : vector<16xf32>
        %get3A_1310 = arith.constant 0 : i32
        %get3A_1311 = arith.index_cast %get3A_1310 : i32 to index
        %get3A_1312 = arith.index_cast %add3A_1254 : i32 to index
        %get3A_1313 = arith.constant 112 : index
        %get3A_1314 = tpu.vector_load %arg12[%get3A_1311, %get3A_1312, %get3A_1313] {strides = array<i32>} : memref<2x208x128xf32, #tpu.memory_space<vmem>>, vector<1x1x16xf32>,
        %get3A_1315 = vector.shape_cast %get3A_1314 : vector<1x1x16xf32> to vector<16xf32>
        %mul3A_1316 = arith.mulf %get3A_1315, %get3A_172 : vector<16xf32>
        %add3A_1317 = arith.addf %add3A_1309, %mul3A_1316 : vector<16xf32>
        %xor3A = arith.constant 1 : i32
        %xor3A_1318 = vector.broadcast %xor3A : i32 to vector<16xi32>
        %xor3A_1319 = arith.xori %iota3A, %xor3A_1318 : vector<16xi32>
        %lt3A_1320 = arith.constant 0 : i32
        %lt3A_1321 = vector.broadcast %lt3A_1320 : i32 to vector<16xi32>
        %lt3A_1322 = arith.cmpi slt, %xor3A_1319, %lt3A_1321 : vector<16xi32>
        %add3A_1323 = arith.constant 16 : i32
        %add3A_1324 = vector.broadcast %add3A_1323 : i32 to vector<16xi32>
        %add3A_1325 = arith.addi %xor3A_1319, %add3A_1324 : vector<16xi32>
        %select_n3A = arith.select %lt3A_1322, %add3A_1325, %xor3A_1319 : vector<16xi1>, vector<16xi32>
        %broadcast_in_dim3A = vector.shape_cast %select_n3A : vector<16xi32> to vector<16x1xi32>
        %gather3A = vector.shape_cast %broadcast_in_dim3A : vector<16x1xi32> to vector<16xi32>
        %gather3A_1326 = tpu.dynamic_gather %add3A_312[%gather3A] in [0] : vector<16xf32>, vector<16xi32> -> vector<16xf32>
        %xor3A_1327 = arith.constant 1 : i32
        %xor3A_1328 = vector.broadcast %xor3A_1327 : i32 to vector<16xi32>
        %xor3A_1329 = arith.xori %iota3A, %xor3A_1328 : vector<16xi32>
        %lt3A_1330 = arith.constant 0 : i32
        %lt3A_1331 = vector.broadcast %lt3A_1330 : i32 to vector<16xi32>
        %lt3A_1332 = arith.cmpi slt, %xor3A_1329, %lt3A_1331 : vector<16xi32>
        %add3A_1333 = arith.constant 16 : i32
        %add3A_1334 = vector.broadcast %add3A_1333 : i32 to vector<16xi32>
        %add3A_1335 = arith.addi %xor3A_1329, %add3A_1334 : vector<16xi32>
        %select_n3A_1336 = arith.select %lt3A_1332, %add3A_1335, %xor3A_1329 : vector<16xi1>, vector<16xi32>
        %broadcast_in_dim3A_1337 = vector.shape_cast %select_n3A_1336 : vector<16xi32> to vector<16x1xi32>
        %gather3A_1338 = vector.shape_cast %broadcast_in_dim3A_1337 : vector<16x1xi32> to vector<16xi32>
        %gather3A_1339 = tpu.dynamic_gather %add3A_379[%gather3A_1338] in [0] : vector<16xf32>, vector<16xi32> -> vector<16xf32>
        %add3A_1340 = arith.addf %add3A_379, %gather3A_1339 : vector<16xf32>
        %add3A_1341 = arith.addf %add3A_312, %gather3A_1326 : vector<16xf32>
        %select_n3A_1342 = arith.select %ne3A_6, %add3A_1340, %add3A_1341 : vector<16xi1>, vector<16xf32>
        %xor3A_1343 = arith.constant 1 : i32
        %xor3A_1344 = vector.broadcast %xor3A_1343 : i32 to vector<16xi32>
        %xor3A_1345 = arith.xori %iota3A, %xor3A_1344 : vector<16xi32>
        %lt3A_1346 = arith.constant 0 : i32
        %lt3A_1347 = vector.broadcast %lt3A_1346 : i32 to vector<16xi32>
        %lt3A_1348 = arith.cmpi slt, %xor3A_1345, %lt3A_1347 : vector<16xi32>
        %add3A_1349 = arith.constant 16 : i32
        %add3A_1350 = vector.broadcast %add3A_1349 : i32 to vector<16xi32>
        %add3A_1351 = arith.addi %xor3A_1345, %add3A_1350 : vector<16xi32>
        %select_n3A_1352 = arith.select %lt3A_1348, %add3A_1351, %xor3A_1345 : vector<16xi1>, vector<16xi32>
        %broadcast_in_dim3A_1353 = vector.shape_cast %select_n3A_1352 : vector<16xi32> to vector<16x1xi32>
        %gather3A_1354 = vector.shape_cast %broadcast_in_dim3A_1353 : vector<16x1xi32> to vector<16xi32>
        %gather3A_1355 = tpu.dynamic_gather %add3A_446[%gather3A_1354] in [0] : vector<16xf32>, vector<16xi32> -> vector<16xf32>
        %xor3A_1356 = arith.constant 1 : i32
        %xor3A_1357 = vector.broadcast %xor3A_1356 : i32 to vector<16xi32>
        %xor3A_1358 = arith.xori %iota3A, %xor3A_1357 : vector<16xi32>
        %lt3A_1359 = arith.constant 0 : i32
        %lt3A_1360 = vector.broadcast %lt3A_1359 : i32 to vector<16xi32>
        %lt3A_1361 = arith.cmpi slt, %xor3A_1358, %lt3A_1360 : vector<16xi32>
        %add3A_1362 = arith.constant 16 : i32
        %add3A_1363 = vector.broadcast %add3A_1362 : i32 to vector<16xi32>
        %add3A_1364 = arith.addi %xor3A_1358, %add3A_1363 : vector<16xi32>
        %select_n3A_1365 = arith.select %lt3A_1361, %add3A_1364, %xor3A_1358 : vector<16xi1>, vector<16xi32>
        %broadcast_in_dim3A_1366 = vector.shape_cast %select_n3A_1365 : vector<16xi32> to vector<16x1xi32>
        %gather3A_1367 = vector.shape_cast %broadcast_in_dim3A_1366 : vector<16x1xi32> to vector<16xi32>
        %gather3A_1368 = tpu.dynamic_gather %add3A_513[%gather3A_1367] in [0] : vector<16xf32>, vector<16xi32> -> vector<16xf32>
        %add3A_1369 = arith.addf %add3A_513, %gather3A_1368 : vector<16xf32>
        %add3A_1370 = arith.addf %add3A_446, %gather3A_1355 : vector<16xf32>
        %select_n3A_1371 = arith.select %ne3A_6, %add3A_1369, %add3A_1370 : vector<16xi1>, vector<16xf32>
        %xor3A_1372 = arith.constant 1 : i32
        %xor3A_1373 = vector.broadcast %xor3A_1372 : i32 to vector<16xi32>
        %xor3A_1374 = arith.xori %iota3A, %xor3A_1373 : vector<16xi32>
        %lt3A_1375 = arith.constant 0 : i32
        %lt3A_1376 = vector.broadcast %lt3A_1375 : i32 to vector<16xi32>
        %lt3A_1377 = arith.cmpi slt, %xor3A_1374, %lt3A_1376 : vector<16xi32>
        %add3A_1378 = arith.constant 16 : i32
        %add3A_1379 = vector.broadcast %add3A_1378 : i32 to vector<16xi32>
        %add3A_1380 = arith.addi %xor3A_1374, %add3A_1379 : vector<16xi32>
        %select_n3A_1381 = arith.select %lt3A_1377, %add3A_1380, %xor3A_1374 : vector<16xi1>, vector<16xi32>
        %broadcast_in_dim3A_1382 = vector.shape_cast %select_n3A_1381 : vector<16xi32> to vector<16x1xi32>
        %gather3A_1383 = vector.shape_cast %broadcast_in_dim3A_1382 : vector<16x1xi32> to vector<16xi32>
        %gather3A_1384 = tpu.dynamic_gather %add3A_580[%gather3A_1383] in [0] : vector<16xf32>, vector<16xi32> -> vector<16xf32>
        %xor3A_1385 = arith.constant 1 : i32
        %xor3A_1386 = vector.broadcast %xor3A_1385 : i32 to vector<16xi32>
        %xor3A_1387 = arith.xori %iota3A, %xor3A_1386 : vector<16xi32>
        %lt3A_1388 = arith.constant 0 : i32
        %lt3A_1389 = vector.broadcast %lt3A_1388 : i32 to vector<16xi32>
        %lt3A_1390 = arith.cmpi slt, %xor3A_1387, %lt3A_1389 : vector<16xi32>
        %add3A_1391 = arith.constant 16 : i32
        %add3A_1392 = vector.broadcast %add3A_1391 : i32 to vector<16xi32>
        %add3A_1393 = arith.addi %xor3A_1387, %add3A_1392 : vector<16xi32>
        %select_n3A_1394 = arith.select %lt3A_1390, %add3A_1393, %xor3A_1387 : vector<16xi1>, vector<16xi32>
        %broadcast_in_dim3A_1395 = vector.shape_cast %select_n3A_1394 : vector<16xi32> to vector<16x1xi32>
        %gather3A_1396 = vector.shape_cast %broadcast_in_dim3A_1395 : vector<16x1xi32> to vector<16xi32>
        %gather3A_1397 = tpu.dynamic_gather %add3A_647[%gather3A_1396] in [0] : vector<16xf32>, vector<16xi32> -> vector<16xf32>
        %add3A_1398 = arith.addf %add3A_647, %gather3A_1397 : vector<16xf32>
        %add3A_1399 = arith.addf %add3A_580, %gather3A_1384 : vector<16xf32>
        %select_n3A_1400 = arith.select %ne3A_6, %add3A_1398, %add3A_1399 : vector<16xi1>, vector<16xf32>
        %xor3A_1401 = arith.constant 1 : i32
        %xor3A_1402 = vector.broadcast %xor3A_1401 : i32 to vector<16xi32>
        %xor3A_1403 = arith.xori %iota3A, %xor3A_1402 : vector<16xi32>
        %lt3A_1404 = arith.constant 0 : i32
        %lt3A_1405 = vector.broadcast %lt3A_1404 : i32 to vector<16xi32>
        %lt3A_1406 = arith.cmpi slt, %xor3A_1403, %lt3A_1405 : vector<16xi32>
        %add3A_1407 = arith.constant 16 : i32
        %add3A_1408 = vector.broadcast %add3A_1407 : i32 to vector<16xi32>
        %add3A_1409 = arith.addi %xor3A_1403, %add3A_1408 : vector<16xi32>
        %select_n3A_1410 = arith.select %lt3A_1406, %add3A_1409, %xor3A_1403 : vector<16xi1>, vector<16xi32>
        %broadcast_in_dim3A_1411 = vector.shape_cast %select_n3A_1410 : vector<16xi32> to vector<16x1xi32>
        %gather3A_1412 = vector.shape_cast %broadcast_in_dim3A_1411 : vector<16x1xi32> to vector<16xi32>
        %gather3A_1413 = tpu.dynamic_gather %add3A_714[%gather3A_1412] in [0] : vector<16xf32>, vector<16xi32> -> vector<16xf32>
        %xor3A_1414 = arith.constant 1 : i32
        %xor3A_1415 = vector.broadcast %xor3A_1414 : i32 to vector<16xi32>
        %xor3A_1416 = arith.xori %iota3A, %xor3A_1415 : vector<16xi32>
        %lt3A_1417 = arith.constant 0 : i32
        %lt3A_1418 = vector.broadcast %lt3A_1417 : i32 to vector<16xi32>
        %lt3A_1419 = arith.cmpi slt, %xor3A_1416, %lt3A_1418 : vector<16xi32>
        %add3A_1420 = arith.constant 16 : i32
        %add3A_1421 = vector.broadcast %add3A_1420 : i32 to vector<16xi32>
        %add3A_1422 = arith.addi %xor3A_1416, %add3A_1421 : vector<16xi32>
        %select_n3A_1423 = arith.select %lt3A_1419, %add3A_1422, %xor3A_1416 : vector<16xi1>, vector<16xi32>
        %broadcast_in_dim3A_1424 = vector.shape_cast %select_n3A_1423 : vector<16xi32> to vector<16x1xi32>
        %gather3A_1425 = vector.shape_cast %broadcast_in_dim3A_1424 : vector<16x1xi32> to vector<16xi32>
        %gather3A_1426 = tpu.dynamic_gather %add3A_781[%gather3A_1425] in [0] : vector<16xf32>, vector<16xi32> -> vector<16xf32>
        %add3A_1427 = arith.addf %add3A_781, %gather3A_1426 : vector<16xf32>
        %add3A_1428 = arith.addf %add3A_714, %gather3A_1413 : vector<16xf32>
        %select_n3A_1429 = arith.select %ne3A_6, %add3A_1427, %add3A_1428 : vector<16xi1>, vector<16xf32>
        %xor3A_1430 = arith.constant 1 : i32
        %xor3A_1431 = vector.broadcast %xor3A_1430 : i32 to vector<16xi32>
        %xor3A_1432 = arith.xori %iota3A, %xor3A_1431 : vector<16xi32>
        %lt3A_1433 = arith.constant 0 : i32
        %lt3A_1434 = vector.broadcast %lt3A_1433 : i32 to vector<16xi32>
        %lt3A_1435 = arith.cmpi slt, %xor3A_1432, %lt3A_1434 : vector<16xi32>
        %add3A_1436 = arith.constant 16 : i32
        %add3A_1437 = vector.broadcast %add3A_1436 : i32 to vector<16xi32>
        %add3A_1438 = arith.addi %xor3A_1432, %add3A_1437 : vector<16xi32>
        %select_n3A_1439 = arith.select %lt3A_1435, %add3A_1438, %xor3A_1432 : vector<16xi1>, vector<16xi32>
        %broadcast_in_dim3A_1440 = vector.shape_cast %select_n3A_1439 : vector<16xi32> to vector<16x1xi32>
        %gather3A_1441 = vector.shape_cast %broadcast_in_dim3A_1440 : vector<16x1xi32> to vector<16xi32>
        %gather3A_1442 = tpu.dynamic_gather %add3A_848[%gather3A_1441] in [0] : vector<16xf32>, vector<16xi32> -> vector<16xf32>
        %xor3A_1443 = arith.constant 1 : i32
        %xor3A_1444 = vector.broadcast %xor3A_1443 : i32 to vector<16xi32>
        %xor3A_1445 = arith.xori %iota3A, %xor3A_1444 : vector<16xi32>
        %lt3A_1446 = arith.constant 0 : i32
        %lt3A_1447 = vector.broadcast %lt3A_1446 : i32 to vector<16xi32>
        %lt3A_1448 = arith.cmpi slt, %xor3A_1445, %lt3A_1447 : vector<16xi32>
        %add3A_1449 = arith.constant 16 : i32
        %add3A_1450 = vector.broadcast %add3A_1449 : i32 to vector<16xi32>
        %add3A_1451 = arith.addi %xor3A_1445, %add3A_1450 : vector<16xi32>
        %select_n3A_1452 = arith.select %lt3A_1448, %add3A_1451, %xor3A_1445 : vector<16xi1>, vector<16xi32>
        %broadcast_in_dim3A_1453 = vector.shape_cast %select_n3A_1452 : vector<16xi32> to vector<16x1xi32>
        %gather3A_1454 = vector.shape_cast %broadcast_in_dim3A_1453 : vector<16x1xi32> to vector<16xi32>
        %gather3A_1455 = tpu.dynamic_gather %add3A_915[%gather3A_1454] in [0] : vector<16xf32>, vector<16xi32> -> vector<16xf32>
        %add3A_1456 = arith.addf %add3A_915, %gather3A_1455 : vector<16xf32>
        %add3A_1457 = arith.addf %add3A_848, %gather3A_1442 : vector<16xf32>
        %select_n3A_1458 = arith.select %ne3A_6, %add3A_1456, %add3A_1457 : vector<16xi1>, vector<16xf32>
        %xor3A_1459 = arith.constant 1 : i32
        %xor3A_1460 = vector.broadcast %xor3A_1459 : i32 to vector<16xi32>
        %xor3A_1461 = arith.xori %iota3A, %xor3A_1460 : vector<16xi32>
        %lt3A_1462 = arith.constant 0 : i32
        %lt3A_1463 = vector.broadcast %lt3A_1462 : i32 to vector<16xi32>
        %lt3A_1464 = arith.cmpi slt, %xor3A_1461, %lt3A_1463 : vector<16xi32>
        %add3A_1465 = arith.constant 16 : i32
        %add3A_1466 = vector.broadcast %add3A_1465 : i32 to vector<16xi32>
        %add3A_1467 = arith.addi %xor3A_1461, %add3A_1466 : vector<16xi32>
        %select_n3A_1468 = arith.select %lt3A_1464, %add3A_1467, %xor3A_1461 : vector<16xi1>, vector<16xi32>
        %broadcast_in_dim3A_1469 = vector.shape_cast %select_n3A_1468 : vector<16xi32> to vector<16x1xi32>
        %gather3A_1470 = vector.shape_cast %broadcast_in_dim3A_1469 : vector<16x1xi32> to vector<16xi32>
        %gather3A_1471 = tpu.dynamic_gather %add3A_982[%gather3A_1470] in [0] : vector<16xf32>, vector<16xi32> -> vector<16xf32>
        %xor3A_1472 = arith.constant 1 : i32
        %xor3A_1473 = vector.broadcast %xor3A_1472 : i32 to vector<16xi32>
        %xor3A_1474 = arith.xori %iota3A, %xor3A_1473 : vector<16xi32>
        %lt3A_1475 = arith.constant 0 : i32
        %lt3A_1476 = vector.broadcast %lt3A_1475 : i32 to vector<16xi32>
        %lt3A_1477 = arith.cmpi slt, %xor3A_1474, %lt3A_1476 : vector<16xi32>
        %add3A_1478 = arith.constant 16 : i32
        %add3A_1479 = vector.broadcast %add3A_1478 : i32 to vector<16xi32>
        %add3A_1480 = arith.addi %xor3A_1474, %add3A_1479 : vector<16xi32>
        %select_n3A_1481 = arith.select %lt3A_1477, %add3A_1480, %xor3A_1474 : vector<16xi1>, vector<16xi32>
        %broadcast_in_dim3A_1482 = vector.shape_cast %select_n3A_1481 : vector<16xi32> to vector<16x1xi32>
        %gather3A_1483 = vector.shape_cast %broadcast_in_dim3A_1482 : vector<16x1xi32> to vector<16xi32>
        %gather3A_1484 = tpu.dynamic_gather %add3A_1049[%gather3A_1483] in [0] : vector<16xf32>, vector<16xi32> -> vector<16xf32>
        %add3A_1485 = arith.addf %add3A_1049, %gather3A_1484 : vector<16xf32>
        %add3A_1486 = arith.addf %add3A_982, %gather3A_1471 : vector<16xf32>
        %select_n3A_1487 = arith.select %ne3A_6, %add3A_1485, %add3A_1486 : vector<16xi1>, vector<16xf32>
        %xor3A_1488 = arith.constant 1 : i32
        %xor3A_1489 = vector.broadcast %xor3A_1488 : i32 to vector<16xi32>
        %xor3A_1490 = arith.xori %iota3A, %xor3A_1489 : vector<16xi32>
        %lt3A_1491 = arith.constant 0 : i32
        %lt3A_1492 = vector.broadcast %lt3A_1491 : i32 to vector<16xi32>
        %lt3A_1493 = arith.cmpi slt, %xor3A_1490, %lt3A_1492 : vector<16xi32>
        %add3A_1494 = arith.constant 16 : i32
        %add3A_1495 = vector.broadcast %add3A_1494 : i32 to vector<16xi32>
        %add3A_1496 = arith.addi %xor3A_1490, %add3A_1495 : vector<16xi32>
        %select_n3A_1497 = arith.select %lt3A_1493, %add3A_1496, %xor3A_1490 : vector<16xi1>, vector<16xi32>
        %broadcast_in_dim3A_1498 = vector.shape_cast %select_n3A_1497 : vector<16xi32> to vector<16x1xi32>
        %gather3A_1499 = vector.shape_cast %broadcast_in_dim3A_1498 : vector<16x1xi32> to vector<16xi32>
        %gather3A_1500 = tpu.dynamic_gather %add3A_1116[%gather3A_1499] in [0] : vector<16xf32>, vector<16xi32> -> vector<16xf32>
        %xor3A_1501 = arith.constant 1 : i32
        %xor3A_1502 = vector.broadcast %xor3A_1501 : i32 to vector<16xi32>
        %xor3A_1503 = arith.xori %iota3A, %xor3A_1502 : vector<16xi32>
        %lt3A_1504 = arith.constant 0 : i32
        %lt3A_1505 = vector.broadcast %lt3A_1504 : i32 to vector<16xi32>
        %lt3A_1506 = arith.cmpi slt, %xor3A_1503, %lt3A_1505 : vector<16xi32>
        %add3A_1507 = arith.constant 16 : i32
        %add3A_1508 = vector.broadcast %add3A_1507 : i32 to vector<16xi32>
        %add3A_1509 = arith.addi %xor3A_1503, %add3A_1508 : vector<16xi32>
        %select_n3A_1510 = arith.select %lt3A_1506, %add3A_1509, %xor3A_1503 : vector<16xi1>, vector<16xi32>
        %broadcast_in_dim3A_1511 = vector.shape_cast %select_n3A_1510 : vector<16xi32> to vector<16x1xi32>
        %gather3A_1512 = vector.shape_cast %broadcast_in_dim3A_1511 : vector<16x1xi32> to vector<16xi32>
        %gather3A_1513 = tpu.dynamic_gather %add3A_1183[%gather3A_1512] in [0] : vector<16xf32>, vector<16xi32> -> vector<16xf32>
        %add3A_1514 = arith.addf %add3A_1183, %gather3A_1513 : vector<16xf32>
        %add3A_1515 = arith.addf %add3A_1116, %gather3A_1500 : vector<16xf32>
        %select_n3A_1516 = arith.select %ne3A_6, %add3A_1514, %add3A_1515 : vector<16xi1>, vector<16xf32>
        %xor3A_1517 = arith.constant 1 : i32
        %xor3A_1518 = vector.broadcast %xor3A_1517 : i32 to vector<16xi32>
        %xor3A_1519 = arith.xori %iota3A, %xor3A_1518 : vector<16xi32>
        %lt3A_1520 = arith.constant 0 : i32
        %lt3A_1521 = vector.broadcast %lt3A_1520 : i32 to vector<16xi32>
        %lt3A_1522 = arith.cmpi slt, %xor3A_1519, %lt3A_1521 : vector<16xi32>
        %add3A_1523 = arith.constant 16 : i32
        %add3A_1524 = vector.broadcast %add3A_1523 : i32 to vector<16xi32>
        %add3A_1525 = arith.addi %xor3A_1519, %add3A_1524 : vector<16xi32>
        %select_n3A_1526 = arith.select %lt3A_1522, %add3A_1525, %xor3A_1519 : vector<16xi1>, vector<16xi32>
        %broadcast_in_dim3A_1527 = vector.shape_cast %select_n3A_1526 : vector<16xi32> to vector<16x1xi32>
        %gather3A_1528 = vector.shape_cast %broadcast_in_dim3A_1527 : vector<16x1xi32> to vector<16xi32>
        %gather3A_1529 = tpu.dynamic_gather %add3A_1250[%gather3A_1528] in [0] : vector<16xf32>, vector<16xi32> -> vector<16xf32>
        %xor3A_1530 = arith.constant 1 : i32
        %xor3A_1531 = vector.broadcast %xor3A_1530 : i32 to vector<16xi32>
        %xor3A_1532 = arith.xori %iota3A, %xor3A_1531 : vector<16xi32>
        %lt3A_1533 = arith.constant 0 : i32
        %lt3A_1534 = vector.broadcast %lt3A_1533 : i32 to vector<16xi32>
        %lt3A_1535 = arith.cmpi slt, %xor3A_1532, %lt3A_1534 : vector<16xi32>
        %add3A_1536 = arith.constant 16 : i32
        %add3A_1537 = vector.broadcast %add3A_1536 : i32 to vector<16xi32>
        %add3A_1538 = arith.addi %xor3A_1532, %add3A_1537 : vector<16xi32>
        %select_n3A_1539 = arith.select %lt3A_1535, %add3A_1538, %xor3A_1532 : vector<16xi1>, vector<16xi32>
        %broadcast_in_dim3A_1540 = vector.shape_cast %select_n3A_1539 : vector<16xi32> to vector<16x1xi32>
        %gather3A_1541 = vector.shape_cast %broadcast_in_dim3A_1540 : vector<16x1xi32> to vector<16xi32>
        %gather3A_1542 = tpu.dynamic_gather %add3A_1317[%gather3A_1541] in [0] : vector<16xf32>, vector<16xi32> -> vector<16xf32>
        %add3A_1543 = arith.addf %add3A_1317, %gather3A_1542 : vector<16xf32>
        %add3A_1544 = arith.addf %add3A_1250, %gather3A_1529 : vector<16xf32>
        %select_n3A_1545 = arith.select %ne3A_6, %add3A_1543, %add3A_1544 : vector<16xi1>, vector<16xf32>
        %xor3A_1546 = arith.constant 2 : i32
        %xor3A_1547 = vector.broadcast %xor3A_1546 : i32 to vector<16xi32>
        %xor3A_1548 = arith.xori %iota3A, %xor3A_1547 : vector<16xi32>
        %lt3A_1549 = arith.constant 0 : i32
        %lt3A_1550 = vector.broadcast %lt3A_1549 : i32 to vector<16xi32>
        %lt3A_1551 = arith.cmpi slt, %xor3A_1548, %lt3A_1550 : vector<16xi32>
        %add3A_1552 = arith.constant 16 : i32
        %add3A_1553 = vector.broadcast %add3A_1552 : i32 to vector<16xi32>
        %add3A_1554 = arith.addi %xor3A_1548, %add3A_1553 : vector<16xi32>
        %select_n3A_1555 = arith.select %lt3A_1551, %add3A_1554, %xor3A_1548 : vector<16xi1>, vector<16xi32>
        %broadcast_in_dim3A_1556 = vector.shape_cast %select_n3A_1555 : vector<16xi32> to vector<16x1xi32>
        %gather3A_1557 = vector.shape_cast %broadcast_in_dim3A_1556 : vector<16x1xi32> to vector<16xi32>
        %gather3A_1558 = tpu.dynamic_gather %select_n3A_1342[%gather3A_1557] in [0] : vector<16xf32>, vector<16xi32> -> vector<16xf32>
        %xor3A_1559 = arith.constant 2 : i32
        %xor3A_1560 = vector.broadcast %xor3A_1559 : i32 to vector<16xi32>
        %xor3A_1561 = arith.xori %iota3A, %xor3A_1560 : vector<16xi32>
        %lt3A_1562 = arith.constant 0 : i32
        %lt3A_1563 = vector.broadcast %lt3A_1562 : i32 to vector<16xi32>
        %lt3A_1564 = arith.cmpi slt, %xor3A_1561, %lt3A_1563 : vector<16xi32>
        %add3A_1565 = arith.constant 16 : i32
        %add3A_1566 = vector.broadcast %add3A_1565 : i32 to vector<16xi32>
        %add3A_1567 = arith.addi %xor3A_1561, %add3A_1566 : vector<16xi32>
        %select_n3A_1568 = arith.select %lt3A_1564, %add3A_1567, %xor3A_1561 : vector<16xi1>, vector<16xi32>
        %broadcast_in_dim3A_1569 = vector.shape_cast %select_n3A_1568 : vector<16xi32> to vector<16x1xi32>
        %gather3A_1570 = vector.shape_cast %broadcast_in_dim3A_1569 : vector<16x1xi32> to vector<16xi32>
        %gather3A_1571 = tpu.dynamic_gather %select_n3A_1371[%gather3A_1570] in [0] : vector<16xf32>, vector<16xi32> -> vector<16xf32>
        %add3A_1572 = arith.addf %select_n3A_1371, %gather3A_1571 : vector<16xf32>
        %add3A_1573 = arith.addf %select_n3A_1342, %gather3A_1558 : vector<16xf32>
        %select_n3A_1574 = arith.select %ne3A_12, %add3A_1572, %add3A_1573 : vector<16xi1>, vector<16xf32>
        %xor3A_1575 = arith.constant 2 : i32
        %xor3A_1576 = vector.broadcast %xor3A_1575 : i32 to vector<16xi32>
        %xor3A_1577 = arith.xori %iota3A, %xor3A_1576 : vector<16xi32>
        %lt3A_1578 = arith.constant 0 : i32
        %lt3A_1579 = vector.broadcast %lt3A_1578 : i32 to vector<16xi32>
        %lt3A_1580 = arith.cmpi slt, %xor3A_1577, %lt3A_1579 : vector<16xi32>
        %add3A_1581 = arith.constant 16 : i32
        %add3A_1582 = vector.broadcast %add3A_1581 : i32 to vector<16xi32>
        %add3A_1583 = arith.addi %xor3A_1577, %add3A_1582 : vector<16xi32>
        %select_n3A_1584 = arith.select %lt3A_1580, %add3A_1583, %xor3A_1577 : vector<16xi1>, vector<16xi32>
        %broadcast_in_dim3A_1585 = vector.shape_cast %select_n3A_1584 : vector<16xi32> to vector<16x1xi32>
        %gather3A_1586 = vector.shape_cast %broadcast_in_dim3A_1585 : vector<16x1xi32> to vector<16xi32>
        %gather3A_1587 = tpu.dynamic_gather %select_n3A_1400[%gather3A_1586] in [0] : vector<16xf32>, vector<16xi32> -> vector<16xf32>
        %xor3A_1588 = arith.constant 2 : i32
        %xor3A_1589 = vector.broadcast %xor3A_1588 : i32 to vector<16xi32>
        %xor3A_1590 = arith.xori %iota3A, %xor3A_1589 : vector<16xi32>
        %lt3A_1591 = arith.constant 0 : i32
        %lt3A_1592 = vector.broadcast %lt3A_1591 : i32 to vector<16xi32>
        %lt3A_1593 = arith.cmpi slt, %xor3A_1590, %lt3A_1592 : vector<16xi32>
        %add3A_1594 = arith.constant 16 : i32
        %add3A_1595 = vector.broadcast %add3A_1594 : i32 to vector<16xi32>
        %add3A_1596 = arith.addi %xor3A_1590, %add3A_1595 : vector<16xi32>
        %select_n3A_1597 = arith.select %lt3A_1593, %add3A_1596, %xor3A_1590 : vector<16xi1>, vector<16xi32>
        %broadcast_in_dim3A_1598 = vector.shape_cast %select_n3A_1597 : vector<16xi32> to vector<16x1xi32>
        %gather3A_1599 = vector.shape_cast %broadcast_in_dim3A_1598 : vector<16x1xi32> to vector<16xi32>
        %gather3A_1600 = tpu.dynamic_gather %select_n3A_1429[%gather3A_1599] in [0] : vector<16xf32>, vector<16xi32> -> vector<16xf32>
        %add3A_1601 = arith.addf %select_n3A_1429, %gather3A_1600 : vector<16xf32>
        %add3A_1602 = arith.addf %select_n3A_1400, %gather3A_1587 : vector<16xf32>
        %select_n3A_1603 = arith.select %ne3A_12, %add3A_1601, %add3A_1602 : vector<16xi1>, vector<16xf32>
        %xor3A_1604 = arith.constant 2 : i32
        %xor3A_1605 = vector.broadcast %xor3A_1604 : i32 to vector<16xi32>
        %xor3A_1606 = arith.xori %iota3A, %xor3A_1605 : vector<16xi32>
        %lt3A_1607 = arith.constant 0 : i32
        %lt3A_1608 = vector.broadcast %lt3A_1607 : i32 to vector<16xi32>
        %lt3A_1609 = arith.cmpi slt, %xor3A_1606, %lt3A_1608 : vector<16xi32>
        %add3A_1610 = arith.constant 16 : i32
        %add3A_1611 = vector.broadcast %add3A_1610 : i32 to vector<16xi32>
        %add3A_1612 = arith.addi %xor3A_1606, %add3A_1611 : vector<16xi32>
        %select_n3A_1613 = arith.select %lt3A_1609, %add3A_1612, %xor3A_1606 : vector<16xi1>, vector<16xi32>
        %broadcast_in_dim3A_1614 = vector.shape_cast %select_n3A_1613 : vector<16xi32> to vector<16x1xi32>
        %gather3A_1615 = vector.shape_cast %broadcast_in_dim3A_1614 : vector<16x1xi32> to vector<16xi32>
        %gather3A_1616 = tpu.dynamic_gather %select_n3A_1458[%gather3A_1615] in [0] : vector<16xf32>, vector<16xi32> -> vector<16xf32>
        %xor3A_1617 = arith.constant 2 : i32
        %xor3A_1618 = vector.broadcast %xor3A_1617 : i32 to vector<16xi32>
        %xor3A_1619 = arith.xori %iota3A, %xor3A_1618 : vector<16xi32>
        %lt3A_1620 = arith.constant 0 : i32
        %lt3A_1621 = vector.broadcast %lt3A_1620 : i32 to vector<16xi32>
        %lt3A_1622 = arith.cmpi slt, %xor3A_1619, %lt3A_1621 : vector<16xi32>
        %add3A_1623 = arith.constant 16 : i32
        %add3A_1624 = vector.broadcast %add3A_1623 : i32 to vector<16xi32>
        %add3A_1625 = arith.addi %xor3A_1619, %add3A_1624 : vector<16xi32>
        %select_n3A_1626 = arith.select %lt3A_1622, %add3A_1625, %xor3A_1619 : vector<16xi1>, vector<16xi32>
        %broadcast_in_dim3A_1627 = vector.shape_cast %select_n3A_1626 : vector<16xi32> to vector<16x1xi32>
        %gather3A_1628 = vector.shape_cast %broadcast_in_dim3A_1627 : vector<16x1xi32> to vector<16xi32>
        %gather3A_1629 = tpu.dynamic_gather %select_n3A_1487[%gather3A_1628] in [0] : vector<16xf32>, vector<16xi32> -> vector<16xf32>
        %add3A_1630 = arith.addf %select_n3A_1487, %gather3A_1629 : vector<16xf32>
        %add3A_1631 = arith.addf %select_n3A_1458, %gather3A_1616 : vector<16xf32>
        %select_n3A_1632 = arith.select %ne3A_12, %add3A_1630, %add3A_1631 : vector<16xi1>, vector<16xf32>
        %xor3A_1633 = arith.constant 2 : i32
        %xor3A_1634 = vector.broadcast %xor3A_1633 : i32 to vector<16xi32>
        %xor3A_1635 = arith.xori %iota3A, %xor3A_1634 : vector<16xi32>
        %lt3A_1636 = arith.constant 0 : i32
        %lt3A_1637 = vector.broadcast %lt3A_1636 : i32 to vector<16xi32>
        %lt3A_1638 = arith.cmpi slt, %xor3A_1635, %lt3A_1637 : vector<16xi32>
        %add3A_1639 = arith.constant 16 : i32
        %add3A_1640 = vector.broadcast %add3A_1639 : i32 to vector<16xi32>
        %add3A_1641 = arith.addi %xor3A_1635, %add3A_1640 : vector<16xi32>
        %select_n3A_1642 = arith.select %lt3A_1638, %add3A_1641, %xor3A_1635 : vector<16xi1>, vector<16xi32>
        %broadcast_in_dim3A_1643 = vector.shape_cast %select_n3A_1642 : vector<16xi32> to vector<16x1xi32>
        %gather3A_1644 = vector.shape_cast %broadcast_in_dim3A_1643 : vector<16x1xi32> to vector<16xi32>
        %gather3A_1645 = tpu.dynamic_gather %select_n3A_1516[%gather3A_1644] in [0] : vector<16xf32>, vector<16xi32> -> vector<16xf32>
        %xor3A_1646 = arith.constant 2 : i32
        %xor3A_1647 = vector.broadcast %xor3A_1646 : i32 to vector<16xi32>
        %xor3A_1648 = arith.xori %iota3A, %xor3A_1647 : vector<16xi32>
        %lt3A_1649 = arith.constant 0 : i32
        %lt3A_1650 = vector.broadcast %lt3A_1649 : i32 to vector<16xi32>
        %lt3A_1651 = arith.cmpi slt, %xor3A_1648, %lt3A_1650 : vector<16xi32>
        %add3A_1652 = arith.constant 16 : i32
        %add3A_1653 = vector.broadcast %add3A_1652 : i32 to vector<16xi32>
        %add3A_1654 = arith.addi %xor3A_1648, %add3A_1653 : vector<16xi32>
        %select_n3A_1655 = arith.select %lt3A_1651, %add3A_1654, %xor3A_1648 : vector<16xi1>, vector<16xi32>
        %broadcast_in_dim3A_1656 = vector.shape_cast %select_n3A_1655 : vector<16xi32> to vector<16x1xi32>
        %gather3A_1657 = vector.shape_cast %broadcast_in_dim3A_1656 : vector<16x1xi32> to vector<16xi32>
        %gather3A_1658 = tpu.dynamic_gather %select_n3A_1545[%gather3A_1657] in [0] : vector<16xf32>, vector<16xi32> -> vector<16xf32>
        %add3A_1659 = arith.addf %select_n3A_1545, %gather3A_1658 : vector<16xf32>
        %add3A_1660 = arith.addf %select_n3A_1516, %gather3A_1645 : vector<16xf32>
        %select_n3A_1661 = arith.select %ne3A_12, %add3A_1659, %add3A_1660 : vector<16xi1>, vector<16xf32>
        %xor3A_1662 = arith.constant 4 : i32
        %xor3A_1663 = vector.broadcast %xor3A_1662 : i32 to vector<16xi32>
        %xor3A_1664 = arith.xori %iota3A, %xor3A_1663 : vector<16xi32>
        %lt3A_1665 = arith.constant 0 : i32
        %lt3A_1666 = vector.broadcast %lt3A_1665 : i32 to vector<16xi32>
        %lt3A_1667 = arith.cmpi slt, %xor3A_1664, %lt3A_1666 : vector<16xi32>
        %add3A_1668 = arith.constant 16 : i32
        %add3A_1669 = vector.broadcast %add3A_1668 : i32 to vector<16xi32>
        %add3A_1670 = arith.addi %xor3A_1664, %add3A_1669 : vector<16xi32>
        %select_n3A_1671 = arith.select %lt3A_1667, %add3A_1670, %xor3A_1664 : vector<16xi1>, vector<16xi32>
        %broadcast_in_dim3A_1672 = vector.shape_cast %select_n3A_1671 : vector<16xi32> to vector<16x1xi32>
        %gather3A_1673 = vector.shape_cast %broadcast_in_dim3A_1672 : vector<16x1xi32> to vector<16xi32>
        %gather3A_1674 = tpu.dynamic_gather %select_n3A_1574[%gather3A_1673] in [0] : vector<16xf32>, vector<16xi32> -> vector<16xf32>
        %xor3A_1675 = arith.constant 4 : i32
        %xor3A_1676 = vector.broadcast %xor3A_1675 : i32 to vector<16xi32>
        %xor3A_1677 = arith.xori %iota3A, %xor3A_1676 : vector<16xi32>
        %lt3A_1678 = arith.constant 0 : i32
        %lt3A_1679 = vector.broadcast %lt3A_1678 : i32 to vector<16xi32>
        %lt3A_1680 = arith.cmpi slt, %xor3A_1677, %lt3A_1679 : vector<16xi32>
        %add3A_1681 = arith.constant 16 : i32
        %add3A_1682 = vector.broadcast %add3A_1681 : i32 to vector<16xi32>
        %add3A_1683 = arith.addi %xor3A_1677, %add3A_1682 : vector<16xi32>
        %select_n3A_1684 = arith.select %lt3A_1680, %add3A_1683, %xor3A_1677 : vector<16xi1>, vector<16xi32>
        %broadcast_in_dim3A_1685 = vector.shape_cast %select_n3A_1684 : vector<16xi32> to vector<16x1xi32>
        %gather3A_1686 = vector.shape_cast %broadcast_in_dim3A_1685 : vector<16x1xi32> to vector<16xi32>
        %gather3A_1687 = tpu.dynamic_gather %select_n3A_1603[%gather3A_1686] in [0] : vector<16xf32>, vector<16xi32> -> vector<16xf32>
        %add3A_1688 = arith.addf %select_n3A_1603, %gather3A_1687 : vector<16xf32>
        %add3A_1689 = arith.addf %select_n3A_1574, %gather3A_1674 : vector<16xf32>
        %select_n3A_1690 = arith.select %ne3A_18, %add3A_1688, %add3A_1689 : vector<16xi1>, vector<16xf32>
        %xor3A_1691 = arith.constant 4 : i32
        %xor3A_1692 = vector.broadcast %xor3A_1691 : i32 to vector<16xi32>
        %xor3A_1693 = arith.xori %iota3A, %xor3A_1692 : vector<16xi32>
        %lt3A_1694 = arith.constant 0 : i32
        %lt3A_1695 = vector.broadcast %lt3A_1694 : i32 to vector<16xi32>
        %lt3A_1696 = arith.cmpi slt, %xor3A_1693, %lt3A_1695 : vector<16xi32>
        %add3A_1697 = arith.constant 16 : i32
        %add3A_1698 = vector.broadcast %add3A_1697 : i32 to vector<16xi32>
        %add3A_1699 = arith.addi %xor3A_1693, %add3A_1698 : vector<16xi32>
        %select_n3A_1700 = arith.select %lt3A_1696, %add3A_1699, %xor3A_1693 : vector<16xi1>, vector<16xi32>
        %broadcast_in_dim3A_1701 = vector.shape_cast %select_n3A_1700 : vector<16xi32> to vector<16x1xi32>
        %gather3A_1702 = vector.shape_cast %broadcast_in_dim3A_1701 : vector<16x1xi32> to vector<16xi32>
        %gather3A_1703 = tpu.dynamic_gather %select_n3A_1632[%gather3A_1702] in [0] : vector<16xf32>, vector<16xi32> -> vector<16xf32>
        %xor3A_1704 = arith.constant 4 : i32
        %xor3A_1705 = vector.broadcast %xor3A_1704 : i32 to vector<16xi32>
        %xor3A_1706 = arith.xori %iota3A, %xor3A_1705 : vector<16xi32>
        %lt3A_1707 = arith.constant 0 : i32
        %lt3A_1708 = vector.broadcast %lt3A_1707 : i32 to vector<16xi32>
        %lt3A_1709 = arith.cmpi slt, %xor3A_1706, %lt3A_1708 : vector<16xi32>
        %add3A_1710 = arith.constant 16 : i32
        %add3A_1711 = vector.broadcast %add3A_1710 : i32 to vector<16xi32>
        %add3A_1712 = arith.addi %xor3A_1706, %add3A_1711 : vector<16xi32>
        %select_n3A_1713 = arith.select %lt3A_1709, %add3A_1712, %xor3A_1706 : vector<16xi1>, vector<16xi32>
        %broadcast_in_dim3A_1714 = vector.shape_cast %select_n3A_1713 : vector<16xi32> to vector<16x1xi32>
        %gather3A_1715 = vector.shape_cast %broadcast_in_dim3A_1714 : vector<16x1xi32> to vector<16xi32>
        %gather3A_1716 = tpu.dynamic_gather %select_n3A_1661[%gather3A_1715] in [0] : vector<16xf32>, vector<16xi32> -> vector<16xf32>
        %add3A_1717 = arith.addf %select_n3A_1661, %gather3A_1716 : vector<16xf32>
        %add3A_1718 = arith.addf %select_n3A_1632, %gather3A_1703 : vector<16xf32>
        %select_n3A_1719 = arith.select %ne3A_18, %add3A_1717, %add3A_1718 : vector<16xi1>, vector<16xf32>
        %xor3A_1720 = arith.constant 8 : i32
        %xor3A_1721 = vector.broadcast %xor3A_1720 : i32 to vector<16xi32>
        %xor3A_1722 = arith.xori %iota3A, %xor3A_1721 : vector<16xi32>
        %lt3A_1723 = arith.constant 0 : i32
        %lt3A_1724 = vector.broadcast %lt3A_1723 : i32 to vector<16xi32>
        %lt3A_1725 = arith.cmpi slt, %xor3A_1722, %lt3A_1724 : vector<16xi32>
        %add3A_1726 = arith.constant 16 : i32
        %add3A_1727 = vector.broadcast %add3A_1726 : i32 to vector<16xi32>
        %add3A_1728 = arith.addi %xor3A_1722, %add3A_1727 : vector<16xi32>
        %select_n3A_1729 = arith.select %lt3A_1725, %add3A_1728, %xor3A_1722 : vector<16xi1>, vector<16xi32>
        %broadcast_in_dim3A_1730 = vector.shape_cast %select_n3A_1729 : vector<16xi32> to vector<16x1xi32>
        %gather3A_1731 = vector.shape_cast %broadcast_in_dim3A_1730 : vector<16x1xi32> to vector<16xi32>
        %gather3A_1732 = tpu.dynamic_gather %select_n3A_1690[%gather3A_1731] in [0] : vector<16xf32>, vector<16xi32> -> vector<16xf32>
        %xor3A_1733 = arith.constant 8 : i32
        %xor3A_1734 = vector.broadcast %xor3A_1733 : i32 to vector<16xi32>
        %xor3A_1735 = arith.xori %iota3A, %xor3A_1734 : vector<16xi32>
        %lt3A_1736 = arith.constant 0 : i32
        %lt3A_1737 = vector.broadcast %lt3A_1736 : i32 to vector<16xi32>
        %lt3A_1738 = arith.cmpi slt, %xor3A_1735, %lt3A_1737 : vector<16xi32>
        %add3A_1739 = arith.constant 16 : i32
        %add3A_1740 = vector.broadcast %add3A_1739 : i32 to vector<16xi32>
        %add3A_1741 = arith.addi %xor3A_1735, %add3A_1740 : vector<16xi32>
        %select_n3A_1742 = arith.select %lt3A_1738, %add3A_1741, %xor3A_1735 : vector<16xi1>, vector<16xi32>
        %broadcast_in_dim3A_1743 = vector.shape_cast %select_n3A_1742 : vector<16xi32> to vector<16x1xi32>
        %gather3A_1744 = vector.shape_cast %broadcast_in_dim3A_1743 : vector<16x1xi32> to vector<16xi32>
        %gather3A_1745 = tpu.dynamic_gather %select_n3A_1719[%gather3A_1744] in [0] : vector<16xf32>, vector<16xi32> -> vector<16xf32>
        %add3A_1746 = arith.addf %select_n3A_1719, %gather3A_1745 : vector<16xf32>
        %add3A_1747 = arith.addf %select_n3A_1690, %gather3A_1732 : vector<16xf32>
        %select_n3A_1748 = arith.select %ne3A_24, %add3A_1746, %add3A_1747 : vector<16xi1>, vector<16xf32>
        %mul3A_1749 = arith.constant 16 : i32
        %mul3A_1750 = arith.muli %scan3A_245, %mul3A_1749 : i32
        %get3A_1751 = arith.constant 0 : i32
        %get3A_1752 = arith.index_cast %get3A_1751 : i32 to index
        %get3A_1753 = arith.index_cast %mul3A_1750 : i32 to index
        %get3A_1754 = tpu.vector_load %arg13[%get3A_1752, %get3A_1753] {strides = array<i32>} : memref<2x208xf32, #tpu.memory_space<vmem>>, vector<1x16xf32>,
        %get3A_1755 = vector.shape_cast %get3A_1754 : vector<1x16xf32> to vector<16xf32>
        %add3A_1756 = arith.addf %select_n3A_1748, %get3A_1755 : vector<16xf32>
        %mul3A_1757 = arith.constant 16 : i32
        %mul3A_1758 = arith.muli %scan3A_245, %mul3A_1757 : i32
        %swap3A = arith.index_cast %mul3A_74 : i32 to index
        %swap3A_1759 = arith.index_cast %mul3A_1758 : i32 to index
        %swap3A_1760 = tpu.vector_load %arg11[%swap3A, %swap3A_1759] {strides = array<i32>} : memref<32x208xf32, #tpu.memory_space<vmem>>, vector<1x16xf32>,
        %swap3A_1761 = vector.shape_cast %swap3A_1760 : vector<1x16xf32> to vector<16xf32>
        %swap3A_1762 = vector.shape_cast %add3A_1756 : vector<16xf32> to vector<1x16xf32>
        tpu.vector_store %arg11[%swap3A, %swap3A_1759], %swap3A_1762 {strides = array<i32>} : memref<32x208xf32, #tpu.memory_space<vmem>>, vector<1x16xf32>,
      }
      %scan3A_177 = arith.constant 13 : i32
      %lt3A = arith.constant 15 : i32
      %lt3A_178 = arith.cmpi slt, %scan3A_72, %lt3A : i32
      %convert_element_type3A = arith.extui %lt3A_178 : i1 to i32
      %cond3A = arith.constant 0 : i32
      %cond3A_179 = arith.cmpi ne, %convert_element_type3A, %cond3A : i32
      scf.if %cond3A_179 {
        %add3A_245 = arith.constant 2 : i32
        %add3A_246 = arith.addi %mul3A_74, %add3A_245 : i32
        %dma_start3A_247 = arith.constant 0 : i32
        %dma_start3A_248 = arith.constant 0 : i32
        %dma_start3A_249 = arith.constant 0 : i32
        %dma_start3A_250 = tpu.memref_slice %arg12[%dma_start3A_247, %dma_start3A_248, %dma_start3A_249] : memref<2x208x128xf32, #tpu.memory_space<vmem>> -> memref<1x104x128xf32, #tpu.memory_space<vmem>>
        %dma_start3A_251 = tpu.memref_squeeze %dma_start3A_250 : memref<1x104x128xf32, #tpu.memory_space<vmem>> -> memref<104x128xf32, #tpu.memory_space<vmem>>
        %dma_start3A_252 = arith.constant 0 : i32
        %dma_start3A_253 = tpu.memref_slice %arg8[%add3A_246, %dma_start3A_252] : memref<32x200xi32, #tpu.memory_space<vmem>> -> memref<1x104xi32, #tpu.memory_space<vmem>>
        %dma_start3A_254 = tpu.memref_squeeze %dma_start3A_253 : memref<1x104xi32, #tpu.memory_space<vmem>> -> memref<104xi32, #tpu.memory_space<vmem>>
        %dma_start3A_255 = arith.constant 0 : i32
        %dma_start3A_256 = arith.constant 0 : i32
        %dma_start3A_257 = tpu.memref_slice %arg2[%dma_start3A_255, %dma_start3A_256] : memref<100000x128xf32, #tpu.memory_space<hbm>> -> memref<100000x128xf32, #tpu.memory_space<hbm>>
        tpu.enqueue_indirect_dma source(%dma_start3A_257 : memref<100000x128xf32, #tpu.memory_space<hbm>>) target(%dma_start3A_251 : memref<104x128xf32, #tpu.memory_space<vmem>>) offsets(%dma_start3A_254 : memref<104xi32, #tpu.memory_space<vmem>>) semaphore(%arg14 : memref<!tpu.dma_semaphore, #tpu.memory_space<semaphore_mem>>)
        %dma_start3A_258 = arith.constant 0 : i32
        %dma_start3A_259 = arith.constant 0 : i32
        %dma_start3A_260 = tpu.memref_slice %arg13[%dma_start3A_258, %dma_start3A_259] : memref<2x208xf32, #tpu.memory_space<vmem>> -> memref<1x104xf32, #tpu.memory_space<vmem>>
        %dma_start3A_261 = tpu.memref_squeeze %dma_start3A_260 : memref<1x104xf32, #tpu.memory_space<vmem>> -> memref<104xf32, #tpu.memory_space<vmem>>
        %dma_start3A_262 = arith.constant 0 : i32
        %dma_start3A_263 = tpu.memref_slice %arg9[%add3A_246, %dma_start3A_262] : memref<32x200xi32, #tpu.memory_space<vmem>> -> memref<1x104xi32, #tpu.memory_space<vmem>>
        %dma_start3A_264 = tpu.memref_squeeze %dma_start3A_263 : memref<1x104xi32, #tpu.memory_space<vmem>> -> memref<104xi32, #tpu.memory_space<vmem>>
        %dma_start3A_265 = arith.constant 0 : i32
        %dma_start3A_266 = tpu.memref_slice %arg6[%dma_start3A_265] : memref<409600xf32, #tpu.memory_space<hbm>> -> memref<409600xf32, #tpu.memory_space<hbm>>
        tpu.enqueue_indirect_dma source(%dma_start3A_266 : memref<409600xf32, #tpu.memory_space<hbm>>) target(%dma_start3A_261 : memref<104xf32, #tpu.memory_space<vmem>>) offsets(%dma_start3A_264 : memref<104xi32, #tpu.memory_space<vmem>>) semaphore(%arg14 : memref<!tpu.dma_semaphore, #tpu.memory_space<semaphore_mem>>)
        %dma_start3A_267 = arith.constant 0 : i32
        %dma_start3A_268 = arith.constant 104 : i32
        %dma_start3A_269 = arith.constant 0 : i32
        %dma_start3A_270 = tpu.memref_slice %arg12[%dma_start3A_267, %dma_start3A_268, %dma_start3A_269] : memref<2x208x128xf32, #tpu.memory_space<vmem>> -> memref<1x96x128xf32, #tpu.memory_space<vmem>>
        %dma_start3A_271 = tpu.memref_squeeze %dma_start3A_270 : memref<1x96x128xf32, #tpu.memory_space<vmem>> -> memref<96x128xf32, #tpu.memory_space<vmem>>
        %dma_start3A_272 = arith.constant 104 : i32
        %dma_start3A_273 = tpu.memref_slice %arg8[%add3A_246, %dma_start3A_272] : memref<32x200xi32, #tpu.memory_space<vmem>> -> memref<1x96xi32, #tpu.memory_space<vmem>>
        %dma_start3A_274 = tpu.memref_squeeze %dma_start3A_273 : memref<1x96xi32, #tpu.memory_space<vmem>> -> memref<96xi32, #tpu.memory_space<vmem>>
        %dma_start3A_275 = arith.constant 0 : i32
        %dma_start3A_276 = arith.constant 0 : i32
        %dma_start3A_277 = tpu.memref_slice %arg2[%dma_start3A_275, %dma_start3A_276] : memref<100000x128xf32, #tpu.memory_space<hbm>> -> memref<100000x128xf32, #tpu.memory_space<hbm>>
        tpu.enqueue_indirect_dma source(%dma_start3A_277 : memref<100000x128xf32, #tpu.memory_space<hbm>>) target(%dma_start3A_271 : memref<96x128xf32, #tpu.memory_space<vmem>>) offsets(%dma_start3A_274 : memref<96xi32, #tpu.memory_space<vmem>>) semaphore(%arg14 : memref<!tpu.dma_semaphore, #tpu.memory_space<semaphore_mem>>)
        %dma_start3A_278 = arith.constant 0 : i32
        %dma_start3A_279 = arith.constant 104 : i32
        %dma_start3A_280 = tpu.memref_slice %arg13[%dma_start3A_278, %dma_start3A_279] : memref<2x208xf32, #tpu.memory_space<vmem>> -> memref<1x96xf32, #tpu.memory_space<vmem>>
        %dma_start3A_281 = tpu.memref_squeeze %dma_start3A_280 : memref<1x96xf32, #tpu.memory_space<vmem>> -> memref<96xf32, #tpu.memory_space<vmem>>
        %dma_start3A_282 = arith.constant 104 : i32
        %dma_start3A_283 = tpu.memref_slice %arg9[%add3A_246, %dma_start3A_282] : memref<32x200xi32, #tpu.memory_space<vmem>> -> memref<1x96xi32, #tpu.memory_space<vmem>>
        %dma_start3A_284 = tpu.memref_squeeze %dma_start3A_283 : memref<1x96xi32, #tpu.memory_space<vmem>> -> memref<96xi32, #tpu.memory_space<vmem>>
        %dma_start3A_285 = arith.constant 0 : i32
        %dma_start3A_286 = tpu.memref_slice %arg6[%dma_start3A_285] : memref<409600xf32, #tpu.memory_space<hbm>> -> memref<409600xf32, #tpu.memory_space<hbm>>
        tpu.enqueue_indirect_dma source(%dma_start3A_286 : memref<409600xf32, #tpu.memory_space<hbm>>) target(%dma_start3A_281 : memref<96xf32, #tpu.memory_space<vmem>>) offsets(%dma_start3A_284 : memref<96xi32, #tpu.memory_space<vmem>>) semaphore(%arg14 : memref<!tpu.dma_semaphore, #tpu.memory_space<semaphore_mem>>)
      } else {
      }
      %dma_wait3A_180 = arith.constant 1 : i32
      %dma_wait3A_181 = arith.constant 0 : i32
      %dma_wait3A_182 = arith.constant 0 : i32
      %dma_wait3A_183 = tpu.memref_slice %arg12[%dma_wait3A_180, %dma_wait3A_181, %dma_wait3A_182] : memref<2x208x128xf32, #tpu.memory_space<vmem>> -> memref<1x200x128xf32, #tpu.memory_space<vmem>>
      %dma_wait3A_184 = tpu.memref_squeeze %dma_wait3A_183 : memref<1x200x128xf32, #tpu.memory_space<vmem>> -> memref<200x128xf32, #tpu.memory_space<vmem>>
      %dma_wait3A_185 = arith.constant 0 : i32
      %dma_wait3A_186 = arith.constant 0 : i32
      %dma_wait3A_187 = tpu.memref_slice %arg2[%dma_wait3A_185, %dma_wait3A_186] : memref<100000x128xf32, #tpu.memory_space<hbm>> -> memref<200x128xf32, #tpu.memory_space<hbm>>
      %dma_wait3A_188 = arith.constant 0 : i32
      %dma_wait3A_189 = arith.constant 0 : i32
      %dma_wait3A_190 = tpu.memref_slice %arg12[%dma_wait3A_180, %dma_wait3A_188, %dma_wait3A_189] : memref<2x208x128xf32, #tpu.memory_space<vmem>> -> memref<1x200x128xf32, #tpu.memory_space<vmem>>
      %dma_wait3A_191 = tpu.memref_squeeze %dma_wait3A_190 : memref<1x200x128xf32, #tpu.memory_space<vmem>> -> memref<200x128xf32, #tpu.memory_space<vmem>>
      %dma_wait3A_192 = arith.constant 0 : i32
      %dma_wait3A_193 = arith.constant 0 : i32
      %dma_wait3A_194 = tpu.memref_slice %arg2[%dma_wait3A_192, %dma_wait3A_193] : memref<100000x128xf32, #tpu.memory_space<hbm>> -> memref<200x128xf32, #tpu.memory_space<hbm>>
      tpu.wait_dma2 semaphore(%arg15 : memref<!tpu.dma_semaphore, #tpu.memory_space<semaphore_mem>>) src(%dma_wait3A_194 : memref<200x128xf32, #tpu.memory_space<hbm>>) dst(%dma_wait3A_191 : memref<200x128xf32, #tpu.memory_space<vmem>>)
      %dma_wait3A_195 = arith.constant 1 : i32
      %dma_wait3A_196 = arith.constant 0 : i32
      %dma_wait3A_197 = tpu.memref_slice %arg13[%dma_wait3A_195, %dma_wait3A_196] : memref<2x208xf32, #tpu.memory_space<vmem>> -> memref<1x200xf32, #tpu.memory_space<vmem>>
      %dma_wait3A_198 = tpu.memref_squeeze %dma_wait3A_197 : memref<1x200xf32, #tpu.memory_space<vmem>> -> memref<200xf32, #tpu.memory_space<vmem>>
      %dma_wait3A_199 = arith.constant 0 : i32
      %dma_wait3A_200 = tpu.memref_slice %arg6[%dma_wait3A_199] : memref<409600xf32, #tpu.memory_space<hbm>> -> memref<200xf32, #tpu.memory_space<hbm>>
      %dma_wait3A_201 = arith.constant 0 : i32
      %dma_wait3A_202 = tpu.memref_slice %arg13[%dma_wait3A_195, %dma_wait3A_201] : memref<2x208xf32, #tpu.memory_space<vmem>> -> memref<1x200xf32, #tpu.memory_space<vmem>>
      %dma_wait3A_203 = tpu.memref_squeeze %dma_wait3A_202 : memref<1x200xf32, #tpu.memory_space<vmem>> -> memref<200xf32, #tpu.memory_space<vmem>>
      %dma_wait3A_204 = arith.constant 0 : i32
      %dma_wait3A_205 = tpu.memref_slice %arg6[%dma_wait3A_204] : memref<409600xf32, #tpu.memory_space<hbm>> -> memref<200xf32, #tpu.memory_space<hbm>>
      tpu.wait_dma2 semaphore(%arg15 : memref<!tpu.dma_semaphore, #tpu.memory_space<semaphore_mem>>) src(%dma_wait3A_205 : memref<200xf32, #tpu.memory_space<hbm>>) dst(%dma_wait3A_203 : memref<200xf32, #tpu.memory_space<vmem>>)
      %add3A_206 = arith.constant 1 : i32
      %add3A_207 = arith.addi %mul3A_74, %add3A_206 : i32
      %get3A_208 = arith.index_cast %add3A_207 : i32 to index
      %get3A_209 = arith.constant 0 : index
      %get3A_210 = tpu.vector_load %arg10[%get3A_208, %get3A_209] {strides = array<i32>} : memref<32x128xf32, #tpu.memory_space<vmem>>, vector<1x16xf32>,
      %get3A_211 = vector.shape_cast %get3A_210 : vector<1x16xf32> to vector<16xf32>
      %get3A_212 = arith.index_cast %add3A_207 : i32 to index
      %get3A_213 = arith.constant 16 : index
      %get3A_214 = tpu.vector_load %arg10[%get3A_212, %get3A_213] {strides = array<i32>} : memref<32x128xf32, #tpu.memory_space<vmem>>, vector<1x16xf32>,
      %get3A_215 = vector.shape_cast %get3A_214 : vector<1x16xf32> to vector<16xf32>
      %get3A_216 = arith.index_cast %add3A_207 : i32 to index
      %get3A_217 = arith.constant 32 : index
      %get3A_218 = tpu.vector_load %arg10[%get3A_216, %get3A_217] {strides = array<i32>} : memref<32x128xf32, #tpu.memory_space<vmem>>, vector<1x16xf32>,
      %get3A_219 = vector.shape_cast %get3A_218 : vector<1x16xf32> to vector<16xf32>
      %get3A_220 = arith.index_cast %add3A_207 : i32 to index
      %get3A_221 = arith.constant 48 : index
      %get3A_222 = tpu.vector_load %arg10[%get3A_220, %get3A_221] {strides = array<i32>} : memref<32x128xf32, #tpu.memory_space<vmem>>, vector<1x16xf32>,
      %get3A_223 = vector.shape_cast %get3A_222 : vector<1x16xf32> to vector<16xf32>
      %get3A_224 = arith.index_cast %add3A_207 : i32 to index
      %get3A_225 = arith.constant 64 : index
      %get3A_226 = tpu.vector_load %arg10[%get3A_224, %get3A_225] {strides = array<i32>} : memref<32x128xf32, #tpu.memory_space<vmem>>, vector<1x16xf32>,
      %get3A_227 = vector.shape_cast %get3A_226 : vector<1x16xf32> to vector<16xf32>
      %get3A_228 = arith.index_cast %add3A_207 : i32 to index
      %get3A_229 = arith.constant 80 : index
      %get3A_230 = tpu.vector_load %arg10[%get3A_228, %get3A_229] {strides = array<i32>} : memref<32x128xf32, #tpu.memory_space<vmem>>, vector<1x16xf32>,
      %get3A_231 = vector.shape_cast %get3A_230 : vector<1x16xf32> to vector<16xf32>
      %get3A_232 = arith.index_cast %add3A_207 : i32 to index
      %get3A_233 = arith.constant 96 : index
      %get3A_234 = tpu.vector_load %arg10[%get3A_232, %get3A_233] {strides = array<i32>} : memref<32x128xf32, #tpu.memory_space<vmem>>, vector<1x16xf32>,
      %get3A_235 = vector.shape_cast %get3A_234 : vector<1x16xf32> to vector<16xf32>
      %get3A_236 = arith.index_cast %add3A_207 : i32 to index
      %get3A_237 = arith.constant 112 : index
      %get3A_238 = tpu.vector_load %arg10[%get3A_236, %get3A_237] {strides = array<i32>} : memref<32x128xf32, #tpu.memory_space<vmem>>, vector<1x16xf32>,
      %get3A_239 = vector.shape_cast %get3A_238 : vector<1x16xf32> to vector<16xf32>
      %scan3A_240 = arith.constant 0 : i32
      %scan3A_241 = arith.constant 13 : i32
      %scan3A_242 = arith.addi %scan3A_240, %scan3A_241 : i32
      %scan3A_243 = arith.constant 1 : i32
      scf.for %scan3A_245 = %scan3A_240 to %scan3A_242 step %scan3A_243  : i32 {
        %mul3A_246 = arith.constant 16 : i32
        %mul3A_247 = arith.muli %scan3A_245, %mul3A_246 : i32
        %add3A_248 = arith.constant 0 : i32
        %add3A_249 = arith.addi %mul3A_247, %add3A_248 : i32
        %get3A_250 = arith.constant 1 : i32
        %get3A_251 = arith.index_cast %get3A_250 : i32 to index
        %get3A_252 = arith.index_cast %add3A_249 : i32 to index
        %get3A_253 = arith.constant 0 : index
        %get3A_254 = tpu.vector_load %arg12[%get3A_251, %get3A_252, %get3A_253] {strides = array<i32>} : memref<2x208x128xf32, #tpu.memory_space<vmem>>, vector<1x1x16xf32>,
        %get3A_255 = vector.shape_cast %get3A_254 : vector<1x1x16xf32> to vector<16xf32>
        %mul3A_256 = arith.mulf %get3A_255, %get3A_211 : vector<16xf32>
        %get3A_257 = arith.constant 1 : i32
        %get3A_258 = arith.index_cast %get3A_257 : i32 to index
        %get3A_259 = arith.index_cast %add3A_249 : i32 to index
        %get3A_260 = arith.constant 16 : index
        %get3A_261 = tpu.vector_load %arg12[%get3A_258, %get3A_259, %get3A_260] {strides = array<i32>} : memref<2x208x128xf32, #tpu.memory_space<vmem>>, vector<1x1x16xf32>,
        %get3A_262 = vector.shape_cast %get3A_261 : vector<1x1x16xf32> to vector<16xf32>
        %mul3A_263 = arith.mulf %get3A_262, %get3A_215 : vector<16xf32>
        %add3A_264 = arith.addf %mul3A_256, %mul3A_263 : vector<16xf32>
        %get3A_265 = arith.constant 1 : i32
        %get3A_266 = arith.index_cast %get3A_265 : i32 to index
        %get3A_267 = arith.index_cast %add3A_249 : i32 to index
        %get3A_268 = arith.constant 32 : index
        %get3A_269 = tpu.vector_load %arg12[%get3A_266, %get3A_267, %get3A_268] {strides = array<i32>} : memref<2x208x128xf32, #tpu.memory_space<vmem>>, vector<1x1x16xf32>,
        %get3A_270 = vector.shape_cast %get3A_269 : vector<1x1x16xf32> to vector<16xf32>
        %mul3A_271 = arith.mulf %get3A_270, %get3A_219 : vector<16xf32>
        %add3A_272 = arith.addf %add3A_264, %mul3A_271 : vector<16xf32>
        %get3A_273 = arith.constant 1 : i32
        %get3A_274 = arith.index_cast %get3A_273 : i32 to index
        %get3A_275 = arith.index_cast %add3A_249 : i32 to index
        %get3A_276 = arith.constant 48 : index
        %get3A_277 = tpu.vector_load %arg12[%get3A_274, %get3A_275, %get3A_276] {strides = array<i32>} : memref<2x208x128xf32, #tpu.memory_space<vmem>>, vector<1x1x16xf32>,
        %get3A_278 = vector.shape_cast %get3A_277 : vector<1x1x16xf32> to vector<16xf32>
        %mul3A_279 = arith.mulf %get3A_278, %get3A_223 : vector<16xf32>
        %add3A_280 = arith.addf %add3A_272, %mul3A_279 : vector<16xf32>
        %get3A_281 = arith.constant 1 : i32
        %get3A_282 = arith.index_cast %get3A_281 : i32 to index
        %get3A_283 = arith.index_cast %add3A_249 : i32 to index
        %get3A_284 = arith.constant 64 : index
        %get3A_285 = tpu.vector_load %arg12[%get3A_282, %get3A_283, %get3A_284] {strides = array<i32>} : memref<2x208x128xf32, #tpu.memory_space<vmem>>, vector<1x1x16xf32>,
        %get3A_286 = vector.shape_cast %get3A_285 : vector<1x1x16xf32> to vector<16xf32>
        %mul3A_287 = arith.mulf %get3A_286, %get3A_227 : vector<16xf32>
        %add3A_288 = arith.addf %add3A_280, %mul3A_287 : vector<16xf32>
        %get3A_289 = arith.constant 1 : i32
        %get3A_290 = arith.index_cast %get3A_289 : i32 to index
        %get3A_291 = arith.index_cast %add3A_249 : i32 to index
        %get3A_292 = arith.constant 80 : index
        %get3A_293 = tpu.vector_load %arg12[%get3A_290, %get3A_291, %get3A_292] {strides = array<i32>} : memref<2x208x128xf32, #tpu.memory_space<vmem>>, vector<1x1x16xf32>,
        %get3A_294 = vector.shape_cast %get3A_293 : vector<1x1x16xf32> to vector<16xf32>
        %mul3A_295 = arith.mulf %get3A_294, %get3A_231 : vector<16xf32>
        %add3A_296 = arith.addf %add3A_288, %mul3A_295 : vector<16xf32>
        %get3A_297 = arith.constant 1 : i32
        %get3A_298 = arith.index_cast %get3A_297 : i32 to index
        %get3A_299 = arith.index_cast %add3A_249 : i32 to index
        %get3A_300 = arith.constant 96 : index
        %get3A_301 = tpu.vector_load %arg12[%get3A_298, %get3A_299, %get3A_300] {strides = array<i32>} : memref<2x208x128xf32, #tpu.memory_space<vmem>>, vector<1x1x16xf32>,
        %get3A_302 = vector.shape_cast %get3A_301 : vector<1x1x16xf32> to vector<16xf32>
        %mul3A_303 = arith.mulf %get3A_302, %get3A_235 : vector<16xf32>
        %add3A_304 = arith.addf %add3A_296, %mul3A_303 : vector<16xf32>
        %get3A_305 = arith.constant 1 : i32
        %get3A_306 = arith.index_cast %get3A_305 : i32 to index
        %get3A_307 = arith.index_cast %add3A_249 : i32 to index
        %get3A_308 = arith.constant 112 : index
        %get3A_309 = tpu.vector_load %arg12[%get3A_306, %get3A_307, %get3A_308] {strides = array<i32>} : memref<2x208x128xf32, #tpu.memory_space<vmem>>, vector<1x1x16xf32>,
        %get3A_310 = vector.shape_cast %get3A_309 : vector<1x1x16xf32> to vector<16xf32>
        %mul3A_311 = arith.mulf %get3A_310, %get3A_239 : vector<16xf32>
        %add3A_312 = arith.addf %add3A_304, %mul3A_311 : vector<16xf32>
        %mul3A_313 = arith.constant 16 : i32
        %mul3A_314 = arith.muli %scan3A_245, %mul3A_313 : i32
        %add3A_315 = arith.constant 1 : i32
        %add3A_316 = arith.addi %mul3A_314, %add3A_315 : i32
        %get3A_317 = arith.constant 1 : i32
        %get3A_318 = arith.index_cast %get3A_317 : i32 to index
        %get3A_319 = arith.index_cast %add3A_316 : i32 to index
        %get3A_320 = arith.constant 0 : index
        %get3A_321 = tpu.vector_load %arg12[%get3A_318, %get3A_319, %get3A_320] {strides = array<i32>} : memref<2x208x128xf32, #tpu.memory_space<vmem>>, vector<1x1x16xf32>,
        %get3A_322 = vector.shape_cast %get3A_321 : vector<1x1x16xf32> to vector<16xf32>
        %mul3A_323 = arith.mulf %get3A_322, %get3A_211 : vector<16xf32>
        %get3A_324 = arith.constant 1 : i32
        %get3A_325 = arith.index_cast %get3A_324 : i32 to index
        %get3A_326 = arith.index_cast %add3A_316 : i32 to index
        %get3A_327 = arith.constant 16 : index
        %get3A_328 = tpu.vector_load %arg12[%get3A_325, %get3A_326, %get3A_327] {strides = array<i32>} : memref<2x208x128xf32, #tpu.memory_space<vmem>>, vector<1x1x16xf32>,
        %get3A_329 = vector.shape_cast %get3A_328 : vector<1x1x16xf32> to vector<16xf32>
        %mul3A_330 = arith.mulf %get3A_329, %get3A_215 : vector<16xf32>
        %add3A_331 = arith.addf %mul3A_323, %mul3A_330 : vector<16xf32>
        %get3A_332 = arith.constant 1 : i32
        %get3A_333 = arith.index_cast %get3A_332 : i32 to index
        %get3A_334 = arith.index_cast %add3A_316 : i32 to index
        %get3A_335 = arith.constant 32 : index
        %get3A_336 = tpu.vector_load %arg12[%get3A_333, %get3A_334, %get3A_335] {strides = array<i32>} : memref<2x208x128xf32, #tpu.memory_space<vmem>>, vector<1x1x16xf32>,
        %get3A_337 = vector.shape_cast %get3A_336 : vector<1x1x16xf32> to vector<16xf32>
        %mul3A_338 = arith.mulf %get3A_337, %get3A_219 : vector<16xf32>
        %add3A_339 = arith.addf %add3A_331, %mul3A_338 : vector<16xf32>
        %get3A_340 = arith.constant 1 : i32
        %get3A_341 = arith.index_cast %get3A_340 : i32 to index
        %get3A_342 = arith.index_cast %add3A_316 : i32 to index
        %get3A_343 = arith.constant 48 : index
        %get3A_344 = tpu.vector_load %arg12[%get3A_341, %get3A_342, %get3A_343] {strides = array<i32>} : memref<2x208x128xf32, #tpu.memory_space<vmem>>, vector<1x1x16xf32>,
        %get3A_345 = vector.shape_cast %get3A_344 : vector<1x1x16xf32> to vector<16xf32>
        %mul3A_346 = arith.mulf %get3A_345, %get3A_223 : vector<16xf32>
        %add3A_347 = arith.addf %add3A_339, %mul3A_346 : vector<16xf32>
        %get3A_348 = arith.constant 1 : i32
        %get3A_349 = arith.index_cast %get3A_348 : i32 to index
        %get3A_350 = arith.index_cast %add3A_316 : i32 to index
        %get3A_351 = arith.constant 64 : index
        %get3A_352 = tpu.vector_load %arg12[%get3A_349, %get3A_350, %get3A_351] {strides = array<i32>} : memref<2x208x128xf32, #tpu.memory_space<vmem>>, vector<1x1x16xf32>,
        %get3A_353 = vector.shape_cast %get3A_352 : vector<1x1x16xf32> to vector<16xf32>
        %mul3A_354 = arith.mulf %get3A_353, %get3A_227 : vector<16xf32>
        %add3A_355 = arith.addf %add3A_347, %mul3A_354 : vector<16xf32>
        %get3A_356 = arith.constant 1 : i32
        %get3A_357 = arith.index_cast %get3A_356 : i32 to index
        %get3A_358 = arith.index_cast %add3A_316 : i32 to index
        %get3A_359 = arith.constant 80 : index
        %get3A_360 = tpu.vector_load %arg12[%get3A_357, %get3A_358, %get3A_359] {strides = array<i32>} : memref<2x208x128xf32, #tpu.memory_space<vmem>>, vector<1x1x16xf32>,
        %get3A_361 = vector.shape_cast %get3A_360 : vector<1x1x16xf32> to vector<16xf32>
        %mul3A_362 = arith.mulf %get3A_361, %get3A_231 : vector<16xf32>
        %add3A_363 = arith.addf %add3A_355, %mul3A_362 : vector<16xf32>
        %get3A_364 = arith.constant 1 : i32
        %get3A_365 = arith.index_cast %get3A_364 : i32 to index
        %get3A_366 = arith.index_cast %add3A_316 : i32 to index
        %get3A_367 = arith.constant 96 : index
        %get3A_368 = tpu.vector_load %arg12[%get3A_365, %get3A_366, %get3A_367] {strides = array<i32>} : memref<2x208x128xf32, #tpu.memory_space<vmem>>, vector<1x1x16xf32>,
        %get3A_369 = vector.shape_cast %get3A_368 : vector<1x1x16xf32> to vector<16xf32>
        %mul3A_370 = arith.mulf %get3A_369, %get3A_235 : vector<16xf32>
        %add3A_371 = arith.addf %add3A_363, %mul3A_370 : vector<16xf32>
        %get3A_372 = arith.constant 1 : i32
        %get3A_373 = arith.index_cast %get3A_372 : i32 to index
        %get3A_374 = arith.index_cast %add3A_316 : i32 to index
        %get3A_375 = arith.constant 112 : index
        %get3A_376 = tpu.vector_load %arg12[%get3A_373, %get3A_374, %get3A_375] {strides = array<i32>} : memref<2x208x128xf32, #tpu.memory_space<vmem>>, vector<1x1x16xf32>,
        %get3A_377 = vector.shape_cast %get3A_376 : vector<1x1x16xf32> to vector<16xf32>
        %mul3A_378 = arith.mulf %get3A_377, %get3A_239 : vector<16xf32>
        %add3A_379 = arith.addf %add3A_371, %mul3A_378 : vector<16xf32>
        %mul3A_380 = arith.constant 16 : i32
        %mul3A_381 = arith.muli %scan3A_245, %mul3A_380 : i32
        %add3A_382 = arith.constant 2 : i32
        %add3A_383 = arith.addi %mul3A_381, %add3A_382 : i32
        %get3A_384 = arith.constant 1 : i32
        %get3A_385 = arith.index_cast %get3A_384 : i32 to index
        %get3A_386 = arith.index_cast %add3A_383 : i32 to index
        %get3A_387 = arith.constant 0 : index
        %get3A_388 = tpu.vector_load %arg12[%get3A_385, %get3A_386, %get3A_387] {strides = array<i32>} : memref<2x208x128xf32, #tpu.memory_space<vmem>>, vector<1x1x16xf32>,
        %get3A_389 = vector.shape_cast %get3A_388 : vector<1x1x16xf32> to vector<16xf32>
        %mul3A_390 = arith.mulf %get3A_389, %get3A_211 : vector<16xf32>
        %get3A_391 = arith.constant 1 : i32
        %get3A_392 = arith.index_cast %get3A_391 : i32 to index
        %get3A_393 = arith.index_cast %add3A_383 : i32 to index
        %get3A_394 = arith.constant 16 : index
        %get3A_395 = tpu.vector_load %arg12[%get3A_392, %get3A_393, %get3A_394] {strides = array<i32>} : memref<2x208x128xf32, #tpu.memory_space<vmem>>, vector<1x1x16xf32>,
        %get3A_396 = vector.shape_cast %get3A_395 : vector<1x1x16xf32> to vector<16xf32>
        %mul3A_397 = arith.mulf %get3A_396, %get3A_215 : vector<16xf32>
        %add3A_398 = arith.addf %mul3A_390, %mul3A_397 : vector<16xf32>
        %get3A_399 = arith.constant 1 : i32
        %get3A_400 = arith.index_cast %get3A_399 : i32 to index
        %get3A_401 = arith.index_cast %add3A_383 : i32 to index
        %get3A_402 = arith.constant 32 : index
        %get3A_403 = tpu.vector_load %arg12[%get3A_400, %get3A_401, %get3A_402] {strides = array<i32>} : memref<2x208x128xf32, #tpu.memory_space<vmem>>, vector<1x1x16xf32>,
        %get3A_404 = vector.shape_cast %get3A_403 : vector<1x1x16xf32> to vector<16xf32>
        %mul3A_405 = arith.mulf %get3A_404, %get3A_219 : vector<16xf32>
        %add3A_406 = arith.addf %add3A_398, %mul3A_405 : vector<16xf32>
        %get3A_407 = arith.constant 1 : i32
        %get3A_408 = arith.index_cast %get3A_407 : i32 to index
        %get3A_409 = arith.index_cast %add3A_383 : i32 to index
        %get3A_410 = arith.constant 48 : index
        %get3A_411 = tpu.vector_load %arg12[%get3A_408, %get3A_409, %get3A_410] {strides = array<i32>} : memref<2x208x128xf32, #tpu.memory_space<vmem>>, vector<1x1x16xf32>,
        %get3A_412 = vector.shape_cast %get3A_411 : vector<1x1x16xf32> to vector<16xf32>
        %mul3A_413 = arith.mulf %get3A_412, %get3A_223 : vector<16xf32>
        %add3A_414 = arith.addf %add3A_406, %mul3A_413 : vector<16xf32>
        %get3A_415 = arith.constant 1 : i32
        %get3A_416 = arith.index_cast %get3A_415 : i32 to index
        %get3A_417 = arith.index_cast %add3A_383 : i32 to index
        %get3A_418 = arith.constant 64 : index
        %get3A_419 = tpu.vector_load %arg12[%get3A_416, %get3A_417, %get3A_418] {strides = array<i32>} : memref<2x208x128xf32, #tpu.memory_space<vmem>>, vector<1x1x16xf32>,
        %get3A_420 = vector.shape_cast %get3A_419 : vector<1x1x16xf32> to vector<16xf32>
        %mul3A_421 = arith.mulf %get3A_420, %get3A_227 : vector<16xf32>
        %add3A_422 = arith.addf %add3A_414, %mul3A_421 : vector<16xf32>
        %get3A_423 = arith.constant 1 : i32
        %get3A_424 = arith.index_cast %get3A_423 : i32 to index
        %get3A_425 = arith.index_cast %add3A_383 : i32 to index
        %get3A_426 = arith.constant 80 : index
        %get3A_427 = tpu.vector_load %arg12[%get3A_424, %get3A_425, %get3A_426] {strides = array<i32>} : memref<2x208x128xf32, #tpu.memory_space<vmem>>, vector<1x1x16xf32>,
        %get3A_428 = vector.shape_cast %get3A_427 : vector<1x1x16xf32> to vector<16xf32>
        %mul3A_429 = arith.mulf %get3A_428, %get3A_231 : vector<16xf32>
        %add3A_430 = arith.addf %add3A_422, %mul3A_429 : vector<16xf32>
        %get3A_431 = arith.constant 1 : i32
        %get3A_432 = arith.index_cast %get3A_431 : i32 to index
        %get3A_433 = arith.index_cast %add3A_383 : i32 to index
        %get3A_434 = arith.constant 96 : index
        %get3A_435 = tpu.vector_load %arg12[%get3A_432, %get3A_433, %get3A_434] {strides = array<i32>} : memref<2x208x128xf32, #tpu.memory_space<vmem>>, vector<1x1x16xf32>,
        %get3A_436 = vector.shape_cast %get3A_435 : vector<1x1x16xf32> to vector<16xf32>
        %mul3A_437 = arith.mulf %get3A_436, %get3A_235 : vector<16xf32>
        %add3A_438 = arith.addf %add3A_430, %mul3A_437 : vector<16xf32>
        %get3A_439 = arith.constant 1 : i32
        %get3A_440 = arith.index_cast %get3A_439 : i32 to index
        %get3A_441 = arith.index_cast %add3A_383 : i32 to index
        %get3A_442 = arith.constant 112 : index
        %get3A_443 = tpu.vector_load %arg12[%get3A_440, %get3A_441, %get3A_442] {strides = array<i32>} : memref<2x208x128xf32, #tpu.memory_space<vmem>>, vector<1x1x16xf32>,
        %get3A_444 = vector.shape_cast %get3A_443 : vector<1x1x16xf32> to vector<16xf32>
        %mul3A_445 = arith.mulf %get3A_444, %get3A_239 : vector<16xf32>
        %add3A_446 = arith.addf %add3A_438, %mul3A_445 : vector<16xf32>
        %mul3A_447 = arith.constant 16 : i32
        %mul3A_448 = arith.muli %scan3A_245, %mul3A_447 : i32
        %add3A_449 = arith.constant 3 : i32
        %add3A_450 = arith.addi %mul3A_448, %add3A_449 : i32
        %get3A_451 = arith.constant 1 : i32
        %get3A_452 = arith.index_cast %get3A_451 : i32 to index
        %get3A_453 = arith.index_cast %add3A_450 : i32 to index
        %get3A_454 = arith.constant 0 : index
        %get3A_455 = tpu.vector_load %arg12[%get3A_452, %get3A_453, %get3A_454] {strides = array<i32>} : memref<2x208x128xf32, #tpu.memory_space<vmem>>, vector<1x1x16xf32>,
        %get3A_456 = vector.shape_cast %get3A_455 : vector<1x1x16xf32> to vector<16xf32>
        %mul3A_457 = arith.mulf %get3A_456, %get3A_211 : vector<16xf32>
        %get3A_458 = arith.constant 1 : i32
        %get3A_459 = arith.index_cast %get3A_458 : i32 to index
        %get3A_460 = arith.index_cast %add3A_450 : i32 to index
        %get3A_461 = arith.constant 16 : index
        %get3A_462 = tpu.vector_load %arg12[%get3A_459, %get3A_460, %get3A_461] {strides = array<i32>} : memref<2x208x128xf32, #tpu.memory_space<vmem>>, vector<1x1x16xf32>,
        %get3A_463 = vector.shape_cast %get3A_462 : vector<1x1x16xf32> to vector<16xf32>
        %mul3A_464 = arith.mulf %get3A_463, %get3A_215 : vector<16xf32>
        %add3A_465 = arith.addf %mul3A_457, %mul3A_464 : vector<16xf32>
        %get3A_466 = arith.constant 1 : i32
        %get3A_467 = arith.index_cast %get3A_466 : i32 to index
        %get3A_468 = arith.index_cast %add3A_450 : i32 to index
        %get3A_469 = arith.constant 32 : index
        %get3A_470 = tpu.vector_load %arg12[%get3A_467, %get3A_468, %get3A_469] {strides = array<i32>} : memref<2x208x128xf32, #tpu.memory_space<vmem>>, vector<1x1x16xf32>,
        %get3A_471 = vector.shape_cast %get3A_470 : vector<1x1x16xf32> to vector<16xf32>
        %mul3A_472 = arith.mulf %get3A_471, %get3A_219 : vector<16xf32>
        %add3A_473 = arith.addf %add3A_465, %mul3A_472 : vector<16xf32>
        %get3A_474 = arith.constant 1 : i32
        %get3A_475 = arith.index_cast %get3A_474 : i32 to index
        %get3A_476 = arith.index_cast %add3A_450 : i32 to index
        %get3A_477 = arith.constant 48 : index
        %get3A_478 = tpu.vector_load %arg12[%get3A_475, %get3A_476, %get3A_477] {strides = array<i32>} : memref<2x208x128xf32, #tpu.memory_space<vmem>>, vector<1x1x16xf32>,
        %get3A_479 = vector.shape_cast %get3A_478 : vector<1x1x16xf32> to vector<16xf32>
        %mul3A_480 = arith.mulf %get3A_479, %get3A_223 : vector<16xf32>
        %add3A_481 = arith.addf %add3A_473, %mul3A_480 : vector<16xf32>
        %get3A_482 = arith.constant 1 : i32
        %get3A_483 = arith.index_cast %get3A_482 : i32 to index
        %get3A_484 = arith.index_cast %add3A_450 : i32 to index
        %get3A_485 = arith.constant 64 : index
        %get3A_486 = tpu.vector_load %arg12[%get3A_483, %get3A_484, %get3A_485] {strides = array<i32>} : memref<2x208x128xf32, #tpu.memory_space<vmem>>, vector<1x1x16xf32>,
        %get3A_487 = vector.shape_cast %get3A_486 : vector<1x1x16xf32> to vector<16xf32>
        %mul3A_488 = arith.mulf %get3A_487, %get3A_227 : vector<16xf32>
        %add3A_489 = arith.addf %add3A_481, %mul3A_488 : vector<16xf32>
        %get3A_490 = arith.constant 1 : i32
        %get3A_491 = arith.index_cast %get3A_490 : i32 to index
        %get3A_492 = arith.index_cast %add3A_450 : i32 to index
        %get3A_493 = arith.constant 80 : index
        %get3A_494 = tpu.vector_load %arg12[%get3A_491, %get3A_492, %get3A_493] {strides = array<i32>} : memref<2x208x128xf32, #tpu.memory_space<vmem>>, vector<1x1x16xf32>,
        %get3A_495 = vector.shape_cast %get3A_494 : vector<1x1x16xf32> to vector<16xf32>
        %mul3A_496 = arith.mulf %get3A_495, %get3A_231 : vector<16xf32>
        %add3A_497 = arith.addf %add3A_489, %mul3A_496 : vector<16xf32>
        %get3A_498 = arith.constant 1 : i32
        %get3A_499 = arith.index_cast %get3A_498 : i32 to index
        %get3A_500 = arith.index_cast %add3A_450 : i32 to index
        %get3A_501 = arith.constant 96 : index
        %get3A_502 = tpu.vector_load %arg12[%get3A_499, %get3A_500, %get3A_501] {strides = array<i32>} : memref<2x208x128xf32, #tpu.memory_space<vmem>>, vector<1x1x16xf32>,
        %get3A_503 = vector.shape_cast %get3A_502 : vector<1x1x16xf32> to vector<16xf32>
        %mul3A_504 = arith.mulf %get3A_503, %get3A_235 : vector<16xf32>
        %add3A_505 = arith.addf %add3A_497, %mul3A_504 : vector<16xf32>
        %get3A_506 = arith.constant 1 : i32
        %get3A_507 = arith.index_cast %get3A_506 : i32 to index
        %get3A_508 = arith.index_cast %add3A_450 : i32 to index
        %get3A_509 = arith.constant 112 : index
        %get3A_510 = tpu.vector_load %arg12[%get3A_507, %get3A_508, %get3A_509] {strides = array<i32>} : memref<2x208x128xf32, #tpu.memory_space<vmem>>, vector<1x1x16xf32>,
        %get3A_511 = vector.shape_cast %get3A_510 : vector<1x1x16xf32> to vector<16xf32>
        %mul3A_512 = arith.mulf %get3A_511, %get3A_239 : vector<16xf32>
        %add3A_513 = arith.addf %add3A_505, %mul3A_512 : vector<16xf32>
        %mul3A_514 = arith.constant 16 : i32
        %mul3A_515 = arith.muli %scan3A_245, %mul3A_514 : i32
        %add3A_516 = arith.constant 4 : i32
        %add3A_517 = arith.addi %mul3A_515, %add3A_516 : i32
        %get3A_518 = arith.constant 1 : i32
        %get3A_519 = arith.index_cast %get3A_518 : i32 to index
        %get3A_520 = arith.index_cast %add3A_517 : i32 to index
        %get3A_521 = arith.constant 0 : index
        %get3A_522 = tpu.vector_load %arg12[%get3A_519, %get3A_520, %get3A_521] {strides = array<i32>} : memref<2x208x128xf32, #tpu.memory_space<vmem>>, vector<1x1x16xf32>,
        %get3A_523 = vector.shape_cast %get3A_522 : vector<1x1x16xf32> to vector<16xf32>
        %mul3A_524 = arith.mulf %get3A_523, %get3A_211 : vector<16xf32>
        %get3A_525 = arith.constant 1 : i32
        %get3A_526 = arith.index_cast %get3A_525 : i32 to index
        %get3A_527 = arith.index_cast %add3A_517 : i32 to index
        %get3A_528 = arith.constant 16 : index
        %get3A_529 = tpu.vector_load %arg12[%get3A_526, %get3A_527, %get3A_528] {strides = array<i32>} : memref<2x208x128xf32, #tpu.memory_space<vmem>>, vector<1x1x16xf32>,
        %get3A_530 = vector.shape_cast %get3A_529 : vector<1x1x16xf32> to vector<16xf32>
        %mul3A_531 = arith.mulf %get3A_530, %get3A_215 : vector<16xf32>
        %add3A_532 = arith.addf %mul3A_524, %mul3A_531 : vector<16xf32>
        %get3A_533 = arith.constant 1 : i32
        %get3A_534 = arith.index_cast %get3A_533 : i32 to index
        %get3A_535 = arith.index_cast %add3A_517 : i32 to index
        %get3A_536 = arith.constant 32 : index
        %get3A_537 = tpu.vector_load %arg12[%get3A_534, %get3A_535, %get3A_536] {strides = array<i32>} : memref<2x208x128xf32, #tpu.memory_space<vmem>>, vector<1x1x16xf32>,
        %get3A_538 = vector.shape_cast %get3A_537 : vector<1x1x16xf32> to vector<16xf32>
        %mul3A_539 = arith.mulf %get3A_538, %get3A_219 : vector<16xf32>
        %add3A_540 = arith.addf %add3A_532, %mul3A_539 : vector<16xf32>
        %get3A_541 = arith.constant 1 : i32
        %get3A_542 = arith.index_cast %get3A_541 : i32 to index
        %get3A_543 = arith.index_cast %add3A_517 : i32 to index
        %get3A_544 = arith.constant 48 : index
        %get3A_545 = tpu.vector_load %arg12[%get3A_542, %get3A_543, %get3A_544] {strides = array<i32>} : memref<2x208x128xf32, #tpu.memory_space<vmem>>, vector<1x1x16xf32>,
        %get3A_546 = vector.shape_cast %get3A_545 : vector<1x1x16xf32> to vector<16xf32>
        %mul3A_547 = arith.mulf %get3A_546, %get3A_223 : vector<16xf32>
        %add3A_548 = arith.addf %add3A_540, %mul3A_547 : vector<16xf32>
        %get3A_549 = arith.constant 1 : i32
        %get3A_550 = arith.index_cast %get3A_549 : i32 to index
        %get3A_551 = arith.index_cast %add3A_517 : i32 to index
        %get3A_552 = arith.constant 64 : index
        %get3A_553 = tpu.vector_load %arg12[%get3A_550, %get3A_551, %get3A_552] {strides = array<i32>} : memref<2x208x128xf32, #tpu.memory_space<vmem>>, vector<1x1x16xf32>,
        %get3A_554 = vector.shape_cast %get3A_553 : vector<1x1x16xf32> to vector<16xf32>
        %mul3A_555 = arith.mulf %get3A_554, %get3A_227 : vector<16xf32>
        %add3A_556 = arith.addf %add3A_548, %mul3A_555 : vector<16xf32>
        %get3A_557 = arith.constant 1 : i32
        %get3A_558 = arith.index_cast %get3A_557 : i32 to index
        %get3A_559 = arith.index_cast %add3A_517 : i32 to index
        %get3A_560 = arith.constant 80 : index
        %get3A_561 = tpu.vector_load %arg12[%get3A_558, %get3A_559, %get3A_560] {strides = array<i32>} : memref<2x208x128xf32, #tpu.memory_space<vmem>>, vector<1x1x16xf32>,
        %get3A_562 = vector.shape_cast %get3A_561 : vector<1x1x16xf32> to vector<16xf32>
        %mul3A_563 = arith.mulf %get3A_562, %get3A_231 : vector<16xf32>
        %add3A_564 = arith.addf %add3A_556, %mul3A_563 : vector<16xf32>
        %get3A_565 = arith.constant 1 : i32
        %get3A_566 = arith.index_cast %get3A_565 : i32 to index
        %get3A_567 = arith.index_cast %add3A_517 : i32 to index
        %get3A_568 = arith.constant 96 : index
        %get3A_569 = tpu.vector_load %arg12[%get3A_566, %get3A_567, %get3A_568] {strides = array<i32>} : memref<2x208x128xf32, #tpu.memory_space<vmem>>, vector<1x1x16xf32>,
        %get3A_570 = vector.shape_cast %get3A_569 : vector<1x1x16xf32> to vector<16xf32>
        %mul3A_571 = arith.mulf %get3A_570, %get3A_235 : vector<16xf32>
        %add3A_572 = arith.addf %add3A_564, %mul3A_571 : vector<16xf32>
        %get3A_573 = arith.constant 1 : i32
        %get3A_574 = arith.index_cast %get3A_573 : i32 to index
        %get3A_575 = arith.index_cast %add3A_517 : i32 to index
        %get3A_576 = arith.constant 112 : index
        %get3A_577 = tpu.vector_load %arg12[%get3A_574, %get3A_575, %get3A_576] {strides = array<i32>} : memref<2x208x128xf32, #tpu.memory_space<vmem>>, vector<1x1x16xf32>,
        %get3A_578 = vector.shape_cast %get3A_577 : vector<1x1x16xf32> to vector<16xf32>
        %mul3A_579 = arith.mulf %get3A_578, %get3A_239 : vector<16xf32>
        %add3A_580 = arith.addf %add3A_572, %mul3A_579 : vector<16xf32>
        %mul3A_581 = arith.constant 16 : i32
        %mul3A_582 = arith.muli %scan3A_245, %mul3A_581 : i32
        %add3A_583 = arith.constant 5 : i32
        %add3A_584 = arith.addi %mul3A_582, %add3A_583 : i32
        %get3A_585 = arith.constant 1 : i32
        %get3A_586 = arith.index_cast %get3A_585 : i32 to index
        %get3A_587 = arith.index_cast %add3A_584 : i32 to index
        %get3A_588 = arith.constant 0 : index
        %get3A_589 = tpu.vector_load %arg12[%get3A_586, %get3A_587, %get3A_588] {strides = array<i32>} : memref<2x208x128xf32, #tpu.memory_space<vmem>>, vector<1x1x16xf32>,
        %get3A_590 = vector.shape_cast %get3A_589 : vector<1x1x16xf32> to vector<16xf32>
        %mul3A_591 = arith.mulf %get3A_590, %get3A_211 : vector<16xf32>
        %get3A_592 = arith.constant 1 : i32
        %get3A_593 = arith.index_cast %get3A_592 : i32 to index
        %get3A_594 = arith.index_cast %add3A_584 : i32 to index
        %get3A_595 = arith.constant 16 : index
        %get3A_596 = tpu.vector_load %arg12[%get3A_593, %get3A_594, %get3A_595] {strides = array<i32>} : memref<2x208x128xf32, #tpu.memory_space<vmem>>, vector<1x1x16xf32>,
        %get3A_597 = vector.shape_cast %get3A_596 : vector<1x1x16xf32> to vector<16xf32>
        %mul3A_598 = arith.mulf %get3A_597, %get3A_215 : vector<16xf32>
        %add3A_599 = arith.addf %mul3A_591, %mul3A_598 : vector<16xf32>
        %get3A_600 = arith.constant 1 : i32
        %get3A_601 = arith.index_cast %get3A_600 : i32 to index
        %get3A_602 = arith.index_cast %add3A_584 : i32 to index
        %get3A_603 = arith.constant 32 : index
        %get3A_604 = tpu.vector_load %arg12[%get3A_601, %get3A_602, %get3A_603] {strides = array<i32>} : memref<2x208x128xf32, #tpu.memory_space<vmem>>, vector<1x1x16xf32>,
        %get3A_605 = vector.shape_cast %get3A_604 : vector<1x1x16xf32> to vector<16xf32>
        %mul3A_606 = arith.mulf %get3A_605, %get3A_219 : vector<16xf32>
        %add3A_607 = arith.addf %add3A_599, %mul3A_606 : vector<16xf32>
        %get3A_608 = arith.constant 1 : i32
        %get3A_609 = arith.index_cast %get3A_608 : i32 to index
        %get3A_610 = arith.index_cast %add3A_584 : i32 to index
        %get3A_611 = arith.constant 48 : index
        %get3A_612 = tpu.vector_load %arg12[%get3A_609, %get3A_610, %get3A_611] {strides = array<i32>} : memref<2x208x128xf32, #tpu.memory_space<vmem>>, vector<1x1x16xf32>,
        %get3A_613 = vector.shape_cast %get3A_612 : vector<1x1x16xf32> to vector<16xf32>
        %mul3A_614 = arith.mulf %get3A_613, %get3A_223 : vector<16xf32>
        %add3A_615 = arith.addf %add3A_607, %mul3A_614 : vector<16xf32>
        %get3A_616 = arith.constant 1 : i32
        %get3A_617 = arith.index_cast %get3A_616 : i32 to index
        %get3A_618 = arith.index_cast %add3A_584 : i32 to index
        %get3A_619 = arith.constant 64 : index
        %get3A_620 = tpu.vector_load %arg12[%get3A_617, %get3A_618, %get3A_619] {strides = array<i32>} : memref<2x208x128xf32, #tpu.memory_space<vmem>>, vector<1x1x16xf32>,
        %get3A_621 = vector.shape_cast %get3A_620 : vector<1x1x16xf32> to vector<16xf32>
        %mul3A_622 = arith.mulf %get3A_621, %get3A_227 : vector<16xf32>
        %add3A_623 = arith.addf %add3A_615, %mul3A_622 : vector<16xf32>
        %get3A_624 = arith.constant 1 : i32
        %get3A_625 = arith.index_cast %get3A_624 : i32 to index
        %get3A_626 = arith.index_cast %add3A_584 : i32 to index
        %get3A_627 = arith.constant 80 : index
        %get3A_628 = tpu.vector_load %arg12[%get3A_625, %get3A_626, %get3A_627] {strides = array<i32>} : memref<2x208x128xf32, #tpu.memory_space<vmem>>, vector<1x1x16xf32>,
        %get3A_629 = vector.shape_cast %get3A_628 : vector<1x1x16xf32> to vector<16xf32>
        %mul3A_630 = arith.mulf %get3A_629, %get3A_231 : vector<16xf32>
        %add3A_631 = arith.addf %add3A_623, %mul3A_630 : vector<16xf32>
        %get3A_632 = arith.constant 1 : i32
        %get3A_633 = arith.index_cast %get3A_632 : i32 to index
        %get3A_634 = arith.index_cast %add3A_584 : i32 to index
        %get3A_635 = arith.constant 96 : index
        %get3A_636 = tpu.vector_load %arg12[%get3A_633, %get3A_634, %get3A_635] {strides = array<i32>} : memref<2x208x128xf32, #tpu.memory_space<vmem>>, vector<1x1x16xf32>,
        %get3A_637 = vector.shape_cast %get3A_636 : vector<1x1x16xf32> to vector<16xf32>
        %mul3A_638 = arith.mulf %get3A_637, %get3A_235 : vector<16xf32>
        %add3A_639 = arith.addf %add3A_631, %mul3A_638 : vector<16xf32>
        %get3A_640 = arith.constant 1 : i32
        %get3A_641 = arith.index_cast %get3A_640 : i32 to index
        %get3A_642 = arith.index_cast %add3A_584 : i32 to index
        %get3A_643 = arith.constant 112 : index
        %get3A_644 = tpu.vector_load %arg12[%get3A_641, %get3A_642, %get3A_643] {strides = array<i32>} : memref<2x208x128xf32, #tpu.memory_space<vmem>>, vector<1x1x16xf32>,
        %get3A_645 = vector.shape_cast %get3A_644 : vector<1x1x16xf32> to vector<16xf32>
        %mul3A_646 = arith.mulf %get3A_645, %get3A_239 : vector<16xf32>
        %add3A_647 = arith.addf %add3A_639, %mul3A_646 : vector<16xf32>
        %mul3A_648 = arith.constant 16 : i32
        %mul3A_649 = arith.muli %scan3A_245, %mul3A_648 : i32
        %add3A_650 = arith.constant 6 : i32
        %add3A_651 = arith.addi %mul3A_649, %add3A_650 : i32
        %get3A_652 = arith.constant 1 : i32
        %get3A_653 = arith.index_cast %get3A_652 : i32 to index
        %get3A_654 = arith.index_cast %add3A_651 : i32 to index
        %get3A_655 = arith.constant 0 : index
        %get3A_656 = tpu.vector_load %arg12[%get3A_653, %get3A_654, %get3A_655] {strides = array<i32>} : memref<2x208x128xf32, #tpu.memory_space<vmem>>, vector<1x1x16xf32>,
        %get3A_657 = vector.shape_cast %get3A_656 : vector<1x1x16xf32> to vector<16xf32>
        %mul3A_658 = arith.mulf %get3A_657, %get3A_211 : vector<16xf32>
        %get3A_659 = arith.constant 1 : i32
        %get3A_660 = arith.index_cast %get3A_659 : i32 to index
        %get3A_661 = arith.index_cast %add3A_651 : i32 to index
        %get3A_662 = arith.constant 16 : index
        %get3A_663 = tpu.vector_load %arg12[%get3A_660, %get3A_661, %get3A_662] {strides = array<i32>} : memref<2x208x128xf32, #tpu.memory_space<vmem>>, vector<1x1x16xf32>,
        %get3A_664 = vector.shape_cast %get3A_663 : vector<1x1x16xf32> to vector<16xf32>
        %mul3A_665 = arith.mulf %get3A_664, %get3A_215 : vector<16xf32>
        %add3A_666 = arith.addf %mul3A_658, %mul3A_665 : vector<16xf32>
        %get3A_667 = arith.constant 1 : i32
        %get3A_668 = arith.index_cast %get3A_667 : i32 to index
        %get3A_669 = arith.index_cast %add3A_651 : i32 to index
        %get3A_670 = arith.constant 32 : index
        %get3A_671 = tpu.vector_load %arg12[%get3A_668, %get3A_669, %get3A_670] {strides = array<i32>} : memref<2x208x128xf32, #tpu.memory_space<vmem>>, vector<1x1x16xf32>,
        %get3A_672 = vector.shape_cast %get3A_671 : vector<1x1x16xf32> to vector<16xf32>
        %mul3A_673 = arith.mulf %get3A_672, %get3A_219 : vector<16xf32>
        %add3A_674 = arith.addf %add3A_666, %mul3A_673 : vector<16xf32>
        %get3A_675 = arith.constant 1 : i32
        %get3A_676 = arith.index_cast %get3A_675 : i32 to index
        %get3A_677 = arith.index_cast %add3A_651 : i32 to index
        %get3A_678 = arith.constant 48 : index
        %get3A_679 = tpu.vector_load %arg12[%get3A_676, %get3A_677, %get3A_678] {strides = array<i32>} : memref<2x208x128xf32, #tpu.memory_space<vmem>>, vector<1x1x16xf32>,
        %get3A_680 = vector.shape_cast %get3A_679 : vector<1x1x16xf32> to vector<16xf32>
        %mul3A_681 = arith.mulf %get3A_680, %get3A_223 : vector<16xf32>
        %add3A_682 = arith.addf %add3A_674, %mul3A_681 : vector<16xf32>
        %get3A_683 = arith.constant 1 : i32
        %get3A_684 = arith.index_cast %get3A_683 : i32 to index
        %get3A_685 = arith.index_cast %add3A_651 : i32 to index
        %get3A_686 = arith.constant 64 : index
        %get3A_687 = tpu.vector_load %arg12[%get3A_684, %get3A_685, %get3A_686] {strides = array<i32>} : memref<2x208x128xf32, #tpu.memory_space<vmem>>, vector<1x1x16xf32>,
        %get3A_688 = vector.shape_cast %get3A_687 : vector<1x1x16xf32> to vector<16xf32>
        %mul3A_689 = arith.mulf %get3A_688, %get3A_227 : vector<16xf32>
        %add3A_690 = arith.addf %add3A_682, %mul3A_689 : vector<16xf32>
        %get3A_691 = arith.constant 1 : i32
        %get3A_692 = arith.index_cast %get3A_691 : i32 to index
        %get3A_693 = arith.index_cast %add3A_651 : i32 to index
        %get3A_694 = arith.constant 80 : index
        %get3A_695 = tpu.vector_load %arg12[%get3A_692, %get3A_693, %get3A_694] {strides = array<i32>} : memref<2x208x128xf32, #tpu.memory_space<vmem>>, vector<1x1x16xf32>,
        %get3A_696 = vector.shape_cast %get3A_695 : vector<1x1x16xf32> to vector<16xf32>
        %mul3A_697 = arith.mulf %get3A_696, %get3A_231 : vector<16xf32>
        %add3A_698 = arith.addf %add3A_690, %mul3A_697 : vector<16xf32>
        %get3A_699 = arith.constant 1 : i32
        %get3A_700 = arith.index_cast %get3A_699 : i32 to index
        %get3A_701 = arith.index_cast %add3A_651 : i32 to index
        %get3A_702 = arith.constant 96 : index
        %get3A_703 = tpu.vector_load %arg12[%get3A_700, %get3A_701, %get3A_702] {strides = array<i32>} : memref<2x208x128xf32, #tpu.memory_space<vmem>>, vector<1x1x16xf32>,
        %get3A_704 = vector.shape_cast %get3A_703 : vector<1x1x16xf32> to vector<16xf32>
        %mul3A_705 = arith.mulf %get3A_704, %get3A_235 : vector<16xf32>
        %add3A_706 = arith.addf %add3A_698, %mul3A_705 : vector<16xf32>
        %get3A_707 = arith.constant 1 : i32
        %get3A_708 = arith.index_cast %get3A_707 : i32 to index
        %get3A_709 = arith.index_cast %add3A_651 : i32 to index
        %get3A_710 = arith.constant 112 : index
        %get3A_711 = tpu.vector_load %arg12[%get3A_708, %get3A_709, %get3A_710] {strides = array<i32>} : memref<2x208x128xf32, #tpu.memory_space<vmem>>, vector<1x1x16xf32>,
        %get3A_712 = vector.shape_cast %get3A_711 : vector<1x1x16xf32> to vector<16xf32>
        %mul3A_713 = arith.mulf %get3A_712, %get3A_239 : vector<16xf32>
        %add3A_714 = arith.addf %add3A_706, %mul3A_713 : vector<16xf32>
        %mul3A_715 = arith.constant 16 : i32
        %mul3A_716 = arith.muli %scan3A_245, %mul3A_715 : i32
        %add3A_717 = arith.constant 7 : i32
        %add3A_718 = arith.addi %mul3A_716, %add3A_717 : i32
        %get3A_719 = arith.constant 1 : i32
        %get3A_720 = arith.index_cast %get3A_719 : i32 to index
        %get3A_721 = arith.index_cast %add3A_718 : i32 to index
        %get3A_722 = arith.constant 0 : index
        %get3A_723 = tpu.vector_load %arg12[%get3A_720, %get3A_721, %get3A_722] {strides = array<i32>} : memref<2x208x128xf32, #tpu.memory_space<vmem>>, vector<1x1x16xf32>,
        %get3A_724 = vector.shape_cast %get3A_723 : vector<1x1x16xf32> to vector<16xf32>
        %mul3A_725 = arith.mulf %get3A_724, %get3A_211 : vector<16xf32>
        %get3A_726 = arith.constant 1 : i32
        %get3A_727 = arith.index_cast %get3A_726 : i32 to index
        %get3A_728 = arith.index_cast %add3A_718 : i32 to index
        %get3A_729 = arith.constant 16 : index
        %get3A_730 = tpu.vector_load %arg12[%get3A_727, %get3A_728, %get3A_729] {strides = array<i32>} : memref<2x208x128xf32, #tpu.memory_space<vmem>>, vector<1x1x16xf32>,
        %get3A_731 = vector.shape_cast %get3A_730 : vector<1x1x16xf32> to vector<16xf32>
        %mul3A_732 = arith.mulf %get3A_731, %get3A_215 : vector<16xf32>
        %add3A_733 = arith.addf %mul3A_725, %mul3A_732 : vector<16xf32>
        %get3A_734 = arith.constant 1 : i32
        %get3A_735 = arith.index_cast %get3A_734 : i32 to index
        %get3A_736 = arith.index_cast %add3A_718 : i32 to index
        %get3A_737 = arith.constant 32 : index
        %get3A_738 = tpu.vector_load %arg12[%get3A_735, %get3A_736, %get3A_737] {strides = array<i32>} : memref<2x208x128xf32, #tpu.memory_space<vmem>>, vector<1x1x16xf32>,
        %get3A_739 = vector.shape_cast %get3A_738 : vector<1x1x16xf32> to vector<16xf32>
        %mul3A_740 = arith.mulf %get3A_739, %get3A_219 : vector<16xf32>
        %add3A_741 = arith.addf %add3A_733, %mul3A_740 : vector<16xf32>
        %get3A_742 = arith.constant 1 : i32
        %get3A_743 = arith.index_cast %get3A_742 : i32 to index
        %get3A_744 = arith.index_cast %add3A_718 : i32 to index
        %get3A_745 = arith.constant 48 : index
        %get3A_746 = tpu.vector_load %arg12[%get3A_743, %get3A_744, %get3A_745] {strides = array<i32>} : memref<2x208x128xf32, #tpu.memory_space<vmem>>, vector<1x1x16xf32>,
        %get3A_747 = vector.shape_cast %get3A_746 : vector<1x1x16xf32> to vector<16xf32>
        %mul3A_748 = arith.mulf %get3A_747, %get3A_223 : vector<16xf32>
        %add3A_749 = arith.addf %add3A_741, %mul3A_748 : vector<16xf32>
        %get3A_750 = arith.constant 1 : i32
        %get3A_751 = arith.index_cast %get3A_750 : i32 to index
        %get3A_752 = arith.index_cast %add3A_718 : i32 to index
        %get3A_753 = arith.constant 64 : index
        %get3A_754 = tpu.vector_load %arg12[%get3A_751, %get3A_752, %get3A_753] {strides = array<i32>} : memref<2x208x128xf32, #tpu.memory_space<vmem>>, vector<1x1x16xf32>,
        %get3A_755 = vector.shape_cast %get3A_754 : vector<1x1x16xf32> to vector<16xf32>
        %mul3A_756 = arith.mulf %get3A_755, %get3A_227 : vector<16xf32>
        %add3A_757 = arith.addf %add3A_749, %mul3A_756 : vector<16xf32>
        %get3A_758 = arith.constant 1 : i32
        %get3A_759 = arith.index_cast %get3A_758 : i32 to index
        %get3A_760 = arith.index_cast %add3A_718 : i32 to index
        %get3A_761 = arith.constant 80 : index
        %get3A_762 = tpu.vector_load %arg12[%get3A_759, %get3A_760, %get3A_761] {strides = array<i32>} : memref<2x208x128xf32, #tpu.memory_space<vmem>>, vector<1x1x16xf32>,
        %get3A_763 = vector.shape_cast %get3A_762 : vector<1x1x16xf32> to vector<16xf32>
        %mul3A_764 = arith.mulf %get3A_763, %get3A_231 : vector<16xf32>
        %add3A_765 = arith.addf %add3A_757, %mul3A_764 : vector<16xf32>
        %get3A_766 = arith.constant 1 : i32
        %get3A_767 = arith.index_cast %get3A_766 : i32 to index
        %get3A_768 = arith.index_cast %add3A_718 : i32 to index
        %get3A_769 = arith.constant 96 : index
        %get3A_770 = tpu.vector_load %arg12[%get3A_767, %get3A_768, %get3A_769] {strides = array<i32>} : memref<2x208x128xf32, #tpu.memory_space<vmem>>, vector<1x1x16xf32>,
        %get3A_771 = vector.shape_cast %get3A_770 : vector<1x1x16xf32> to vector<16xf32>
        %mul3A_772 = arith.mulf %get3A_771, %get3A_235 : vector<16xf32>
        %add3A_773 = arith.addf %add3A_765, %mul3A_772 : vector<16xf32>
        %get3A_774 = arith.constant 1 : i32
        %get3A_775 = arith.index_cast %get3A_774 : i32 to index
        %get3A_776 = arith.index_cast %add3A_718 : i32 to index
        %get3A_777 = arith.constant 112 : index
        %get3A_778 = tpu.vector_load %arg12[%get3A_775, %get3A_776, %get3A_777] {strides = array<i32>} : memref<2x208x128xf32, #tpu.memory_space<vmem>>, vector<1x1x16xf32>,
        %get3A_779 = vector.shape_cast %get3A_778 : vector<1x1x16xf32> to vector<16xf32>
        %mul3A_780 = arith.mulf %get3A_779, %get3A_239 : vector<16xf32>
        %add3A_781 = arith.addf %add3A_773, %mul3A_780 : vector<16xf32>
        %mul3A_782 = arith.constant 16 : i32
        %mul3A_783 = arith.muli %scan3A_245, %mul3A_782 : i32
        %add3A_784 = arith.constant 8 : i32
        %add3A_785 = arith.addi %mul3A_783, %add3A_784 : i32
        %get3A_786 = arith.constant 1 : i32
        %get3A_787 = arith.index_cast %get3A_786 : i32 to index
        %get3A_788 = arith.index_cast %add3A_785 : i32 to index
        %get3A_789 = arith.constant 0 : index
        %get3A_790 = tpu.vector_load %arg12[%get3A_787, %get3A_788, %get3A_789] {strides = array<i32>} : memref<2x208x128xf32, #tpu.memory_space<vmem>>, vector<1x1x16xf32>,
        %get3A_791 = vector.shape_cast %get3A_790 : vector<1x1x16xf32> to vector<16xf32>
        %mul3A_792 = arith.mulf %get3A_791, %get3A_211 : vector<16xf32>
        %get3A_793 = arith.constant 1 : i32
        %get3A_794 = arith.index_cast %get3A_793 : i32 to index
        %get3A_795 = arith.index_cast %add3A_785 : i32 to index
        %get3A_796 = arith.constant 16 : index
        %get3A_797 = tpu.vector_load %arg12[%get3A_794, %get3A_795, %get3A_796] {strides = array<i32>} : memref<2x208x128xf32, #tpu.memory_space<vmem>>, vector<1x1x16xf32>,
        %get3A_798 = vector.shape_cast %get3A_797 : vector<1x1x16xf32> to vector<16xf32>
        %mul3A_799 = arith.mulf %get3A_798, %get3A_215 : vector<16xf32>
        %add3A_800 = arith.addf %mul3A_792, %mul3A_799 : vector<16xf32>
        %get3A_801 = arith.constant 1 : i32
        %get3A_802 = arith.index_cast %get3A_801 : i32 to index
        %get3A_803 = arith.index_cast %add3A_785 : i32 to index
        %get3A_804 = arith.constant 32 : index
        %get3A_805 = tpu.vector_load %arg12[%get3A_802, %get3A_803, %get3A_804] {strides = array<i32>} : memref<2x208x128xf32, #tpu.memory_space<vmem>>, vector<1x1x16xf32>,
        %get3A_806 = vector.shape_cast %get3A_805 : vector<1x1x16xf32> to vector<16xf32>
        %mul3A_807 = arith.mulf %get3A_806, %get3A_219 : vector<16xf32>
        %add3A_808 = arith.addf %add3A_800, %mul3A_807 : vector<16xf32>
        %get3A_809 = arith.constant 1 : i32
        %get3A_810 = arith.index_cast %get3A_809 : i32 to index
        %get3A_811 = arith.index_cast %add3A_785 : i32 to index
        %get3A_812 = arith.constant 48 : index
        %get3A_813 = tpu.vector_load %arg12[%get3A_810, %get3A_811, %get3A_812] {strides = array<i32>} : memref<2x208x128xf32, #tpu.memory_space<vmem>>, vector<1x1x16xf32>,
        %get3A_814 = vector.shape_cast %get3A_813 : vector<1x1x16xf32> to vector<16xf32>
        %mul3A_815 = arith.mulf %get3A_814, %get3A_223 : vector<16xf32>
        %add3A_816 = arith.addf %add3A_808, %mul3A_815 : vector<16xf32>
        %get3A_817 = arith.constant 1 : i32
        %get3A_818 = arith.index_cast %get3A_817 : i32 to index
        %get3A_819 = arith.index_cast %add3A_785 : i32 to index
        %get3A_820 = arith.constant 64 : index
        %get3A_821 = tpu.vector_load %arg12[%get3A_818, %get3A_819, %get3A_820] {strides = array<i32>} : memref<2x208x128xf32, #tpu.memory_space<vmem>>, vector<1x1x16xf32>,
        %get3A_822 = vector.shape_cast %get3A_821 : vector<1x1x16xf32> to vector<16xf32>
        %mul3A_823 = arith.mulf %get3A_822, %get3A_227 : vector<16xf32>
        %add3A_824 = arith.addf %add3A_816, %mul3A_823 : vector<16xf32>
        %get3A_825 = arith.constant 1 : i32
        %get3A_826 = arith.index_cast %get3A_825 : i32 to index
        %get3A_827 = arith.index_cast %add3A_785 : i32 to index
        %get3A_828 = arith.constant 80 : index
        %get3A_829 = tpu.vector_load %arg12[%get3A_826, %get3A_827, %get3A_828] {strides = array<i32>} : memref<2x208x128xf32, #tpu.memory_space<vmem>>, vector<1x1x16xf32>,
        %get3A_830 = vector.shape_cast %get3A_829 : vector<1x1x16xf32> to vector<16xf32>
        %mul3A_831 = arith.mulf %get3A_830, %get3A_231 : vector<16xf32>
        %add3A_832 = arith.addf %add3A_824, %mul3A_831 : vector<16xf32>
        %get3A_833 = arith.constant 1 : i32
        %get3A_834 = arith.index_cast %get3A_833 : i32 to index
        %get3A_835 = arith.index_cast %add3A_785 : i32 to index
        %get3A_836 = arith.constant 96 : index
        %get3A_837 = tpu.vector_load %arg12[%get3A_834, %get3A_835, %get3A_836] {strides = array<i32>} : memref<2x208x128xf32, #tpu.memory_space<vmem>>, vector<1x1x16xf32>,
        %get3A_838 = vector.shape_cast %get3A_837 : vector<1x1x16xf32> to vector<16xf32>
        %mul3A_839 = arith.mulf %get3A_838, %get3A_235 : vector<16xf32>
        %add3A_840 = arith.addf %add3A_832, %mul3A_839 : vector<16xf32>
        %get3A_841 = arith.constant 1 : i32
        %get3A_842 = arith.index_cast %get3A_841 : i32 to index
        %get3A_843 = arith.index_cast %add3A_785 : i32 to index
        %get3A_844 = arith.constant 112 : index
        %get3A_845 = tpu.vector_load %arg12[%get3A_842, %get3A_843, %get3A_844] {strides = array<i32>} : memref<2x208x128xf32, #tpu.memory_space<vmem>>, vector<1x1x16xf32>,
        %get3A_846 = vector.shape_cast %get3A_845 : vector<1x1x16xf32> to vector<16xf32>
        %mul3A_847 = arith.mulf %get3A_846, %get3A_239 : vector<16xf32>
        %add3A_848 = arith.addf %add3A_840, %mul3A_847 : vector<16xf32>
        %mul3A_849 = arith.constant 16 : i32
        %mul3A_850 = arith.muli %scan3A_245, %mul3A_849 : i32
        %add3A_851 = arith.constant 9 : i32
        %add3A_852 = arith.addi %mul3A_850, %add3A_851 : i32
        %get3A_853 = arith.constant 1 : i32
        %get3A_854 = arith.index_cast %get3A_853 : i32 to index
        %get3A_855 = arith.index_cast %add3A_852 : i32 to index
        %get3A_856 = arith.constant 0 : index
        %get3A_857 = tpu.vector_load %arg12[%get3A_854, %get3A_855, %get3A_856] {strides = array<i32>} : memref<2x208x128xf32, #tpu.memory_space<vmem>>, vector<1x1x16xf32>,
        %get3A_858 = vector.shape_cast %get3A_857 : vector<1x1x16xf32> to vector<16xf32>
        %mul3A_859 = arith.mulf %get3A_858, %get3A_211 : vector<16xf32>
        %get3A_860 = arith.constant 1 : i32
        %get3A_861 = arith.index_cast %get3A_860 : i32 to index
        %get3A_862 = arith.index_cast %add3A_852 : i32 to index
        %get3A_863 = arith.constant 16 : index
        %get3A_864 = tpu.vector_load %arg12[%get3A_861, %get3A_862, %get3A_863] {strides = array<i32>} : memref<2x208x128xf32, #tpu.memory_space<vmem>>, vector<1x1x16xf32>,
        %get3A_865 = vector.shape_cast %get3A_864 : vector<1x1x16xf32> to vector<16xf32>
        %mul3A_866 = arith.mulf %get3A_865, %get3A_215 : vector<16xf32>
        %add3A_867 = arith.addf %mul3A_859, %mul3A_866 : vector<16xf32>
        %get3A_868 = arith.constant 1 : i32
        %get3A_869 = arith.index_cast %get3A_868 : i32 to index
        %get3A_870 = arith.index_cast %add3A_852 : i32 to index
        %get3A_871 = arith.constant 32 : index
        %get3A_872 = tpu.vector_load %arg12[%get3A_869, %get3A_870, %get3A_871] {strides = array<i32>} : memref<2x208x128xf32, #tpu.memory_space<vmem>>, vector<1x1x16xf32>,
        %get3A_873 = vector.shape_cast %get3A_872 : vector<1x1x16xf32> to vector<16xf32>
        %mul3A_874 = arith.mulf %get3A_873, %get3A_219 : vector<16xf32>
        %add3A_875 = arith.addf %add3A_867, %mul3A_874 : vector<16xf32>
        %get3A_876 = arith.constant 1 : i32
        %get3A_877 = arith.index_cast %get3A_876 : i32 to index
        %get3A_878 = arith.index_cast %add3A_852 : i32 to index
        %get3A_879 = arith.constant 48 : index
        %get3A_880 = tpu.vector_load %arg12[%get3A_877, %get3A_878, %get3A_879] {strides = array<i32>} : memref<2x208x128xf32, #tpu.memory_space<vmem>>, vector<1x1x16xf32>,
        %get3A_881 = vector.shape_cast %get3A_880 : vector<1x1x16xf32> to vector<16xf32>
        %mul3A_882 = arith.mulf %get3A_881, %get3A_223 : vector<16xf32>
        %add3A_883 = arith.addf %add3A_875, %mul3A_882 : vector<16xf32>
        %get3A_884 = arith.constant 1 : i32
        %get3A_885 = arith.index_cast %get3A_884 : i32 to index
        %get3A_886 = arith.index_cast %add3A_852 : i32 to index
        %get3A_887 = arith.constant 64 : index
        %get3A_888 = tpu.vector_load %arg12[%get3A_885, %get3A_886, %get3A_887] {strides = array<i32>} : memref<2x208x128xf32, #tpu.memory_space<vmem>>, vector<1x1x16xf32>,
        %get3A_889 = vector.shape_cast %get3A_888 : vector<1x1x16xf32> to vector<16xf32>
        %mul3A_890 = arith.mulf %get3A_889, %get3A_227 : vector<16xf32>
        %add3A_891 = arith.addf %add3A_883, %mul3A_890 : vector<16xf32>
        %get3A_892 = arith.constant 1 : i32
        %get3A_893 = arith.index_cast %get3A_892 : i32 to index
        %get3A_894 = arith.index_cast %add3A_852 : i32 to index
        %get3A_895 = arith.constant 80 : index
        %get3A_896 = tpu.vector_load %arg12[%get3A_893, %get3A_894, %get3A_895] {strides = array<i32>} : memref<2x208x128xf32, #tpu.memory_space<vmem>>, vector<1x1x16xf32>,
        %get3A_897 = vector.shape_cast %get3A_896 : vector<1x1x16xf32> to vector<16xf32>
        %mul3A_898 = arith.mulf %get3A_897, %get3A_231 : vector<16xf32>
        %add3A_899 = arith.addf %add3A_891, %mul3A_898 : vector<16xf32>
        %get3A_900 = arith.constant 1 : i32
        %get3A_901 = arith.index_cast %get3A_900 : i32 to index
        %get3A_902 = arith.index_cast %add3A_852 : i32 to index
        %get3A_903 = arith.constant 96 : index
        %get3A_904 = tpu.vector_load %arg12[%get3A_901, %get3A_902, %get3A_903] {strides = array<i32>} : memref<2x208x128xf32, #tpu.memory_space<vmem>>, vector<1x1x16xf32>,
        %get3A_905 = vector.shape_cast %get3A_904 : vector<1x1x16xf32> to vector<16xf32>
        %mul3A_906 = arith.mulf %get3A_905, %get3A_235 : vector<16xf32>
        %add3A_907 = arith.addf %add3A_899, %mul3A_906 : vector<16xf32>
        %get3A_908 = arith.constant 1 : i32
        %get3A_909 = arith.index_cast %get3A_908 : i32 to index
        %get3A_910 = arith.index_cast %add3A_852 : i32 to index
        %get3A_911 = arith.constant 112 : index
        %get3A_912 = tpu.vector_load %arg12[%get3A_909, %get3A_910, %get3A_911] {strides = array<i32>} : memref<2x208x128xf32, #tpu.memory_space<vmem>>, vector<1x1x16xf32>,
        %get3A_913 = vector.shape_cast %get3A_912 : vector<1x1x16xf32> to vector<16xf32>
        %mul3A_914 = arith.mulf %get3A_913, %get3A_239 : vector<16xf32>
        %add3A_915 = arith.addf %add3A_907, %mul3A_914 : vector<16xf32>
        %mul3A_916 = arith.constant 16 : i32
        %mul3A_917 = arith.muli %scan3A_245, %mul3A_916 : i32
        %add3A_918 = arith.constant 10 : i32
        %add3A_919 = arith.addi %mul3A_917, %add3A_918 : i32
        %get3A_920 = arith.constant 1 : i32
        %get3A_921 = arith.index_cast %get3A_920 : i32 to index
        %get3A_922 = arith.index_cast %add3A_919 : i32 to index
        %get3A_923 = arith.constant 0 : index
        %get3A_924 = tpu.vector_load %arg12[%get3A_921, %get3A_922, %get3A_923] {strides = array<i32>} : memref<2x208x128xf32, #tpu.memory_space<vmem>>, vector<1x1x16xf32>,
        %get3A_925 = vector.shape_cast %get3A_924 : vector<1x1x16xf32> to vector<16xf32>
        %mul3A_926 = arith.mulf %get3A_925, %get3A_211 : vector<16xf32>
        %get3A_927 = arith.constant 1 : i32
        %get3A_928 = arith.index_cast %get3A_927 : i32 to index
        %get3A_929 = arith.index_cast %add3A_919 : i32 to index
        %get3A_930 = arith.constant 16 : index
        %get3A_931 = tpu.vector_load %arg12[%get3A_928, %get3A_929, %get3A_930] {strides = array<i32>} : memref<2x208x128xf32, #tpu.memory_space<vmem>>, vector<1x1x16xf32>,
        %get3A_932 = vector.shape_cast %get3A_931 : vector<1x1x16xf32> to vector<16xf32>
        %mul3A_933 = arith.mulf %get3A_932, %get3A_215 : vector<16xf32>
        %add3A_934 = arith.addf %mul3A_926, %mul3A_933 : vector<16xf32>
        %get3A_935 = arith.constant 1 : i32
        %get3A_936 = arith.index_cast %get3A_935 : i32 to index
        %get3A_937 = arith.index_cast %add3A_919 : i32 to index
        %get3A_938 = arith.constant 32 : index
        %get3A_939 = tpu.vector_load %arg12[%get3A_936, %get3A_937, %get3A_938] {strides = array<i32>} : memref<2x208x128xf32, #tpu.memory_space<vmem>>, vector<1x1x16xf32>,
        %get3A_940 = vector.shape_cast %get3A_939 : vector<1x1x16xf32> to vector<16xf32>
        %mul3A_941 = arith.mulf %get3A_940, %get3A_219 : vector<16xf32>
        %add3A_942 = arith.addf %add3A_934, %mul3A_941 : vector<16xf32>
        %get3A_943 = arith.constant 1 : i32
        %get3A_944 = arith.index_cast %get3A_943 : i32 to index
        %get3A_945 = arith.index_cast %add3A_919 : i32 to index
        %get3A_946 = arith.constant 48 : index
        %get3A_947 = tpu.vector_load %arg12[%get3A_944, %get3A_945, %get3A_946] {strides = array<i32>} : memref<2x208x128xf32, #tpu.memory_space<vmem>>, vector<1x1x16xf32>,
        %get3A_948 = vector.shape_cast %get3A_947 : vector<1x1x16xf32> to vector<16xf32>
        %mul3A_949 = arith.mulf %get3A_948, %get3A_223 : vector<16xf32>
        %add3A_950 = arith.addf %add3A_942, %mul3A_949 : vector<16xf32>
        %get3A_951 = arith.constant 1 : i32
        %get3A_952 = arith.index_cast %get3A_951 : i32 to index
        %get3A_953 = arith.index_cast %add3A_919 : i32 to index
        %get3A_954 = arith.constant 64 : index
        %get3A_955 = tpu.vector_load %arg12[%get3A_952, %get3A_953, %get3A_954] {strides = array<i32>} : memref<2x208x128xf32, #tpu.memory_space<vmem>>, vector<1x1x16xf32>,
        %get3A_956 = vector.shape_cast %get3A_955 : vector<1x1x16xf32> to vector<16xf32>
        %mul3A_957 = arith.mulf %get3A_956, %get3A_227 : vector<16xf32>
        %add3A_958 = arith.addf %add3A_950, %mul3A_957 : vector<16xf32>
        %get3A_959 = arith.constant 1 : i32
        %get3A_960 = arith.index_cast %get3A_959 : i32 to index
        %get3A_961 = arith.index_cast %add3A_919 : i32 to index
        %get3A_962 = arith.constant 80 : index
        %get3A_963 = tpu.vector_load %arg12[%get3A_960, %get3A_961, %get3A_962] {strides = array<i32>} : memref<2x208x128xf32, #tpu.memory_space<vmem>>, vector<1x1x16xf32>,
        %get3A_964 = vector.shape_cast %get3A_963 : vector<1x1x16xf32> to vector<16xf32>
        %mul3A_965 = arith.mulf %get3A_964, %get3A_231 : vector<16xf32>
        %add3A_966 = arith.addf %add3A_958, %mul3A_965 : vector<16xf32>
        %get3A_967 = arith.constant 1 : i32
        %get3A_968 = arith.index_cast %get3A_967 : i32 to index
        %get3A_969 = arith.index_cast %add3A_919 : i32 to index
        %get3A_970 = arith.constant 96 : index
        %get3A_971 = tpu.vector_load %arg12[%get3A_968, %get3A_969, %get3A_970] {strides = array<i32>} : memref<2x208x128xf32, #tpu.memory_space<vmem>>, vector<1x1x16xf32>,
        %get3A_972 = vector.shape_cast %get3A_971 : vector<1x1x16xf32> to vector<16xf32>
        %mul3A_973 = arith.mulf %get3A_972, %get3A_235 : vector<16xf32>
        %add3A_974 = arith.addf %add3A_966, %mul3A_973 : vector<16xf32>
        %get3A_975 = arith.constant 1 : i32
        %get3A_976 = arith.index_cast %get3A_975 : i32 to index
        %get3A_977 = arith.index_cast %add3A_919 : i32 to index
        %get3A_978 = arith.constant 112 : index
        %get3A_979 = tpu.vector_load %arg12[%get3A_976, %get3A_977, %get3A_978] {strides = array<i32>} : memref<2x208x128xf32, #tpu.memory_space<vmem>>, vector<1x1x16xf32>,
        %get3A_980 = vector.shape_cast %get3A_979 : vector<1x1x16xf32> to vector<16xf32>
        %mul3A_981 = arith.mulf %get3A_980, %get3A_239 : vector<16xf32>
        %add3A_982 = arith.addf %add3A_974, %mul3A_981 : vector<16xf32>
        %mul3A_983 = arith.constant 16 : i32
        %mul3A_984 = arith.muli %scan3A_245, %mul3A_983 : i32
        %add3A_985 = arith.constant 11 : i32
        %add3A_986 = arith.addi %mul3A_984, %add3A_985 : i32
        %get3A_987 = arith.constant 1 : i32
        %get3A_988 = arith.index_cast %get3A_987 : i32 to index
        %get3A_989 = arith.index_cast %add3A_986 : i32 to index
        %get3A_990 = arith.constant 0 : index
        %get3A_991 = tpu.vector_load %arg12[%get3A_988, %get3A_989, %get3A_990] {strides = array<i32>} : memref<2x208x128xf32, #tpu.memory_space<vmem>>, vector<1x1x16xf32>,
        %get3A_992 = vector.shape_cast %get3A_991 : vector<1x1x16xf32> to vector<16xf32>
        %mul3A_993 = arith.mulf %get3A_992, %get3A_211 : vector<16xf32>
        %get3A_994 = arith.constant 1 : i32
        %get3A_995 = arith.index_cast %get3A_994 : i32 to index
        %get3A_996 = arith.index_cast %add3A_986 : i32 to index
        %get3A_997 = arith.constant 16 : index
        %get3A_998 = tpu.vector_load %arg12[%get3A_995, %get3A_996, %get3A_997] {strides = array<i32>} : memref<2x208x128xf32, #tpu.memory_space<vmem>>, vector<1x1x16xf32>,
        %get3A_999 = vector.shape_cast %get3A_998 : vector<1x1x16xf32> to vector<16xf32>
        %mul3A_1000 = arith.mulf %get3A_999, %get3A_215 : vector<16xf32>
        %add3A_1001 = arith.addf %mul3A_993, %mul3A_1000 : vector<16xf32>
        %get3A_1002 = arith.constant 1 : i32
        %get3A_1003 = arith.index_cast %get3A_1002 : i32 to index
        %get3A_1004 = arith.index_cast %add3A_986 : i32 to index
        %get3A_1005 = arith.constant 32 : index
        %get3A_1006 = tpu.vector_load %arg12[%get3A_1003, %get3A_1004, %get3A_1005] {strides = array<i32>} : memref<2x208x128xf32, #tpu.memory_space<vmem>>, vector<1x1x16xf32>,
        %get3A_1007 = vector.shape_cast %get3A_1006 : vector<1x1x16xf32> to vector<16xf32>
        %mul3A_1008 = arith.mulf %get3A_1007, %get3A_219 : vector<16xf32>
        %add3A_1009 = arith.addf %add3A_1001, %mul3A_1008 : vector<16xf32>
        %get3A_1010 = arith.constant 1 : i32
        %get3A_1011 = arith.index_cast %get3A_1010 : i32 to index
        %get3A_1012 = arith.index_cast %add3A_986 : i32 to index
        %get3A_1013 = arith.constant 48 : index
        %get3A_1014 = tpu.vector_load %arg12[%get3A_1011, %get3A_1012, %get3A_1013] {strides = array<i32>} : memref<2x208x128xf32, #tpu.memory_space<vmem>>, vector<1x1x16xf32>,
        %get3A_1015 = vector.shape_cast %get3A_1014 : vector<1x1x16xf32> to vector<16xf32>
        %mul3A_1016 = arith.mulf %get3A_1015, %get3A_223 : vector<16xf32>
        %add3A_1017 = arith.addf %add3A_1009, %mul3A_1016 : vector<16xf32>
        %get3A_1018 = arith.constant 1 : i32
        %get3A_1019 = arith.index_cast %get3A_1018 : i32 to index
        %get3A_1020 = arith.index_cast %add3A_986 : i32 to index
        %get3A_1021 = arith.constant 64 : index
        %get3A_1022 = tpu.vector_load %arg12[%get3A_1019, %get3A_1020, %get3A_1021] {strides = array<i32>} : memref<2x208x128xf32, #tpu.memory_space<vmem>>, vector<1x1x16xf32>,
        %get3A_1023 = vector.shape_cast %get3A_1022 : vector<1x1x16xf32> to vector<16xf32>
        %mul3A_1024 = arith.mulf %get3A_1023, %get3A_227 : vector<16xf32>
        %add3A_1025 = arith.addf %add3A_1017, %mul3A_1024 : vector<16xf32>
        %get3A_1026 = arith.constant 1 : i32
        %get3A_1027 = arith.index_cast %get3A_1026 : i32 to index
        %get3A_1028 = arith.index_cast %add3A_986 : i32 to index
        %get3A_1029 = arith.constant 80 : index
        %get3A_1030 = tpu.vector_load %arg12[%get3A_1027, %get3A_1028, %get3A_1029] {strides = array<i32>} : memref<2x208x128xf32, #tpu.memory_space<vmem>>, vector<1x1x16xf32>,
        %get3A_1031 = vector.shape_cast %get3A_1030 : vector<1x1x16xf32> to vector<16xf32>
        %mul3A_1032 = arith.mulf %get3A_1031, %get3A_231 : vector<16xf32>
        %add3A_1033 = arith.addf %add3A_1025, %mul3A_1032 : vector<16xf32>
        %get3A_1034 = arith.constant 1 : i32
        %get3A_1035 = arith.index_cast %get3A_1034 : i32 to index
        %get3A_1036 = arith.index_cast %add3A_986 : i32 to index
        %get3A_1037 = arith.constant 96 : index
        %get3A_1038 = tpu.vector_load %arg12[%get3A_1035, %get3A_1036, %get3A_1037] {strides = array<i32>} : memref<2x208x128xf32, #tpu.memory_space<vmem>>, vector<1x1x16xf32>,
        %get3A_1039 = vector.shape_cast %get3A_1038 : vector<1x1x16xf32> to vector<16xf32>
        %mul3A_1040 = arith.mulf %get3A_1039, %get3A_235 : vector<16xf32>
        %add3A_1041 = arith.addf %add3A_1033, %mul3A_1040 : vector<16xf32>
        %get3A_1042 = arith.constant 1 : i32
        %get3A_1043 = arith.index_cast %get3A_1042 : i32 to index
        %get3A_1044 = arith.index_cast %add3A_986 : i32 to index
        %get3A_1045 = arith.constant 112 : index
        %get3A_1046 = tpu.vector_load %arg12[%get3A_1043, %get3A_1044, %get3A_1045] {strides = array<i32>} : memref<2x208x128xf32, #tpu.memory_space<vmem>>, vector<1x1x16xf32>,
        %get3A_1047 = vector.shape_cast %get3A_1046 : vector<1x1x16xf32> to vector<16xf32>
        %mul3A_1048 = arith.mulf %get3A_1047, %get3A_239 : vector<16xf32>
        %add3A_1049 = arith.addf %add3A_1041, %mul3A_1048 : vector<16xf32>
        %mul3A_1050 = arith.constant 16 : i32
        %mul3A_1051 = arith.muli %scan3A_245, %mul3A_1050 : i32
        %add3A_1052 = arith.constant 12 : i32
        %add3A_1053 = arith.addi %mul3A_1051, %add3A_1052 : i32
        %get3A_1054 = arith.constant 1 : i32
        %get3A_1055 = arith.index_cast %get3A_1054 : i32 to index
        %get3A_1056 = arith.index_cast %add3A_1053 : i32 to index
        %get3A_1057 = arith.constant 0 : index
        %get3A_1058 = tpu.vector_load %arg12[%get3A_1055, %get3A_1056, %get3A_1057] {strides = array<i32>} : memref<2x208x128xf32, #tpu.memory_space<vmem>>, vector<1x1x16xf32>,
        %get3A_1059 = vector.shape_cast %get3A_1058 : vector<1x1x16xf32> to vector<16xf32>
        %mul3A_1060 = arith.mulf %get3A_1059, %get3A_211 : vector<16xf32>
        %get3A_1061 = arith.constant 1 : i32
        %get3A_1062 = arith.index_cast %get3A_1061 : i32 to index
        %get3A_1063 = arith.index_cast %add3A_1053 : i32 to index
        %get3A_1064 = arith.constant 16 : index
        %get3A_1065 = tpu.vector_load %arg12[%get3A_1062, %get3A_1063, %get3A_1064] {strides = array<i32>} : memref<2x208x128xf32, #tpu.memory_space<vmem>>, vector<1x1x16xf32>,
        %get3A_1066 = vector.shape_cast %get3A_1065 : vector<1x1x16xf32> to vector<16xf32>
        %mul3A_1067 = arith.mulf %get3A_1066, %get3A_215 : vector<16xf32>
        %add3A_1068 = arith.addf %mul3A_1060, %mul3A_1067 : vector<16xf32>
        %get3A_1069 = arith.constant 1 : i32
        %get3A_1070 = arith.index_cast %get3A_1069 : i32 to index
        %get3A_1071 = arith.index_cast %add3A_1053 : i32 to index
        %get3A_1072 = arith.constant 32 : index
        %get3A_1073 = tpu.vector_load %arg12[%get3A_1070, %get3A_1071, %get3A_1072] {strides = array<i32>} : memref<2x208x128xf32, #tpu.memory_space<vmem>>, vector<1x1x16xf32>,
        %get3A_1074 = vector.shape_cast %get3A_1073 : vector<1x1x16xf32> to vector<16xf32>
        %mul3A_1075 = arith.mulf %get3A_1074, %get3A_219 : vector<16xf32>
        %add3A_1076 = arith.addf %add3A_1068, %mul3A_1075 : vector<16xf32>
        %get3A_1077 = arith.constant 1 : i32
        %get3A_1078 = arith.index_cast %get3A_1077 : i32 to index
        %get3A_1079 = arith.index_cast %add3A_1053 : i32 to index
        %get3A_1080 = arith.constant 48 : index
        %get3A_1081 = tpu.vector_load %arg12[%get3A_1078, %get3A_1079, %get3A_1080] {strides = array<i32>} : memref<2x208x128xf32, #tpu.memory_space<vmem>>, vector<1x1x16xf32>,
        %get3A_1082 = vector.shape_cast %get3A_1081 : vector<1x1x16xf32> to vector<16xf32>
        %mul3A_1083 = arith.mulf %get3A_1082, %get3A_223 : vector<16xf32>
        %add3A_1084 = arith.addf %add3A_1076, %mul3A_1083 : vector<16xf32>
        %get3A_1085 = arith.constant 1 : i32
        %get3A_1086 = arith.index_cast %get3A_1085 : i32 to index
        %get3A_1087 = arith.index_cast %add3A_1053 : i32 to index
        %get3A_1088 = arith.constant 64 : index
        %get3A_1089 = tpu.vector_load %arg12[%get3A_1086, %get3A_1087, %get3A_1088] {strides = array<i32>} : memref<2x208x128xf32, #tpu.memory_space<vmem>>, vector<1x1x16xf32>,
        %get3A_1090 = vector.shape_cast %get3A_1089 : vector<1x1x16xf32> to vector<16xf32>
        %mul3A_1091 = arith.mulf %get3A_1090, %get3A_227 : vector<16xf32>
        %add3A_1092 = arith.addf %add3A_1084, %mul3A_1091 : vector<16xf32>
        %get3A_1093 = arith.constant 1 : i32
        %get3A_1094 = arith.index_cast %get3A_1093 : i32 to index
        %get3A_1095 = arith.index_cast %add3A_1053 : i32 to index
        %get3A_1096 = arith.constant 80 : index
        %get3A_1097 = tpu.vector_load %arg12[%get3A_1094, %get3A_1095, %get3A_1096] {strides = array<i32>} : memref<2x208x128xf32, #tpu.memory_space<vmem>>, vector<1x1x16xf32>,
        %get3A_1098 = vector.shape_cast %get3A_1097 : vector<1x1x16xf32> to vector<16xf32>
        %mul3A_1099 = arith.mulf %get3A_1098, %get3A_231 : vector<16xf32>
        %add3A_1100 = arith.addf %add3A_1092, %mul3A_1099 : vector<16xf32>
        %get3A_1101 = arith.constant 1 : i32
        %get3A_1102 = arith.index_cast %get3A_1101 : i32 to index
        %get3A_1103 = arith.index_cast %add3A_1053 : i32 to index
        %get3A_1104 = arith.constant 96 : index
        %get3A_1105 = tpu.vector_load %arg12[%get3A_1102, %get3A_1103, %get3A_1104] {strides = array<i32>} : memref<2x208x128xf32, #tpu.memory_space<vmem>>, vector<1x1x16xf32>,
        %get3A_1106 = vector.shape_cast %get3A_1105 : vector<1x1x16xf32> to vector<16xf32>
        %mul3A_1107 = arith.mulf %get3A_1106, %get3A_235 : vector<16xf32>
        %add3A_1108 = arith.addf %add3A_1100, %mul3A_1107 : vector<16xf32>
        %get3A_1109 = arith.constant 1 : i32
        %get3A_1110 = arith.index_cast %get3A_1109 : i32 to index
        %get3A_1111 = arith.index_cast %add3A_1053 : i32 to index
        %get3A_1112 = arith.constant 112 : index
        %get3A_1113 = tpu.vector_load %arg12[%get3A_1110, %get3A_1111, %get3A_1112] {strides = array<i32>} : memref<2x208x128xf32, #tpu.memory_space<vmem>>, vector<1x1x16xf32>,
        %get3A_1114 = vector.shape_cast %get3A_1113 : vector<1x1x16xf32> to vector<16xf32>
        %mul3A_1115 = arith.mulf %get3A_1114, %get3A_239 : vector<16xf32>
        %add3A_1116 = arith.addf %add3A_1108, %mul3A_1115 : vector<16xf32>
        %mul3A_1117 = arith.constant 16 : i32
        %mul3A_1118 = arith.muli %scan3A_245, %mul3A_1117 : i32
        %add3A_1119 = arith.constant 13 : i32
        %add3A_1120 = arith.addi %mul3A_1118, %add3A_1119 : i32
        %get3A_1121 = arith.constant 1 : i32
        %get3A_1122 = arith.index_cast %get3A_1121 : i32 to index
        %get3A_1123 = arith.index_cast %add3A_1120 : i32 to index
        %get3A_1124 = arith.constant 0 : index
        %get3A_1125 = tpu.vector_load %arg12[%get3A_1122, %get3A_1123, %get3A_1124] {strides = array<i32>} : memref<2x208x128xf32, #tpu.memory_space<vmem>>, vector<1x1x16xf32>,
        %get3A_1126 = vector.shape_cast %get3A_1125 : vector<1x1x16xf32> to vector<16xf32>
        %mul3A_1127 = arith.mulf %get3A_1126, %get3A_211 : vector<16xf32>
        %get3A_1128 = arith.constant 1 : i32
        %get3A_1129 = arith.index_cast %get3A_1128 : i32 to index
        %get3A_1130 = arith.index_cast %add3A_1120 : i32 to index
        %get3A_1131 = arith.constant 16 : index
        %get3A_1132 = tpu.vector_load %arg12[%get3A_1129, %get3A_1130, %get3A_1131] {strides = array<i32>} : memref<2x208x128xf32, #tpu.memory_space<vmem>>, vector<1x1x16xf32>,
        %get3A_1133 = vector.shape_cast %get3A_1132 : vector<1x1x16xf32> to vector<16xf32>
        %mul3A_1134 = arith.mulf %get3A_1133, %get3A_215 : vector<16xf32>
        %add3A_1135 = arith.addf %mul3A_1127, %mul3A_1134 : vector<16xf32>
        %get3A_1136 = arith.constant 1 : i32
        %get3A_1137 = arith.index_cast %get3A_1136 : i32 to index
        %get3A_1138 = arith.index_cast %add3A_1120 : i32 to index
        %get3A_1139 = arith.constant 32 : index
        %get3A_1140 = tpu.vector_load %arg12[%get3A_1137, %get3A_1138, %get3A_1139] {strides = array<i32>} : memref<2x208x128xf32, #tpu.memory_space<vmem>>, vector<1x1x16xf32>,
        %get3A_1141 = vector.shape_cast %get3A_1140 : vector<1x1x16xf32> to vector<16xf32>
        %mul3A_1142 = arith.mulf %get3A_1141, %get3A_219 : vector<16xf32>
        %add3A_1143 = arith.addf %add3A_1135, %mul3A_1142 : vector<16xf32>
        %get3A_1144 = arith.constant 1 : i32
        %get3A_1145 = arith.index_cast %get3A_1144 : i32 to index
        %get3A_1146 = arith.index_cast %add3A_1120 : i32 to index
        %get3A_1147 = arith.constant 48 : index
        %get3A_1148 = tpu.vector_load %arg12[%get3A_1145, %get3A_1146, %get3A_1147] {strides = array<i32>} : memref<2x208x128xf32, #tpu.memory_space<vmem>>, vector<1x1x16xf32>,
        %get3A_1149 = vector.shape_cast %get3A_1148 : vector<1x1x16xf32> to vector<16xf32>
        %mul3A_1150 = arith.mulf %get3A_1149, %get3A_223 : vector<16xf32>
        %add3A_1151 = arith.addf %add3A_1143, %mul3A_1150 : vector<16xf32>
        %get3A_1152 = arith.constant 1 : i32
        %get3A_1153 = arith.index_cast %get3A_1152 : i32 to index
        %get3A_1154 = arith.index_cast %add3A_1120 : i32 to index
        %get3A_1155 = arith.constant 64 : index
        %get3A_1156 = tpu.vector_load %arg12[%get3A_1153, %get3A_1154, %get3A_1155] {strides = array<i32>} : memref<2x208x128xf32, #tpu.memory_space<vmem>>, vector<1x1x16xf32>,
        %get3A_1157 = vector.shape_cast %get3A_1156 : vector<1x1x16xf32> to vector<16xf32>
        %mul3A_1158 = arith.mulf %get3A_1157, %get3A_227 : vector<16xf32>
        %add3A_1159 = arith.addf %add3A_1151, %mul3A_1158 : vector<16xf32>
        %get3A_1160 = arith.constant 1 : i32
        %get3A_1161 = arith.index_cast %get3A_1160 : i32 to index
        %get3A_1162 = arith.index_cast %add3A_1120 : i32 to index
        %get3A_1163 = arith.constant 80 : index
        %get3A_1164 = tpu.vector_load %arg12[%get3A_1161, %get3A_1162, %get3A_1163] {strides = array<i32>} : memref<2x208x128xf32, #tpu.memory_space<vmem>>, vector<1x1x16xf32>,
        %get3A_1165 = vector.shape_cast %get3A_1164 : vector<1x1x16xf32> to vector<16xf32>
        %mul3A_1166 = arith.mulf %get3A_1165, %get3A_231 : vector<16xf32>
        %add3A_1167 = arith.addf %add3A_1159, %mul3A_1166 : vector<16xf32>
        %get3A_1168 = arith.constant 1 : i32
        %get3A_1169 = arith.index_cast %get3A_1168 : i32 to index
        %get3A_1170 = arith.index_cast %add3A_1120 : i32 to index
        %get3A_1171 = arith.constant 96 : index
        %get3A_1172 = tpu.vector_load %arg12[%get3A_1169, %get3A_1170, %get3A_1171] {strides = array<i32>} : memref<2x208x128xf32, #tpu.memory_space<vmem>>, vector<1x1x16xf32>,
        %get3A_1173 = vector.shape_cast %get3A_1172 : vector<1x1x16xf32> to vector<16xf32>
        %mul3A_1174 = arith.mulf %get3A_1173, %get3A_235 : vector<16xf32>
        %add3A_1175 = arith.addf %add3A_1167, %mul3A_1174 : vector<16xf32>
        %get3A_1176 = arith.constant 1 : i32
        %get3A_1177 = arith.index_cast %get3A_1176 : i32 to index
        %get3A_1178 = arith.index_cast %add3A_1120 : i32 to index
        %get3A_1179 = arith.constant 112 : index
        %get3A_1180 = tpu.vector_load %arg12[%get3A_1177, %get3A_1178, %get3A_1179] {strides = array<i32>} : memref<2x208x128xf32, #tpu.memory_space<vmem>>, vector<1x1x16xf32>,
        %get3A_1181 = vector.shape_cast %get3A_1180 : vector<1x1x16xf32> to vector<16xf32>
        %mul3A_1182 = arith.mulf %get3A_1181, %get3A_239 : vector<16xf32>
        %add3A_1183 = arith.addf %add3A_1175, %mul3A_1182 : vector<16xf32>
        %mul3A_1184 = arith.constant 16 : i32
        %mul3A_1185 = arith.muli %scan3A_245, %mul3A_1184 : i32
        %add3A_1186 = arith.constant 14 : i32
        %add3A_1187 = arith.addi %mul3A_1185, %add3A_1186 : i32
        %get3A_1188 = arith.constant 1 : i32
        %get3A_1189 = arith.index_cast %get3A_1188 : i32 to index
        %get3A_1190 = arith.index_cast %add3A_1187 : i32 to index
        %get3A_1191 = arith.constant 0 : index
        %get3A_1192 = tpu.vector_load %arg12[%get3A_1189, %get3A_1190, %get3A_1191] {strides = array<i32>} : memref<2x208x128xf32, #tpu.memory_space<vmem>>, vector<1x1x16xf32>,
        %get3A_1193 = vector.shape_cast %get3A_1192 : vector<1x1x16xf32> to vector<16xf32>
        %mul3A_1194 = arith.mulf %get3A_1193, %get3A_211 : vector<16xf32>
        %get3A_1195 = arith.constant 1 : i32
        %get3A_1196 = arith.index_cast %get3A_1195 : i32 to index
        %get3A_1197 = arith.index_cast %add3A_1187 : i32 to index
        %get3A_1198 = arith.constant 16 : index
        %get3A_1199 = tpu.vector_load %arg12[%get3A_1196, %get3A_1197, %get3A_1198] {strides = array<i32>} : memref<2x208x128xf32, #tpu.memory_space<vmem>>, vector<1x1x16xf32>,
        %get3A_1200 = vector.shape_cast %get3A_1199 : vector<1x1x16xf32> to vector<16xf32>
        %mul3A_1201 = arith.mulf %get3A_1200, %get3A_215 : vector<16xf32>
        %add3A_1202 = arith.addf %mul3A_1194, %mul3A_1201 : vector<16xf32>
        %get3A_1203 = arith.constant 1 : i32
        %get3A_1204 = arith.index_cast %get3A_1203 : i32 to index
        %get3A_1205 = arith.index_cast %add3A_1187 : i32 to index
        %get3A_1206 = arith.constant 32 : index
        %get3A_1207 = tpu.vector_load %arg12[%get3A_1204, %get3A_1205, %get3A_1206] {strides = array<i32>} : memref<2x208x128xf32, #tpu.memory_space<vmem>>, vector<1x1x16xf32>,
        %get3A_1208 = vector.shape_cast %get3A_1207 : vector<1x1x16xf32> to vector<16xf32>
        %mul3A_1209 = arith.mulf %get3A_1208, %get3A_219 : vector<16xf32>
        %add3A_1210 = arith.addf %add3A_1202, %mul3A_1209 : vector<16xf32>
        %get3A_1211 = arith.constant 1 : i32
        %get3A_1212 = arith.index_cast %get3A_1211 : i32 to index
        %get3A_1213 = arith.index_cast %add3A_1187 : i32 to index
        %get3A_1214 = arith.constant 48 : index
        %get3A_1215 = tpu.vector_load %arg12[%get3A_1212, %get3A_1213, %get3A_1214] {strides = array<i32>} : memref<2x208x128xf32, #tpu.memory_space<vmem>>, vector<1x1x16xf32>,
        %get3A_1216 = vector.shape_cast %get3A_1215 : vector<1x1x16xf32> to vector<16xf32>
        %mul3A_1217 = arith.mulf %get3A_1216, %get3A_223 : vector<16xf32>
        %add3A_1218 = arith.addf %add3A_1210, %mul3A_1217 : vector<16xf32>
        %get3A_1219 = arith.constant 1 : i32
        %get3A_1220 = arith.index_cast %get3A_1219 : i32 to index
        %get3A_1221 = arith.index_cast %add3A_1187 : i32 to index
        %get3A_1222 = arith.constant 64 : index
        %get3A_1223 = tpu.vector_load %arg12[%get3A_1220, %get3A_1221, %get3A_1222] {strides = array<i32>} : memref<2x208x128xf32, #tpu.memory_space<vmem>>, vector<1x1x16xf32>,
        %get3A_1224 = vector.shape_cast %get3A_1223 : vector<1x1x16xf32> to vector<16xf32>
        %mul3A_1225 = arith.mulf %get3A_1224, %get3A_227 : vector<16xf32>
        %add3A_1226 = arith.addf %add3A_1218, %mul3A_1225 : vector<16xf32>
        %get3A_1227 = arith.constant 1 : i32
        %get3A_1228 = arith.index_cast %get3A_1227 : i32 to index
        %get3A_1229 = arith.index_cast %add3A_1187 : i32 to index
        %get3A_1230 = arith.constant 80 : index
        %get3A_1231 = tpu.vector_load %arg12[%get3A_1228, %get3A_1229, %get3A_1230] {strides = array<i32>} : memref<2x208x128xf32, #tpu.memory_space<vmem>>, vector<1x1x16xf32>,
        %get3A_1232 = vector.shape_cast %get3A_1231 : vector<1x1x16xf32> to vector<16xf32>
        %mul3A_1233 = arith.mulf %get3A_1232, %get3A_231 : vector<16xf32>
        %add3A_1234 = arith.addf %add3A_1226, %mul3A_1233 : vector<16xf32>
        %get3A_1235 = arith.constant 1 : i32
        %get3A_1236 = arith.index_cast %get3A_1235 : i32 to index
        %get3A_1237 = arith.index_cast %add3A_1187 : i32 to index
        %get3A_1238 = arith.constant 96 : index
        %get3A_1239 = tpu.vector_load %arg12[%get3A_1236, %get3A_1237, %get3A_1238] {strides = array<i32>} : memref<2x208x128xf32, #tpu.memory_space<vmem>>, vector<1x1x16xf32>,
        %get3A_1240 = vector.shape_cast %get3A_1239 : vector<1x1x16xf32> to vector<16xf32>
        %mul3A_1241 = arith.mulf %get3A_1240, %get3A_235 : vector<16xf32>
        %add3A_1242 = arith.addf %add3A_1234, %mul3A_1241 : vector<16xf32>
        %get3A_1243 = arith.constant 1 : i32
        %get3A_1244 = arith.index_cast %get3A_1243 : i32 to index
        %get3A_1245 = arith.index_cast %add3A_1187 : i32 to index
        %get3A_1246 = arith.constant 112 : index
        %get3A_1247 = tpu.vector_load %arg12[%get3A_1244, %get3A_1245, %get3A_1246] {strides = array<i32>} : memref<2x208x128xf32, #tpu.memory_space<vmem>>, vector<1x1x16xf32>,
        %get3A_1248 = vector.shape_cast %get3A_1247 : vector<1x1x16xf32> to vector<16xf32>
        %mul3A_1249 = arith.mulf %get3A_1248, %get3A_239 : vector<16xf32>
        %add3A_1250 = arith.addf %add3A_1242, %mul3A_1249 : vector<16xf32>
        %mul3A_1251 = arith.constant 16 : i32
        %mul3A_1252 = arith.muli %scan3A_245, %mul3A_1251 : i32
        %add3A_1253 = arith.constant 15 : i32
        %add3A_1254 = arith.addi %mul3A_1252, %add3A_1253 : i32
        %get3A_1255 = arith.constant 1 : i32
        %get3A_1256 = arith.index_cast %get3A_1255 : i32 to index
        %get3A_1257 = arith.index_cast %add3A_1254 : i32 to index
        %get3A_1258 = arith.constant 0 : index
        %get3A_1259 = tpu.vector_load %arg12[%get3A_1256, %get3A_1257, %get3A_1258] {strides = array<i32>} : memref<2x208x128xf32, #tpu.memory_space<vmem>>, vector<1x1x16xf32>,
        %get3A_1260 = vector.shape_cast %get3A_1259 : vector<1x1x16xf32> to vector<16xf32>
        %mul3A_1261 = arith.mulf %get3A_1260, %get3A_211 : vector<16xf32>
        %get3A_1262 = arith.constant 1 : i32
        %get3A_1263 = arith.index_cast %get3A_1262 : i32 to index
        %get3A_1264 = arith.index_cast %add3A_1254 : i32 to index
        %get3A_1265 = arith.constant 16 : index
        %get3A_1266 = tpu.vector_load %arg12[%get3A_1263, %get3A_1264, %get3A_1265] {strides = array<i32>} : memref<2x208x128xf32, #tpu.memory_space<vmem>>, vector<1x1x16xf32>,
        %get3A_1267 = vector.shape_cast %get3A_1266 : vector<1x1x16xf32> to vector<16xf32>
        %mul3A_1268 = arith.mulf %get3A_1267, %get3A_215 : vector<16xf32>
        %add3A_1269 = arith.addf %mul3A_1261, %mul3A_1268 : vector<16xf32>
        %get3A_1270 = arith.constant 1 : i32
        %get3A_1271 = arith.index_cast %get3A_1270 : i32 to index
        %get3A_1272 = arith.index_cast %add3A_1254 : i32 to index
        %get3A_1273 = arith.constant 32 : index
        %get3A_1274 = tpu.vector_load %arg12[%get3A_1271, %get3A_1272, %get3A_1273] {strides = array<i32>} : memref<2x208x128xf32, #tpu.memory_space<vmem>>, vector<1x1x16xf32>,
        %get3A_1275 = vector.shape_cast %get3A_1274 : vector<1x1x16xf32> to vector<16xf32>
        %mul3A_1276 = arith.mulf %get3A_1275, %get3A_219 : vector<16xf32>
        %add3A_1277 = arith.addf %add3A_1269, %mul3A_1276 : vector<16xf32>
        %get3A_1278 = arith.constant 1 : i32
        %get3A_1279 = arith.index_cast %get3A_1278 : i32 to index
        %get3A_1280 = arith.index_cast %add3A_1254 : i32 to index
        %get3A_1281 = arith.constant 48 : index
        %get3A_1282 = tpu.vector_load %arg12[%get3A_1279, %get3A_1280, %get3A_1281] {strides = array<i32>} : memref<2x208x128xf32, #tpu.memory_space<vmem>>, vector<1x1x16xf32>,
        %get3A_1283 = vector.shape_cast %get3A_1282 : vector<1x1x16xf32> to vector<16xf32>
        %mul3A_1284 = arith.mulf %get3A_1283, %get3A_223 : vector<16xf32>
        %add3A_1285 = arith.addf %add3A_1277, %mul3A_1284 : vector<16xf32>
        %get3A_1286 = arith.constant 1 : i32
        %get3A_1287 = arith.index_cast %get3A_1286 : i32 to index
        %get3A_1288 = arith.index_cast %add3A_1254 : i32 to index
        %get3A_1289 = arith.constant 64 : index
        %get3A_1290 = tpu.vector_load %arg12[%get3A_1287, %get3A_1288, %get3A_1289] {strides = array<i32>} : memref<2x208x128xf32, #tpu.memory_space<vmem>>, vector<1x1x16xf32>,
        %get3A_1291 = vector.shape_cast %get3A_1290 : vector<1x1x16xf32> to vector<16xf32>
        %mul3A_1292 = arith.mulf %get3A_1291, %get3A_227 : vector<16xf32>
        %add3A_1293 = arith.addf %add3A_1285, %mul3A_1292 : vector<16xf32>
        %get3A_1294 = arith.constant 1 : i32
        %get3A_1295 = arith.index_cast %get3A_1294 : i32 to index
        %get3A_1296 = arith.index_cast %add3A_1254 : i32 to index
        %get3A_1297 = arith.constant 80 : index
        %get3A_1298 = tpu.vector_load %arg12[%get3A_1295, %get3A_1296, %get3A_1297] {strides = array<i32>} : memref<2x208x128xf32, #tpu.memory_space<vmem>>, vector<1x1x16xf32>,
        %get3A_1299 = vector.shape_cast %get3A_1298 : vector<1x1x16xf32> to vector<16xf32>
        %mul3A_1300 = arith.mulf %get3A_1299, %get3A_231 : vector<16xf32>
        %add3A_1301 = arith.addf %add3A_1293, %mul3A_1300 : vector<16xf32>
        %get3A_1302 = arith.constant 1 : i32
        %get3A_1303 = arith.index_cast %get3A_1302 : i32 to index
        %get3A_1304 = arith.index_cast %add3A_1254 : i32 to index
        %get3A_1305 = arith.constant 96 : index
        %get3A_1306 = tpu.vector_load %arg12[%get3A_1303, %get3A_1304, %get3A_1305] {strides = array<i32>} : memref<2x208x128xf32, #tpu.memory_space<vmem>>, vector<1x1x16xf32>,
        %get3A_1307 = vector.shape_cast %get3A_1306 : vector<1x1x16xf32> to vector<16xf32>
        %mul3A_1308 = arith.mulf %get3A_1307, %get3A_235 : vector<16xf32>
        %add3A_1309 = arith.addf %add3A_1301, %mul3A_1308 : vector<16xf32>
        %get3A_1310 = arith.constant 1 : i32
        %get3A_1311 = arith.index_cast %get3A_1310 : i32 to index
        %get3A_1312 = arith.index_cast %add3A_1254 : i32 to index
        %get3A_1313 = arith.constant 112 : index
        %get3A_1314 = tpu.vector_load %arg12[%get3A_1311, %get3A_1312, %get3A_1313] {strides = array<i32>} : memref<2x208x128xf32, #tpu.memory_space<vmem>>, vector<1x1x16xf32>,
        %get3A_1315 = vector.shape_cast %get3A_1314 : vector<1x1x16xf32> to vector<16xf32>
        %mul3A_1316 = arith.mulf %get3A_1315, %get3A_239 : vector<16xf32>
        %add3A_1317 = arith.addf %add3A_1309, %mul3A_1316 : vector<16xf32>
        %xor3A = arith.constant 1 : i32
        %xor3A_1318 = vector.broadcast %xor3A : i32 to vector<16xi32>
        %xor3A_1319 = arith.xori %iota3A, %xor3A_1318 : vector<16xi32>
        %lt3A_1320 = arith.constant 0 : i32
        %lt3A_1321 = vector.broadcast %lt3A_1320 : i32 to vector<16xi32>
        %lt3A_1322 = arith.cmpi slt, %xor3A_1319, %lt3A_1321 : vector<16xi32>
        %add3A_1323 = arith.constant 16 : i32
        %add3A_1324 = vector.broadcast %add3A_1323 : i32 to vector<16xi32>
        %add3A_1325 = arith.addi %xor3A_1319, %add3A_1324 : vector<16xi32>
        %select_n3A = arith.select %lt3A_1322, %add3A_1325, %xor3A_1319 : vector<16xi1>, vector<16xi32>
        %broadcast_in_dim3A = vector.shape_cast %select_n3A : vector<16xi32> to vector<16x1xi32>
        %gather3A = vector.shape_cast %broadcast_in_dim3A : vector<16x1xi32> to vector<16xi32>
        %gather3A_1326 = tpu.dynamic_gather %add3A_312[%gather3A] in [0] : vector<16xf32>, vector<16xi32> -> vector<16xf32>
        %xor3A_1327 = arith.constant 1 : i32
        %xor3A_1328 = vector.broadcast %xor3A_1327 : i32 to vector<16xi32>
        %xor3A_1329 = arith.xori %iota3A, %xor3A_1328 : vector<16xi32>
        %lt3A_1330 = arith.constant 0 : i32
        %lt3A_1331 = vector.broadcast %lt3A_1330 : i32 to vector<16xi32>
        %lt3A_1332 = arith.cmpi slt, %xor3A_1329, %lt3A_1331 : vector<16xi32>
        %add3A_1333 = arith.constant 16 : i32
        %add3A_1334 = vector.broadcast %add3A_1333 : i32 to vector<16xi32>
        %add3A_1335 = arith.addi %xor3A_1329, %add3A_1334 : vector<16xi32>
        %select_n3A_1336 = arith.select %lt3A_1332, %add3A_1335, %xor3A_1329 : vector<16xi1>, vector<16xi32>
        %broadcast_in_dim3A_1337 = vector.shape_cast %select_n3A_1336 : vector<16xi32> to vector<16x1xi32>
        %gather3A_1338 = vector.shape_cast %broadcast_in_dim3A_1337 : vector<16x1xi32> to vector<16xi32>
        %gather3A_1339 = tpu.dynamic_gather %add3A_379[%gather3A_1338] in [0] : vector<16xf32>, vector<16xi32> -> vector<16xf32>
        %add3A_1340 = arith.addf %add3A_379, %gather3A_1339 : vector<16xf32>
        %add3A_1341 = arith.addf %add3A_312, %gather3A_1326 : vector<16xf32>
        %select_n3A_1342 = arith.select %ne3A_6, %add3A_1340, %add3A_1341 : vector<16xi1>, vector<16xf32>
        %xor3A_1343 = arith.constant 1 : i32
        %xor3A_1344 = vector.broadcast %xor3A_1343 : i32 to vector<16xi32>
        %xor3A_1345 = arith.xori %iota3A, %xor3A_1344 : vector<16xi32>
        %lt3A_1346 = arith.constant 0 : i32
        %lt3A_1347 = vector.broadcast %lt3A_1346 : i32 to vector<16xi32>
        %lt3A_1348 = arith.cmpi slt, %xor3A_1345, %lt3A_1347 : vector<16xi32>
        %add3A_1349 = arith.constant 16 : i32
        %add3A_1350 = vector.broadcast %add3A_1349 : i32 to vector<16xi32>
        %add3A_1351 = arith.addi %xor3A_1345, %add3A_1350 : vector<16xi32>
        %select_n3A_1352 = arith.select %lt3A_1348, %add3A_1351, %xor3A_1345 : vector<16xi1>, vector<16xi32>
        %broadcast_in_dim3A_1353 = vector.shape_cast %select_n3A_1352 : vector<16xi32> to vector<16x1xi32>
        %gather3A_1354 = vector.shape_cast %broadcast_in_dim3A_1353 : vector<16x1xi32> to vector<16xi32>
        %gather3A_1355 = tpu.dynamic_gather %add3A_446[%gather3A_1354] in [0] : vector<16xf32>, vector<16xi32> -> vector<16xf32>
        %xor3A_1356 = arith.constant 1 : i32
        %xor3A_1357 = vector.broadcast %xor3A_1356 : i32 to vector<16xi32>
        %xor3A_1358 = arith.xori %iota3A, %xor3A_1357 : vector<16xi32>
        %lt3A_1359 = arith.constant 0 : i32
        %lt3A_1360 = vector.broadcast %lt3A_1359 : i32 to vector<16xi32>
        %lt3A_1361 = arith.cmpi slt, %xor3A_1358, %lt3A_1360 : vector<16xi32>
        %add3A_1362 = arith.constant 16 : i32
        %add3A_1363 = vector.broadcast %add3A_1362 : i32 to vector<16xi32>
        %add3A_1364 = arith.addi %xor3A_1358, %add3A_1363 : vector<16xi32>
        %select_n3A_1365 = arith.select %lt3A_1361, %add3A_1364, %xor3A_1358 : vector<16xi1>, vector<16xi32>
        %broadcast_in_dim3A_1366 = vector.shape_cast %select_n3A_1365 : vector<16xi32> to vector<16x1xi32>
        %gather3A_1367 = vector.shape_cast %broadcast_in_dim3A_1366 : vector<16x1xi32> to vector<16xi32>
        %gather3A_1368 = tpu.dynamic_gather %add3A_513[%gather3A_1367] in [0] : vector<16xf32>, vector<16xi32> -> vector<16xf32>
        %add3A_1369 = arith.addf %add3A_513, %gather3A_1368 : vector<16xf32>
        %add3A_1370 = arith.addf %add3A_446, %gather3A_1355 : vector<16xf32>
        %select_n3A_1371 = arith.select %ne3A_6, %add3A_1369, %add3A_1370 : vector<16xi1>, vector<16xf32>
        %xor3A_1372 = arith.constant 1 : i32
        %xor3A_1373 = vector.broadcast %xor3A_1372 : i32 to vector<16xi32>
        %xor3A_1374 = arith.xori %iota3A, %xor3A_1373 : vector<16xi32>
        %lt3A_1375 = arith.constant 0 : i32
        %lt3A_1376 = vector.broadcast %lt3A_1375 : i32 to vector<16xi32>
        %lt3A_1377 = arith.cmpi slt, %xor3A_1374, %lt3A_1376 : vector<16xi32>
        %add3A_1378 = arith.constant 16 : i32
        %add3A_1379 = vector.broadcast %add3A_1378 : i32 to vector<16xi32>
        %add3A_1380 = arith.addi %xor3A_1374, %add3A_1379 : vector<16xi32>
        %select_n3A_1381 = arith.select %lt3A_1377, %add3A_1380, %xor3A_1374 : vector<16xi1>, vector<16xi32>
        %broadcast_in_dim3A_1382 = vector.shape_cast %select_n3A_1381 : vector<16xi32> to vector<16x1xi32>
        %gather3A_1383 = vector.shape_cast %broadcast_in_dim3A_1382 : vector<16x1xi32> to vector<16xi32>
        %gather3A_1384 = tpu.dynamic_gather %add3A_580[%gather3A_1383] in [0] : vector<16xf32>, vector<16xi32> -> vector<16xf32>
        %xor3A_1385 = arith.constant 1 : i32
        %xor3A_1386 = vector.broadcast %xor3A_1385 : i32 to vector<16xi32>
        %xor3A_1387 = arith.xori %iota3A, %xor3A_1386 : vector<16xi32>
        %lt3A_1388 = arith.constant 0 : i32
        %lt3A_1389 = vector.broadcast %lt3A_1388 : i32 to vector<16xi32>
        %lt3A_1390 = arith.cmpi slt, %xor3A_1387, %lt3A_1389 : vector<16xi32>
        %add3A_1391 = arith.constant 16 : i32
        %add3A_1392 = vector.broadcast %add3A_1391 : i32 to vector<16xi32>
        %add3A_1393 = arith.addi %xor3A_1387, %add3A_1392 : vector<16xi32>
        %select_n3A_1394 = arith.select %lt3A_1390, %add3A_1393, %xor3A_1387 : vector<16xi1>, vector<16xi32>
        %broadcast_in_dim3A_1395 = vector.shape_cast %select_n3A_1394 : vector<16xi32> to vector<16x1xi32>
        %gather3A_1396 = vector.shape_cast %broadcast_in_dim3A_1395 : vector<16x1xi32> to vector<16xi32>
        %gather3A_1397 = tpu.dynamic_gather %add3A_647[%gather3A_1396] in [0] : vector<16xf32>, vector<16xi32> -> vector<16xf32>
        %add3A_1398 = arith.addf %add3A_647, %gather3A_1397 : vector<16xf32>
        %add3A_1399 = arith.addf %add3A_580, %gather3A_1384 : vector<16xf32>
        %select_n3A_1400 = arith.select %ne3A_6, %add3A_1398, %add3A_1399 : vector<16xi1>, vector<16xf32>
        %xor3A_1401 = arith.constant 1 : i32
        %xor3A_1402 = vector.broadcast %xor3A_1401 : i32 to vector<16xi32>
        %xor3A_1403 = arith.xori %iota3A, %xor3A_1402 : vector<16xi32>
        %lt3A_1404 = arith.constant 0 : i32
        %lt3A_1405 = vector.broadcast %lt3A_1404 : i32 to vector<16xi32>
        %lt3A_1406 = arith.cmpi slt, %xor3A_1403, %lt3A_1405 : vector<16xi32>
        %add3A_1407 = arith.constant 16 : i32
        %add3A_1408 = vector.broadcast %add3A_1407 : i32 to vector<16xi32>
        %add3A_1409 = arith.addi %xor3A_1403, %add3A_1408 : vector<16xi32>
        %select_n3A_1410 = arith.select %lt3A_1406, %add3A_1409, %xor3A_1403 : vector<16xi1>, vector<16xi32>
        %broadcast_in_dim3A_1411 = vector.shape_cast %select_n3A_1410 : vector<16xi32> to vector<16x1xi32>
        %gather3A_1412 = vector.shape_cast %broadcast_in_dim3A_1411 : vector<16x1xi32> to vector<16xi32>
        %gather3A_1413 = tpu.dynamic_gather %add3A_714[%gather3A_1412] in [0] : vector<16xf32>, vector<16xi32> -> vector<16xf32>
        %xor3A_1414 = arith.constant 1 : i32
        %xor3A_1415 = vector.broadcast %xor3A_1414 : i32 to vector<16xi32>
        %xor3A_1416 = arith.xori %iota3A, %xor3A_1415 : vector<16xi32>
        %lt3A_1417 = arith.constant 0 : i32
        %lt3A_1418 = vector.broadcast %lt3A_1417 : i32 to vector<16xi32>
        %lt3A_1419 = arith.cmpi slt, %xor3A_1416, %lt3A_1418 : vector<16xi32>
        %add3A_1420 = arith.constant 16 : i32
        %add3A_1421 = vector.broadcast %add3A_1420 : i32 to vector<16xi32>
        %add3A_1422 = arith.addi %xor3A_1416, %add3A_1421 : vector<16xi32>
        %select_n3A_1423 = arith.select %lt3A_1419, %add3A_1422, %xor3A_1416 : vector<16xi1>, vector<16xi32>
        %broadcast_in_dim3A_1424 = vector.shape_cast %select_n3A_1423 : vector<16xi32> to vector<16x1xi32>
        %gather3A_1425 = vector.shape_cast %broadcast_in_dim3A_1424 : vector<16x1xi32> to vector<16xi32>
        %gather3A_1426 = tpu.dynamic_gather %add3A_781[%gather3A_1425] in [0] : vector<16xf32>, vector<16xi32> -> vector<16xf32>
        %add3A_1427 = arith.addf %add3A_781, %gather3A_1426 : vector<16xf32>
        %add3A_1428 = arith.addf %add3A_714, %gather3A_1413 : vector<16xf32>
        %select_n3A_1429 = arith.select %ne3A_6, %add3A_1427, %add3A_1428 : vector<16xi1>, vector<16xf32>
        %xor3A_1430 = arith.constant 1 : i32
        %xor3A_1431 = vector.broadcast %xor3A_1430 : i32 to vector<16xi32>
        %xor3A_1432 = arith.xori %iota3A, %xor3A_1431 : vector<16xi32>
        %lt3A_1433 = arith.constant 0 : i32
        %lt3A_1434 = vector.broadcast %lt3A_1433 : i32 to vector<16xi32>
        %lt3A_1435 = arith.cmpi slt, %xor3A_1432, %lt3A_1434 : vector<16xi32>
        %add3A_1436 = arith.constant 16 : i32
        %add3A_1437 = vector.broadcast %add3A_1436 : i32 to vector<16xi32>
        %add3A_1438 = arith.addi %xor3A_1432, %add3A_1437 : vector<16xi32>
        %select_n3A_1439 = arith.select %lt3A_1435, %add3A_1438, %xor3A_1432 : vector<16xi1>, vector<16xi32>
        %broadcast_in_dim3A_1440 = vector.shape_cast %select_n3A_1439 : vector<16xi32> to vector<16x1xi32>
        %gather3A_1441 = vector.shape_cast %broadcast_in_dim3A_1440 : vector<16x1xi32> to vector<16xi32>
        %gather3A_1442 = tpu.dynamic_gather %add3A_848[%gather3A_1441] in [0] : vector<16xf32>, vector<16xi32> -> vector<16xf32>
        %xor3A_1443 = arith.constant 1 : i32
        %xor3A_1444 = vector.broadcast %xor3A_1443 : i32 to vector<16xi32>
        %xor3A_1445 = arith.xori %iota3A, %xor3A_1444 : vector<16xi32>
        %lt3A_1446 = arith.constant 0 : i32
        %lt3A_1447 = vector.broadcast %lt3A_1446 : i32 to vector<16xi32>
        %lt3A_1448 = arith.cmpi slt, %xor3A_1445, %lt3A_1447 : vector<16xi32>
        %add3A_1449 = arith.constant 16 : i32
        %add3A_1450 = vector.broadcast %add3A_1449 : i32 to vector<16xi32>
        %add3A_1451 = arith.addi %xor3A_1445, %add3A_1450 : vector<16xi32>
        %select_n3A_1452 = arith.select %lt3A_1448, %add3A_1451, %xor3A_1445 : vector<16xi1>, vector<16xi32>
        %broadcast_in_dim3A_1453 = vector.shape_cast %select_n3A_1452 : vector<16xi32> to vector<16x1xi32>
        %gather3A_1454 = vector.shape_cast %broadcast_in_dim3A_1453 : vector<16x1xi32> to vector<16xi32>
        %gather3A_1455 = tpu.dynamic_gather %add3A_915[%gather3A_1454] in [0] : vector<16xf32>, vector<16xi32> -> vector<16xf32>
        %add3A_1456 = arith.addf %add3A_915, %gather3A_1455 : vector<16xf32>
        %add3A_1457 = arith.addf %add3A_848, %gather3A_1442 : vector<16xf32>
        %select_n3A_1458 = arith.select %ne3A_6, %add3A_1456, %add3A_1457 : vector<16xi1>, vector<16xf32>
        %xor3A_1459 = arith.constant 1 : i32
        %xor3A_1460 = vector.broadcast %xor3A_1459 : i32 to vector<16xi32>
        %xor3A_1461 = arith.xori %iota3A, %xor3A_1460 : vector<16xi32>
        %lt3A_1462 = arith.constant 0 : i32
        %lt3A_1463 = vector.broadcast %lt3A_1462 : i32 to vector<16xi32>
        %lt3A_1464 = arith.cmpi slt, %xor3A_1461, %lt3A_1463 : vector<16xi32>
        %add3A_1465 = arith.constant 16 : i32
        %add3A_1466 = vector.broadcast %add3A_1465 : i32 to vector<16xi32>
        %add3A_1467 = arith.addi %xor3A_1461, %add3A_1466 : vector<16xi32>
        %select_n3A_1468 = arith.select %lt3A_1464, %add3A_1467, %xor3A_1461 : vector<16xi1>, vector<16xi32>
        %broadcast_in_dim3A_1469 = vector.shape_cast %select_n3A_1468 : vector<16xi32> to vector<16x1xi32>
        %gather3A_1470 = vector.shape_cast %broadcast_in_dim3A_1469 : vector<16x1xi32> to vector<16xi32>
        %gather3A_1471 = tpu.dynamic_gather %add3A_982[%gather3A_1470] in [0] : vector<16xf32>, vector<16xi32> -> vector<16xf32>
        %xor3A_1472 = arith.constant 1 : i32
        %xor3A_1473 = vector.broadcast %xor3A_1472 : i32 to vector<16xi32>
        %xor3A_1474 = arith.xori %iota3A, %xor3A_1473 : vector<16xi32>
        %lt3A_1475 = arith.constant 0 : i32
        %lt3A_1476 = vector.broadcast %lt3A_1475 : i32 to vector<16xi32>
        %lt3A_1477 = arith.cmpi slt, %xor3A_1474, %lt3A_1476 : vector<16xi32>
        %add3A_1478 = arith.constant 16 : i32
        %add3A_1479 = vector.broadcast %add3A_1478 : i32 to vector<16xi32>
        %add3A_1480 = arith.addi %xor3A_1474, %add3A_1479 : vector<16xi32>
        %select_n3A_1481 = arith.select %lt3A_1477, %add3A_1480, %xor3A_1474 : vector<16xi1>, vector<16xi32>
        %broadcast_in_dim3A_1482 = vector.shape_cast %select_n3A_1481 : vector<16xi32> to vector<16x1xi32>
        %gather3A_1483 = vector.shape_cast %broadcast_in_dim3A_1482 : vector<16x1xi32> to vector<16xi32>
        %gather3A_1484 = tpu.dynamic_gather %add3A_1049[%gather3A_1483] in [0] : vector<16xf32>, vector<16xi32> -> vector<16xf32>
        %add3A_1485 = arith.addf %add3A_1049, %gather3A_1484 : vector<16xf32>
        %add3A_1486 = arith.addf %add3A_982, %gather3A_1471 : vector<16xf32>
        %select_n3A_1487 = arith.select %ne3A_6, %add3A_1485, %add3A_1486 : vector<16xi1>, vector<16xf32>
        %xor3A_1488 = arith.constant 1 : i32
        %xor3A_1489 = vector.broadcast %xor3A_1488 : i32 to vector<16xi32>
        %xor3A_1490 = arith.xori %iota3A, %xor3A_1489 : vector<16xi32>
        %lt3A_1491 = arith.constant 0 : i32
        %lt3A_1492 = vector.broadcast %lt3A_1491 : i32 to vector<16xi32>
        %lt3A_1493 = arith.cmpi slt, %xor3A_1490, %lt3A_1492 : vector<16xi32>
        %add3A_1494 = arith.constant 16 : i32
        %add3A_1495 = vector.broadcast %add3A_1494 : i32 to vector<16xi32>
        %add3A_1496 = arith.addi %xor3A_1490, %add3A_1495 : vector<16xi32>
        %select_n3A_1497 = arith.select %lt3A_1493, %add3A_1496, %xor3A_1490 : vector<16xi1>, vector<16xi32>
        %broadcast_in_dim3A_1498 = vector.shape_cast %select_n3A_1497 : vector<16xi32> to vector<16x1xi32>
        %gather3A_1499 = vector.shape_cast %broadcast_in_dim3A_1498 : vector<16x1xi32> to vector<16xi32>
        %gather3A_1500 = tpu.dynamic_gather %add3A_1116[%gather3A_1499] in [0] : vector<16xf32>, vector<16xi32> -> vector<16xf32>
        %xor3A_1501 = arith.constant 1 : i32
        %xor3A_1502 = vector.broadcast %xor3A_1501 : i32 to vector<16xi32>
        %xor3A_1503 = arith.xori %iota3A, %xor3A_1502 : vector<16xi32>
        %lt3A_1504 = arith.constant 0 : i32
        %lt3A_1505 = vector.broadcast %lt3A_1504 : i32 to vector<16xi32>
        %lt3A_1506 = arith.cmpi slt, %xor3A_1503, %lt3A_1505 : vector<16xi32>
        %add3A_1507 = arith.constant 16 : i32
        %add3A_1508 = vector.broadcast %add3A_1507 : i32 to vector<16xi32>
        %add3A_1509 = arith.addi %xor3A_1503, %add3A_1508 : vector<16xi32>
        %select_n3A_1510 = arith.select %lt3A_1506, %add3A_1509, %xor3A_1503 : vector<16xi1>, vector<16xi32>
        %broadcast_in_dim3A_1511 = vector.shape_cast %select_n3A_1510 : vector<16xi32> to vector<16x1xi32>
        %gather3A_1512 = vector.shape_cast %broadcast_in_dim3A_1511 : vector<16x1xi32> to vector<16xi32>
        %gather3A_1513 = tpu.dynamic_gather %add3A_1183[%gather3A_1512] in [0] : vector<16xf32>, vector<16xi32> -> vector<16xf32>
        %add3A_1514 = arith.addf %add3A_1183, %gather3A_1513 : vector<16xf32>
        %add3A_1515 = arith.addf %add3A_1116, %gather3A_1500 : vector<16xf32>
        %select_n3A_1516 = arith.select %ne3A_6, %add3A_1514, %add3A_1515 : vector<16xi1>, vector<16xf32>
        %xor3A_1517 = arith.constant 1 : i32
        %xor3A_1518 = vector.broadcast %xor3A_1517 : i32 to vector<16xi32>
        %xor3A_1519 = arith.xori %iota3A, %xor3A_1518 : vector<16xi32>
        %lt3A_1520 = arith.constant 0 : i32
        %lt3A_1521 = vector.broadcast %lt3A_1520 : i32 to vector<16xi32>
        %lt3A_1522 = arith.cmpi slt, %xor3A_1519, %lt3A_1521 : vector<16xi32>
        %add3A_1523 = arith.constant 16 : i32
        %add3A_1524 = vector.broadcast %add3A_1523 : i32 to vector<16xi32>
        %add3A_1525 = arith.addi %xor3A_1519, %add3A_1524 : vector<16xi32>
        %select_n3A_1526 = arith.select %lt3A_1522, %add3A_1525, %xor3A_1519 : vector<16xi1>, vector<16xi32>
        %broadcast_in_dim3A_1527 = vector.shape_cast %select_n3A_1526 : vector<16xi32> to vector<16x1xi32>
        %gather3A_1528 = vector.shape_cast %broadcast_in_dim3A_1527 : vector<16x1xi32> to vector<16xi32>
        %gather3A_1529 = tpu.dynamic_gather %add3A_1250[%gather3A_1528] in [0] : vector<16xf32>, vector<16xi32> -> vector<16xf32>
        %xor3A_1530 = arith.constant 1 : i32
        %xor3A_1531 = vector.broadcast %xor3A_1530 : i32 to vector<16xi32>
        %xor3A_1532 = arith.xori %iota3A, %xor3A_1531 : vector<16xi32>
        %lt3A_1533 = arith.constant 0 : i32
        %lt3A_1534 = vector.broadcast %lt3A_1533 : i32 to vector<16xi32>
        %lt3A_1535 = arith.cmpi slt, %xor3A_1532, %lt3A_1534 : vector<16xi32>
        %add3A_1536 = arith.constant 16 : i32
        %add3A_1537 = vector.broadcast %add3A_1536 : i32 to vector<16xi32>
        %add3A_1538 = arith.addi %xor3A_1532, %add3A_1537 : vector<16xi32>
        %select_n3A_1539 = arith.select %lt3A_1535, %add3A_1538, %xor3A_1532 : vector<16xi1>, vector<16xi32>
        %broadcast_in_dim3A_1540 = vector.shape_cast %select_n3A_1539 : vector<16xi32> to vector<16x1xi32>
        %gather3A_1541 = vector.shape_cast %broadcast_in_dim3A_1540 : vector<16x1xi32> to vector<16xi32>
        %gather3A_1542 = tpu.dynamic_gather %add3A_1317[%gather3A_1541] in [0] : vector<16xf32>, vector<16xi32> -> vector<16xf32>
        %add3A_1543 = arith.addf %add3A_1317, %gather3A_1542 : vector<16xf32>
        %add3A_1544 = arith.addf %add3A_1250, %gather3A_1529 : vector<16xf32>
        %select_n3A_1545 = arith.select %ne3A_6, %add3A_1543, %add3A_1544 : vector<16xi1>, vector<16xf32>
        %xor3A_1546 = arith.constant 2 : i32
        %xor3A_1547 = vector.broadcast %xor3A_1546 : i32 to vector<16xi32>
        %xor3A_1548 = arith.xori %iota3A, %xor3A_1547 : vector<16xi32>
        %lt3A_1549 = arith.constant 0 : i32
        %lt3A_1550 = vector.broadcast %lt3A_1549 : i32 to vector<16xi32>
        %lt3A_1551 = arith.cmpi slt, %xor3A_1548, %lt3A_1550 : vector<16xi32>
        %add3A_1552 = arith.constant 16 : i32
        %add3A_1553 = vector.broadcast %add3A_1552 : i32 to vector<16xi32>
        %add3A_1554 = arith.addi %xor3A_1548, %add3A_1553 : vector<16xi32>
        %select_n3A_1555 = arith.select %lt3A_1551, %add3A_1554, %xor3A_1548 : vector<16xi1>, vector<16xi32>
        %broadcast_in_dim3A_1556 = vector.shape_cast %select_n3A_1555 : vector<16xi32> to vector<16x1xi32>
        %gather3A_1557 = vector.shape_cast %broadcast_in_dim3A_1556 : vector<16x1xi32> to vector<16xi32>
        %gather3A_1558 = tpu.dynamic_gather %select_n3A_1342[%gather3A_1557] in [0] : vector<16xf32>, vector<16xi32> -> vector<16xf32>
        %xor3A_1559 = arith.constant 2 : i32
        %xor3A_1560 = vector.broadcast %xor3A_1559 : i32 to vector<16xi32>
        %xor3A_1561 = arith.xori %iota3A, %xor3A_1560 : vector<16xi32>
        %lt3A_1562 = arith.constant 0 : i32
        %lt3A_1563 = vector.broadcast %lt3A_1562 : i32 to vector<16xi32>
        %lt3A_1564 = arith.cmpi slt, %xor3A_1561, %lt3A_1563 : vector<16xi32>
        %add3A_1565 = arith.constant 16 : i32
        %add3A_1566 = vector.broadcast %add3A_1565 : i32 to vector<16xi32>
        %add3A_1567 = arith.addi %xor3A_1561, %add3A_1566 : vector<16xi32>
        %select_n3A_1568 = arith.select %lt3A_1564, %add3A_1567, %xor3A_1561 : vector<16xi1>, vector<16xi32>
        %broadcast_in_dim3A_1569 = vector.shape_cast %select_n3A_1568 : vector<16xi32> to vector<16x1xi32>
        %gather3A_1570 = vector.shape_cast %broadcast_in_dim3A_1569 : vector<16x1xi32> to vector<16xi32>
        %gather3A_1571 = tpu.dynamic_gather %select_n3A_1371[%gather3A_1570] in [0] : vector<16xf32>, vector<16xi32> -> vector<16xf32>
        %add3A_1572 = arith.addf %select_n3A_1371, %gather3A_1571 : vector<16xf32>
        %add3A_1573 = arith.addf %select_n3A_1342, %gather3A_1558 : vector<16xf32>
        %select_n3A_1574 = arith.select %ne3A_12, %add3A_1572, %add3A_1573 : vector<16xi1>, vector<16xf32>
        %xor3A_1575 = arith.constant 2 : i32
        %xor3A_1576 = vector.broadcast %xor3A_1575 : i32 to vector<16xi32>
        %xor3A_1577 = arith.xori %iota3A, %xor3A_1576 : vector<16xi32>
        %lt3A_1578 = arith.constant 0 : i32
        %lt3A_1579 = vector.broadcast %lt3A_1578 : i32 to vector<16xi32>
        %lt3A_1580 = arith.cmpi slt, %xor3A_1577, %lt3A_1579 : vector<16xi32>
        %add3A_1581 = arith.constant 16 : i32
        %add3A_1582 = vector.broadcast %add3A_1581 : i32 to vector<16xi32>
        %add3A_1583 = arith.addi %xor3A_1577, %add3A_1582 : vector<16xi32>
        %select_n3A_1584 = arith.select %lt3A_1580, %add3A_1583, %xor3A_1577 : vector<16xi1>, vector<16xi32>
        %broadcast_in_dim3A_1585 = vector.shape_cast %select_n3A_1584 : vector<16xi32> to vector<16x1xi32>
        %gather3A_1586 = vector.shape_cast %broadcast_in_dim3A_1585 : vector<16x1xi32> to vector<16xi32>
        %gather3A_1587 = tpu.dynamic_gather %select_n3A_1400[%gather3A_1586] in [0] : vector<16xf32>, vector<16xi32> -> vector<16xf32>
        %xor3A_1588 = arith.constant 2 : i32
        %xor3A_1589 = vector.broadcast %xor3A_1588 : i32 to vector<16xi32>
        %xor3A_1590 = arith.xori %iota3A, %xor3A_1589 : vector<16xi32>
        %lt3A_1591 = arith.constant 0 : i32
        %lt3A_1592 = vector.broadcast %lt3A_1591 : i32 to vector<16xi32>
        %lt3A_1593 = arith.cmpi slt, %xor3A_1590, %lt3A_1592 : vector<16xi32>
        %add3A_1594 = arith.constant 16 : i32
        %add3A_1595 = vector.broadcast %add3A_1594 : i32 to vector<16xi32>
        %add3A_1596 = arith.addi %xor3A_1590, %add3A_1595 : vector<16xi32>
        %select_n3A_1597 = arith.select %lt3A_1593, %add3A_1596, %xor3A_1590 : vector<16xi1>, vector<16xi32>
        %broadcast_in_dim3A_1598 = vector.shape_cast %select_n3A_1597 : vector<16xi32> to vector<16x1xi32>
        %gather3A_1599 = vector.shape_cast %broadcast_in_dim3A_1598 : vector<16x1xi32> to vector<16xi32>
        %gather3A_1600 = tpu.dynamic_gather %select_n3A_1429[%gather3A_1599] in [0] : vector<16xf32>, vector<16xi32> -> vector<16xf32>
        %add3A_1601 = arith.addf %select_n3A_1429, %gather3A_1600 : vector<16xf32>
        %add3A_1602 = arith.addf %select_n3A_1400, %gather3A_1587 : vector<16xf32>
        %select_n3A_1603 = arith.select %ne3A_12, %add3A_1601, %add3A_1602 : vector<16xi1>, vector<16xf32>
        %xor3A_1604 = arith.constant 2 : i32
        %xor3A_1605 = vector.broadcast %xor3A_1604 : i32 to vector<16xi32>
        %xor3A_1606 = arith.xori %iota3A, %xor3A_1605 : vector<16xi32>
        %lt3A_1607 = arith.constant 0 : i32
        %lt3A_1608 = vector.broadcast %lt3A_1607 : i32 to vector<16xi32>
        %lt3A_1609 = arith.cmpi slt, %xor3A_1606, %lt3A_1608 : vector<16xi32>
        %add3A_1610 = arith.constant 16 : i32
        %add3A_1611 = vector.broadcast %add3A_1610 : i32 to vector<16xi32>
        %add3A_1612 = arith.addi %xor3A_1606, %add3A_1611 : vector<16xi32>
        %select_n3A_1613 = arith.select %lt3A_1609, %add3A_1612, %xor3A_1606 : vector<16xi1>, vector<16xi32>
        %broadcast_in_dim3A_1614 = vector.shape_cast %select_n3A_1613 : vector<16xi32> to vector<16x1xi32>
        %gather3A_1615 = vector.shape_cast %broadcast_in_dim3A_1614 : vector<16x1xi32> to vector<16xi32>
        %gather3A_1616 = tpu.dynamic_gather %select_n3A_1458[%gather3A_1615] in [0] : vector<16xf32>, vector<16xi32> -> vector<16xf32>
        %xor3A_1617 = arith.constant 2 : i32
        %xor3A_1618 = vector.broadcast %xor3A_1617 : i32 to vector<16xi32>
        %xor3A_1619 = arith.xori %iota3A, %xor3A_1618 : vector<16xi32>
        %lt3A_1620 = arith.constant 0 : i32
        %lt3A_1621 = vector.broadcast %lt3A_1620 : i32 to vector<16xi32>
        %lt3A_1622 = arith.cmpi slt, %xor3A_1619, %lt3A_1621 : vector<16xi32>
        %add3A_1623 = arith.constant 16 : i32
        %add3A_1624 = vector.broadcast %add3A_1623 : i32 to vector<16xi32>
        %add3A_1625 = arith.addi %xor3A_1619, %add3A_1624 : vector<16xi32>
        %select_n3A_1626 = arith.select %lt3A_1622, %add3A_1625, %xor3A_1619 : vector<16xi1>, vector<16xi32>
        %broadcast_in_dim3A_1627 = vector.shape_cast %select_n3A_1626 : vector<16xi32> to vector<16x1xi32>
        %gather3A_1628 = vector.shape_cast %broadcast_in_dim3A_1627 : vector<16x1xi32> to vector<16xi32>
        %gather3A_1629 = tpu.dynamic_gather %select_n3A_1487[%gather3A_1628] in [0] : vector<16xf32>, vector<16xi32> -> vector<16xf32>
        %add3A_1630 = arith.addf %select_n3A_1487, %gather3A_1629 : vector<16xf32>
        %add3A_1631 = arith.addf %select_n3A_1458, %gather3A_1616 : vector<16xf32>
        %select_n3A_1632 = arith.select %ne3A_12, %add3A_1630, %add3A_1631 : vector<16xi1>, vector<16xf32>
        %xor3A_1633 = arith.constant 2 : i32
        %xor3A_1634 = vector.broadcast %xor3A_1633 : i32 to vector<16xi32>
        %xor3A_1635 = arith.xori %iota3A, %xor3A_1634 : vector<16xi32>
        %lt3A_1636 = arith.constant 0 : i32
        %lt3A_1637 = vector.broadcast %lt3A_1636 : i32 to vector<16xi32>
        %lt3A_1638 = arith.cmpi slt, %xor3A_1635, %lt3A_1637 : vector<16xi32>
        %add3A_1639 = arith.constant 16 : i32
        %add3A_1640 = vector.broadcast %add3A_1639 : i32 to vector<16xi32>
        %add3A_1641 = arith.addi %xor3A_1635, %add3A_1640 : vector<16xi32>
        %select_n3A_1642 = arith.select %lt3A_1638, %add3A_1641, %xor3A_1635 : vector<16xi1>, vector<16xi32>
        %broadcast_in_dim3A_1643 = vector.shape_cast %select_n3A_1642 : vector<16xi32> to vector<16x1xi32>
        %gather3A_1644 = vector.shape_cast %broadcast_in_dim3A_1643 : vector<16x1xi32> to vector<16xi32>
        %gather3A_1645 = tpu.dynamic_gather %select_n3A_1516[%gather3A_1644] in [0] : vector<16xf32>, vector<16xi32> -> vector<16xf32>
        %xor3A_1646 = arith.constant 2 : i32
        %xor3A_1647 = vector.broadcast %xor3A_1646 : i32 to vector<16xi32>
        %xor3A_1648 = arith.xori %iota3A, %xor3A_1647 : vector<16xi32>
        %lt3A_1649 = arith.constant 0 : i32
        %lt3A_1650 = vector.broadcast %lt3A_1649 : i32 to vector<16xi32>
        %lt3A_1651 = arith.cmpi slt, %xor3A_1648, %lt3A_1650 : vector<16xi32>
        %add3A_1652 = arith.constant 16 : i32
        %add3A_1653 = vector.broadcast %add3A_1652 : i32 to vector<16xi32>
        %add3A_1654 = arith.addi %xor3A_1648, %add3A_1653 : vector<16xi32>
        %select_n3A_1655 = arith.select %lt3A_1651, %add3A_1654, %xor3A_1648 : vector<16xi1>, vector<16xi32>
        %broadcast_in_dim3A_1656 = vector.shape_cast %select_n3A_1655 : vector<16xi32> to vector<16x1xi32>
        %gather3A_1657 = vector.shape_cast %broadcast_in_dim3A_1656 : vector<16x1xi32> to vector<16xi32>
        %gather3A_1658 = tpu.dynamic_gather %select_n3A_1545[%gather3A_1657] in [0] : vector<16xf32>, vector<16xi32> -> vector<16xf32>
        %add3A_1659 = arith.addf %select_n3A_1545, %gather3A_1658 : vector<16xf32>
        %add3A_1660 = arith.addf %select_n3A_1516, %gather3A_1645 : vector<16xf32>
        %select_n3A_1661 = arith.select %ne3A_12, %add3A_1659, %add3A_1660 : vector<16xi1>, vector<16xf32>
        %xor3A_1662 = arith.constant 4 : i32
        %xor3A_1663 = vector.broadcast %xor3A_1662 : i32 to vector<16xi32>
        %xor3A_1664 = arith.xori %iota3A, %xor3A_1663 : vector<16xi32>
        %lt3A_1665 = arith.constant 0 : i32
        %lt3A_1666 = vector.broadcast %lt3A_1665 : i32 to vector<16xi32>
        %lt3A_1667 = arith.cmpi slt, %xor3A_1664, %lt3A_1666 : vector<16xi32>
        %add3A_1668 = arith.constant 16 : i32
        %add3A_1669 = vector.broadcast %add3A_1668 : i32 to vector<16xi32>
        %add3A_1670 = arith.addi %xor3A_1664, %add3A_1669 : vector<16xi32>
        %select_n3A_1671 = arith.select %lt3A_1667, %add3A_1670, %xor3A_1664 : vector<16xi1>, vector<16xi32>
        %broadcast_in_dim3A_1672 = vector.shape_cast %select_n3A_1671 : vector<16xi32> to vector<16x1xi32>
        %gather3A_1673 = vector.shape_cast %broadcast_in_dim3A_1672 : vector<16x1xi32> to vector<16xi32>
        %gather3A_1674 = tpu.dynamic_gather %select_n3A_1574[%gather3A_1673] in [0] : vector<16xf32>, vector<16xi32> -> vector<16xf32>
        %xor3A_1675 = arith.constant 4 : i32
        %xor3A_1676 = vector.broadcast %xor3A_1675 : i32 to vector<16xi32>
        %xor3A_1677 = arith.xori %iota3A, %xor3A_1676 : vector<16xi32>
        %lt3A_1678 = arith.constant 0 : i32
        %lt3A_1679 = vector.broadcast %lt3A_1678 : i32 to vector<16xi32>
        %lt3A_1680 = arith.cmpi slt, %xor3A_1677, %lt3A_1679 : vector<16xi32>
        %add3A_1681 = arith.constant 16 : i32
        %add3A_1682 = vector.broadcast %add3A_1681 : i32 to vector<16xi32>
        %add3A_1683 = arith.addi %xor3A_1677, %add3A_1682 : vector<16xi32>
        %select_n3A_1684 = arith.select %lt3A_1680, %add3A_1683, %xor3A_1677 : vector<16xi1>, vector<16xi32>
        %broadcast_in_dim3A_1685 = vector.shape_cast %select_n3A_1684 : vector<16xi32> to vector<16x1xi32>
        %gather3A_1686 = vector.shape_cast %broadcast_in_dim3A_1685 : vector<16x1xi32> to vector<16xi32>
        %gather3A_1687 = tpu.dynamic_gather %select_n3A_1603[%gather3A_1686] in [0] : vector<16xf32>, vector<16xi32> -> vector<16xf32>
        %add3A_1688 = arith.addf %select_n3A_1603, %gather3A_1687 : vector<16xf32>
        %add3A_1689 = arith.addf %select_n3A_1574, %gather3A_1674 : vector<16xf32>
        %select_n3A_1690 = arith.select %ne3A_18, %add3A_1688, %add3A_1689 : vector<16xi1>, vector<16xf32>
        %xor3A_1691 = arith.constant 4 : i32
        %xor3A_1692 = vector.broadcast %xor3A_1691 : i32 to vector<16xi32>
        %xor3A_1693 = arith.xori %iota3A, %xor3A_1692 : vector<16xi32>
        %lt3A_1694 = arith.constant 0 : i32
        %lt3A_1695 = vector.broadcast %lt3A_1694 : i32 to vector<16xi32>
        %lt3A_1696 = arith.cmpi slt, %xor3A_1693, %lt3A_1695 : vector<16xi32>
        %add3A_1697 = arith.constant 16 : i32
        %add3A_1698 = vector.broadcast %add3A_1697 : i32 to vector<16xi32>
        %add3A_1699 = arith.addi %xor3A_1693, %add3A_1698 : vector<16xi32>
        %select_n3A_1700 = arith.select %lt3A_1696, %add3A_1699, %xor3A_1693 : vector<16xi1>, vector<16xi32>
        %broadcast_in_dim3A_1701 = vector.shape_cast %select_n3A_1700 : vector<16xi32> to vector<16x1xi32>
        %gather3A_1702 = vector.shape_cast %broadcast_in_dim3A_1701 : vector<16x1xi32> to vector<16xi32>
        %gather3A_1703 = tpu.dynamic_gather %select_n3A_1632[%gather3A_1702] in [0] : vector<16xf32>, vector<16xi32> -> vector<16xf32>
        %xor3A_1704 = arith.constant 4 : i32
        %xor3A_1705 = vector.broadcast %xor3A_1704 : i32 to vector<16xi32>
        %xor3A_1706 = arith.xori %iota3A, %xor3A_1705 : vector<16xi32>
        %lt3A_1707 = arith.constant 0 : i32
        %lt3A_1708 = vector.broadcast %lt3A_1707 : i32 to vector<16xi32>
        %lt3A_1709 = arith.cmpi slt, %xor3A_1706, %lt3A_1708 : vector<16xi32>
        %add3A_1710 = arith.constant 16 : i32
        %add3A_1711 = vector.broadcast %add3A_1710 : i32 to vector<16xi32>
        %add3A_1712 = arith.addi %xor3A_1706, %add3A_1711 : vector<16xi32>
        %select_n3A_1713 = arith.select %lt3A_1709, %add3A_1712, %xor3A_1706 : vector<16xi1>, vector<16xi32>
        %broadcast_in_dim3A_1714 = vector.shape_cast %select_n3A_1713 : vector<16xi32> to vector<16x1xi32>
        %gather3A_1715 = vector.shape_cast %broadcast_in_dim3A_1714 : vector<16x1xi32> to vector<16xi32>
        %gather3A_1716 = tpu.dynamic_gather %select_n3A_1661[%gather3A_1715] in [0] : vector<16xf32>, vector<16xi32> -> vector<16xf32>
        %add3A_1717 = arith.addf %select_n3A_1661, %gather3A_1716 : vector<16xf32>
        %add3A_1718 = arith.addf %select_n3A_1632, %gather3A_1703 : vector<16xf32>
        %select_n3A_1719 = arith.select %ne3A_18, %add3A_1717, %add3A_1718 : vector<16xi1>, vector<16xf32>
        %xor3A_1720 = arith.constant 8 : i32
        %xor3A_1721 = vector.broadcast %xor3A_1720 : i32 to vector<16xi32>
        %xor3A_1722 = arith.xori %iota3A, %xor3A_1721 : vector<16xi32>
        %lt3A_1723 = arith.constant 0 : i32
        %lt3A_1724 = vector.broadcast %lt3A_1723 : i32 to vector<16xi32>
        %lt3A_1725 = arith.cmpi slt, %xor3A_1722, %lt3A_1724 : vector<16xi32>
        %add3A_1726 = arith.constant 16 : i32
        %add3A_1727 = vector.broadcast %add3A_1726 : i32 to vector<16xi32>
        %add3A_1728 = arith.addi %xor3A_1722, %add3A_1727 : vector<16xi32>
        %select_n3A_1729 = arith.select %lt3A_1725, %add3A_1728, %xor3A_1722 : vector<16xi1>, vector<16xi32>
        %broadcast_in_dim3A_1730 = vector.shape_cast %select_n3A_1729 : vector<16xi32> to vector<16x1xi32>
        %gather3A_1731 = vector.shape_cast %broadcast_in_dim3A_1730 : vector<16x1xi32> to vector<16xi32>
        %gather3A_1732 = tpu.dynamic_gather %select_n3A_1690[%gather3A_1731] in [0] : vector<16xf32>, vector<16xi32> -> vector<16xf32>
        %xor3A_1733 = arith.constant 8 : i32
        %xor3A_1734 = vector.broadcast %xor3A_1733 : i32 to vector<16xi32>
        %xor3A_1735 = arith.xori %iota3A, %xor3A_1734 : vector<16xi32>
        %lt3A_1736 = arith.constant 0 : i32
        %lt3A_1737 = vector.broadcast %lt3A_1736 : i32 to vector<16xi32>
        %lt3A_1738 = arith.cmpi slt, %xor3A_1735, %lt3A_1737 : vector<16xi32>
        %add3A_1739 = arith.constant 16 : i32
        %add3A_1740 = vector.broadcast %add3A_1739 : i32 to vector<16xi32>
        %add3A_1741 = arith.addi %xor3A_1735, %add3A_1740 : vector<16xi32>
        %select_n3A_1742 = arith.select %lt3A_1738, %add3A_1741, %xor3A_1735 : vector<16xi1>, vector<16xi32>
        %broadcast_in_dim3A_1743 = vector.shape_cast %select_n3A_1742 : vector<16xi32> to vector<16x1xi32>
        %gather3A_1744 = vector.shape_cast %broadcast_in_dim3A_1743 : vector<16x1xi32> to vector<16xi32>
        %gather3A_1745 = tpu.dynamic_gather %select_n3A_1719[%gather3A_1744] in [0] : vector<16xf32>, vector<16xi32> -> vector<16xf32>
        %add3A_1746 = arith.addf %select_n3A_1719, %gather3A_1745 : vector<16xf32>
        %add3A_1747 = arith.addf %select_n3A_1690, %gather3A_1732 : vector<16xf32>
        %select_n3A_1748 = arith.select %ne3A_24, %add3A_1746, %add3A_1747 : vector<16xi1>, vector<16xf32>
        %mul3A_1749 = arith.constant 16 : i32
        %mul3A_1750 = arith.muli %scan3A_245, %mul3A_1749 : i32
        %get3A_1751 = arith.constant 1 : i32
        %get3A_1752 = arith.index_cast %get3A_1751 : i32 to index
        %get3A_1753 = arith.index_cast %mul3A_1750 : i32 to index
        %get3A_1754 = tpu.vector_load %arg13[%get3A_1752, %get3A_1753] {strides = array<i32>} : memref<2x208xf32, #tpu.memory_space<vmem>>, vector<1x16xf32>,
        %get3A_1755 = vector.shape_cast %get3A_1754 : vector<1x16xf32> to vector<16xf32>
        %add3A_1756 = arith.addf %select_n3A_1748, %get3A_1755 : vector<16xf32>
        %mul3A_1757 = arith.constant 16 : i32
        %mul3A_1758 = arith.muli %scan3A_245, %mul3A_1757 : i32
        %swap3A = arith.index_cast %add3A_207 : i32 to index
        %swap3A_1759 = arith.index_cast %mul3A_1758 : i32 to index
        %swap3A_1760 = tpu.vector_load %arg11[%swap3A, %swap3A_1759] {strides = array<i32>} : memref<32x208xf32, #tpu.memory_space<vmem>>, vector<1x16xf32>,
        %swap3A_1761 = vector.shape_cast %swap3A_1760 : vector<1x16xf32> to vector<16xf32>
        %swap3A_1762 = vector.shape_cast %add3A_1756 : vector<16xf32> to vector<1x16xf32>
        tpu.vector_store %arg11[%swap3A, %swap3A_1759], %swap3A_1762 {strides = array<i32>} : memref<32x208xf32, #tpu.memory_space<vmem>>, vector<1x16xf32>,
      }
      %scan3A_244 = arith.constant 13 : i32
    }
    %scan3A_71 = arith.constant 16 : i32
    "tpu.region"() ({
      %run_scoped3A = tpu.sem_alloc : memref<!tpu.dma_semaphore, #tpu.memory_space<semaphore_mem>>
      %dma_start3A_72 = arith.constant 0 : i32
      %dma_start3A_73 = tpu.memref_slice %arg7[%multiple_of3A, %dma_start3A_72] : memref<1024x208xf32, #tpu.memory_space<hbm>> -> memref<32x208xf32, #tpu.memory_space<hbm>>
      %dma_start3A_74 = arith.constant 0 : i32
      %dma_start3A_75 = tpu.memref_slice %arg7[%multiple_of3A, %dma_start3A_74] : memref<1024x208xf32, #tpu.memory_space<hbm>> -> memref<32x208xf32, #tpu.memory_space<hbm>>
      tpu.enqueue_dma source(%arg11 : memref<32x208xf32, #tpu.memory_space<vmem>>) target(%dma_start3A_75 : memref<32x208xf32, #tpu.memory_space<hbm>>) target_semaphore(%run_scoped3A : memref<!tpu.dma_semaphore, #tpu.memory_space<semaphore_mem>>)
      %dma_wait3A = arith.constant 0 : i32
      %dma_wait3A_76 = tpu.memref_slice %arg7[%multiple_of3A, %dma_wait3A] : memref<1024x208xf32, #tpu.memory_space<hbm>> -> memref<32x208xf32, #tpu.memory_space<hbm>>
      %dma_wait3A_77 = arith.constant 0 : i32
      %dma_wait3A_78 = tpu.memref_slice %arg7[%multiple_of3A, %dma_wait3A_77] : memref<1024x208xf32, #tpu.memory_space<hbm>> -> memref<32x208xf32, #tpu.memory_space<hbm>>
      tpu.wait_dma2 semaphore(%run_scoped3A : memref<!tpu.dma_semaphore, #tpu.memory_space<semaphore_mem>>) src(%arg11 : memref<32x208xf32, #tpu.memory_space<vmem>>) dst(%dma_wait3A_78 : memref<32x208xf32, #tpu.memory_space<hbm>>)
      tpu.yield
    }) : () -> ()
    return
  }
}

#map = affine_map<(d0, d1) -> (0, 0)>
#map1 = affine_map<(d0, d1) -> (0)>
module attributes {stable_mosaic.version = 14 : i64} {
  func.func @_sc_gather_epq(%arg0: i32, %arg1: i32, %arg2: memref<100000x128xf32, #tpu.memory_space<hbm>>, %arg3: memref<400x128xf32, #tpu.memory_space<hbm>>, %arg4: memref<1024xi32, #tpu.memory_space<hbm>>, %arg5: memref<1024xi32, #tpu.memory_space<hbm>>, %arg6: memref<1024xi32, #tpu.memory_space<hbm>>, %arg7: memref<1024x128xf32, #tpu.memory_space<hbm>>, %arg8: memref<1024x128xf32, #tpu.memory_space<hbm>>, %arg9: memref<1024x128xf32, #tpu.memory_space<hbm>>, %arg10: memref<32xi32, #tpu.memory_space<vmem>>, %arg11: memref<32xi32, #tpu.memory_space<vmem>>, %arg12: memref<32xi32, #tpu.memory_space<vmem>>, %arg13: memref<32x128xf32, #tpu.memory_space<vmem>>, %arg14: memref<32x128xf32, #tpu.memory_space<vmem>>, %arg15: memref<32x128xf32, #tpu.memory_space<vmem>>, %arg16: memref<!tpu.dma_semaphore, #tpu.memory_space<semaphore_mem>>) attributes {dimension_semantics = [#tpu.dimension_semantics<core_parallel>, #tpu.dimension_semantics<subcore_parallel>], iteration_bounds = array<i64: 2, 16>, scalar_prefetch = 0 : i64, scratch_operands = 7 : i64, tpu.core_type = #tpu.core_type<sc_vector_subcore>, window_params = [{transform_indices = #map}, {transform_indices = #map}, {transform_indices = #map1}, {transform_indices = #map1}, {transform_indices = #map1}, {transform_indices = #map}, {transform_indices = #map}, {transform_indices = #map}]} {
    %mul3A = arith.constant 2 : i32
    %mul3A_0 = arith.muli %arg1, %mul3A : i32
    %add3A = arith.addi %mul3A_0, %arg0 : i32
    %mul3A_1 = arith.constant 32 : i32
    %mul3A_2 = arith.muli %add3A, %mul3A_1 : i32
    %multiple_of3A = tpu.assume_multiple %mul3A_2, 32 : i32
    "tpu.region"() ({
      %run_scoped3A = tpu.sem_alloc : memref<!tpu.dma_semaphore, #tpu.memory_space<semaphore_mem>>
      %dma_start3A_19 = tpu.memref_slice %arg4[%multiple_of3A] : memref<1024xi32, #tpu.memory_space<hbm>> -> memref<32xi32, #tpu.memory_space<hbm>>
      %dma_start3A_20 = tpu.memref_slice %arg4[%multiple_of3A] : memref<1024xi32, #tpu.memory_space<hbm>> -> memref<32xi32, #tpu.memory_space<hbm>>
      tpu.enqueue_dma source(%dma_start3A_20 : memref<32xi32, #tpu.memory_space<hbm>>) target(%arg10 : memref<32xi32, #tpu.memory_space<vmem>>) target_semaphore(%run_scoped3A : memref<!tpu.dma_semaphore, #tpu.memory_space<semaphore_mem>>)
      %dma_wait3A_21 = tpu.memref_slice %arg4[%multiple_of3A] : memref<1024xi32, #tpu.memory_space<hbm>> -> memref<32xi32, #tpu.memory_space<hbm>>
      %dma_wait3A_22 = tpu.memref_slice %arg4[%multiple_of3A] : memref<1024xi32, #tpu.memory_space<hbm>> -> memref<32xi32, #tpu.memory_space<hbm>>
      tpu.wait_dma2 semaphore(%run_scoped3A : memref<!tpu.dma_semaphore, #tpu.memory_space<semaphore_mem>>) src(%dma_wait3A_22 : memref<32xi32, #tpu.memory_space<hbm>>) dst(%arg10 : memref<32xi32, #tpu.memory_space<vmem>>)
      tpu.yield
    }) : () -> ()
    "tpu.region"() ({
      %run_scoped3A = tpu.sem_alloc : memref<!tpu.dma_semaphore, #tpu.memory_space<semaphore_mem>>
      %dma_start3A_19 = tpu.memref_slice %arg5[%multiple_of3A] : memref<1024xi32, #tpu.memory_space<hbm>> -> memref<32xi32, #tpu.memory_space<hbm>>
      %dma_start3A_20 = tpu.memref_slice %arg5[%multiple_of3A] : memref<1024xi32, #tpu.memory_space<hbm>> -> memref<32xi32, #tpu.memory_space<hbm>>
      tpu.enqueue_dma source(%dma_start3A_20 : memref<32xi32, #tpu.memory_space<hbm>>) target(%arg11 : memref<32xi32, #tpu.memory_space<vmem>>) target_semaphore(%run_scoped3A : memref<!tpu.dma_semaphore, #tpu.memory_space<semaphore_mem>>)
      %dma_wait3A_21 = tpu.memref_slice %arg5[%multiple_of3A] : memref<1024xi32, #tpu.memory_space<hbm>> -> memref<32xi32, #tpu.memory_space<hbm>>
      %dma_wait3A_22 = tpu.memref_slice %arg5[%multiple_of3A] : memref<1024xi32, #tpu.memory_space<hbm>> -> memref<32xi32, #tpu.memory_space<hbm>>
      tpu.wait_dma2 semaphore(%run_scoped3A : memref<!tpu.dma_semaphore, #tpu.memory_space<semaphore_mem>>) src(%dma_wait3A_22 : memref<32xi32, #tpu.memory_space<hbm>>) dst(%arg11 : memref<32xi32, #tpu.memory_space<vmem>>)
      tpu.yield
    }) : () -> ()
    "tpu.region"() ({
      %run_scoped3A = tpu.sem_alloc : memref<!tpu.dma_semaphore, #tpu.memory_space<semaphore_mem>>
      %dma_start3A_19 = tpu.memref_slice %arg6[%multiple_of3A] : memref<1024xi32, #tpu.memory_space<hbm>> -> memref<32xi32, #tpu.memory_space<hbm>>
      %dma_start3A_20 = tpu.memref_slice %arg6[%multiple_of3A] : memref<1024xi32, #tpu.memory_space<hbm>> -> memref<32xi32, #tpu.memory_space<hbm>>
      tpu.enqueue_dma source(%dma_start3A_20 : memref<32xi32, #tpu.memory_space<hbm>>) target(%arg12 : memref<32xi32, #tpu.memory_space<vmem>>) target_semaphore(%run_scoped3A : memref<!tpu.dma_semaphore, #tpu.memory_space<semaphore_mem>>)
      %dma_wait3A_21 = tpu.memref_slice %arg6[%multiple_of3A] : memref<1024xi32, #tpu.memory_space<hbm>> -> memref<32xi32, #tpu.memory_space<hbm>>
      %dma_wait3A_22 = tpu.memref_slice %arg6[%multiple_of3A] : memref<1024xi32, #tpu.memory_space<hbm>> -> memref<32xi32, #tpu.memory_space<hbm>>
      tpu.wait_dma2 semaphore(%run_scoped3A : memref<!tpu.dma_semaphore, #tpu.memory_space<semaphore_mem>>) src(%dma_wait3A_22 : memref<32xi32, #tpu.memory_space<hbm>>) dst(%arg12 : memref<32xi32, #tpu.memory_space<vmem>>)
      tpu.yield
    }) : () -> ()
    %dma_start3A = arith.constant 0 : i32
    %dma_start3A_3 = arith.constant 0 : i32
    %dma_start3A_4 = tpu.memref_slice %arg2[%dma_start3A, %dma_start3A_3] : memref<100000x128xf32, #tpu.memory_space<hbm>> -> memref<100000x128xf32, #tpu.memory_space<hbm>>
    tpu.enqueue_indirect_dma source(%dma_start3A_4 : memref<100000x128xf32, #tpu.memory_space<hbm>>) target(%arg13 : memref<32x128xf32, #tpu.memory_space<vmem>>) offsets(%arg10 : memref<32xi32, #tpu.memory_space<vmem>>) semaphore(%arg16 : memref<!tpu.dma_semaphore, #tpu.memory_space<semaphore_mem>>)
    %dma_start3A_5 = arith.constant 0 : i32
    %dma_start3A_6 = arith.constant 0 : i32
    %dma_start3A_7 = tpu.memref_slice %arg2[%dma_start3A_5, %dma_start3A_6] : memref<100000x128xf32, #tpu.memory_space<hbm>> -> memref<100000x128xf32, #tpu.memory_space<hbm>>
    tpu.enqueue_indirect_dma source(%dma_start3A_7 : memref<100000x128xf32, #tpu.memory_space<hbm>>) target(%arg14 : memref<32x128xf32, #tpu.memory_space<vmem>>) offsets(%arg11 : memref<32xi32, #tpu.memory_space<vmem>>) semaphore(%arg16 : memref<!tpu.dma_semaphore, #tpu.memory_space<semaphore_mem>>)
    %dma_start3A_8 = arith.constant 0 : i32
    %dma_start3A_9 = arith.constant 0 : i32
    %dma_start3A_10 = tpu.memref_slice %arg3[%dma_start3A_8, %dma_start3A_9] : memref<400x128xf32, #tpu.memory_space<hbm>> -> memref<400x128xf32, #tpu.memory_space<hbm>>
    tpu.enqueue_indirect_dma source(%dma_start3A_10 : memref<400x128xf32, #tpu.memory_space<hbm>>) target(%arg15 : memref<32x128xf32, #tpu.memory_space<vmem>>) offsets(%arg12 : memref<32xi32, #tpu.memory_space<vmem>>) semaphore(%arg16 : memref<!tpu.dma_semaphore, #tpu.memory_space<semaphore_mem>>)
    %dma_wait3A = arith.constant 0 : i32
    %dma_wait3A_11 = arith.constant 0 : i32
    %dma_wait3A_12 = tpu.memref_slice %arg2[%dma_wait3A, %dma_wait3A_11] : memref<100000x128xf32, #tpu.memory_space<hbm>> -> memref<100000x128xf32, #tpu.memory_space<hbm>>
    tpu.wait_indirect_dma semaphore(%arg16 : memref<!tpu.dma_semaphore, #tpu.memory_space<semaphore_mem>>) src(%dma_wait3A_12 : memref<100000x128xf32, #tpu.memory_space<hbm>>) dst(%arg13 : memref<32x128xf32, #tpu.memory_space<vmem>>)
    %dma_wait3A_13 = arith.constant 0 : i32
    %dma_wait3A_14 = arith.constant 0 : i32
    %dma_wait3A_15 = tpu.memref_slice %arg2[%dma_wait3A_13, %dma_wait3A_14] : memref<100000x128xf32, #tpu.memory_space<hbm>> -> memref<100000x128xf32, #tpu.memory_space<hbm>>
    tpu.wait_indirect_dma semaphore(%arg16 : memref<!tpu.dma_semaphore, #tpu.memory_space<semaphore_mem>>) src(%dma_wait3A_15 : memref<100000x128xf32, #tpu.memory_space<hbm>>) dst(%arg14 : memref<32x128xf32, #tpu.memory_space<vmem>>)
    %dma_wait3A_16 = arith.constant 0 : i32
    %dma_wait3A_17 = arith.constant 0 : i32
    %dma_wait3A_18 = tpu.memref_slice %arg3[%dma_wait3A_16, %dma_wait3A_17] : memref<400x128xf32, #tpu.memory_space<hbm>> -> memref<400x128xf32, #tpu.memory_space<hbm>>
    tpu.wait_indirect_dma semaphore(%arg16 : memref<!tpu.dma_semaphore, #tpu.memory_space<semaphore_mem>>) src(%dma_wait3A_18 : memref<400x128xf32, #tpu.memory_space<hbm>>) dst(%arg15 : memref<32x128xf32, #tpu.memory_space<vmem>>)
    "tpu.region"() ({
      %run_scoped3A = tpu.sem_alloc : memref<!tpu.dma_semaphore, #tpu.memory_space<semaphore_mem>>
      %dma_start3A_19 = arith.constant 0 : i32
      %dma_start3A_20 = tpu.memref_slice %arg7[%multiple_of3A, %dma_start3A_19] : memref<1024x128xf32, #tpu.memory_space<hbm>> -> memref<32x128xf32, #tpu.memory_space<hbm>>
      %dma_start3A_21 = arith.constant 0 : i32
      %dma_start3A_22 = tpu.memref_slice %arg7[%multiple_of3A, %dma_start3A_21] : memref<1024x128xf32, #tpu.memory_space<hbm>> -> memref<32x128xf32, #tpu.memory_space<hbm>>
      tpu.enqueue_dma source(%arg13 : memref<32x128xf32, #tpu.memory_space<vmem>>) target(%dma_start3A_22 : memref<32x128xf32, #tpu.memory_space<hbm>>) target_semaphore(%run_scoped3A : memref<!tpu.dma_semaphore, #tpu.memory_space<semaphore_mem>>)
      %dma_wait3A_23 = arith.constant 0 : i32
      %dma_wait3A_24 = tpu.memref_slice %arg7[%multiple_of3A, %dma_wait3A_23] : memref<1024x128xf32, #tpu.memory_space<hbm>> -> memref<32x128xf32, #tpu.memory_space<hbm>>
      %dma_wait3A_25 = arith.constant 0 : i32
      %dma_wait3A_26 = tpu.memref_slice %arg7[%multiple_of3A, %dma_wait3A_25] : memref<1024x128xf32, #tpu.memory_space<hbm>> -> memref<32x128xf32, #tpu.memory_space<hbm>>
      tpu.wait_dma2 semaphore(%run_scoped3A : memref<!tpu.dma_semaphore, #tpu.memory_space<semaphore_mem>>) src(%arg13 : memref<32x128xf32, #tpu.memory_space<vmem>>) dst(%dma_wait3A_26 : memref<32x128xf32, #tpu.memory_space<hbm>>)
      tpu.yield
    }) : () -> ()
    "tpu.region"() ({
      %run_scoped3A = tpu.sem_alloc : memref<!tpu.dma_semaphore, #tpu.memory_space<semaphore_mem>>
      %dma_start3A_19 = arith.constant 0 : i32
      %dma_start3A_20 = tpu.memref_slice %arg8[%multiple_of3A, %dma_start3A_19] : memref<1024x128xf32, #tpu.memory_space<hbm>> -> memref<32x128xf32, #tpu.memory_space<hbm>>
      %dma_start3A_21 = arith.constant 0 : i32
      %dma_start3A_22 = tpu.memref_slice %arg8[%multiple_of3A, %dma_start3A_21] : memref<1024x128xf32, #tpu.memory_space<hbm>> -> memref<32x128xf32, #tpu.memory_space<hbm>>
      tpu.enqueue_dma source(%arg14 : memref<32x128xf32, #tpu.memory_space<vmem>>) target(%dma_start3A_22 : memref<32x128xf32, #tpu.memory_space<hbm>>) target_semaphore(%run_scoped3A : memref<!tpu.dma_semaphore, #tpu.memory_space<semaphore_mem>>)
      %dma_wait3A_23 = arith.constant 0 : i32
      %dma_wait3A_24 = tpu.memref_slice %arg8[%multiple_of3A, %dma_wait3A_23] : memref<1024x128xf32, #tpu.memory_space<hbm>> -> memref<32x128xf32, #tpu.memory_space<hbm>>
      %dma_wait3A_25 = arith.constant 0 : i32
      %dma_wait3A_26 = tpu.memref_slice %arg8[%multiple_of3A, %dma_wait3A_25] : memref<1024x128xf32, #tpu.memory_space<hbm>> -> memref<32x128xf32, #tpu.memory_space<hbm>>
      tpu.wait_dma2 semaphore(%run_scoped3A : memref<!tpu.dma_semaphore, #tpu.memory_space<semaphore_mem>>) src(%arg14 : memref<32x128xf32, #tpu.memory_space<vmem>>) dst(%dma_wait3A_26 : memref<32x128xf32, #tpu.memory_space<hbm>>)
      tpu.yield
    }) : () -> ()
    "tpu.region"() ({
      %run_scoped3A = tpu.sem_alloc : memref<!tpu.dma_semaphore, #tpu.memory_space<semaphore_mem>>
      %dma_start3A_19 = arith.constant 0 : i32
      %dma_start3A_20 = tpu.memref_slice %arg9[%multiple_of3A, %dma_start3A_19] : memref<1024x128xf32, #tpu.memory_space<hbm>> -> memref<32x128xf32, #tpu.memory_space<hbm>>
      %dma_start3A_21 = arith.constant 0 : i32
      %dma_start3A_22 = tpu.memref_slice %arg9[%multiple_of3A, %dma_start3A_21] : memref<1024x128xf32, #tpu.memory_space<hbm>> -> memref<32x128xf32, #tpu.memory_space<hbm>>
      tpu.enqueue_dma source(%arg15 : memref<32x128xf32, #tpu.memory_space<vmem>>) target(%dma_start3A_22 : memref<32x128xf32, #tpu.memory_space<hbm>>) target_semaphore(%run_scoped3A : memref<!tpu.dma_semaphore, #tpu.memory_space<semaphore_mem>>)
      %dma_wait3A_23 = arith.constant 0 : i32
      %dma_wait3A_24 = tpu.memref_slice %arg9[%multiple_of3A, %dma_wait3A_23] : memref<1024x128xf32, #tpu.memory_space<hbm>> -> memref<32x128xf32, #tpu.memory_space<hbm>>
      %dma_wait3A_25 = arith.constant 0 : i32
      %dma_wait3A_26 = tpu.memref_slice %arg9[%multiple_of3A, %dma_wait3A_25] : memref<1024x128xf32, #tpu.memory_space<hbm>> -> memref<32x128xf32, #tpu.memory_space<hbm>>
      tpu.wait_dma2 semaphore(%run_scoped3A : memref<!tpu.dma_semaphore, #tpu.memory_space<semaphore_mem>>) src(%arg15 : memref<32x128xf32, #tpu.memory_space<vmem>>) dst(%dma_wait3A_26 : memref<32x128xf32, #tpu.memory_space<hbm>>)
      tpu.yield
    }) : () -> ()
    return
  }
}

module attributes {stable_mosaic.version = 14 : i64} {
  func.func @_tc_dense_body(%arg0: i32, %arg1: memref<1024x128xf32, #tpu.memory_space<vmem>>, %arg2: memref<1024x128xf32, #tpu.memory_space<vmem>>, %arg3: memref<1024x128xf32, #tpu.memory_space<vmem>>, %arg4: memref<1024x128xf32, #tpu.memory_space<vmem>>, %arg5: memref<400x128xf32, #tpu.memory_space<vmem>>, %arg6: memref<128x256xf32, #tpu.memory_space<vmem>>, %arg7: memref<128x256xf32, #tpu.memory_space<vmem>>, %arg8: memref<128x256xf32, #tpu.memory_space<vmem>>, %arg9: memref<256xf32, #tpu.memory_space<vmem>>, %arg10: memref<256x256xf32, #tpu.memory_space<vmem>>, %arg11: memref<256xf32, #tpu.memory_space<vmem>>, %arg12: memref<128x128xf32, #tpu.memory_space<vmem>>, %arg13: memref<128xf32, #tpu.memory_space<vmem>>, %arg14: memref<128x128xf32, #tpu.memory_space<vmem>>, %arg15: memref<128xf32, #tpu.memory_space<vmem>>, %arg16: memref<128x128xf32, #tpu.memory_space<vmem>>, %arg17: memref<128x128xf32, #tpu.memory_space<vmem>>, %arg18: memref<128xf32, #tpu.memory_space<vmem>>, %arg19: memref<128x128xf32, #tpu.memory_space<vmem>>, %arg20: memref<128x128xf32, #tpu.memory_space<vmem>>, %arg21: memref<128xf32, #tpu.memory_space<vmem>>, %arg22: memref<256x128xf32, #tpu.memory_space<vmem>>, %arg23: memref<128x128xf32, #tpu.memory_space<vmem>>, %arg24: memref<128xf32, #tpu.memory_space<vmem>>, %arg25: memref<1024x128xf32, #tpu.memory_space<vmem>>, %arg26: memref<1024x400xf32, #tpu.memory_space<vmem>>, %arg27: memref<1024x400xf32, #tpu.memory_space<vmem>>) attributes {dimension_semantics = [#tpu.dimension_semantics<arbitrary>], iteration_bounds = array<i64: 1>, scalar_prefetch = 0 : i64, scratch_operands = 0 : i64, tpu.core_type = #tpu.core_type<tc>, window_params = [{pipeline_mode = #tpu.pipeline_mode<synchronous>, transform_indices = @transform_0, window_bounds = array<i64: 1024, 128>}, {pipeline_mode = #tpu.pipeline_mode<synchronous>, transform_indices = @transform_1, window_bounds = array<i64: 1024, 128>}, {pipeline_mode = #tpu.pipeline_mode<synchronous>, transform_indices = @transform_2, window_bounds = array<i64: 1024, 128>}, {pipeline_mode = #tpu.pipeline_mode<synchronous>, transform_indices = @transform_3, window_bounds = array<i64: 1024, 128>}, {pipeline_mode = #tpu.pipeline_mode<synchronous>, transform_indices = @transform_4, window_bounds = array<i64: 400, 128>}, {pipeline_mode = #tpu.pipeline_mode<synchronous>, transform_indices = @transform_5, window_bounds = array<i64: 128, 256>}, {pipeline_mode = #tpu.pipeline_mode<synchronous>, transform_indices = @transform_6, window_bounds = array<i64: 128, 256>}, {pipeline_mode = #tpu.pipeline_mode<synchronous>, transform_indices = @transform_7, window_bounds = array<i64: 128, 256>}, {pipeline_mode = #tpu.pipeline_mode<synchronous>, transform_indices = @transform_8, window_bounds = array<i64: 256>}, {pipeline_mode = #tpu.pipeline_mode<synchronous>, transform_indices = @transform_9, window_bounds = array<i64: 256, 256>}, {pipeline_mode = #tpu.pipeline_mode<synchronous>, transform_indices = @transform_10, window_bounds = array<i64: 256>}, {pipeline_mode = #tpu.pipeline_mode<synchronous>, transform_indices = @transform_11, window_bounds = array<i64: 128, 128>}, {pipeline_mode = #tpu.pipeline_mode<synchronous>, transform_indices = @transform_12, window_bounds = array<i64: 128>}, {pipeline_mode = #tpu.pipeline_mode<synchronous>, transform_indices = @transform_13, window_bounds = array<i64: 128, 128>}, {pipeline_mode = #tpu.pipeline_mode<synchronous>, transform_indices = @transform_14, window_bounds = array<i64: 128>}, {pipeline_mode = #tpu.pipeline_mode<synchronous>, transform_indices = @transform_15, window_bounds = array<i64: 128, 128>}, {pipeline_mode = #tpu.pipeline_mode<synchronous>, transform_indices = @transform_16, window_bounds = array<i64: 128, 128>}, {pipeline_mode = #tpu.pipeline_mode<synchronous>, transform_indices = @transform_17, window_bounds = array<i64: 128>}, {pipeline_mode = #tpu.pipeline_mode<synchronous>, transform_indices = @transform_18, window_bounds = array<i64: 128, 128>}, {pipeline_mode = #tpu.pipeline_mode<synchronous>, transform_indices = @transform_19, window_bounds = array<i64: 128, 128>}, {pipeline_mode = #tpu.pipeline_mode<synchronous>, transform_indices = @transform_20, window_bounds = array<i64: 128>}, {pipeline_mode = #tpu.pipeline_mode<synchronous>, transform_indices = @transform_21, window_bounds = array<i64: 256, 128>}, {pipeline_mode = #tpu.pipeline_mode<synchronous>, transform_indices = @transform_22, window_bounds = array<i64: 128, 128>}, {pipeline_mode = #tpu.pipeline_mode<synchronous>, transform_indices = @transform_23, window_bounds = array<i64: 128>}, {pipeline_mode = #tpu.pipeline_mode<synchronous>, transform_indices = @transform_24, window_bounds = array<i64: 1024, 128>}, {pipeline_mode = #tpu.pipeline_mode<synchronous>, transform_indices = @transform_25, window_bounds = array<i64: 1024, 400>}, {pipeline_mode = #tpu.pipeline_mode<synchronous>, transform_indices = @transform_26, window_bounds = array<i64: 1024, 400>}]} {
    %get3A = arith.constant 0 : index
    %get3A_0 = arith.constant 0 : index
    %get3A_1 = vector.load %arg1[%get3A, %get3A_0] : memref<1024x128xf32, #tpu.memory_space<vmem>>, vector<1024x128xf32>
    %get3A_2 = arith.constant 0 : index
    %get3A_3 = arith.constant 0 : index
    %get3A_4 = vector.load %arg6[%get3A_2, %get3A_3] : memref<128x256xf32, #tpu.memory_space<vmem>>, vector<128x256xf32>
    %dot_general3A = arith.constant dense<0.000000e+00> : vector<1024x256xf32>
    %dot_general3A_5 = tpu.matmul %get3A_1, %get3A_4, %dot_general3A {dimension_numbers = #tpu.dot_dimension_numbers<[1], [0], [0], [1], [0, 0, 1, 1], [], []>, transpose_lhs_hint = false} : vector<1024x128xf32>, vector<128x256xf32>, vector<1024x256xf32> -> vector<1024x256xf32>
    %get3A_6 = arith.constant 0 : index
    %get3A_7 = arith.constant 0 : index
    %get3A_8 = vector.load %arg2[%get3A_6, %get3A_7] : memref<1024x128xf32, #tpu.memory_space<vmem>>, vector<1024x128xf32>
    %get3A_9 = arith.constant 0 : index
    %get3A_10 = arith.constant 0 : index
    %get3A_11 = vector.load %arg7[%get3A_9, %get3A_10] : memref<128x256xf32, #tpu.memory_space<vmem>>, vector<128x256xf32>
    %dot_general3A_12 = arith.constant dense<0.000000e+00> : vector<1024x256xf32>
    %dot_general3A_13 = tpu.matmul %get3A_8, %get3A_11, %dot_general3A_12 {dimension_numbers = #tpu.dot_dimension_numbers<[1], [0], [0], [1], [0, 0, 1, 1], [], []>, transpose_lhs_hint = false} : vector<1024x128xf32>, vector<128x256xf32>, vector<1024x256xf32> -> vector<1024x256xf32>
    %add3A = arith.addf %dot_general3A_5, %dot_general3A_13 : vector<1024x256xf32>
    %get3A_14 = arith.constant 0 : index
    %get3A_15 = arith.constant 0 : index
    %get3A_16 = vector.load %arg3[%get3A_14, %get3A_15] : memref<1024x128xf32, #tpu.memory_space<vmem>>, vector<1024x128xf32>
    %get3A_17 = arith.constant 0 : index
    %get3A_18 = arith.constant 0 : index
    %get3A_19 = vector.load %arg8[%get3A_17, %get3A_18] : memref<128x256xf32, #tpu.memory_space<vmem>>, vector<128x256xf32>
    %dot_general3A_20 = arith.constant dense<0.000000e+00> : vector<1024x256xf32>
    %dot_general3A_21 = tpu.matmul %get3A_16, %get3A_19, %dot_general3A_20 {dimension_numbers = #tpu.dot_dimension_numbers<[1], [0], [0], [1], [0, 0, 1, 1], [], []>, transpose_lhs_hint = false} : vector<1024x128xf32>, vector<128x256xf32>, vector<1024x256xf32> -> vector<1024x256xf32>
    %add3A_22 = arith.addf %add3A, %dot_general3A_21 : vector<1024x256xf32>
    %get3A_23 = arith.constant 0 : index
    %get3A_24 = vector.load %arg9[%get3A_23] : memref<256xf32, #tpu.memory_space<vmem>>, vector<256xf32>
    %broadcast_in_dim3A = vector.shape_cast %get3A_24 : vector<256xf32> to vector<1x256xf32>
    %add3A_25 = vector.broadcast %broadcast_in_dim3A : vector<1x256xf32> to vector<1024x256xf32>
    %add3A_26 = arith.addf %add3A_22, %add3A_25 : vector<1024x256xf32>
    %max3A = arith.constant 0.000000e+00 : f32
    %max3A_27 = vector.broadcast %max3A : f32 to vector<1024x256xf32>
    %max3A_28 = arith.maximumf %add3A_26, %max3A_27 : vector<1024x256xf32>
    %get3A_29 = arith.constant 0 : index
    %get3A_30 = arith.constant 0 : index
    %get3A_31 = vector.load %arg10[%get3A_29, %get3A_30] : memref<256x256xf32, #tpu.memory_space<vmem>>, vector<256x256xf32>
    %dot_general3A_32 = arith.constant dense<0.000000e+00> : vector<1024x256xf32>
    %dot_general3A_33 = tpu.matmul %max3A_28, %get3A_31, %dot_general3A_32 {dimension_numbers = #tpu.dot_dimension_numbers<[1], [0], [0], [1], [0, 0, 1, 1], [], []>, transpose_lhs_hint = false} : vector<1024x256xf32>, vector<256x256xf32>, vector<1024x256xf32> -> vector<1024x256xf32>
    %get3A_34 = arith.constant 0 : index
    %get3A_35 = vector.load %arg11[%get3A_34] : memref<256xf32, #tpu.memory_space<vmem>>, vector<256xf32>
    %broadcast_in_dim3A_36 = vector.shape_cast %get3A_35 : vector<256xf32> to vector<1x256xf32>
    %add3A_37 = vector.broadcast %broadcast_in_dim3A_36 : vector<1x256xf32> to vector<1024x256xf32>
    %add3A_38 = arith.addf %dot_general3A_33, %add3A_37 : vector<1024x256xf32>
    %get3A_39 = arith.constant 0 : index
    %get3A_40 = arith.constant 0 : index
    %get3A_41 = vector.load %arg4[%get3A_39, %get3A_40] : memref<1024x128xf32, #tpu.memory_space<vmem>>, vector<1024x128xf32>
    %get3A_42 = arith.constant 0 : index
    %get3A_43 = arith.constant 0 : index
    %get3A_44 = vector.load %arg12[%get3A_42, %get3A_43] : memref<128x128xf32, #tpu.memory_space<vmem>>, vector<128x128xf32>
    %dot_general3A_45 = arith.constant dense<0.000000e+00> : vector<1024x128xf32>
    %dot_general3A_46 = tpu.matmul %get3A_41, %get3A_44, %dot_general3A_45 {dimension_numbers = #tpu.dot_dimension_numbers<[1], [0], [0], [1], [0, 0, 1, 1], [], []>, transpose_lhs_hint = false} : vector<1024x128xf32>, vector<128x128xf32>, vector<1024x128xf32> -> vector<1024x128xf32>
    %get3A_47 = arith.constant 0 : index
    %get3A_48 = vector.load %arg13[%get3A_47] : memref<128xf32, #tpu.memory_space<vmem>>, vector<128xf32>
    %broadcast_in_dim3A_49 = vector.shape_cast %get3A_48 : vector<128xf32> to vector<1x128xf32>
    %add3A_50 = vector.broadcast %broadcast_in_dim3A_49 : vector<1x128xf32> to vector<1024x128xf32>
    %add3A_51 = arith.addf %dot_general3A_46, %add3A_50 : vector<1024x128xf32>
    %get3A_52 = arith.constant 0 : index
    %get3A_53 = arith.constant 0 : index
    %get3A_54 = vector.load %arg5[%get3A_52, %get3A_53] : memref<400x128xf32, #tpu.memory_space<vmem>>, vector<400x128xf32>
    %get3A_55 = arith.constant 0 : index
    %get3A_56 = arith.constant 0 : index
    %get3A_57 = vector.load %arg14[%get3A_55, %get3A_56] : memref<128x128xf32, #tpu.memory_space<vmem>>, vector<128x128xf32>
    %dot_general3A_58 = arith.constant dense<0.000000e+00> : vector<400x128xf32>
    %dot_general3A_59 = tpu.matmul %get3A_54, %get3A_57, %dot_general3A_58 {dimension_numbers = #tpu.dot_dimension_numbers<[1], [0], [0], [1], [0, 0, 1, 1], [], []>, transpose_lhs_hint = false} : vector<400x128xf32>, vector<128x128xf32>, vector<400x128xf32> -> vector<400x128xf32>
    %get3A_60 = arith.constant 0 : index
    %get3A_61 = vector.load %arg15[%get3A_60] : memref<128xf32, #tpu.memory_space<vmem>>, vector<128xf32>
    %broadcast_in_dim3A_62 = vector.shape_cast %get3A_61 : vector<128xf32> to vector<1x128xf32>
    %add3A_63 = vector.broadcast %broadcast_in_dim3A_62 : vector<1x128xf32> to vector<400x128xf32>
    %add3A_64 = arith.addf %dot_general3A_59, %add3A_63 : vector<400x128xf32>
    %dot_general3A_65 = arith.constant dense<0.000000e+00> : vector<1024x400xf32>
    %dot_general3A_66 = tpu.matmul %add3A_51, %add3A_64, %dot_general3A_65 {dimension_numbers = #tpu.dot_dimension_numbers<[1], [1], [0], [0], [0, 0, 1, 0], [], []>, transpose_lhs_hint = false} : vector<1024x128xf32>, vector<400x128xf32>, vector<1024x400xf32> -> vector<1024x400xf32>
    %reduce_max3A = arith.constant dense<0xFF800000> : vector<1024xf32>
    %reduce_max3A_67 = vector.multi_reduction <maximumf>, %dot_general3A_66, %reduce_max3A [1] : vector<1024x400xf32> to vector<1024xf32>
    %broadcast_in_dim3A_68 = vector.shape_cast %reduce_max3A_67 : vector<1024xf32> to vector<1024x1xf32>
    %sub3A = vector.broadcast %broadcast_in_dim3A_68 : vector<1024x1xf32> to vector<1024x400xf32>
    %sub3A_69 = arith.subf %dot_general3A_66, %sub3A : vector<1024x400xf32>
    %exp3A = math.exp %sub3A_69 : vector<1024x400xf32>
    %reduce_sum3A = arith.constant dense<0.000000e+00> : vector<1024xf32>
    %reduce_sum3A_70 = vector.multi_reduction <add>, %exp3A, %reduce_sum3A [1] : vector<1024x400xf32> to vector<1024xf32>
    %broadcast_in_dim3A_71 = vector.shape_cast %reduce_sum3A_70 : vector<1024xf32> to vector<1024x1xf32>
    %div3A = vector.broadcast %broadcast_in_dim3A_71 : vector<1024x1xf32> to vector<1024x400xf32>
    %div3A_72 = arith.divf %exp3A, %div3A : vector<1024x400xf32>
    %dot_general3A_73 = arith.constant dense<0.000000e+00> : vector<1024x128xf32>
    %dot_general3A_74 = tpu.matmul %div3A_72, %get3A_54, %dot_general3A_73 {dimension_numbers = #tpu.dot_dimension_numbers<[1], [0], [0], [1], [0, 0, 1, 1], [], []>, transpose_lhs_hint = false} : vector<1024x400xf32>, vector<400x128xf32>, vector<1024x128xf32> -> vector<1024x128xf32>
    %reduce_sum3A_75 = arith.constant dense<0.000000e+00> : vector<128xf32>
    %reduce_sum3A_76 = vector.multi_reduction <add>, %get3A_54, %reduce_sum3A_75 [0] : vector<400x128xf32> to vector<128xf32>
    %broadcast_in_dim3A_77 = vector.shape_cast %reduce_sum3A_76 : vector<128xf32> to vector<1x128xf32>
    %get3A_78 = arith.constant 0 : index
    %get3A_79 = arith.constant 0 : index
    %get3A_80 = vector.load %arg16[%get3A_78, %get3A_79] : memref<128x128xf32, #tpu.memory_space<vmem>>, vector<128x128xf32>
    %dot_general3A_81 = arith.constant dense<0.000000e+00> : vector<1x128xf32>
    %dot_general3A_82 = tpu.matmul %broadcast_in_dim3A_77, %get3A_80, %dot_general3A_81 {dimension_numbers = #tpu.dot_dimension_numbers<[1], [0], [0], [1], [0, 0, 1, 1], [], []>, transpose_lhs_hint = false} : vector<1x128xf32>, vector<128x128xf32>, vector<1x128xf32> -> vector<1x128xf32>
    %get3A_83 = arith.constant 0 : index
    %get3A_84 = arith.constant 0 : index
    %get3A_85 = vector.load %arg4[%get3A_83, %get3A_84] : memref<1024x128xf32, #tpu.memory_space<vmem>>, vector<1024x128xf32>
    %get3A_86 = arith.constant 0 : index
    %get3A_87 = arith.constant 0 : index
    %get3A_88 = vector.load %arg17[%get3A_86, %get3A_87] : memref<128x128xf32, #tpu.memory_space<vmem>>, vector<128x128xf32>
    %dot_general3A_89 = arith.constant dense<0.000000e+00> : vector<1024x128xf32>
    %dot_general3A_90 = tpu.matmul %get3A_85, %get3A_88, %dot_general3A_89 {dimension_numbers = #tpu.dot_dimension_numbers<[1], [0], [0], [1], [0, 0, 1, 1], [], []>, transpose_lhs_hint = false} : vector<1024x128xf32>, vector<128x128xf32>, vector<1024x128xf32> -> vector<1024x128xf32>
    %mul3A = arith.constant 4.000000e+02 : f32
    %mul3A_91 = vector.broadcast %mul3A : f32 to vector<1024x128xf32>
    %mul3A_92 = arith.mulf %mul3A_91, %dot_general3A_90 : vector<1024x128xf32>
    %add3A_93 = vector.broadcast %dot_general3A_82 : vector<1x128xf32> to vector<1024x128xf32>
    %add3A_94 = arith.addf %add3A_93, %mul3A_92 : vector<1024x128xf32>
    %get3A_95 = arith.constant 0 : index
    %get3A_96 = vector.load %arg18[%get3A_95] : memref<128xf32, #tpu.memory_space<vmem>>, vector<128xf32>
    %broadcast_in_dim3A_97 = vector.shape_cast %get3A_96 : vector<128xf32> to vector<1x128xf32>
    %add3A_98 = vector.broadcast %broadcast_in_dim3A_97 : vector<1x128xf32> to vector<1024x128xf32>
    %add3A_99 = arith.addf %add3A_94, %add3A_98 : vector<1024x128xf32>
    %get3A_100 = arith.constant 0 : index
    %get3A_101 = arith.constant 0 : index
    %get3A_102 = vector.load %arg19[%get3A_100, %get3A_101] : memref<128x128xf32, #tpu.memory_space<vmem>>, vector<128x128xf32>
    %dot_general3A_103 = arith.constant dense<0.000000e+00> : vector<1024x128xf32>
    %dot_general3A_104 = tpu.matmul %add3A_99, %get3A_102, %dot_general3A_103 {dimension_numbers = #tpu.dot_dimension_numbers<[1], [0], [0], [1], [0, 0, 1, 1], [], []>, transpose_lhs_hint = false} : vector<1024x128xf32>, vector<128x128xf32>, vector<1024x128xf32> -> vector<1024x128xf32>
    %get3A_105 = arith.constant 0 : index
    %get3A_106 = arith.constant 0 : index
    %get3A_107 = vector.load %arg20[%get3A_105, %get3A_106] : memref<128x128xf32, #tpu.memory_space<vmem>>, vector<128x128xf32>
    %dot_general3A_108 = arith.constant dense<0.000000e+00> : vector<1024x128xf32>
    %dot_general3A_109 = tpu.matmul %dot_general3A_74, %get3A_107, %dot_general3A_108 {dimension_numbers = #tpu.dot_dimension_numbers<[1], [0], [0], [1], [0, 0, 1, 1], [], []>, transpose_lhs_hint = false} : vector<1024x128xf32>, vector<128x128xf32>, vector<1024x128xf32> -> vector<1024x128xf32>
    %add3A_110 = arith.addf %dot_general3A_104, %dot_general3A_109 : vector<1024x128xf32>
    %get3A_111 = arith.constant 0 : index
    %get3A_112 = vector.load %arg21[%get3A_111] : memref<128xf32, #tpu.memory_space<vmem>>, vector<128xf32>
    %broadcast_in_dim3A_113 = vector.shape_cast %get3A_112 : vector<128xf32> to vector<1x128xf32>
    %add3A_114 = vector.broadcast %broadcast_in_dim3A_113 : vector<1x128xf32> to vector<1024x128xf32>
    %add3A_115 = arith.addf %add3A_110, %add3A_114 : vector<1024x128xf32>
    %get3A_116 = arith.constant 0 : index
    %get3A_117 = arith.constant 0 : index
    %get3A_118 = vector.load %arg22[%get3A_116, %get3A_117] : memref<256x128xf32, #tpu.memory_space<vmem>>, vector<256x128xf32>
    %dot_general3A_119 = arith.constant dense<0.000000e+00> : vector<1024x128xf32>
    %dot_general3A_120 = tpu.matmul %add3A_38, %get3A_118, %dot_general3A_119 {dimension_numbers = #tpu.dot_dimension_numbers<[1], [0], [0], [1], [0, 0, 1, 1], [], []>, transpose_lhs_hint = false} : vector<1024x256xf32>, vector<256x128xf32>, vector<1024x128xf32> -> vector<1024x128xf32>
    %get3A_121 = arith.constant 0 : index
    %get3A_122 = arith.constant 0 : index
    %get3A_123 = vector.load %arg23[%get3A_121, %get3A_122] : memref<128x128xf32, #tpu.memory_space<vmem>>, vector<128x128xf32>
    %dot_general3A_124 = arith.constant dense<0.000000e+00> : vector<1024x128xf32>
    %dot_general3A_125 = tpu.matmul %add3A_115, %get3A_123, %dot_general3A_124 {dimension_numbers = #tpu.dot_dimension_numbers<[1], [0], [0], [1], [0, 0, 1, 1], [], []>, transpose_lhs_hint = false} : vector<1024x128xf32>, vector<128x128xf32>, vector<1024x128xf32> -> vector<1024x128xf32>
    %add3A_126 = arith.addf %dot_general3A_120, %dot_general3A_125 : vector<1024x128xf32>
    %get3A_127 = arith.constant 0 : index
    %get3A_128 = vector.load %arg24[%get3A_127] : memref<128xf32, #tpu.memory_space<vmem>>, vector<128xf32>
    %broadcast_in_dim3A_129 = vector.shape_cast %get3A_128 : vector<128xf32> to vector<1x128xf32>
    %add3A_130 = vector.broadcast %broadcast_in_dim3A_129 : vector<1x128xf32> to vector<1024x128xf32>
    %add3A_131 = arith.addf %add3A_126, %add3A_130 : vector<1024x128xf32>
    %dot_general3A_132 = arith.constant dense<0.000000e+00> : vector<1024x400xf32>
    %dot_general3A_133 = tpu.matmul %add3A_131, %get3A_54, %dot_general3A_132 {dimension_numbers = #tpu.dot_dimension_numbers<[1], [1], [0], [0], [0, 0, 1, 0], [], []>, transpose_lhs_hint = false} : vector<1024x128xf32>, vector<400x128xf32>, vector<1024x400xf32> -> vector<1024x400xf32>
    %reduce_max3A_134 = arith.constant dense<0xFF800000> : vector<1024xf32>
    %reduce_max3A_135 = vector.multi_reduction <maximumf>, %dot_general3A_133, %reduce_max3A_134 [1] : vector<1024x400xf32> to vector<1024xf32>
    %broadcast_in_dim3A_136 = vector.shape_cast %reduce_max3A_135 : vector<1024xf32> to vector<1024x1xf32>
    %sub3A_137 = vector.broadcast %broadcast_in_dim3A_136 : vector<1024x1xf32> to vector<1024x400xf32>
    %sub3A_138 = arith.subf %dot_general3A_133, %sub3A_137 : vector<1024x400xf32>
    %exp3A_139 = math.exp %sub3A_138 : vector<1024x400xf32>
    %reduce_sum3A_140 = arith.constant dense<0.000000e+00> : vector<1024xf32>
    %reduce_sum3A_141 = vector.multi_reduction <add>, %exp3A_139, %reduce_sum3A_140 [1] : vector<1024x400xf32> to vector<1024xf32>
    %broadcast_in_dim3A_142 = vector.shape_cast %reduce_sum3A_141 : vector<1024xf32> to vector<1024x1xf32>
    %div3A_143 = vector.broadcast %broadcast_in_dim3A_142 : vector<1024x1xf32> to vector<1024x400xf32>
    %div3A_144 = arith.divf %exp3A_139, %div3A_143 : vector<1024x400xf32>
    %swap3A = arith.constant 0 : index
    %swap3A_145 = arith.constant 0 : index
    %swap3A_146 = vector.load %arg27[%swap3A, %swap3A_145] : memref<1024x400xf32, #tpu.memory_space<vmem>>, vector<1024x400xf32>
    tpu.vector_store %arg27[%swap3A, %swap3A_145], %div3A_144 {strides = array<i32>} : memref<1024x400xf32, #tpu.memory_space<vmem>>, vector<1024x400xf32>,
    %slice3A = vector.extract_strided_slice %add3A_38 {offsets = [0, 0], sizes = [1024, 128], strides = [1, 1]} : vector<1024x256xf32> to vector<1024x128xf32>
    %dot_general3A_147 = arith.constant dense<0.000000e+00> : vector<1024x400xf32>
    %dot_general3A_148 = tpu.matmul %slice3A, %get3A_54, %dot_general3A_147 {dimension_numbers = #tpu.dot_dimension_numbers<[1], [1], [0], [0], [0, 0, 1, 0], [], []>, transpose_lhs_hint = false} : vector<1024x128xf32>, vector<400x128xf32>, vector<1024x400xf32> -> vector<1024x400xf32>
    %swap3A_149 = arith.constant 0 : index
    %swap3A_150 = arith.constant 0 : index
    %swap3A_151 = vector.load %arg26[%swap3A_149, %swap3A_150] : memref<1024x400xf32, #tpu.memory_space<vmem>>, vector<1024x400xf32>
    tpu.vector_store %arg26[%swap3A_149, %swap3A_150], %dot_general3A_148 {strides = array<i32>} : memref<1024x400xf32, #tpu.memory_space<vmem>>, vector<1024x400xf32>,
    %slice3A_152 = vector.extract_strided_slice %add3A_38 {offsets = [0, 128], sizes = [1024, 128], strides = [1, 1]} : vector<1024x256xf32> to vector<1024x128xf32>
    %swap3A_153 = arith.constant 0 : index
    %swap3A_154 = arith.constant 0 : index
    %swap3A_155 = vector.load %arg25[%swap3A_153, %swap3A_154] : memref<1024x128xf32, #tpu.memory_space<vmem>>, vector<1024x128xf32>
    tpu.vector_store %arg25[%swap3A_153, %swap3A_154], %slice3A_152 {strides = array<i32>} : memref<1024x128xf32, #tpu.memory_space<vmem>>, vector<1024x128xf32>,
    return
  }
  func.func @transform_0(%arg0: i32) -> (i32, i32) {
    %c0_i32 = arith.constant 0 : i32
    %c0_i32_0 = arith.constant 0 : i32
    %c0_i32_1 = arith.constant 0 : i32
    return %c0_i32, %c0_i32_0 : i32, i32
  }
  func.func @transform_1(%arg0: i32) -> (i32, i32) {
    %c0_i32 = arith.constant 0 : i32
    %c0_i32_0 = arith.constant 0 : i32
    %c0_i32_1 = arith.constant 0 : i32
    return %c0_i32, %c0_i32_0 : i32, i32
  }
  func.func @transform_2(%arg0: i32) -> (i32, i32) {
    %c0_i32 = arith.constant 0 : i32
    %c0_i32_0 = arith.constant 0 : i32
    %c0_i32_1 = arith.constant 0 : i32
    return %c0_i32, %c0_i32_0 : i32, i32
  }
  func.func @transform_3(%arg0: i32) -> (i32, i32) {
    %c0_i32 = arith.constant 0 : i32
    %c0_i32_0 = arith.constant 0 : i32
    %c0_i32_1 = arith.constant 0 : i32
    return %c0_i32, %c0_i32_0 : i32, i32
  }
  func.func @transform_4(%arg0: i32) -> (i32, i32) {
    %c0_i32 = arith.constant 0 : i32
    %c0_i32_0 = arith.constant 0 : i32
    %c0_i32_1 = arith.constant 0 : i32
    return %c0_i32, %c0_i32_0 : i32, i32
  }
  func.func @transform_5(%arg0: i32) -> (i32, i32) {
    %c0_i32 = arith.constant 0 : i32
    %c0_i32_0 = arith.constant 0 : i32
    %c0_i32_1 = arith.constant 0 : i32
    return %c0_i32, %c0_i32_0 : i32, i32
  }
  func.func @transform_6(%arg0: i32) -> (i32, i32) {
    %c0_i32 = arith.constant 0 : i32
    %c0_i32_0 = arith.constant 0 : i32
    %c0_i32_1 = arith.constant 0 : i32
    return %c0_i32, %c0_i32_0 : i32, i32
  }
  func.func @transform_7(%arg0: i32) -> (i32, i32) {
    %c0_i32 = arith.constant 0 : i32
    %c0_i32_0 = arith.constant 0 : i32
    %c0_i32_1 = arith.constant 0 : i32
    return %c0_i32, %c0_i32_0 : i32, i32
  }
  func.func @transform_8(%arg0: i32) -> i32 {
    %c0_i32 = arith.constant 0 : i32
    %c0_i32_0 = arith.constant 0 : i32
    return %c0_i32 : i32
  }
  func.func @transform_9(%arg0: i32) -> (i32, i32) {
    %c0_i32 = arith.constant 0 : i32
    %c0_i32_0 = arith.constant 0 : i32
    %c0_i32_1 = arith.constant 0 : i32
    return %c0_i32, %c0_i32_0 : i32, i32
  }
  func.func @transform_10(%arg0: i32) -> i32 {
    %c0_i32 = arith.constant 0 : i32
    %c0_i32_0 = arith.constant 0 : i32
    return %c0_i32 : i32
  }
  func.func @transform_11(%arg0: i32) -> (i32, i32) {
    %c0_i32 = arith.constant 0 : i32
    %c0_i32_0 = arith.constant 0 : i32
    %c0_i32_1 = arith.constant 0 : i32
    return %c0_i32, %c0_i32_0 : i32, i32
  }
  func.func @transform_12(%arg0: i32) -> i32 {
    %c0_i32 = arith.constant 0 : i32
    %c0_i32_0 = arith.constant 0 : i32
    return %c0_i32 : i32
  }
  func.func @transform_13(%arg0: i32) -> (i32, i32) {
    %c0_i32 = arith.constant 0 : i32
    %c0_i32_0 = arith.constant 0 : i32
    %c0_i32_1 = arith.constant 0 : i32
    return %c0_i32, %c0_i32_0 : i32, i32
  }
  func.func @transform_14(%arg0: i32) -> i32 {
    %c0_i32 = arith.constant 0 : i32
    %c0_i32_0 = arith.constant 0 : i32
    return %c0_i32 : i32
  }
  func.func @transform_15(%arg0: i32) -> (i32, i32) {
    %c0_i32 = arith.constant 0 : i32
    %c0_i32_0 = arith.constant 0 : i32
    %c0_i32_1 = arith.constant 0 : i32
    return %c0_i32, %c0_i32_0 : i32, i32
  }
  func.func @transform_16(%arg0: i32) -> (i32, i32) {
    %c0_i32 = arith.constant 0 : i32
    %c0_i32_0 = arith.constant 0 : i32
    %c0_i32_1 = arith.constant 0 : i32
    return %c0_i32, %c0_i32_0 : i32, i32
  }
  func.func @transform_17(%arg0: i32) -> i32 {
    %c0_i32 = arith.constant 0 : i32
    %c0_i32_0 = arith.constant 0 : i32
    return %c0_i32 : i32
  }
  func.func @transform_18(%arg0: i32) -> (i32, i32) {
    %c0_i32 = arith.constant 0 : i32
    %c0_i32_0 = arith.constant 0 : i32
    %c0_i32_1 = arith.constant 0 : i32
    return %c0_i32, %c0_i32_0 : i32, i32
  }
  func.func @transform_19(%arg0: i32) -> (i32, i32) {
    %c0_i32 = arith.constant 0 : i32
    %c0_i32_0 = arith.constant 0 : i32
    %c0_i32_1 = arith.constant 0 : i32
    return %c0_i32, %c0_i32_0 : i32, i32
  }
  func.func @transform_20(%arg0: i32) -> i32 {
    %c0_i32 = arith.constant 0 : i32
    %c0_i32_0 = arith.constant 0 : i32
    return %c0_i32 : i32
  }
  func.func @transform_21(%arg0: i32) -> (i32, i32) {
    %c0_i32 = arith.constant 0 : i32
    %c0_i32_0 = arith.constant 0 : i32
    %c0_i32_1 = arith.constant 0 : i32
    return %c0_i32, %c0_i32_0 : i32, i32
  }
  func.func @transform_22(%arg0: i32) -> (i32, i32) {
    %c0_i32 = arith.constant 0 : i32
    %c0_i32_0 = arith.constant 0 : i32
    %c0_i32_1 = arith.constant 0 : i32
    return %c0_i32, %c0_i32_0 : i32, i32
  }
  func.func @transform_23(%arg0: i32) -> i32 {
    %c0_i32 = arith.constant 0 : i32
    %c0_i32_0 = arith.constant 0 : i32
    return %c0_i32 : i32
  }
  func.func @transform_24(%arg0: i32) -> (i32, i32) {
    %c0_i32 = arith.constant 0 : i32
    %c0_i32_0 = arith.constant 0 : i32
    %c0_i32_1 = arith.constant 0 : i32
    return %c0_i32, %c0_i32_0 : i32, i32
  }
  func.func @transform_25(%arg0: i32) -> (i32, i32) {
    %c0_i32 = arith.constant 0 : i32
    %c0_i32_0 = arith.constant 0 : i32
    %c0_i32_1 = arith.constant 0 : i32
    return %c0_i32, %c0_i32_0 : i32, i32
  }
  func.func @transform_26(%arg0: i32) -> (i32, i32) {
    %c0_i32 = arith.constant 0 : i32
    %c0_i32_0 = arith.constant 0 : i32
    %c0_i32_1 = arith.constant 0 : i32
    return %c0_i32, %c0_i32_0 : i32, i32
  }
}

module attributes {stable_mosaic.version = 14 : i64} {
  func.func @_tc_softmax_body(%arg0: i32, %arg1: memref<1024x208xf32, #tpu.memory_space<vmem>>, %arg2: memref<1024x200xf32, #tpu.memory_space<vmem>>, %arg3: memref<1024x200xf32, #tpu.memory_space<vmem>>, %arg4: memref<1024x1xf32, #tpu.memory_space<vmem>>) attributes {dimension_semantics = [#tpu.dimension_semantics<arbitrary>], iteration_bounds = array<i64: 1>, scalar_prefetch = 0 : i64, scratch_operands = 0 : i64, tpu.core_type = #tpu.core_type<tc>, window_params = [{pipeline_mode = #tpu.pipeline_mode<synchronous>, transform_indices = @transform_0, window_bounds = array<i64: 1024, 208>}, {pipeline_mode = #tpu.pipeline_mode<synchronous>, transform_indices = @transform_1, window_bounds = array<i64: 1024, 200>}, {pipeline_mode = #tpu.pipeline_mode<synchronous>, transform_indices = @transform_2, window_bounds = array<i64: 1024, 200>}, {pipeline_mode = #tpu.pipeline_mode<synchronous>, transform_indices = @transform_3, window_bounds = array<i64: 1024, 1>}]} {
    %get3A = arith.constant 0 : index
    %get3A_0 = arith.constant 0 : index
    %get3A_1 = vector.load %arg1[%get3A, %get3A_0] : memref<1024x208xf32, #tpu.memory_space<vmem>>, vector<1024x208xf32>
    %slice3A = vector.extract_strided_slice %get3A_1 {offsets = [0, 0], sizes = [1024, 200], strides = [1, 1]} : vector<1024x208xf32> to vector<1024x200xf32>
    %get3A_2 = arith.constant 0 : index
    %get3A_3 = arith.constant 0 : index
    %get3A_4 = vector.load %arg2[%get3A_2, %get3A_3] : memref<1024x200xf32, #tpu.memory_space<vmem>>, vector<1024x200xf32>
    %sub3A = arith.constant 1.000000e+00 : f32
    %sub3A_5 = vector.broadcast %sub3A : f32 to vector<1024x200xf32>
    %sub3A_6 = arith.subf %sub3A_5, %get3A_4 : vector<1024x200xf32>
    %mul3A = arith.constant 1.000000e+20 : f32
    %mul3A_7 = vector.broadcast %mul3A : f32 to vector<1024x200xf32>
    %mul3A_8 = arith.mulf %sub3A_6, %mul3A_7 : vector<1024x200xf32>
    %sub3A_9 = arith.subf %slice3A, %mul3A_8 : vector<1024x200xf32>
    %reduce_max3A = arith.constant dense<0xFF800000> : vector<1024xf32>
    %reduce_max3A_10 = vector.multi_reduction <maximumf>, %sub3A_9, %reduce_max3A [1] : vector<1024x200xf32> to vector<1024xf32>
    %broadcast_in_dim3A = vector.shape_cast %reduce_max3A_10 : vector<1024xf32> to vector<1024x1xf32>
    %sub3A_11 = vector.broadcast %broadcast_in_dim3A : vector<1024x1xf32> to vector<1024x200xf32>
    %sub3A_12 = arith.subf %sub3A_9, %sub3A_11 : vector<1024x200xf32>
    %exp3A = math.exp %sub3A_12 : vector<1024x200xf32>
    %reduce_sum3A = arith.constant dense<0.000000e+00> : vector<1024xf32>
    %reduce_sum3A_13 = vector.multi_reduction <add>, %exp3A, %reduce_sum3A [1] : vector<1024x200xf32> to vector<1024xf32>
    %broadcast_in_dim3A_14 = vector.shape_cast %reduce_sum3A_13 : vector<1024xf32> to vector<1024x1xf32>
    %div3A = vector.broadcast %broadcast_in_dim3A_14 : vector<1024x1xf32> to vector<1024x200xf32>
    %div3A_15 = arith.divf %exp3A, %div3A : vector<1024x200xf32>
    %swap3A = arith.constant 0 : index
    %swap3A_16 = arith.constant 0 : index
    %swap3A_17 = vector.load %arg3[%swap3A, %swap3A_16] : memref<1024x200xf32, #tpu.memory_space<vmem>>, vector<1024x200xf32>
    tpu.vector_store %arg3[%swap3A, %swap3A_16], %div3A_15 {strides = array<i32>} : memref<1024x200xf32, #tpu.memory_space<vmem>>, vector<1024x200xf32>,
    %add3A = arith.constant 9.99999968E-21 : f32
    %add3A_18 = vector.broadcast %add3A : f32 to vector<1024x200xf32>
    %add3A_19 = arith.addf %div3A_15, %add3A_18 : vector<1024x200xf32>
    %log3A = math.log %add3A_19 : vector<1024x200xf32>
    %mul3A_20 = arith.mulf %div3A_15, %log3A : vector<1024x200xf32>
    %reduce_sum3A_21 = arith.constant dense<0.000000e+00> : vector<1024xf32>
    %reduce_sum3A_22 = vector.multi_reduction <add>, %mul3A_20, %reduce_sum3A_21 [1] : vector<1024x200xf32> to vector<1024xf32>
    %broadcast_in_dim3A_23 = vector.shape_cast %reduce_sum3A_22 : vector<1024xf32> to vector<1024x1xf32>
    %neg3A = arith.constant 0.000000e+00 : f32
    %neg3A_24 = vector.broadcast %neg3A : f32 to vector<1024x1xf32>
    %neg3A_25 = arith.subf %neg3A_24, %broadcast_in_dim3A_23 : vector<1024x1xf32>
    %swap3A_26 = arith.constant 0 : index
    %swap3A_27 = arith.constant 0 : index
    %swap3A_28 = vector.load %arg4[%swap3A_26, %swap3A_27] : memref<1024x1xf32, #tpu.memory_space<vmem>>, vector<1024x1xf32>
    tpu.vector_store %arg4[%swap3A_26, %swap3A_27], %neg3A_25 {strides = array<i32>} : memref<1024x1xf32, #tpu.memory_space<vmem>>, vector<1024x1xf32>,
    return
  }
  func.func @transform_0(%arg0: i32) -> (i32, i32) {
    %c0_i32 = arith.constant 0 : i32
    %c0_i32_0 = arith.constant 0 : i32
    %c0_i32_1 = arith.constant 0 : i32
    return %c0_i32, %c0_i32_0 : i32, i32
  }
  func.func @transform_1(%arg0: i32) -> (i32, i32) {
    %c0_i32 = arith.constant 0 : i32
    %c0_i32_0 = arith.constant 0 : i32
    %c0_i32_1 = arith.constant 0 : i32
    return %c0_i32, %c0_i32_0 : i32, i32
  }
  func.func @transform_2(%arg0: i32) -> (i32, i32) {
    %c0_i32 = arith.constant 0 : i32
    %c0_i32_0 = arith.constant 0 : i32
    %c0_i32_1 = arith.constant 0 : i32
    return %c0_i32, %c0_i32_0 : i32, i32
  }
  func.func @transform_3(%arg0: i32) -> (i32, i32) {
    %c0_i32 = arith.constant 0 : i32
    %c0_i32_0 = arith.constant 0 : i32
    %c0_i32_1 = arith.constant 0 : i32
    return %c0_i32, %c0_i32_0 : i32, i32
  }
}

</mosaic_0001>

<sc_bundles>
// kernel: kernel.6.cloned.1.call-start
scs
__scs_entry_jumppad:
0x0: {  	(pc) =	sbr.rel $0x88, $3  }
0x1: {  	(tag) =	ssettag $0x0;
	lr =	simm.s32 $0x1  }
0x2: {  	[smem:$0x3F8A] =	sst lr;
	_ =	strace $0xD0000000  }
0x3: {  	_ = 	snop  }
0x4: {  	_ = 	snop  }
0x5: {  	_ = 	snop  }
0x6: {  	_ = 	snop  }
0x7: {  	_ = 	snop  }
__scs_overlays_trampoline_lowered:
0x8: {  	[smem:$0x3F99] =	sst s0  }
0x9: {  	[smem:$0x3F9A] =	sst s1  }
0xa: {  	[smem:$0x3F9B] =	sst s2  }
0xb: {  	[smem:$0x3F9C] =	sst s3  }
0xc: {  	[smem:$0x3F9D] =	sst s4  }
0xd: {  	[smem:$0x3F9E] =	sst s5  }
0xe: {  	[smem:$0x3F9F] =	sst s6  }
0xf: {  	[smem:$0x3FA0] =	sst s7  }
0x10: {  	[smem:$0x3FA1] =	sst s8  }
0x11: {  	[smem:$0x3FA2] =	sst s9;
	s0 =	simm.s32 @!p0 $0x0  }
0x12: {  	s1 =	sld [smem:$0x3F88];
	s0 =	simm.s32 @p0 $0x1  }
0x13: {  	[smem:$0x3FA3] =	sst s0;
	s0 =	simm.s32 @!p1 $0x0  }
0x14: {  	s2 =	sld [smem:$0x3F87];
	s0 =	simm.s32 @p1 $0x1  }
0x15: {  	[smem:$0x3FA4] =	sst s0;
	s0 =	simm.s32 @!p2 $0x0  }
0x16: {  	s3 =	sld [smem:$0x3FDB];
	s0 =	simm.s32 @p2 $0x1  }
0x17: {  	s4 =	simm.s32 $0x1BF5;
	[smem:$0x3FA6] =	sst s0  }
0x18: {  	s0 =	sld [smem:$0x3F89];
	_ =	swait.ge [sflag:s4], $0x0  }
0x19: {  	s7 =	sld [smem:$0x3F8A]  }
0x1a: {  	s8 =	sadd.s32 $0xFFFFE003, lr  }
0x1b: {  	s9 =	sadd.s32 $0xFFFFFEF7, lr;
	s5 =	simm.s32 $0xFFFFFFFF;
	p2 =	slt.u32 s8, $0xFFFFF086  }
0x1c: {  	p1 =	slt.u32 s9, $0xF7A;
	s5 =	simm.s32 @!p2 $0x0  }
0x1d: {  	s5 =	simm.s32 @p1 $0x1;
	p0 =	seq.s32 s7, s2  }
0x1e: {  	s7 =	smul.u32 @!p0 $0xF7A, s2;
	p2 =	seq.s32 @!p0 s5, $0x0  }
0x1f: {  	s9 =	smul.u32 $0xF7A, s1;
	s8 =	simm.s32 @!p0 $0x1BF5;
	p2 =	por !p2, p0  }
0x20: {  	[sflag:s8] =	ssyncset.s32 @!p0 $0xFFFFF086;
	s6 =	sadd.s32 @!p0 s3, s7;
	s7 =	simm.s32 @!p0 $0x108  }
0x21: {  	s3 =	sadd.s32 s3, s9;
	s6 =	sadd.s32 @!p0 $0x88, s6;
	s7 =	simm.s32 @p2 $0x1082  }
0x22: {  	[simem:s7], [sflag:s8] =	dma.local @!p0 [hbm:s6], $0xF7A  }
0x23: {  	s9 =	sor.u32 $0xD0000000, s2;
	s6 =	simm.s32 $0x108;
	_ =	swait.ge @!p0 [sflag:s8], $0x0  }
0x24: {  	s3 =	sadd.s32 $0x88, s3;
	s6 =	simm.s32 @!p1 $0x1082;
	[sflag:s4] =	ssyncset.s32 $0xFFFFF086  }
0x25: {  	[simem:s6], [sflag:s4] =	dma.local [hbm:s3], $0xF7A  }
0x26: {  	[smem:$0x3F8A] =	sst s1;
	(tag) =	ssettag s2;
	_ =	strace s9  }
0x27: {  	s1 =	sld [smem:$0x3F9A]  }
0x28: {  	s2 =	sld [smem:$0x3F9B]  }
0x29: {  	s4 =	sld [smem:$0x3F9D]  }
0x2a: {  	p0 =	seq.s32 s5, $0x0;
	s5 =	sld [smem:$0x3F9E]  }
0x2b: {  	s6 =	sld [smem:$0x3F9F]  }
0x2c: {  	s7 =	sld [smem:$0x3FA0]  }
0x2d: {  	s3 =	simm.s32 $0x108;
	s8 =	sld [smem:$0x3FA1]  }
0x2e: {  	s3 =	simm.s32 @!p0 $0x1082;
	s9 =	sld [smem:$0x3FA2]  }
0x2f: {  	lr =	sadd.s32 s0, s3;
	s0 =	sld [smem:$0x3F99]  }
0x30: {  	s3 =	sld [smem:$0x3F9C]  }
0x31: {  	[smem:$0x3FA5] =	sst s10  }
0x32: {  	s10 =	sld [smem:$0x3FA3];
	_ =	sdelay $0x3  }
0x33: {  	p0 =	seq.s32 s10, $0x1;
	s10 =	sld [smem:$0x3FA5];
	_ =	sdelay $0x3  }
0x34: {  	[smem:$0x3FA5] =	sst s10  }
0x35: {  	s10 =	sld [smem:$0x3FA4];
	_ =	sdelay $0x3  }
0x36: {  	p1 =	seq.s32 s10, $0x1;
	s10 =	sld [smem:$0x3FA5];
	_ =	sdelay $0x3  }
0x37: {  	[smem:$0x3FA5] =	sst s10  }
0x38: {  	s10 =	sld [smem:$0x3FA6]  }
0x39: {  	_ = 	snop;
	(pc) =	sbr.ind lr, $3  }
0x3a: {  	_ = 	snop  }
0x3b: {  	_ = 	snop  }
0x3c: {  	p2 =	seq.s32 s10, $0x1;
	s10 =	sld [smem:$0x3FA5]  }
0x3d: {  	_ =	shalt  }
0x3e: {  	_ =	shalt  }
0x3f: {  	_ =	shalt  }
0x40: {  	_ =	shalt  }
0x41: {  	_ =	shalt  }
0x42: {  	_ =	shalt  }
0x43: {  	_ =	shalt  }
0x44: {  	_ =	shalt  }
0x45: {  	_ =	shalt  }
0x46: {  	_ =	shalt  }
0x47: {  	_ =	shalt  }
0x48: {  	_ =	shalt  }
0x49: {  	_ =	shalt  }
0x4a: {  	_ =	shalt  }
0x4b: {  	_ =	shalt  }
0x4c: {  	_ =	shalt  }
0x4d: {  	_ =	shalt  }
0x4e: {  	_ =	shalt  }
0x4f: {  	_ =	shalt  }
0x50: {  	_ =	shalt  }
0x51: {  	_ =	shalt  }
0x52: {  	_ =	shalt  }
0x53: {  	_ =	shalt  }
0x54: {  	_ =	shalt  }
0x55: {  	_ =	shalt  }
0x56: {  	_ =	shalt  }
0x57: {  	_ =	shalt  }
0x58: {  	_ =	shalt  }
0x59: {  	_ =	shalt  }
0x5a: {  	_ =	shalt  }
0x5b: {  	_ =	shalt  }
0x5c: {  	_ =	shalt  }
0x5d: {  	_ =	shalt  }
0x5e: {  	_ =	shalt  }
0x5f: {  	_ =	shalt  }
0x60: {  	_ =	shalt  }
0x61: {  	_ =	shalt  }
0x62: {  	_ =	shalt  }
0x63: {  	_ =	shalt  }
0x64: {  	_ =	shalt  }
0x65: {  	_ =	shalt  }
0x66: {  	_ =	shalt  }
0x67: {  	_ =	shalt  }
0x68: {  	_ =	shalt  }
0x69: {  	_ =	shalt  }
0x6a: {  	_ =	shalt  }
0x6b: {  	_ =	shalt  }
0x6c: {  	_ =	shalt  }
0x6d: {  	_ =	shalt  }
0x6e: {  	_ =	shalt  }
0x6f: {  	_ =	shalt  }
0x70: {  	_ =	shalt  }
0x71: {  	_ =	shalt  }
0x72: {  	_ =	shalt  }
0x73: {  	_ =	shalt  }
0x74: {  	_ =	shalt  }
0x75: {  	_ =	shalt  }
0x76: {  	_ =	shalt  }
0x77: {  	_ =	shalt  }
0x78: {  	_ =	shalt  }
0x79: {  	_ =	shalt  }
0x7a: {  	_ =	shalt  }
0x7b: {  	_ =	shalt  }
0x7c: {  	_ =	shalt  }
0x7d: {  	_ =	shalt  }
0x7e: {  	_ =	shalt  }
0x7f: {  	_ =	shalt  }
0x80: {  	_ =	shalt  }
0x81: {  	_ =	shalt  }
0x82: {  	_ =	shalt  }
0x83: {  	_ =	shalt  }
0x84: {  	_ =	shalt  }
0x85: {  	_ =	shalt  }
0x86: {  	_ =	shalt  }
0x87: {  	_ =	shalt  }
.Lfunc_end0:
.L_simem_size_0:
called_computation_lowered:
.L_overlay_start_0:
0x88: {  	s2 =	sld [smem:$0x3FD9]  }
0x89: {  	s3 =	sld [smem:$0x3FFE];
	_ =	sdelay $0x1  }
0x8a: {  	s1 =	srdreg.scid  }
0x8b: {  	s0 =	sand.u32 $0x1, s1  }
0x8c: {  	s14 =	sshll.u32 s0, $0xA;
	s2 =	sadd.s32 s3, s2  }
0x8d: {  	s2 =	sadd.s32 s2, s14  }
0x8e: {  	[smem:$0x3FB1] =	sst s2  }
0x8f: {  	_ = 	snop  }
0x90: {  	s2 =	sld [smem:$0x3FC9]  }
0x91: {  	s15 =	sld [smem:$0x3FC8]  }
0x92: {  	s4 =	sld [smem:$0x3FD0]  }
0x93: {  	s5 =	sld [smem:$0x3FC7]  }
0x94: {  	s6 =	sld [smem:$0x3FC2]  }
0x95: {  	s8 =	simm.s32 $0xA;
	s9 =	simm.s32 $0x10;
	s7 =	sld [smem:$0x3FC1]  }
0x96: {  	[smem:s9], [sflag:s8] =	dma.local [hbm:s4], $0x1  }
0x97: {  	_ =	swait.eq [sflag:s8], $0x1  }
0x98: {  	[sflag:s8] =	ssyncset.done $0x0  }
0x99: {  	[sflag:s8] =	ssyncadd.s32 $0xFFFFFFFF  }
0x9a: {  	s16 =	sld [smem:$0x12];
	(tm) =	ssettm $0x1  }
0x9b: {  	s17 =	sld [smem:$0x3FFB];
	_ =	sdelay $0x3  }
0x9c: {  	_ =	strace s17  }
0x9d: {  	s8 =	sld [smem:$0x3FFC];
	_ =	sdelay $0x3  }
0x9e: {  	_ =	strace s8  }
0x9f: {  	s8 =	sld [smem:$0x3FFD];
	_ =	sdelay $0x3  }
0xa0: {  	_ =	strace s8  }
0xa1: {  	_ =	strace $0x8FFFFFFF  }
0xa2: {  	s18 =	sld [smem:$0x3FDB];
	_ =	sdelay $0x1  }
0xa3: {  	s19 =	simm.s32 $_scs_section_size  }
0xa4: {  	s10 =	simm.s32 $_size__tile_overlayer_lowered;
	s11 =	simm.s32 $_tile_overlayer_lowered  }
0xa5: {  	s22 =	simm.s32 $0x1BFF;
	s21 =	sshll.u32 s11, $0x1;
	s8 =	sadd.s32 s19, s18  }
0xa6: {  	s12 =	simm.s32 $0x0;
	s20 =	sshll.u32 s10, $0x1;
	s10 =	sadd.s32 s21, s8  }
0xa7: {  	[timem:s12], [sflag:s22] =	dma.local [hbm:s10], s20  }
0xa8: {  	_ =	swait.ge [sflag:s22], s20  }
0xa9: {  	s9 =	ssub.s32 $0x0, s20;
	[sflag:s22] =	ssyncset.done $0x0  }
0xaa: {  	[sflag:s22] =	ssyncadd.s32 s9;
	_ =	sdelay $0x1  }
0xab: {  	s23 =	simm.s32 $0x1B8B  }
0xac: {  	_ =	swait.ge [sflag:s23], $0x1  }
0xad: {  	[sflag:s23] =	ssyncset.done $0x0  }
0xae: {  	s25 =	simm.s32 $0x1B8E;
	s24 =	sld [smem:$0x3FFE];
	[sflag:s23] =	ssyncadd.s32 $0xFFFFFFFF  }
0xaf: {  	s26 =	simm.s32 $execute0_lowered;
	[smem:$0x3FD2] =	sst s25  }
0xb0: {  	s10 =	sshll.u32 s26, $0x1;
	_ =	strace $0x80000046;
	[dreg:$0x1] =	wrdreg $0xFFFFFFFF  }
0xb1: {  	s28 =	simm.s32 $_size_execute0_lowered;
	s8 =	sadd.s32 s8, s10;
	[dreg:$0x0] =	wrdreg $0x0  }
0xb2: {  	s10 =	sshll.u32 s28, $0x1;
	[dreg:$0x2] =	wrdreg s8  }
0xb3: {  	[dreg:$0x3] =	wrdreg s10  }
0xb4: {  	[dreg:$0x4] =	wrdreg $0xC0  }
0xb5: {  	_ =	task [dreg:s12], $0x5FFFF  }
0xb6: {  	[dreg:$0x1] =	wrdreg $0xFFFFFFFF  }
0xb7: {  	[dreg:$0x0] =	wrdreg $0x60  }
0xb8: {  	[dreg:$0x2] =	wrdreg s6  }
0xb9: {  	[dreg:$0x3] =	wrdreg s7  }
0xba: {  	[dreg:$0x4] =	wrdreg s2  }
0xbb: {  	[dreg:$0x5] =	wrdreg s5  }
0xbc: {  	[dreg:$0x6] =	wrdreg s15  }
0xbd: {  	[dreg:$0x7] =	wrdreg s16  }
0xbe: {  	[dreg:$0x8] =	wrdreg s24  }
0xbf: {  	[dreg:$0x9] =	wrdreg $0x9  }
0xc0: {  	_ =	task.clear_ibuf [dreg:s12], $0xAFFFF;
	_ =	strace $0x90000046  }
0xc1: {  	s29 =	simm.s32 $0x9;
	_ =	strace $0x80000048  }
0xc2: {  	_ =	swait.ge [sflag:s29], $0x1  }
0xc3: {  	[sflag:s29] =	ssyncadd.s32 $0xFFFFFFFF  }
0xc4: {  	_ =	strace $0x90000048  }
0xc5: {  	_ =	sfence  }
0xc6: {  	s30 =	sld [smem:$0x0];
	_ =	sdelay $0x2  }
0xc7: {  	s31 =	sshll.u32 s1, $0xD;
	s1 =	sshrl.u32 s1, $0x2  }
0xc8: {  	s3 =	sand.u32 $0x4000, s31;
	s1 =	sadd.s32 s1, s30  }
0xc9: {  	s0 =	sor.u32 s3, s0;
	s1 =	sshll.u32 s1, $0x11  }
0xca: {  	s0 =	sor.u32 s1, s0  }
0xcb: {  	s0 =	sadd.s32 $0x8F2B, s0  }
0xcc: {  	[sflag:s0] =	ssyncadd.remote.s32 $0x1  }
0xcd: {  	_ =	sfence.sel $0xFFFF  }
0xce: {  	[dreg:$0x0] =	wrdreg $0xFFFFFFFF;
	(pc) =	sbr.abs _section_cstart, $3  }
0xcf: {  	[dreg:$0x1] =	wrdreg $0xFFFFFFFF  }
0xd0: {  	_ =	task.clear_ibuf [dreg:s12], $0x2FFFF;
	_ =	strace $0x9FFFFFFF  }
0xd1: {  	(tm) =	ssettm $0x7FFFFFFF  }
tec
execute0_lowered:
.L_overlay_start_1:
0x0: {  	(tag) =	ssettag $0x1  }
0x1: {  	s0 =	rddreg [dreg:$0x0]  }
0x2: {  	s1 =	rddreg [dreg:$0x1]  }
0x3: {  	s5 =	rddreg [dreg:$0x2]  }
0x4: {  	s7 =	rddreg [dreg:$0x3]  }
0x5: {  	s9 =	rddreg [dreg:$0x4];
	s3 =	srdreg.scid  }
0x6: {  	s16 =	rddreg [dreg:$0x5];
	s2 =	stileid.u32;
	s17 =	sand.u32 $0x1, s3  }
0x7: {  	s18 =	rddreg [dreg:$0x6];
	s6 =	sshll.u32 s2, $0x6;
	s8 =	sshll.u32 s17, $0x5  }
0x8: {  	s4 =	simm.s32 $0x0;
	s3 =	rddreg [dreg:$0x7];
	s19 =	sor.u32 s8, s6  }
0x9: {  	[smem:$0x7FF] =	sst s4;
	s10 =	sshrl.u32 s19, $0x3  }
0xa: {  	_ =	strace $0x80000047;
	s6 =	sadd.s32 s5, s10;
	s5 =	simm.s32 $0x2  }
0xb: {  	[tilespmem:s4], [sflag:$0x2] =	stream.linear.gather [hbm4b:s6+s4], $0x20, $0x38;
	[tilespmem:$0x3180] =	vst v63  }
0xc: {  	_ =	swait.ge [sflag:s5], $0x20  }
0xd: {  	[sflag:s5] =	ssyncset.done $0x0  }
0xe: {  	s8 =	simm.s32 $0x80;
	s7 =	sadd.s32 s7, s10;
	[sflag:s5] =	ssyncadd.s32 $0xFFFFFFE0  }
0xf: {  	[tilespmem:s8], [sflag:$0x2] =	stream.linear.gather [hbm4b:s7+s4], $0x20, $0x38;
	[tilespmem:$0x3180] =	vst v63  }
0x10: {  	_ =	swait.ge [sflag:s5], $0x20  }
0x11: {  	[sflag:s5] =	ssyncset.done $0x0  }
0x12: {  	s9 =	sadd.s32 s9, s10;
	s10 =	simm.s32 $0x100;
	[sflag:s5] =	ssyncadd.s32 $0xFFFFFFE0  }
0x13: {  	[tilespmem:s10], [sflag:$0x2] =	stream.linear.gather [hbm4b:s9+s4], $0x20, $0x38;
	[tilespmem:$0x3180] =	vst v63  }
0x14: {  	_ =	swait.ge [sflag:s5], $0x20  }
0x15: {  	[sflag:s5] =	ssyncset.done $0x0  }
0x16: {  	s11 =	simm.s32 $0x20;
	s12 =	simm.s32 $0x180;
	[sflag:s5] =	ssyncadd.s32 $0xFFFFFFE0  }
0x17: {  	[tilespmem:s12], [sflag:$0x1] =	stream.indirect.gather [hbm4b:s0+s11], $0x80, s4, s11, $0xb8;
	[tilespmem:$0x3180] =	vst v63  }
0x18: {  	s13 =	simm.s32 $0x1180  }
0x19: {  	[tilespmem:s13], [sflag:$0x1] =	stream.indirect.gather [hbm4b:s0+s11], $0x80, s8, s11, $0xb8;
	[tilespmem:$0x3180] =	vst v63  }
0x1a: {  	s14 =	simm.s32 $0x2180;
	s15 =	simm.s32 $0x1  }
0x1b: {  	[tilespmem:s14], [sflag:$0x1] =	stream.indirect.gather [hbm4b:s1+s11], $0x80, s10, s11, $0xb8;
	[tilespmem:$0x3180] =	vst v63  }
0x1c: {  	_ =	swait.ge [sflag:s15], $0x1000  }
0x1d: {  	[sflag:s15] =	ssyncset.done $0x0  }
0x1e: {  	[sflag:s15] =	ssyncadd.s32 $0xFFFFF000  }
0x1f: {  	_ =	swait.ge [sflag:s15], $0x1000  }
0x20: {  	[sflag:s15] =	ssyncset.done $0x0  }
0x21: {  	[sflag:s15] =	ssyncadd.s32 $0xFFFFF000  }
0x22: {  	_ =	swait.ge [sflag:s15], $0x1000  }
0x23: {  	s19 =	sshll.u32 s19, $0x4;
	[sflag:s15] =	ssyncset.done $0x0  }
0x24: {  	s31 =	ssub.s32 $0x2, s17;
	s16 =	sadd.s32 s16, s19;
	[sflag:s15] =	ssyncadd.s32 $0xFFFFF000  }
0x25: {  	[hbm4b:s16+s4] =	stream.linear.scatter [tilespmem:s12], [sflag:$0x2], $0x1000, $0x38;
	[tilespmem:$0x3180] =	vst v63  }
0x26: {  	s20 =	sshrl.u32 s31, $0x1;
	_ =	swait.ge [sflag:s5], $0x1000  }
0x27: {  	s18 =	sadd.s32 s19, s18;
	s19 =	ssub.s32 s31, s20;
	[sflag:s5] =	ssyncset.done $0x0  }
0x28: {  	s17 =	sadd.s32 $0x3E00, s18;
	s19 =	smax.u32 s19, $0x1;
	[sflag:s5] =	ssyncadd.s32 $0xFFFFF000  }
0x29: {  	[hbm4b:s17+s4] =	stream.linear.scatter [tilespmem:s13], [sflag:$0x2], $0x1000, $0x38;
	[tilespmem:$0x3180] =	vst v63  }
0x2a: {  	p0 =	sne.s32 s19, $0x1;
	_ =	swait.ge [sflag:s5], $0x1000  }
.Ltmp0:
0x2b: {  	[sflag:s5] =	ssyncset.done $0x0;
	(pc) =	sbr.rel @!p0 .LBB2_2-.Ltmp0, $4  }
0x2c: {  	s18 =	sadd.s32 $0x7E00, s18;
	[sflag:s5] =	ssyncadd.s32 $0xFFFFF000  }
0x2d: {  	[hbm4b:s18+s4] =	stream.linear.scatter [tilespmem:s14], [sflag:$0x2], $0x1000, $0x38;
	[tilespmem:$0x3180] =	vst v63  }
0x2e: {  	_ =	swait.ge [sflag:s5], $0x1000  }
0x2f: {  	s19 =	sadd.s32 $0xFFFFFFFF, s19;
	[sflag:s5] =	ssyncset.done $0x0  }
.LBB2_1:
0x30: {  	p0 =	sne.s32 s19, $0x1;
	s19 =	sadd.s32 $0xFFFFFFFF, s19;
	[sflag:s5] =	ssyncadd.s32 $0xFFFFF000  }
0x31: {  	[tilespmem:s4], [sflag:$0x2] =	stream.linear.gather [hbm4b:s6+s4], $0x20, $0x38;
	[tilespmem:$0x3180] =	vst v63  }
0x32: {  	_ =	swait.ge [sflag:s5], $0x20  }
0x33: {  	[sflag:s5] =	ssyncset.done $0x0  }
0x34: {  	[sflag:s5] =	ssyncadd.s32 $0xFFFFFFE0  }
0x35: {  	[tilespmem:s8], [sflag:$0x2] =	stream.linear.gather [hbm4b:s7+s4], $0x20, $0x38;
	[tilespmem:$0x3180] =	vst v63  }
0x36: {  	_ =	swait.ge [sflag:s5], $0x20  }
0x37: {  	[sflag:s5] =	ssyncset.done $0x0  }
0x38: {  	[sflag:s5] =	ssyncadd.s32 $0xFFFFFFE0  }
0x39: {  	[tilespmem:s10], [sflag:$0x2] =	stream.linear.gather [hbm4b:s9+s4], $0x20, $0x38;
	[tilespmem:$0x3180] =	vst v63  }
0x3a: {  	_ =	swait.ge [sflag:s5], $0x20  }
0x3b: {  	[sflag:s5] =	ssyncset.done $0x0  }
0x3c: {  	[sflag:s5] =	ssyncadd.s32 $0xFFFFFFE0  }
0x3d: {  	[tilespmem:s12], [sflag:$0x1] =	stream.indirect.gather [hbm4b:s0+s11], $0x80, s4, s11, $0xb8;
	[tilespmem:$0x3180] =	vst v63  }
0x3e: {  	_ = 	snop  }
0x3f: {  	[tilespmem:s13], [sflag:$0x1] =	stream.indirect.gather [hbm4b:s0+s11], $0x80, s8, s11, $0xb8;
	[tilespmem:$0x3180] =	vst v63  }
0x40: {  	_ = 	snop  }
0x41: {  	[tilespmem:s14], [sflag:$0x1] =	stream.indirect.gather [hbm4b:s1+s11], $0x80, s10, s11, $0xb8;
	[tilespmem:$0x3180] =	vst v63  }
0x42: {  	_ =	swait.ge [sflag:s15], $0x1000  }
0x43: {  	[sflag:s15] =	ssyncset.done $0x0  }
0x44: {  	[sflag:s15] =	ssyncadd.s32 $0xFFFFF000  }
0x45: {  	_ =	swait.ge [sflag:s15], $0x1000  }
0x46: {  	[sflag:s15] =	ssyncset.done $0x0  }
0x47: {  	[sflag:s15] =	ssyncadd.s32 $0xFFFFF000  }
0x48: {  	_ =	swait.ge [sflag:s15], $0x1000  }
0x49: {  	[sflag:s15] =	ssyncset.done $0x0  }
0x4a: {  	[sflag:s15] =	ssyncadd.s32 $0xFFFFF000  }
0x4b: {  	[hbm4b:s16+s4] =	stream.linear.scatter [tilespmem:s12], [sflag:$0x2], $0x1000, $0x38;
	[tilespmem:$0x3180] =	vst v63  }
0x4c: {  	_ =	swait.ge [sflag:s5], $0x1000  }
0x4d: {  	[sflag:s5] =	ssyncset.done $0x0  }
0x4e: {  	[sflag:s5] =	ssyncadd.s32 $0xFFFFF000  }
0x4f: {  	[hbm4b:s17+s4] =	stream.linear.scatter [tilespmem:s13], [sflag:$0x2], $0x1000, $0x38;
	[tilespmem:$0x3180] =	vst v63  }
0x50: {  	_ =	swait.ge [sflag:s5], $0x1000  }
.Ltmp1:
0x51: {  	[sflag:s5] =	ssyncset.done $0x0;
	(pc) =	sbr.rel @p0 .LBB2_1-.Ltmp1, $4  }
0x52: {  	[sflag:s5] =	ssyncadd.s32 $0xFFFFF000  }
0x53: {  	[hbm4b:s18+s4] =	stream.linear.scatter [tilespmem:s14], [sflag:$0x2], $0x1000, $0x38;
	[tilespmem:$0x3180] =	vst v63  }
0x54: {  	_ =	swait.ge [sflag:s5], $0x1000  }
0x55: {  	[sflag:s5] =	ssyncset.done $0x0  }
.LBB2_2:
0x56: {  	[sflag:s5] =	ssyncadd.s32 $0xFFFFF000  }
0x57: {  	_ =	sfence.sel $0x180000  }
0x58: {  	[bflag:$0x0] =	sbarrier.arrive $0xFFFF  }
0x59: {  	p0 =	sne.s32 s2, $0x0;
	_ =	strace $0x90000047  }
0x5a: {  	s0 =	sadd.s32 @!p0 $0x100000, s3;
	[bflag:$0x2] =	sbarrier.arrive $0xFFFF  }
0x5b: {  	[sflag:s0] =	ssyncadd.tile.s32 @!p0 $0x1;
	_ =	shalt  }
.Lfunc_end2:
_tile_overlayer_lowered:
.L_overlay_start_2:
0x5c: {  	(tag) =	ssettag $0x2  }
0x5d: {  	s0 =	rddreg [dreg:$0x0];
	s2 =	stileid.u32  }
0x5e: {  	s1 =	rddreg [dreg:$0x1];
	p0 =	sne.s32 s2, $0x0  }
0x5f: {  	s3 =	rddreg [dreg:$0x2];
	[bflag:$0x3] =	sbarrier.arrive $0xFFFF;
	s2 =	simm.s32 @!p0 $0x1C02  }
0x60: {  	[timem:s3], [sflag:s2] =	dma.local @!p0 [hbm:s0], s1  }
0x61: {  	s0 =	simm.s32 @!p0 $0x2  }
0x62: {  	_ =	swait.ge @!p0 [sflag:s0], s1  }
0x63: {  	s1 =	ssub.s32 @!p0 $0x0, s1;
	[sflag:s0] =	ssyncset.done @!p0 $0x0  }
0x64: {  	[sflag:s0] =	ssyncadd.s32 @!p0 s1  }
0x65: {  	[bflag:$0x3] =	sbarrier.arrive $0xFFFF  }
0x66: {  	_ =	shalt  }

// kernel: kernel.9.cloned.1.call-start
scs
__scs_entry_jumppad:
0x0: {  	(pc) =	sbr.rel $0x88, $3  }
0x1: {  	(tag) =	ssettag $0x0;
	lr =	simm.s32 $0x1  }
0x2: {  	[smem:$0x3F8A] =	sst lr;
	_ =	strace $0xD0000000  }
0x3: {  	_ = 	snop  }
0x4: {  	_ = 	snop  }
0x5: {  	_ = 	snop  }
0x6: {  	_ = 	snop  }
0x7: {  	_ = 	snop  }
__scs_overlays_trampoline_lowered:
0x8: {  	[smem:$0x3F99] =	sst s0  }
0x9: {  	[smem:$0x3F9A] =	sst s1  }
0xa: {  	[smem:$0x3F9B] =	sst s2  }
0xb: {  	[smem:$0x3F9C] =	sst s3  }
0xc: {  	[smem:$0x3F9D] =	sst s4  }
0xd: {  	[smem:$0x3F9E] =	sst s5  }
0xe: {  	[smem:$0x3F9F] =	sst s6  }
0xf: {  	[smem:$0x3FA0] =	sst s7  }
0x10: {  	[smem:$0x3FA1] =	sst s8  }
0x11: {  	[smem:$0x3FA2] =	sst s9;
	s0 =	simm.s32 @!p0 $0x0  }
0x12: {  	s1 =	sld [smem:$0x3F88];
	s0 =	simm.s32 @p0 $0x1  }
0x13: {  	[smem:$0x3FA3] =	sst s0;
	s0 =	simm.s32 @!p1 $0x0  }
0x14: {  	s2 =	sld [smem:$0x3F87];
	s0 =	simm.s32 @p1 $0x1  }
0x15: {  	[smem:$0x3FA4] =	sst s0;
	s0 =	simm.s32 @!p2 $0x0  }
0x16: {  	s3 =	sld [smem:$0x3FDB];
	s0 =	simm.s32 @p2 $0x1  }
0x17: {  	s4 =	simm.s32 $0x1BF5;
	[smem:$0x3FA6] =	sst s0  }
0x18: {  	s0 =	sld [smem:$0x3F89];
	_ =	swait.ge [sflag:s4], $0x0  }
0x19: {  	s7 =	sld [smem:$0x3F8A]  }
0x1a: {  	s8 =	sadd.s32 $0xFFFFE003, lr  }
0x1b: {  	s9 =	sadd.s32 $0xFFFFFEF7, lr;
	s5 =	simm.s32 $0xFFFFFFFF;
	p2 =	slt.u32 s8, $0xFFFFF086  }
0x1c: {  	p1 =	slt.u32 s9, $0xF7A;
	s5 =	simm.s32 @!p2 $0x0  }
0x1d: {  	s5 =	simm.s32 @p1 $0x1;
	p0 =	seq.s32 s7, s2  }
0x1e: {  	s7 =	smul.u32 @!p0 $0xF7A, s2;
	p2 =	seq.s32 @!p0 s5, $0x0  }
0x1f: {  	s9 =	smul.u32 $0xF7A, s1;
	s8 =	simm.s32 @!p0 $0x1BF5;
	p2 =	por !p2, p0  }
0x20: {  	[sflag:s8] =	ssyncset.s32 @!p0 $0xFFFFF086;
	s6 =	sadd.s32 @!p0 s3, s7;
	s7 =	simm.s32 @!p0 $0x108  }
0x21: {  	s3 =	sadd.s32 s3, s9;
	s6 =	sadd.s32 @!p0 $0x88, s6;
	s7 =	simm.s32 @p2 $0x1082  }
0x22: {  	[simem:s7], [sflag:s8] =	dma.local @!p0 [hbm:s6], $0xF7A  }
0x23: {  	s9 =	sor.u32 $0xD0000000, s2;
	s6 =	simm.s32 $0x108;
	_ =	swait.ge @!p0 [sflag:s8], $0x0  }
0x24: {  	s3 =	sadd.s32 $0x88, s3;
	s6 =	simm.s32 @!p1 $0x1082;
	[sflag:s4] =	ssyncset.s32 $0xFFFFF086  }
0x25: {  	[simem:s6], [sflag:s4] =	dma.local [hbm:s3], $0xF7A  }
0x26: {  	[smem:$0x3F8A] =	sst s1;
	(tag) =	ssettag s2;
	_ =	strace s9  }
0x27: {  	s1 =	sld [smem:$0x3F9A]  }
0x28: {  	s2 =	sld [smem:$0x3F9B]  }
0x29: {  	s4 =	sld [smem:$0x3F9D]  }
0x2a: {  	p0 =	seq.s32 s5, $0x0;
	s5 =	sld [smem:$0x3F9E]  }
0x2b: {  	s6 =	sld [smem:$0x3F9F]  }
0x2c: {  	s7 =	sld [smem:$0x3FA0]  }
0x2d: {  	s3 =	simm.s32 $0x108;
	s8 =	sld [smem:$0x3FA1]  }
0x2e: {  	s3 =	simm.s32 @!p0 $0x1082;
	s9 =	sld [smem:$0x3FA2]  }
0x2f: {  	lr =	sadd.s32 s0, s3;
	s0 =	sld [smem:$0x3F99]  }
0x30: {  	s3 =	sld [smem:$0x3F9C]  }
0x31: {  	[smem:$0x3FA5] =	sst s10  }
0x32: {  	s10 =	sld [smem:$0x3FA3];
	_ =	sdelay $0x3  }
0x33: {  	p0 =	seq.s32 s10, $0x1;
	s10 =	sld [smem:$0x3FA5];
	_ =	sdelay $0x3  }
0x34: {  	[smem:$0x3FA5] =	sst s10  }
0x35: {  	s10 =	sld [smem:$0x3FA4];
	_ =	sdelay $0x3  }
0x36: {  	p1 =	seq.s32 s10, $0x1;
	s10 =	sld [smem:$0x3FA5];
	_ =	sdelay $0x3  }
0x37: {  	[smem:$0x3FA5] =	sst s10  }
0x38: {  	s10 =	sld [smem:$0x3FA6]  }
0x39: {  	_ = 	snop;
	(pc) =	sbr.ind lr, $3  }
0x3a: {  	_ = 	snop  }
0x3b: {  	_ = 	snop  }
0x3c: {  	p2 =	seq.s32 s10, $0x1;
	s10 =	sld [smem:$0x3FA5]  }
0x3d: {  	_ =	shalt  }
0x3e: {  	_ =	shalt  }
0x3f: {  	_ =	shalt  }
0x40: {  	_ =	shalt  }
0x41: {  	_ =	shalt  }
0x42: {  	_ =	shalt  }
0x43: {  	_ =	shalt  }
0x44: {  	_ =	shalt  }
0x45: {  	_ =	shalt  }
0x46: {  	_ =	shalt  }
0x47: {  	_ =	shalt  }
0x48: {  	_ =	shalt  }
0x49: {  	_ =	shalt  }
0x4a: {  	_ =	shalt  }
0x4b: {  	_ =	shalt  }
0x4c: {  	_ =	shalt  }
0x4d: {  	_ =	shalt  }
0x4e: {  	_ =	shalt  }
0x4f: {  	_ =	shalt  }
0x50: {  	_ =	shalt  }
0x51: {  	_ =	shalt  }
0x52: {  	_ =	shalt  }
0x53: {  	_ =	shalt  }
0x54: {  	_ =	shalt  }
0x55: {  	_ =	shalt  }
0x56: {  	_ =	shalt  }
0x57: {  	_ =	shalt  }
0x58: {  	_ =	shalt  }
0x59: {  	_ =	shalt  }
0x5a: {  	_ =	shalt  }
0x5b: {  	_ =	shalt  }
0x5c: {  	_ =	shalt  }
0x5d: {  	_ =	shalt  }
0x5e: {  	_ =	shalt  }
0x5f: {  	_ =	shalt  }
0x60: {  	_ =	shalt  }
0x61: {  	_ =	shalt  }
0x62: {  	_ =	shalt  }
0x63: {  	_ =	shalt  }
0x64: {  	_ =	shalt  }
0x65: {  	_ =	shalt  }
0x66: {  	_ =	shalt  }
0x67: {  	_ =	shalt  }
0x68: {  	_ =	shalt  }
0x69: {  	_ =	shalt  }
0x6a: {  	_ =	shalt  }
0x6b: {  	_ =	shalt  }
0x6c: {  	_ =	shalt  }
0x6d: {  	_ =	shalt  }
0x6e: {  	_ =	shalt  }
0x6f: {  	_ =	shalt  }
0x70: {  	_ =	shalt  }
0x71: {  	_ =	shalt  }
0x72: {  	_ =	shalt  }
0x73: {  	_ =	shalt  }
0x74: {  	_ =	shalt  }
0x75: {  	_ =	shalt  }
0x76: {  	_ =	shalt  }
0x77: {  	_ =	shalt  }
0x78: {  	_ =	shalt  }
0x79: {  	_ =	shalt  }
0x7a: {  	_ =	shalt  }
0x7b: {  	_ =	shalt  }
0x7c: {  	_ =	shalt  }
0x7d: {  	_ =	shalt  }
0x7e: {  	_ =	shalt  }
0x7f: {  	_ =	shalt  }
0x80: {  	_ =	shalt  }
0x81: {  	_ =	shalt  }
0x82: {  	_ =	shalt  }
0x83: {  	_ =	shalt  }
0x84: {  	_ =	shalt  }
0x85: {  	_ =	shalt  }
0x86: {  	_ =	shalt  }
0x87: {  	_ =	shalt  }
.Lfunc_end0:
.L_simem_size_0:
called_computation.1_lowered:
.L_overlay_start_0:
0x88: {  	s2 =	sld [smem:$0x3FD9]  }
0x89: {  	s3 =	sld [smem:$0x3FFE];
	_ =	sdelay $0x1  }
0x8a: {  	s1 =	srdreg.scid  }
0x8b: {  	s0 =	sand.u32 $0x1, s1  }
0x8c: {  	s14 =	sshll.u32 s0, $0xA;
	s2 =	sadd.s32 s3, s2  }
0x8d: {  	s2 =	sadd.s32 s2, s14  }
0x8e: {  	[smem:$0x3FB1] =	sst s2  }
0x8f: {  	_ = 	snop  }
0x90: {  	s2 =	sld [smem:$0x3FD0];
	_ =	sdelay $0x2  }
0x91: {  	s4 =	simm.s32 $0xA;
	s5 =	simm.s32 $0x10;
	s15 =	sld [smem:$0x3FC2]  }
0x92: {  	[smem:s5], [sflag:s4] =	dma.local [hbm:s2], $0x1  }
0x93: {  	_ =	swait.eq [sflag:s4], $0x1  }
0x94: {  	[sflag:s4] =	ssyncset.done $0x0  }
0x95: {  	[sflag:s4] =	ssyncadd.s32 $0xFFFFFFFF  }
0x96: {  	s16 =	sld [smem:$0x10];
	(tm) =	ssettm $0x1  }
0x97: {  	s17 =	sld [smem:$0x3FFB];
	_ =	sdelay $0x3  }
0x98: {  	_ =	strace s17  }
0x99: {  	s4 =	sld [smem:$0x3FFC];
	_ =	sdelay $0x3  }
0x9a: {  	_ =	strace s4  }
0x9b: {  	s4 =	sld [smem:$0x3FFD];
	_ =	sdelay $0x3  }
0x9c: {  	_ =	strace s4  }
0x9d: {  	_ =	strace $0x8FFFFFFF  }
0x9e: {  	s18 =	sld [smem:$0x3FDB];
	_ =	sdelay $0x1  }
0x9f: {  	s19 =	simm.s32 $_scs_section_size  }
0xa0: {  	s6 =	simm.s32 $_size__tile_overlayer_lowered;
	s7 =	simm.s32 $_tile_overlayer_lowered  }
0xa1: {  	s22 =	simm.s32 $0x1BFF;
	s21 =	sshll.u32 s7, $0x1;
	s4 =	sadd.s32 s19, s18  }
0xa2: {  	s8 =	simm.s32 $0x0;
	s20 =	sshll.u32 s6, $0x1;
	s6 =	sadd.s32 s21, s4  }
0xa3: {  	[timem:s8], [sflag:s22] =	dma.local [hbm:s6], s20  }
0xa4: {  	_ =	swait.ge [sflag:s22], s20  }
0xa5: {  	s5 =	ssub.s32 $0x0, s20;
	[sflag:s22] =	ssyncset.done $0x0  }
0xa6: {  	[sflag:s22] =	ssyncadd.s32 s5;
	_ =	sdelay $0x1  }
0xa7: {  	s23 =	simm.s32 $0x1B8B  }
0xa8: {  	_ =	swait.ge [sflag:s23], $0x1  }
0xa9: {  	[sflag:s23] =	ssyncset.done $0x0  }
0xaa: {  	s25 =	simm.s32 $0x1B8E;
	s24 =	sld [smem:$0x3FFE];
	[sflag:s23] =	ssyncadd.s32 $0xFFFFFFFF  }
0xab: {  	s26 =	simm.s32 $execute0_lowered;
	[smem:$0x3FD2] =	sst s25  }
0xac: {  	s6 =	sshll.u32 s26, $0x1;
	_ =	strace $0x80000049;
	[dreg:$0x1] =	wrdreg $0xFFFFFFFF  }
0xad: {  	s28 =	simm.s32 $_size_execute0_lowered;
	s4 =	sadd.s32 s4, s6;
	[dreg:$0x0] =	wrdreg $0x0  }
0xae: {  	s6 =	sshll.u32 s28, $0x1;
	[dreg:$0x2] =	wrdreg s4  }
0xaf: {  	[dreg:$0x3] =	wrdreg s6  }
0xb0: {  	[dreg:$0x4] =	wrdreg $0xC0  }
0xb1: {  	_ =	task [dreg:s8], $0x5FFFF  }
0xb2: {  	[dreg:$0x1] =	wrdreg $0xFFFFFFFF  }
0xb3: {  	[dreg:$0x0] =	wrdreg $0x60  }
0xb4: {  	[dreg:$0x2] =	wrdreg s15  }
0xb5: {  	[dreg:$0x3] =	wrdreg s16  }
0xb6: {  	[dreg:$0x4] =	wrdreg s24  }
0xb7: {  	[dreg:$0x5] =	wrdreg $0x9  }
0xb8: {  	_ =	task.clear_ibuf [dreg:s8], $0x6FFFF;
	_ =	strace $0x90000049  }
0xb9: {  	s29 =	simm.s32 $0x9;
	_ =	strace $0x8000004B  }
0xba: {  	_ =	swait.ge [sflag:s29], $0x1  }
0xbb: {  	[sflag:s29] =	ssyncadd.s32 $0xFFFFFFFF  }
0xbc: {  	_ =	strace $0x9000004B  }
0xbd: {  	_ =	sfence  }
0xbe: {  	s30 =	sld [smem:$0x0];
	_ =	sdelay $0x2  }
0xbf: {  	s31 =	sshll.u32 s1, $0xD;
	s1 =	sshrl.u32 s1, $0x2  }
0xc0: {  	s3 =	sand.u32 $0x4000, s31;
	s1 =	sadd.s32 s1, s30  }
0xc1: {  	s0 =	sor.u32 s3, s0;
	s1 =	sshll.u32 s1, $0x11  }
0xc2: {  	s0 =	sor.u32 s1, s0  }
0xc3: {  	s0 =	sadd.s32 $0x8F2B, s0  }
0xc4: {  	[sflag:s0] =	ssyncadd.remote.s32 $0x1  }
0xc5: {  	_ =	sfence.sel $0xFFFF  }
0xc6: {  	[dreg:$0x0] =	wrdreg $0xFFFFFFFF;
	(pc) =	sbr.abs _section_cstart, $3  }
0xc7: {  	[dreg:$0x1] =	wrdreg $0xFFFFFFFF  }
0xc8: {  	_ =	task.clear_ibuf [dreg:s8], $0x2FFFF;
	_ =	strace $0x9FFFFFFF  }
0xc9: {  	(tm) =	ssettm $0x7FFFFFFF  }
tec
execute0_lowered:
.L_overlay_start_1:
0x0: {  	(tag) =	ssettag $0x1  }
0x1: {  	v0 =	vimm.s32 $0xEFCDAB89;
	vm0 =	vcmask $0xB08  }
0x2: {  	vm1 =	vcmask $0x300;
	v1 =	vimm.s32 $0x67452301;
	v2 =	vimm.s32 $0xDCFE98BA  }
0x3: {  	v3 =	vimm.s32 $0x54761032;
	vm2 =	vcmask $0x700;
	vm3 =	vcmask $0x3B38  }
0x4: {  	v61 =	vimm.s32 $0xBA98FEDC;
	v62 =	vimm.s32 $0x32107654;
	v4 =	vimm.s32 $0xFEDCBA98  }
0x5: {  	v5 =	vimm.s32 $0x76543210;
	v0 =	vunpack.c.l.s4.s8 v0;
	vm0 =	vmor vm1, vm0  }
0x6: {  	s0 =	rddreg [dreg:$0x0];
	vm1 =	vcmask $0x1310;
	v1 =	vunpack.c.l.s4.s8 v1;
	v2 =	vunpack.c.l.s4.s8 v2  }
0x7: {  	s1 =	srdreg.scid;
	s2 =	rddreg [dreg:$0x1];
	v3 =	vunpack.c.l.s4.s8 v3;
	v4 =	vunpack.c.l.s4.s8 v4;
	v5 =	vunpack.c.l.s4.s8 v5  }
0x8: {  	s3 =	stileid.u32;
	s5 =	rddreg [dreg:$0x2];
	s10 =	simm.s32 $0x3;
	vm0 =	vmor vm0, vm1;
	vm1 =	vcmask $0x1B18;
	v0 =	vunpack.c.0.s8.s32 v0  }
0x9: {  	s11 =	simm.s32 $0x1900;
	s13 =	simm.s32 $0x68;
	s16 =	simm.s32 $0x60;
	vm0 =	vmor vm0, vm1;
	vm1 =	vcmask $0x2320;
	v1 =	vunpack.c.0.s8.s32 v1  }
0xa: {  	s17 =	simm.s32 $0x9000;
	s18 =	simm.s32 $0x1968;
	s19 =	simm.s32 $0x12C68;
	v59 =	vunpack.c.0.s8.s32 v2;
	v60 =	vunpack.c.0.s8.s32 v3;
	v2 =	vunpack.c.l.s4.s8 v61  }
0xb: {  	s20 =	simm.s32 $0xC400;
	s21 =	simm.s32 $0x12CD0;
	s22 =	simm.s32 $0xF800;
	v3 =	vunpack.c.l.s4.s8 v62;
	vm0 =	vmor vm0, vm1;
	vm1 =	vcmask $0x2B28  }
0xc: {  	s23 =	simm.s32 $0x12D38;
	s24 =	simm.s32 $0x1;
	s25 =	simm.s32 $0x2;
	v4 =	vunpack.c.0.s8.s32 v4;
	v63 =	vunpack.c.0.s8.s32 v5;
	vm0 =	vmor vm0, vm1  }
0xd: {  	s26 =	simm.s32 $0x4200;
	s28 =	simm.s32 $0x0;
	s1 =	sand.u32 $0x1, s1;
	vm1 =	vcmask $0x3330;
	v0 =	vcombine.low v1, v0;
	v1 =	vcombine.low v60, v59  }
0xe: {  	s4 =	sshll.u32 s3, $0x6;
	s3 =	simm.s32 $0x0;
	s6 =	sshll.u32 s1, $0x5;
	v2 =	vunpack.c.0.s8.s32 v2;
	v3 =	vunpack.c.0.s8.s32 v3;
	v4 =	vand.u32 $0xF, v4  }
0xf: {  	[smem:$0x7FF] =	sst s3;
	s1 =	ssub.s32 $0x2, s1;
	s4 =	sor.u32 s6, s4;
	vm0 =	vmor vm0, vm1;
	vm1 =	vcmask $0x1710;
	v57 =	vcombine.low v4, v63  }
0x10: {  	_ =	strace $0x8000004A;
	s31 =	sshrl.u32 s1, $0x1;
	s6 =	smul.u32 $0x19, s4;
	vm1 =	vmor vm2, vm1;
	vm2 =	vcmask $0x2720;
	v0 =	vand.u32 $0xF, v0  }
0x11: {  	s7 =	sshll.u32 s4, $0x4;
	s8 =	smul.u32 $0x1A, s4;
	s4 =	sadd.s32 $0x12200, s5;
	vm0 =	vmor vm0, vm3;
	v2 =	vcombine.low v3, v2;
	v56 =	vand.u32 $0xF, v1;
	[tilespmem:$0x1FFC0] =	vst v0  }
0x12: {  	s1 =	ssub.s32 s1, s31;
	s7 =	sadd.s32 s7, s5;
	s9 =	sadd.s32 s6, s5;
	vm3 =	vcmask $0xF00;
	vm1 =	vmor vm1, vm2;
	vm2 =	vcmask $0x3730;
	[tilespmem:$0x1FFD0] =	vst v56  }
0x13: {  	s8 =	sadd.s32 s8, s5;
	s5 =	sadd.s32 s2, s6;
	s7 =	sadd.s32 $0x3E00, s7;
	[tilespmem:$0x1FFF0] =	vst v57;
	vm1 =	vmor vm1, vm2;
	vm2 =	vcmask $0x2F20;
	v55 =	vand.u32 $0xF, v2  }
0x14: {  	s6 =	sadd.s32 $0xBE00, s9;
	s8 =	sadd.s32 $0x1EA00, s8;
	s9 =	smax.u32 s1, $0x1;
	vm2 =	vmor vm3, vm2;
	vm3 =	vmmov $0xff;
	[tilespmem:$0x1FFE0] =	vst v55  }
.LBB2_1:
0x15: {  	[tilespmem:s3], [sflag:$0x3] =	stream.linear.gather [hbm4b:s5+s3], $0x1900, $0x38;
	[tilespmem:$0x12DA0] =	vst v63  }
0x16: {  	_ =	swait.ge [sflag:s10], $0x1900  }
0x17: {  	[sflag:s10] =	ssyncset.done $0x0  }
0x18: {  	[sflag:s10] =	ssyncadd.s32 $0xFFFFE700  }
0x19: {  	[tilespmem:s11], [sflag:$0x3] =	stream.linear.gather [hbm4b:s6+s3], $0x1900, $0x38;
	[tilespmem:$0x12DA0] =	vst v63  }
0x1a: {  	_ =	swait.ge [sflag:s10], $0x1900  }
0x1b: {  	[sflag:s10] =	ssyncset.done $0x0  }
0x1c: {  	s1 =	simm.s32 $0x3200;
	[sflag:s10] =	ssyncadd.s32 $0xFFFFE700  }
0x1d: {  	[tilespmem:s1], [sflag:$0x3] =	stream.linear.gather [hbm4b:s7+s3], $0x1000, $0x38;
	[tilespmem:$0x12DA0] =	vst v63  }
0x1e: {  	_ =	swait.ge [sflag:s10], $0x1000  }
0x1f: {  	[sflag:s10] =	ssyncset.done $0x0  }
0x20: {  	s15 =	simm.s32 $0x5C00;
	[sflag:s10] =	ssyncadd.s32 $0xFFFFF000  }
0x21: {  	[tilespmem:s15], [sflag:$0x1] =	stream.indirect.gather [hbm4b:s0+s13], $0x80, s3, s13, $0xb8;
	[tilespmem:$0x12DA0] =	vst v63  }
0x22: {  	s29 =	simm.s32 $0x12C00  }
0x23: {  	[tilespmem:s29], [sflag:$0x1] =	stream.indirect.gather [hbm4b:s4+s13], $0x1, s11, s13, $0xb8;
	[tilespmem:$0x12DA0] =	vst v63  }
0x24: {  	_ = 	snop  }
0x25: {  	[tilespmem:s17], [sflag:$0x1] =	stream.indirect.gather [hbm4b:s0+s16], $0x80, s13, s16, $0xb8;
	[tilespmem:$0x12DA0] =	vst v63  }
0x26: {  	s12 =	simm.s32 $0x42D0;
	s30 =	simm.s32 $0x4200;
	s31 =	simm.s32 $0x0  }
0x27: {  	[tilespmem:s19], [sflag:$0x1] =	stream.indirect.gather [hbm4b:s4+s16], $0x1, s18, s16, $0xb8;
	[tilespmem:$0x12DA0] =	vst v63  }
.LBB2_2:
0x28: {  	s2 =	sshllo.u32 s31, $0x1  }
0x29: {  	s1 =	smul.u32 $0xC8, s2;
	_ =	sdelay $0x1  }
0x2a: {  	[tilespmem:s20], [sflag:$0x2] =	stream.indirect.gather [hbm4b:s0+s13], $0x80, s1, s13, $0xb8;
	[tilespmem:$0x12DA0] =	vst v63  }
0x2b: {  	s14 =	sadd.s32 $0x1900, s1  }
0x2c: {  	[tilespmem:s21], [sflag:$0x2] =	stream.indirect.gather [hbm4b:s4+s13], $0x1, s14, s13, $0xb8;
	[tilespmem:$0x12DA0] =	vst v63  }
0x2d: {  	s15 =	sadd.s32 $0x68, s1  }
0x2e: {  	[tilespmem:s22], [sflag:$0x2] =	stream.indirect.gather [hbm4b:s0+s16], $0x80, s15, s16, $0xb8;
	[tilespmem:$0x12DA0] =	vst v63  }
0x2f: {  	s1 =	sadd.s32 $0x1968, s1  }
0x30: {  	[tilespmem:s23], [sflag:$0x2] =	stream.indirect.gather [hbm4b:s4+s16], $0x1, s1, s16, $0xb8;
	[tilespmem:$0x12DA0] =	vst v63  }
0x31: {  	_ =	swait.ge [sflag:s24], $0x6400  }
0x32: {  	[sflag:s24] =	ssyncset.done $0x0  }
0x33: {  	[sflag:s24] =	ssyncadd.s32 $0xFFFF9C00  }
0x34: {  	_ =	swait.ge [sflag:s24], $0xC8  }
0x35: {  	s15 =	sshll.u32 s31, $0x8;
	[sflag:s24] =	ssyncset.done $0x0  }
0x36: {  	s1 =	sand.u32 $0x3FFFFF00, s15;
	v0 =	vld [tilespmem:$0x1FFC0];
	[sflag:s24] =	ssyncadd.s32 $0xFFFFFF38  }
0x37: {  	v10 =	vld [tilespmem:s1+$0x3200]  }
0x38: {  	v11 =	vld [tilespmem:s1+$0x3210]  }
0x39: {  	v9 =	vld [tilespmem:s1+$0x3220]  }
0x3a: {  	v8 =	vld [tilespmem:s1+$0x3230]  }
0x3b: {  	v7 =	vld [tilespmem:s1+$0x3240]  }
0x3c: {  	v6 =	vld [tilespmem:s1+$0x3250]  }
0x3d: {  	v5 =	vld [tilespmem:s1+$0x3260]  }
0x3e: {  	v4 =	vld [tilespmem:s1+$0x3270];
	s1 =	simm.s32 $0x6000  }
0x3f: {  	v21 =	vld [tilespmem:s1+$0x3F0]  }
0x40: {  	v32 =	vld [tilespmem:s1+$0x370]  }
0x41: {  	v33 =	vld [tilespmem:s1+$0x2F0]  }
0x42: {  	v34 =	vld [tilespmem:s1+$0x270]  }
0x43: {  	v19 =	vld [tilespmem:s1+$0x1F0]  }
0x44: {  	v12 =	vld [tilespmem:s1+$0x170]  }
0x45: {  	v28 =	vld [tilespmem:s1+$0xF0]  }
0x46: {  	v29 =	vld [tilespmem:s1+$0x70]  }
0x47: {  	v18 =	vld [tilespmem:s1+$0xFFFFFFF0]  }
0x48: {  	v27 =	vld [tilespmem:s1+$0xFFFFFF70]  }
0x49: {  	v13 =	vld [tilespmem:s1+$0xFFFFFEF0]  }
0x4a: {  	v17 =	vld [tilespmem:s1+$0xFFFFFE70]  }
0x4b: {  	v14 =	vld [tilespmem:s1+$0xFFFFFDF0]  }
0x4c: {  	v23 =	vld [tilespmem:s1+$0xFFFFFD70]  }
0x4d: {  	v35 =	vld [tilespmem:s1+$0x3E0]  }
0x4e: {  	v36 =	vld [tilespmem:s1+$0x360]  }
0x4f: {  	v37 =	vld [tilespmem:s1+$0x2E0]  }
0x50: {  	v38 =	vld [tilespmem:s1+$0x260]  }
0x51: {  	v39 =	vld [tilespmem:s1+$0x1E0]  }
0x52: {  	v20 =	vld [tilespmem:s1+$0x160]  }
0x53: {  	v31 =	vld [tilespmem:s1+$0xE0]  }
0x54: {  	v30 =	vld [tilespmem:s1+$0x60]  }
0x55: {  	v25 =	vld [tilespmem:s1+$0xFFFFFFE0]  }
0x56: {  	v26 =	vld [tilespmem:s1+$0xFFFFFF60]  }
0x57: {  	v22 =	vld [tilespmem:s1+$0xFFFFFEE0]  }
0x58: {  	v24 =	vld [tilespmem:s1+$0xFFFFFE60]  }
0x59: {  	v16 =	vld [tilespmem:s1+$0xFFFFFDE0]  }
0x5a: {  	v15 =	vld [tilespmem:s1+$0xFFFFFD60]  }
0x5b: {  	v40 =	vld [tilespmem:s1+$0x3D0]  }
0x5c: {  	v41 =	vld [tilespmem:s1+$0x350]  }
0x5d: {  	v42 =	vld [tilespmem:s1+$0x2D0]  }
0x5e: {  	v43 =	vld [tilespmem:s1+$0x3C0]  }
0x5f: {  	v44 =	vld [tilespmem:s1+$0x340]  }
0x60: {  	v45 =	vld [tilespmem:s1+$0x380]  }
0x61: {  	v46 =	vld [tilespmem:s1+$0x390]  }
0x62: {  	v47 =	vld [tilespmem:s1+$0x3A0]  }
0x63: {  	v48 =	vld [tilespmem:s1+$0x300]  }
0x64: {  	v49 =	vld [tilespmem:s1+$0x310]  }
0x65: {  	v50 =	vld [tilespmem:s1+$0x3B0]  }
0x66: {  	v51 =	vld [tilespmem:s1+$0x320]  }
0x67: {  	v52 =	vld [tilespmem:s1+$0x2C0]  }
0x68: {  	v53 =	vld [tilespmem:s1+$0x330]  }
0x69: {  	v60 =	vld [tilespmem:s1+$0x280];
	v45 =	vmul.f32 v45, v10;
	v46 =	vmul.f32 v46, v11  }
0x6a: {  	v61 =	vld [tilespmem:s1+$0x290];
	v59 =	vmul.f32 v47, v9;
	v48 =	vmul.f32 v48, v10  }
0x6b: {  	v62 =	vld [tilespmem:s1+$0x210];
	v49 =	vmul.f32 v49, v11;
	v50 =	vmul.f32 v50, v8  }
0x6c: {  	v63 =	vld [tilespmem:s1+$0x110];
	v51 =	vmul.f32 v51, v9;
	v43 =	vmul.f32 v43, v7  }
0x6d: {  	v58 =	vld [tilespmem:s1+$0x190];
	v53 =	vmul.f32 v53, v8;
	v40 =	vmul.f32 v40, v6  }
0x6e: {  	v54 =	vld [tilespmem:s1+$0x240];
	v44 =	vmul.f32 v44, v7;
	v35 =	vmul.f32 v35, v5  }
0x6f: {  	v1 =	vmov s30;
	v47 =	vld [tilespmem:s1+$0x2B0];
	v41 =	vmul.f32 v41, v6;
	v21 =	vmul.f32 v21, v4  }
0x70: {  	v32 =	vmul.f32 v32, v4;
	v36 =	vmul.f32 v36, v5;
	v45 =	vadd.f32 v46, v45;
	v46 =	vld [tilespmem:s1+$0x2A0]  }
0x71: {  	v38 =	vmul.f32 v38, v5;
	v37 =	vmul.f32 v37, v5;
	v48 =	vadd.f32 v49, v48;
	v49 =	vld [tilespmem:s1+$0x220]  }
0x72: {  	v39 =	vmul.f32 v39, v5;
	v20 =	vmul.f32 v20, v5;
	v45 =	vadd.f32 v59, v45;
	v59 =	vld [tilespmem:s1+$0x230]  }
0x73: {  	v19 =	vmul.f32 v19, v4;
	v48 =	vadd.f32 v51, v48;
	v51 =	vmul.f32 v61, v11;
	v61 =	vld [tilespmem:s1+$0x1A0]  }
0x74: {  	v12 =	vmul.f32 v12, v4;
	v45 =	vadd.f32 v50, v45;
	v50 =	vmul.f32 v60, v10;
	v60 =	vld [tilespmem:s1+$0x120]  }
0x75: {  	v29 =	vmul.f32 v29, v4;
	v48 =	vadd.f32 v53, v48;
	v53 =	vmul.f32 v62, v11;
	v62 =	vld [tilespmem:s1+$0x130]  }
0x76: {  	v31 =	vmul.f32 v31, v5;
	v28 =	vmul.f32 v28, v4;
	v43 =	vadd.f32 v43, v45;
	v45 =	vld [tilespmem:s1+$0x200]  }
0x77: {  	v27 =	vmul.f32 v27, v4;
	v30 =	vmul.f32 v30, v5;
	v44 =	vadd.f32 v44, v48;
	v48 =	vld [tilespmem:s1+$0x100]  }
0x78: {  	v26 =	vmul.f32 v26, v5;
	v46 =	vmul.f32 v46, v9;
	v50 =	vadd.f32 v51, v50;
	v51 =	vld [tilespmem:s1+$0xFFFFFDA0]  }
0x79: {  	v47 =	vmul.f32 v47, v8;
	v40 =	vadd.f32 v40, v43;
	v43 =	vld [tilespmem:s1+$0x180];
	v41 =	vadd.f32 v41, v44  }
0x7a: {  	v49 =	vmul.f32 v49, v9;
	v44 =	vmul.f32 v58, v11;
	v46 =	vadd.f32 v46, v50;
	v50 =	vld [tilespmem:s1+$0xFFFFFE90]  }
0x7b: {  	v35 =	vadd.f32 v35, v40;
	v36 =	vadd.f32 v36, v41;
	v40 =	vmul.f32 v63, v11;
	v63 =	vld [tilespmem:s1+$0x1B0]  }
0x7c: {  	v41 =	vmul.f32 v60, v9;
	v46 =	vadd.f32 v47, v46;
	v47 =	vld [tilespmem:s1+$0x1C0];
	v45 =	vmul.f32 v45, v10  }
0x7d: {  	v60 =	vld [tilespmem:s1+$0x140];
	v48 =	vmul.f32 v48, v10;
	v21 =	vadd.f32 v21, v35;
	v35 =	vmul.f32 v59, v8  }
0x7e: {  	v36 =	vadd.f32 v32, v36;
	v59 =	vmul.f32 v61, v9;
	v32 =	vmul.f32 v62, v8;
	v62 =	vld [tilespmem:s1+$0x1D0]  }
0x7f: {  	v61 =	vmul.f32 v52, v7;
	v52 =	vld [tilespmem:s1+$0x150];
	v45 =	vadd.f32 v53, v45;
	v43 =	vmul.f32 v43, v10  }
0x80: {  	v40 =	vadd.f32 v40, v48;
	v48 =	vmul.f32 v54, v7;
	v54 =	vmul.f32 v42, v6;
	v42 =	vld [tilespmem:s1+$0x50]  }
0x81: {  	v53 =	vmul.f32 v34, v4;
	v34 =	vld [tilespmem:s1+$0xFFFFFFD0];
	v43 =	vadd.f32 v44, v43;
	v58 =	vadd.f32 v49, v45  }
0x82: {  	v46 =	vadd.f32 v61, v46;
	v45 =	vld [tilespmem:s1+$0x250];
	v40 =	vadd.f32 v41, v40;
	v63 =	vmul.f32 v63, v8  }
0x83: {  	v49 =	vld [tilespmem:s1+$0xD0];
	v41 =	vmul.f32 v60, v7;
	v43 =	vadd.f32 v59, v43;
	v35 =	vadd.f32 v35, v58  }
0x84: {  	v60 =	vld [tilespmem:s1+$0x90];
	v32 =	vadd.f32 v32, v40;
	v58 =	vmul.f32 v33, v4;
	v59 =	vmul.f32 v47, v7  }
0x85: {  	v46 =	vadd.f32 v54, v46;
	v33 =	vld [tilespmem:s1+$0xFFFFFF50];
	v44 =	vmul.f32 v62, v6;
	v40 =	vmul.f32 v52, v6  }
0x86: {  	v62 =	vperm.xlane v21, v0;
	v43 =	vadd.f32 v63, v43;
	v41 =	vadd.f32 v41, v32;
	v32 =	vld [tilespmem:s1+$0xFFFFFED0]  }
0x87: {  	v37 =	vadd.f32 v37, v46;
	v35 =	vadd.f32 v48, v35;
	v63 =	vld [tilespmem:s1+$0x10];
	v45 =	vmul.f32 v45, v6  }
0x88: {  	v52 =	vperm.xlane v36, v0;
	v21 =	vadd.f32 v62, v21;
	v43 =	vadd.f32 v59, v43;
	v59 =	vld [tilespmem:s1+$0x20]  }
0x89: {  	v42 =	vmul.f32 v42, v6;
	v40 =	vadd.f32 v40, v41;
	v35 =	vadd.f32 v45, v35;
	v45 =	vld [tilespmem:s1+$0xB0]  }
0x8a: {  	v36 =	vadd.f32 v52, v36;
	v48 =	vmul.f32 v18, v4;
	v43 =	vadd.f32 v44, v43;
	v44 =	vld [tilespmem:s1+$0x80]  }
0x8b: {  	v37 =	vadd.f32 v58, v37;
	v41 =	vmul.f32 v60, v11;
	v20 =	vadd.f32 v20, v40;
	v40 =	vld [tilespmem:s1+$0x0]  }
0x8c: {  	v21 =	vsel vm0, v36, v21;
	v35 =	vadd.f32 v38, v35;
	v38 =	vmul.f32 v63, v11;
	v63 =	vld [tilespmem:s1+$0xFFFFFF80]  }
0x8d: {  	v33 =	vmul.f32 v33, v6;
	v61 =	vadd.f32 v39, v43;
	v39 =	vld [tilespmem:s1+$0x30];
	v12 =	vadd.f32 v12, v20  }
0x8e: {  	v62 =	vld [tilespmem:s1+$0x40];
	v20 =	vperm.xlane v37, v0;
	v35 =	vadd.f32 v53, v35;
	v46 =	vmul.f32 v59, v9  }
0x8f: {  	v52 =	vld [tilespmem:s1+$0xFFFFFF90];
	v19 =	vadd.f32 v19, v61;
	v60 =	vperm.xlane v12, v0;
	v45 =	vmul.f32 v45, v8  }
0x90: {  	v53 =	vld [tilespmem:s1+$0xA0];
	v20 =	vadd.f32 v20, v37;
	v54 =	vperm.xlane v35, v0;
	v44 =	vmul.f32 v44, v10  }
0x91: {  	v61 =	vld [tilespmem:s1+$0xC0];
	v40 =	vmul.f32 v40, v10;
	v58 =	vperm.xlane v19, v0;
	v12 =	vadd.f32 v60, v12  }
0x92: {  	v37 =	vld [tilespmem:s1+$0xFFFFFE50];
	v36 =	vmul.f32 v63, v10;
	v35 =	vadd.f32 v54, v35;
	v39 =	vmul.f32 v39, v8  }
0x93: {  	v60 =	vld [tilespmem:s1+$0xFFFFFFA0];
	v41 =	vadd.f32 v41, v44;
	v54 =	vperm.xlane v21, v56;
	v44 =	vmul.f32 v62, v7  }
0x94: {  	v63 =	vld [tilespmem:s1+$0xFFFFFFB0];
	v38 =	vadd.f32 v38, v40;
	v40 =	vmul.f32 v52, v11;
	v52 =	vmul.f32 v23, v4  }
0x95: {  	v19 =	vadd.f32 v58, v19;
	v47 =	vmul.f32 v53, v9;
	v53 =	vld [tilespmem:s1+$0xFFFFFF00];
	v20 =	vsel vm0, v35, v20  }
0x96: {  	v58 =	vld [tilespmem:s1+$0xFFFFFF10];
	v38 =	vadd.f32 v46, v38;
	v3 =	vadd.f32 v54, v21;
	v43 =	vmul.f32 v61, v7  }
0x97: {  	v61 =	vld [tilespmem:s1+$0xFFFFFF20];
	v36 =	vadd.f32 v40, v36;
	v54 =	vmul.f32 v15, v5;
	v41 =	vadd.f32 v47, v41  }
0x98: {  	v46 =	vld [tilespmem:s1+$0xFFFFFF40];
	v12 =	vsel vm0, v12, v19;
	v59 =	vperm.xlane v20, v56;
	v19 =	vmul.f32 v24, v5  }
0x99: {  	v47 =	vld [tilespmem:s1+$0xFFFFFDD0];
	v24 =	vmul.f32 v22, v5;
	v22 =	vmul.f32 v34, v6;
	v38 =	vadd.f32 v39, v38  }
0x9a: {  	v21 =	vperm.xlane v12, v56;
	v39 =	vmul.f32 v60, v9;
	v41 =	vadd.f32 v45, v41;
	v45 =	vld [tilespmem:s1+$0xFFFFFD50]  }
0x9b: {  	v40 =	vmul.f32 v63, v8;
	v60 =	vmul.f32 v13, v4;
	v38 =	vadd.f32 v44, v38;
	v44 =	vld [tilespmem:s1+$0xFFFFFFC0]  }
0x9c: {  	v20 =	vadd.f32 v59, v20;
	v21 =	vadd.f32 v21, v12;
	v12 =	vmul.f32 v49, v6;
	v49 =	vld [tilespmem:s1+$0xFFFFFE80]  }
0x9d: {  	v59 =	vmul.f32 v17, v4;
	v41 =	vadd.f32 v43, v41;
	v38 =	vadd.f32 v42, v38;
	v42 =	vld [tilespmem:s1+$0xFFFFFF30]  }
0x9e: {  	v35 =	vmul.f32 v53, v10;
	v62 =	vmul.f32 v58, v11;
	v36 =	vadd.f32 v39, v36;
	v39 =	vld [tilespmem:s1+$0xFFFFFEC0]  }
0x9f: {  	v58 =	vld [tilespmem:s1+$0xFFFFFE00];
	v53 =	vmul.f32 v14, v4;
	v43 =	vmul.f32 v61, v9;
	v41 =	vadd.f32 v12, v41  }
0xa0: {  	v35 =	vadd.f32 v62, v35;
	v23 =	vadd.f32 v40, v36;
	v62 =	vmul.f32 v46, v7;
	v46 =	vld [tilespmem:s1+$0xFFFFFD40]  }
0xa1: {  	v12 =	vmul.f32 v47, v6;
	v30 =	vadd.f32 v30, v38;
	v31 =	vadd.f32 v31, v41;
	v41 =	vld [tilespmem:s1+$0xFFFFFE40]  }
0xa2: {  	v35 =	vadd.f32 v43, v35;
	v43 =	vmul.f32 v49, v10;
	v49 =	vld [tilespmem:s1+$0xFFFFFE30];
	v61 =	vmul.f32 v42, v8  }
0xa3: {  	v38 =	vmul.f32 v50, v11;
	v29 =	vadd.f32 v29, v30;
	v30 =	vld [tilespmem:s1+$0xFFFFFEA0];
	v42 =	vadd.f32 v28, v31  }
0xa4: {  	v28 =	vld [tilespmem:s1+$0xFFFFFE10];
	v31 =	vmul.f32 v25, v5;
	v25 =	vmul.f32 v44, v7;
	v35 =	vadd.f32 v61, v35  }
0xa5: {  	[tilespmem:$0x1FFB0] =	vst v1;
	v1 =	vmul.f32 v45, v6;
	v36 =	vmul.f32 v58, v10;
	v61 =	vld [tilespmem:s1+$0xFFFFFEB0]  }
0xa6: {  	v58 =	vmul.f32 v16, v5;
	v23 =	vadd.f32 v25, v23;
	v63 =	vadd.f32 v62, v35;
	v35 =	vld [tilespmem:s1+$0xFFFFFE20]  }
0xa7: {  	v40 =	vld [tilespmem:s1+$0xFFFFFDC0];
	v45 =	vmul.f32 v39, v7;
	v38 =	vadd.f32 v38, v43;
	v39 =	vmul.f32 v46, v7  }
0xa8: {  	v34 =	vld [tilespmem:s1+$0xFFFFFD20];
	v47 =	vmul.f32 v41, v7;
	v62 =	vadd.f32 v22, v23;
	v23 =	vmul.f32 v30, v9  }
0xa9: {  	v50 =	vld [tilespmem:s1+$0xFFFFFDB0];
	v30 =	vmul.f32 v32, v6;
	v28 =	vmul.f32 v28, v11;
	v32 =	vadd.f32 v33, v63  }
0xaa: {  	v49 =	vmul.f32 v49, v8;
	v41 =	vld [tilespmem:s1+$0xFFFFFC80];
	v63 =	vadd.f32 v23, v38;
	v44 =	vadd.f32 v31, v62  }
0xab: {  	v33 =	vld [tilespmem:s1+$0xFFFFFD30];
	v36 =	vadd.f32 v28, v36;
	v61 =	vmul.f32 v61, v8;
	v35 =	vmul.f32 v35, v9  }
0xac: {  	v38 =	vmul.f32 v40, v7;
	v40 =	vld [tilespmem:s1+$0xFFFFFD10];
	v26 =	vadd.f32 v26, v32;
	v44 =	vadd.f32 v48, v44  }
0xad: {  	v28 =	vmul.f32 v37, v6;
	v37 =	vld [tilespmem:s1+$0xFFFFFD00];
	v63 =	vadd.f32 v61, v63;
	v62 =	vadd.f32 v35, v36  }
0xae: {  	v61 =	vperm.xlane v42, v0;
	v46 =	vadd.f32 v27, v26;
	v27 =	vperm.xlane v29, v0;
	v35 =	vld [tilespmem:s1+$0xFFFFFD80]  }
0xaf: {  	v31 =	vmul.f32 v50, v8;
	v36 =	vld [tilespmem:s1+$0xFFFFFD90];
	v43 =	vadd.f32 v49, v62;
	v62 =	vadd.f32 v45, v63  }
0xb0: {  	v26 =	vadd.f32 v61, v42;
	v42 =	vld [tilespmem:s1+$0xFFFFFC90];
	v27 =	vadd.f32 v27, v29;
	v63 =	vperm.xlane v44, v0  }
0xb1: {  	v32 =	vmul.f32 v33, v8;
	v45 =	vadd.f32 v47, v43;
	v43 =	vld [tilespmem:s1+$0xFFFFFC00];
	v33 =	vadd.f32 v30, v62  }
0xb2: {  	s29 =	simm.s32 $0x0;
	s14 =	simm.s32 $0x40;
	v47 =	vperm.xlane v46, v0;
	v29 =	vadd.f32 v63, v44;
	v44 =	vld [tilespmem:s1+$0xFFFFFC10];
	v30 =	vmul.f32 v51, v9  }
.LBB2_3:
0xb3: {  	_ =	sdelay $0x1  }
0xb4: {  	v48 =	vld [tilespmem:s1+$0xFFFFFCA0];
	v28 =	vadd.f32 v28, v45;
	v34 =	vmul.f32 v34, v9;
	v35 =	vmul.f32 v35, v10  }
0xb5: {  	v61 =	vld [tilespmem:s1+$0xFFFFFC20];
	v36 =	vmul.f32 v36, v11;
	v25 =	vadd.f32 v24, v33;
	v37 =	vmul.f32 v37, v10  }
0xb6: {  	v62 =	vld [tilespmem:s1+$0xFFFFFCB0];
	v40 =	vmul.f32 v40, v11;
	v24 =	vadd.f32 v19, v28;
	v41 =	vmul.f32 v41, v10  }
0xb7: {  	v45 =	vadd.f32 v47, v46;
	v28 =	vld [tilespmem:s1+$0xFFFFFC30];
	v42 =	vmul.f32 v42, v11;
	v63 =	vmul.f32 v44, v11  }
0xb8: {  	v44 =	vld [tilespmem:s1+$0xFFFFFCC0];
	v18 =	vadd.f32 v60, v25;
	v25 =	vmul.f32 v43, v10;
	v17 =	vadd.f32 v59, v24  }
0xb9: {  	v49 =	vmul.f32 v48, v9;
	v24 =	vld [tilespmem:s1+$0xFFFFFC40];
	v37 =	vadd.f32 v40, v37;
	v35 =	vadd.f32 v36, v35  }
0xba: {  	v50 =	vmul.f32 v61, v9;
	v51 =	vadd.f32 v42, v41;
	v59 =	vld [tilespmem:s1+$0xFFFFFCD0];
	v25 =	vadd.f32 v63, v25  }
0xbb: {  	v33 =	vmul.f32 v62, v8;
	v60 =	vld [tilespmem:s1+$0xFFFFFC50];
	v34 =	vadd.f32 v34, v37;
	v30 =	vadd.f32 v30, v35  }
0xbc: {  	v62 =	vld [tilespmem:s1+$0xFFFFFCE0];
	v61 =	vadd.f32 v49, v51;
	v28 =	vmul.f32 v28, v8;
	v25 =	vadd.f32 v50, v25  }
0xbd: {  	v63 =	vld [tilespmem:s1+$0xFFFFFC60];
	v44 =	vmul.f32 v44, v7;
	v32 =	vadd.f32 v32, v34;
	v30 =	vadd.f32 v31, v30  }
0xbe: {  	v31 =	vld [tilespmem:s1+$0xFFFFFCF0];
	v24 =	vmul.f32 v24, v7;
	v25 =	vadd.f32 v28, v25;
	v28 =	vadd.f32 v33, v61  }
0xbf: {  	v46 =	vld [tilespmem:s1+$0xFFFFFC70];
	v47 =	vmul.f32 v59, v6;
	v32 =	vadd.f32 v39, v32;
	v30 =	vadd.f32 v38, v30  }
0xc0: {  	v0 =	vld [tilespmem:$0x1FFC0];
	v24 =	vadd.f32 v24, v25;
	v25 =	vmul.f32 v60, v6;
	v28 =	vadd.f32 v44, v28  }
0xc1: {  	v48 =	vmul.f32 v62, v5;
	v23 =	vadd.f32 v1, v32;
	v22 =	vadd.f32 v12, v30  }
0xc2: {  	v24 =	vadd.f32 v25, v24;
	v25 =	vmul.f32 v63, v5;
	v28 =	vadd.f32 v47, v28  }
0xc3: {  	v30 =	vmul.f32 v31, v4;
	v15 =	vadd.f32 v54, v23;
	v16 =	vadd.f32 v58, v22  }
0xc4: {  	v23 =	vmul.f32 v46, v4;
	v22 =	vadd.f32 v25, v24;
	v24 =	vadd.f32 v48, v28  }
0xc5: {  	v13 =	vadd.f32 v52, v15;
	v14 =	vadd.f32 v53, v16;
	v15 =	vperm.xlane v18, v0  }
0xc6: {  	v16 =	vadd.f32 v23, v22;
	v22 =	vadd.f32 v30, v24;
	v23 =	vperm.xlane v17, v0  }
0xc7: {  	v24 =	vperm.xlane v13, v0;
	v25 =	vperm.xlane v14, v0;
	v15 =	vadd.f32 v15, v18  }
0xc8: {  	v18 =	vperm.xlane v16, v0;
	v28 =	vperm.xlane v22, v0;
	v17 =	vadd.f32 v23, v17  }
0xc9: {  	v14 =	vadd.f32 v25, v14;
	v13 =	vadd.f32 v24, v13;
	v23 =	vsel vm0, v27, v26  }
0xca: {  	v24 =	vperm.xlane v23, v56;
	v22 =	vadd.f32 v28, v22;
	v16 =	vadd.f32 v18, v16  }
0xcb: {  	v18 =	vsel vm0, v45, v29;
	v15 =	vsel vm0, v17, v15;
	v13 =	vsel vm0, v13, v14  }
0xcc: {  	v17 =	vperm.xlane v18, v56;
	v14 =	vperm.xlane v15, v56;
	v16 =	vsel vm0, v16, v22  }
0xcd: {  	v25 =	vperm.xlane v13, v56;
	v23 =	vadd.f32 v24, v23;
	v22 =	vperm.xlane v16, v56  }
0xce: {  	v17 =	vadd.f32 v17, v18;
	v14 =	vadd.f32 v14, v15  }
0xcf: {  	v13 =	vadd.f32 v25, v13;
	v15 =	vadd.f32 v22, v16  }
0xd0: {  	v18 =	vsel vm1, v23, v21;
	v16 =	vsel vm1, v20, v3;
	v14 =	vsel vm1, v14, v17  }
0xd1: {  	v19 =	vperm.xlane v16, v55;
	v20 =	vperm.xlane v14, v55;
	v13 =	vsel vm1, v15, v13  }
0xd2: {  	v15 =	vperm.xlane v18, v55;
	v17 =	vperm.xlane v13, v55  }
0xd3: {  	v16 =	vadd.f32 v19, v16;
	v14 =	vadd.f32 v20, v14  }
0xd4: {  	v15 =	vadd.f32 v15, v18;
	v13 =	vadd.f32 v17, v13;
	_ =	sdelay $0x1  }
0xd5: {  	s15 =	sshra.s32 s29, $0x2;
	v1 =	vld [tilespmem:$0x1FFB0];
	v13 =	vsel vm2, v13, v14;
	v14 =	vsel vm2, v15, v16  }
0xd6: {  	v17 =	vld [tilespmem:s15+$0x12C00];
	v15 =	vperm.xlane v13, v57;
	v16 =	vperm.xlane v14, v57;
	_ =	sdelay $0x1  }
0xd7: {  	v14 =	vadd.f32 v16, v14;
	v13 =	vadd.f32 v15, v13;
	_ =	sdelay $0x1  }
0xd8: {  	v13 =	vsel vm3, v13, v14  }
0xd9: {  	v13 =	vadd.f32 v13, v17;
	_ =	sdelay $0x1  }
0xda: {  	s1 =	sadd.s32 $0x800, s1;
	[tilespmem:v1+s15+$0x0 ss:$0x1] =	vst.idx.msk $0xffff, v13  }
0xdb: {  	v13 =	vld [tilespmem:s1+$0x3F0]  }
0xdc: {  	v14 =	vld [tilespmem:s1+$0x370]  }
0xdd: {  	v15 =	vld [tilespmem:s1+$0x2F0]  }
0xde: {  	v16 =	vld [tilespmem:s1+$0x270]  }
0xdf: {  	v17 =	vld [tilespmem:s1+$0x1F0]  }
0xe0: {  	v18 =	vld [tilespmem:s1+$0x170]  }
0xe1: {  	v22 =	vld [tilespmem:s1+$0xF0]  }
0xe2: {  	v23 =	vld [tilespmem:s1+$0x70]  }
0xe3: {  	v24 =	vld [tilespmem:s1+$0xFFFFFFF0]  }
0xe4: {  	v25 =	vld [tilespmem:s1+$0xFFFFFF70]  }
0xe5: {  	v28 =	vld [tilespmem:s1+$0xFFFFFEF0]  }
0xe6: {  	v30 =	vld [tilespmem:s1+$0xFFFFFE70]  }
0xe7: {  	v32 =	vld [tilespmem:s1+$0xFFFFFDF0]  }
0xe8: {  	v33 =	vld [tilespmem:s1+$0xFFFFFD70]  }
0xe9: {  	v34 =	vld [tilespmem:s1+$0x3E0]  }
0xea: {  	v35 =	vld [tilespmem:s1+$0x360]  }
0xeb: {  	v36 =	vld [tilespmem:s1+$0x2E0]  }
0xec: {  	v37 =	vld [tilespmem:s1+$0x260]  }
0xed: {  	v40 =	vld [tilespmem:s1+$0x1E0]  }
0xee: {  	v39 =	vld [tilespmem:s1+$0x160]  }
0xef: {  	v41 =	vld [tilespmem:s1+$0xE0]  }
0xf0: {  	v47 =	vld [tilespmem:s1+$0x60]  }
0xf1: {  	v48 =	vld [tilespmem:s1+$0xFFFFFFE0]  }
0xf2: {  	v49 =	vld [tilespmem:s1+$0xFFFFFF60]  }
0xf3: {  	v50 =	vld [tilespmem:s1+$0xFFFFFEE0]  }
0xf4: {  	v51 =	vld [tilespmem:s1+$0xFFFFFE60]  }
0xf5: {  	v52 =	vld [tilespmem:s1+$0xFFFFFDE0]  }
0xf6: {  	v53 =	vld [tilespmem:s1+$0xFFFFFD60]  }
0xf7: {  	v54 =	vld [tilespmem:s1+$0x3D0]  }
0xf8: {  	v55 =	vld [tilespmem:s1+$0x350]  }
0xf9: {  	v56 =	vld [tilespmem:s1+$0x2D0]  }
0xfa: {  	v57 =	vld [tilespmem:s1+$0x250]  }
0xfb: {  	v58 =	vld [tilespmem:s1+$0x1D0]  }
0xfc: {  	v59 =	vld [tilespmem:s1+$0x150]  }
0xfd: {  	v60 =	vld [tilespmem:s1+$0xD0]  }
0xfe: {  	v61 =	vld [tilespmem:s1+$0x50]  }
0xff: {  	v62 =	vld [tilespmem:s1+$0xFFFFFFD0]  }
0x100: {  	v63 =	vld [tilespmem:s1+$0xFFFFFF50]  }
0x101: {  	v12 =	vld [tilespmem:s1+$0xFFFFFED0]  }
0x102: {  	v3 =	vld [tilespmem:s1+$0xFFFFFE50];
	v44 =	vmul.f32 v14, v4;
	v45 =	vmul.f32 v13, v4  }
0x103: {  	v2 =	vld [tilespmem:s1+$0xFFFFFDD0];
	v27 =	vmul.f32 v16, v4;
	v38 =	vmul.f32 v15, v4  }
0x104: {  	v1 =	vld [tilespmem:s1+$0xFFFFFD50];
	v29 =	vmul.f32 v18, v4;
	v14 =	vmul.f32 v23, v4  }
0x105: {  	v13 =	vld [tilespmem:s1+$0x3C0];
	v15 =	vmul.f32 v25, v4;
	v21 =	vmul.f32 v30, v4  }
0x106: {  	v20 =	vmul.f32 v28, v4;
	v16 =	vld [tilespmem:s1+$0x240];
	v26 =	vmul.f32 v33, v4  }
0x107: {  	v25 =	vmul.f32 v32, v4;
	v33 =	vld [tilespmem:s1+$0x1C0];
	v18 =	vmul.f32 v35, v5  }
0x108: {  	v23 =	vld [tilespmem:s1+$0xC0];
	v43 =	vmul.f32 v37, v5;
	v46 =	vmul.f32 v36, v5  }
0x109: {  	v36 =	vld [tilespmem:s1+$0x40];
	v42 =	vmul.f32 v40, v5;
	v35 =	vmul.f32 v41, v5  }
0x10a: {  	v28 =	vld [tilespmem:s1+$0x3B0];
	v49 =	vmul.f32 v49, v5;
	v32 =	vmul.f32 v48, v5  }
0x10b: {  	v37 =	vld [tilespmem:s1+$0x380];
	v51 =	vmul.f32 v51, v5;
	v30 =	vmul.f32 v53, v5  }
0x10c: {  	v19 =	vmov v0;
	v40 =	vld [tilespmem:s1+$0x390];
	v0 =	vmul.f32 v52, v5;
	v53 =	vmul.f32 v57, v6  }
0x10d: {  	v48 =	vld [tilespmem:s1+$0x300];
	v52 =	vmul.f32 v58, v6;
	v41 =	vmul.f32 v60, v6  }
0x10e: {  	v57 =	vld [tilespmem:s1+$0x330];
	v12 =	vmul.f32 v12, v6;
	[tilespmem:$0x1FF40] =	vst v14;
	v14 =	vmul.f32 v22, v4  }
0x10f: {  	v58 =	vld [tilespmem:s1+$0x320];
	[tilespmem:$0x1FF80] =	vst v15;
	v15 =	vmul.f32 v24, v4;
	v22 =	vmul.f32 v34, v5  }
0x110: {  	v60 =	vld [tilespmem:s1+$0x2B0];
	v34 =	vmul.f32 v47, v5;
	v24 =	vmul.f32 v50, v5  }
0x111: {  	[tilespmem:$0x1FF60] =	vst v49;
	v47 =	vld [tilespmem:s1+$0x3A0];
	v49 =	vmul.f32 v55, v6;
	v50 =	vmul.f32 v54, v6  }
0x112: {  	[tilespmem:$0x1FF90] =	vst v51;
	v55 =	vmul.f32 v56, v6;
	v56 =	vld [tilespmem:s1+$0x310];
	v51 =	vmul.f32 v59, v6  }
0x113: {  	v54 =	vmul.f32 v62, v6;
	v62 =	vld [tilespmem:s1+$0x2A0];
	[tilespmem:$0x1FFA0] =	vst v12;
	v12 =	vmul.f32 v2, v6  }
0x114: {  	v2 =	vld [tilespmem:s1+$0x190];
	v37 =	vmul.f32 v37, v10;
	v59 =	vmul.f32 v40, v11  }
0x115: {  	v31 =	vmul.f32 v17, v4;
	[tilespmem:$0x1FF30] =	vst v14;
	v14 =	vld [tilespmem:s1+$0x340]  }
0x116: {  	[tilespmem:$0x1FF50] =	vst v24;
	v24 =	vld [tilespmem:s1+$0x280];
	v40 =	vmul.f32 v61, v6;
	v59 =	vadd.f32 v59, v37;
	v47 =	vmul.f32 v47, v9  }
0x117: {  	v61 =	vld [tilespmem:s1+$0x230];
	v48 =	vmul.f32 v48, v10;
	v56 =	vmul.f32 v56, v11  }
0x118: {  	v47 =	vadd.f32 v47, v59;
	v59 =	vmul.f32 v28, v8;
	v28 =	vmul.f32 v3, v6;
	v3 =	vld [tilespmem:s1+$0x290]  }
0x119: {  	v39 =	vmul.f32 v39, v5;
	v48 =	vadd.f32 v56, v48;
	v56 =	vmul.f32 v58, v9;
	v58 =	vld [tilespmem:s1+$0x200]  }
0x11a: {  	v13 =	vmul.f32 v13, v7;
	v37 =	vmul.f32 v63, v6;
	v63 =	vld [tilespmem:s1+$0x220];
	v47 =	vadd.f32 v59, v47  }
0x11b: {  	v2 =	vmul.f32 v2, v11;
	v48 =	vadd.f32 v56, v48;
	v56 =	vmul.f32 v57, v8;
	v57 =	vld [tilespmem:s1+$0x210]  }
0x11c: {  	v14 =	vmul.f32 v14, v7;
	v24 =	vmul.f32 v24, v10;
	v59 =	vld [tilespmem:s1+$0x180];
	v13 =	vadd.f32 v13, v47  }
0x11d: {  	v56 =	vadd.f32 v56, v48;
	v47 =	vmul.f32 v36, v7;
	v48 =	vmul.f32 v23, v7;
	v23 =	vld [tilespmem:s1+$0x100]  }
0x11e: {  	v36 =	vld [tilespmem:s1+$0x110];
	v3 =	vmul.f32 v3, v11;
	v58 =	vmul.f32 v58, v10;
	v13 =	vadd.f32 v50, v13  }
0x11f: {  	[tilespmem:$0x1FF70] =	vst v15;
	v15 =	vld [tilespmem:s1+$0x2C0];
	v14 =	vadd.f32 v14, v56;
	v56 =	vmul.f32 v61, v8;
	v50 =	vmul.f32 v60, v8  }
0x120: {  	v60 =	vmul.f32 v63, v9;
	v61 =	vmul.f32 v62, v9;
	v63 =	vld [tilespmem:s1+$0x120]  }
0x121: {  	v62 =	vld [tilespmem:s1+$0x1B0];
	v57 =	vmul.f32 v57, v11;
	v59 =	vmul.f32 v59, v10;
	v3 =	vadd.f32 v3, v24  }
0x122: {  	v13 =	vadd.f32 v22, v13;
	v22 =	vld [tilespmem:s1+$0x1A0];
	v14 =	vadd.f32 v49, v14;
	v23 =	vmul.f32 v23, v10  }
0x123: {  	v17 =	vld [tilespmem:s1+$0x140];
	v36 =	vmul.f32 v36, v11;
	v57 =	vadd.f32 v57, v58;
	v3 =	vadd.f32 v61, v3  }
0x124: {  	v16 =	vmul.f32 v16, v7;
	v24 =	vld [tilespmem:s1+$0xFFFFFFC0];
	v2 =	vadd.f32 v2, v59;
	v13 =	vadd.f32 v45, v13  }
0x125: {  	v15 =	vmul.f32 v15, v7;
	v14 =	vadd.f32 v18, v14;
	v18 =	vld [tilespmem:s1+$0x130];
	v23 =	vadd.f32 v36, v23  }
0x126: {  	v58 =	vld [tilespmem:s1+$0xFFFFFEC0];
	v36 =	vmul.f32 v63, v9;
	v45 =	vmul.f32 v62, v8;
	v3 =	vadd.f32 v50, v3  }
0x127: {  	v59 =	vld [tilespmem:s1+$0xFFFFFE40];
	v49 =	vadd.f32 v60, v57;
	v14 =	vadd.f32 v44, v14;
	v22 =	vmul.f32 v22, v9  }
0x128: {  	v44 =	vld [tilespmem:s1+$0xFFFFFF40];
	v61 =	vperm.xlane v13, v19;
	v23 =	vadd.f32 v36, v23;
	v3 =	vadd.f32 v15, v3  }
0x129: {  	v63 =	vld [tilespmem:s1+$0xB0];
	v50 =	vmul.f32 v24, v7;
	v24 =	vadd.f32 v56, v49;
	v2 =	vadd.f32 v22, v2  }
0x12a: {  	v57 =	vld [tilespmem:$0x1FFF0];
	v13 =	vadd.f32 v61, v13;
	v18 =	vmul.f32 v18, v8;
	v3 =	vadd.f32 v55, v3  }
0x12b: {  	v33 =	vmul.f32 v33, v7;
	v15 =	vld [tilespmem:s1+$0xA0];
	v16 =	vadd.f32 v16, v24;
	v2 =	vadd.f32 v45, v2  }
0x12c: {  	v17 =	vmul.f32 v17, v7;
	v24 =	vld [tilespmem:s1+$0x80];
	v18 =	vadd.f32 v18, v23;
	v3 =	vadd.f32 v46, v3  }
0x12d: {  	v49 =	vmul.f32 v44, v7;
	v16 =	vadd.f32 v53, v16;
	v2 =	vadd.f32 v33, v2;
	v33 =	vld [tilespmem:s1+$0x90]  }
0x12e: {  	v56 =	vld [tilespmem:$0x1FFD0];
	v45 =	vmul.f32 v58, v7;
	v17 =	vadd.f32 v17, v18;
	v3 =	vadd.f32 v38, v3  }
0x12f: {  	v60 =	vmovc v20;
	v36 =	vld [tilespmem:s1+$0x0];
	v44 =	vmul.f32 v59, v7;
	v16 =	vadd.f32 v43, v16;
	v2 =	vadd.f32 v52, v2  }
0x130: {  	v61 =	vld [tilespmem:s1+$0xFFFFFF80];
	v59 =	vmovc v21;
	v21 =	vperm.xlane v14, v19;
	v17 =	vadd.f32 v51, v17;
	v20 =	vperm.xlane v3, v19  }
0x131: {  	v22 =	vld [tilespmem:s1+$0x30];
	v15 =	vmul.f32 v15, v9;
	v16 =	vadd.f32 v27, v16;
	v2 =	vadd.f32 v42, v2  }
0x132: {  	v38 =	vld [tilespmem:s1+$0x10];
	v3 =	vadd.f32 v20, v3;
	v20 =	vmul.f32 v24, v10;
	v24 =	vmul.f32 v33, v11  }
0x133: {  	v55 =	vld [tilespmem:$0x1FFE0];
	v14 =	vadd.f32 v21, v14;
	v17 =	vadd.f32 v39, v17;
	v62 =	vperm.xlane v16, v19  }
0x134: {  	v23 =	vld [tilespmem:s1+$0x20];
	v36 =	vmul.f32 v36, v10;
	v2 =	vadd.f32 v31, v2;
	v20 =	vadd.f32 v24, v20  }
0x135: {  	v46 =	vld [tilespmem:s1+$0xFFFFFFB0];
	v18 =	vmul.f32 v63, v8;
	v17 =	vadd.f32 v29, v17;
	v16 =	vadd.f32 v62, v16  }
0x136: {  	v58 =	vmovc v0;
	v0 =	vld [tilespmem:$0x1FF30];
	v13 =	vsel vm0, v14, v13;
	v63 =	vperm.xlane v2, v19;
	v15 =	vadd.f32 v15, v20  }
0x137: {  	v52 =	vmovc v26;
	v26 =	vld [tilespmem:s1+$0xFFFFFD40];
	v38 =	vmul.f32 v38, v11;
	v21 =	vperm.xlane v17, v19;
	v16 =	vsel vm0, v16, v3  }
0x138: {  	v14 =	vld [tilespmem:s1+$0xFFFFFF00];
	v3 =	vperm.xlane v13, v56;
	v2 =	vadd.f32 v63, v2;
	v15 =	vadd.f32 v18, v15  }
0x139: {  	v23 =	vmul.f32 v23, v9;
	v24 =	vld [tilespmem:s1+$0xFFFFFF10];
	v17 =	vadd.f32 v21, v17;
	v21 =	vadd.f32 v38, v36  }
0x13a: {  	v22 =	vmul.f32 v22, v8;
	v51 =	vld [tilespmem:s1+$0xFFFFFF30];
	v3 =	vadd.f32 v3, v13;
	v15 =	vadd.f32 v48, v15  }
0x13b: {  	v13 =	vld [tilespmem:s1+$0xFFFFFF20];
	v2 =	vsel vm0, v17, v2;
	v17 =	vperm.xlane v16, v56;
	v21 =	vadd.f32 v23, v21  }
0x13c: {  	v62 =	vld [tilespmem:s1+$0xFFFFFF90];
	v15 =	vadd.f32 v41, v15  }
0x13d: {  	v42 =	vld [tilespmem:s1+$0xFFFFFDC0];
	v20 =	vadd.f32 v17, v16;
	v17 =	vadd.f32 v22, v21  }
0x13e: {  	v14 =	vmul.f32 v14, v10;
	v63 =	vld [tilespmem:s1+$0xFFFFFFA0];
	v24 =	vmul.f32 v24, v11;
	v15 =	vadd.f32 v35, v15  }
0x13f: {  	v43 =	vld [tilespmem:s1+$0xFFFFFC00];
	v39 =	vmul.f32 v26, v7;
	v17 =	vadd.f32 v47, v17  }
0x140: {  	v14 =	vadd.f32 v24, v14;
	v13 =	vmul.f32 v13, v9;
	v15 =	vadd.f32 v0, v15;
	v0 =	vld [tilespmem:$0x1FF40]  }
0x141: {  	v26 =	vld [tilespmem:s1+$0xFFFFFE90];
	v18 =	vmul.f32 v61, v10;
	v22 =	vmul.f32 v62, v11;
	v17 =	vadd.f32 v40, v17  }
0x142: {  	v38 =	vmul.f32 v42, v7;
	v36 =	vld [tilespmem:s1+$0xFFFFFD90];
	v13 =	vadd.f32 v13, v14;
	v14 =	vmul.f32 v51, v8  }
0x143: {  	v42 =	vld [tilespmem:s1+$0xFFFFFC90];
	v18 =	vadd.f32 v22, v18;
	v22 =	vmul.f32 v63, v9;
	v17 =	vadd.f32 v34, v17  }
0x144: {  	v61 =	vld [tilespmem:s1+$0xFFFFFEA0];
	v13 =	vadd.f32 v14, v13  }
0x145: {  	v18 =	vadd.f32 v22, v18;
	v22 =	vmul.f32 v46, v8;
	v14 =	vadd.f32 v0, v17;
	v0 =	vld [tilespmem:$0x1FF60]  }
0x146: {  	v16 =	vld [tilespmem:s1+$0xFFFFFEB0];
	v13 =	vadd.f32 v49, v13  }
0x147: {  	v23 =	vperm.xlane v2, v56;
	v24 =	vld [tilespmem:s1+$0xFFFFFE10];
	v18 =	vadd.f32 v22, v18  }
0x148: {  	v62 =	vld [tilespmem:s1+$0xFFFFFE20];
	v13 =	vadd.f32 v37, v13  }
0x149: {  	v21 =	vadd.f32 v23, v2;
	v23 =	vld [tilespmem:s1+$0xFFFFFE80];
	v18 =	vadd.f32 v50, v18  }
0x14a: {  	v13 =	vadd.f32 v0, v13;
	v0 =	vld [tilespmem:$0x1FF70]  }
0x14b: {  	v47 =	vld [tilespmem:s1+$0xFFFFFE00];
	v18 =	vadd.f32 v54, v18  }
0x14c: {  	v2 =	vld [tilespmem:s1+$0xFFFFFE30]  }
0x14d: {  	v22 =	vld [tilespmem:s1+$0xFFFFFDB0];
	v18 =	vadd.f32 v32, v18  }
0x14e: {  	v17 =	vld [tilespmem:s1+$0xFFFFFD30]  }
0x14f: {  	v26 =	vmul.f32 v26, v11;
	v23 =	vmul.f32 v23, v10;
	v18 =	vadd.f32 v0, v18;
	v0 =	vld [tilespmem:$0x1FF80]  }
0x150: {  	v41 =	vld [tilespmem:s1+$0xFFFFFC80];
	v24 =	vmul.f32 v24, v11;
	v27 =	vmul.f32 v47, v10  }
0x151: {  	v63 =	vld [tilespmem:s1+$0xFFFFFDA0];
	v23 =	vadd.f32 v26, v23;
	v26 =	vmul.f32 v61, v9  }
0x152: {  	v35 =	vld [tilespmem:s1+$0xFFFFFD80];
	v16 =	vmul.f32 v16, v8;
	v24 =	vadd.f32 v24, v27;
	v27 =	vmul.f32 v62, v9  }
0x153: {  	v40 =	vld [tilespmem:s1+$0xFFFFFD10];
	v2 =	vmul.f32 v2, v8;
	v31 =	vmul.f32 v22, v8;
	v22 =	vadd.f32 v26, v23  }
0x154: {  	p0 =	sne.s32 s14, $0x300;
	v32 =	vmul.f32 v17, v8;
	v17 =	vadd.f32 v27, v24;
	v46 =	vadd.f32 v0, v13;
	v0 =	vld [tilespmem:$0x1FFA0]  }
.Ltmp0:
0x155: {  	v34 =	vld [tilespmem:s1+$0xFFFFFD20];
	v16 =	vadd.f32 v16, v22;
	v22 =	vperm.xlane v15, v19;
	(pc) =	sbr.rel @p0 .LBB2_3-.Ltmp0, $4  }
0x156: {  	v1 =	vmul.f32 v1, v6;
	v37 =	vld [tilespmem:s1+$0xFFFFFD00];
	v2 =	vadd.f32 v2, v17;
	v17 =	vperm.xlane v18, v19  }
0x157: {  	v24 =	vld [tilespmem:$0x1FF50];
	v16 =	vadd.f32 v45, v16;
	v26 =	vadd.f32 v22, v15;
	v13 =	vperm.xlane v14, v19  }
0x158: {  	v54 =	vmovc v30;
	v30 =	vmul.f32 v63, v9;
	v45 =	vadd.f32 v44, v2;
	v44 =	vld [tilespmem:s1+$0xFFFFFC10];
	v29 =	vadd.f32 v17, v18  }
0x159: {  	s29 =	smov.u32 s14;
	s14 =	sadd.s32 $0x40, s14;
	v53 =	vmovc v25;
	v47 =	vperm.xlane v46, v19;
	v19 =	vld [tilespmem:$0x1FF90];
	v27 =	vadd.f32 v13, v14;
	v33 =	vadd.f32 v0, v16  }
0x15a: {  	v13 =	vmul.f32 v34, v9  }
0x15b: {  	v2 =	vld [tilespmem:s1+$0xFFFFFCA0];
	v17 =	vmul.f32 v35, v10;
	v18 =	vmul.f32 v36, v11  }
0x15c: {  	v14 =	vadd.f32 v28, v45;
	v16 =	vld [tilespmem:s1+$0xFFFFFC20];
	v25 =	vmul.f32 v40, v11;
	v28 =	vmul.f32 v41, v10  }
0x15d: {  	v23 =	vld [tilespmem:s1+$0xFFFFFCB0];
	v63 =	vmul.f32 v42, v11;
	v22 =	vadd.f32 v24, v33;
	v24 =	vmul.f32 v37, v10  }
0x15e: {  	v36 =	vmul.f32 v43, v10;
	v15 =	vadd.f32 v47, v46;
	v14 =	vadd.f32 v19, v14;
	v19 =	vld [tilespmem:s1+$0xFFFFFC30]  }
0x15f: {  	v40 =	vld [tilespmem:s1+$0xFFFFFCC0];
	v17 =	vadd.f32 v18, v17;
	v37 =	vmul.f32 v44, v11;
	v24 =	vadd.f32 v25, v24  }
0x160: {  	v41 =	vld [tilespmem:s1+$0xFFFFFC40];
	v43 =	vadd.f32 v63, v28;
	v22 =	vadd.f32 v60, v22;
	v2 =	vmul.f32 v2, v9  }
0x161: {  	v10 =	vadd.f32 v37, v36;
	v42 =	vmul.f32 v16, v9;
	v16 =	vld [tilespmem:s1+$0xFFFFFCD0];
	v13 =	vadd.f32 v13, v24  }
0x162: {  	v18 =	vld [tilespmem:s1+$0xFFFFFC50];
	v17 =	vadd.f32 v30, v17;
	v23 =	vmul.f32 v23, v8;
	v2 =	vadd.f32 v2, v43  }
0x163: {  	v44 =	vld [tilespmem:s1+$0xFFFFFCE0];
	v9 =	vadd.f32 v42, v10;
	v13 =	vadd.f32 v32, v13;
	v8 =	vmul.f32 v19, v8  }
0x164: {  	v45 =	vld [tilespmem:s1+$0xFFFFFC60];
	v17 =	vadd.f32 v31, v17;
	v19 =	vmul.f32 v40, v7;
	v2 =	vadd.f32 v23, v2  }
0x165: {  	v46 =	vld [tilespmem:s1+$0xFFFFFCF0];
	v7 =	vmul.f32 v41, v7;
	v13 =	vadd.f32 v39, v13;
	v8 =	vadd.f32 v8, v9  }
0x166: {  	v17 =	vadd.f32 v38, v17;
	v23 =	vld [tilespmem:s1+$0xFFFFFC70];
	v16 =	vmul.f32 v16, v6;
	v2 =	vadd.f32 v19, v2  }
0x167: {  	v0 =	vld [tilespmem:$0x1FFC0];
	v6 =	vmul.f32 v18, v6;
	v1 =	vadd.f32 v1, v13;
	v7 =	vadd.f32 v7, v8  }
0x168: {  	v47 =	vadd.f32 v12, v17;
	v8 =	vmul.f32 v44, v5;
	v2 =	vadd.f32 v16, v2  }
0x169: {  	v5 =	vmul.f32 v45, v5;
	v1 =	vadd.f32 v54, v1;
	v6 =	vadd.f32 v6, v7  }
0x16a: {  	v48 =	vadd.f32 v58, v47;
	v7 =	vmul.f32 v46, v4;
	v2 =	vadd.f32 v8, v2  }
0x16b: {  	v4 =	vmul.f32 v23, v4;
	v1 =	vadd.f32 v52, v1;
	v5 =	vadd.f32 v5, v6  }
0x16c: {  	v14 =	vadd.f32 v59, v14;
	v8 =	vperm.xlane v22, v0;
	v6 =	vadd.f32 v53, v48  }
0x16d: {  	v2 =	vadd.f32 v7, v2;
	v7 =	vperm.xlane v1, v0;
	v4 =	vadd.f32 v4, v5  }
0x16e: {  	v8 =	vadd.f32 v8, v22;
	v5 =	vperm.xlane v14, v0;
	v9 =	vperm.xlane v6, v0  }
0x16f: {  	v50 =	vperm.xlane v2, v0;
	v1 =	vadd.f32 v7, v1;
	v49 =	vperm.xlane v4, v0  }
0x170: {  	v51 =	vsel vm0, v15, v29;
	v5 =	vadd.f32 v5, v14;
	v6 =	vadd.f32 v9, v6  }
0x171: {  	v7 =	vsel vm0, v27, v26;
	v2 =	vadd.f32 v50, v2;
	v4 =	vadd.f32 v49, v4  }
0x172: {  	v52 =	vperm.xlane v7, v56;
	v5 =	vsel vm0, v5, v8;
	v1 =	vsel vm0, v1, v6  }
0x173: {  	v8 =	vperm.xlane v51, v56;
	v53 =	vperm.xlane v1, v56;
	v2 =	vsel vm0, v4, v2  }
0x174: {  	v7 =	vadd.f32 v52, v7;
	v4 =	vperm.xlane v5, v56;
	v6 =	vperm.xlane v2, v56  }
0x175: {  	v8 =	vadd.f32 v8, v51;
	v1 =	vadd.f32 v53, v1  }
0x176: {  	v3 =	vsel vm1, v20, v3;
	v4 =	vadd.f32 v4, v5;
	v2 =	vadd.f32 v6, v2  }
0x177: {  	v5 =	vsel vm1, v7, v21;
	v6 =	vperm.xlane v3, v55  }
0x178: {  	v54 =	vsel vm1, v4, v8;
	v4 =	vperm.xlane v5, v55;
	v1 =	vsel vm1, v2, v1  }
0x179: {  	v8 =	vperm.xlane v54, v55;
	v7 =	vperm.xlane v1, v55  }
0x17a: {  	v3 =	vadd.f32 v6, v3;
	v4 =	vadd.f32 v4, v5  }
0x17b: {  	v2 =	vadd.f32 v8, v54;
	v1 =	vadd.f32 v7, v1;
	_ =	sdelay $0x1  }
0x17c: {  	s15 =	sshra.s32 s29, $0x2;
	v60 =	vld [tilespmem:$0x1FFB0];
	v58 =	vsel vm2, v4, v3;
	v1 =	vsel vm2, v1, v2  }
0x17d: {  	v5 =	vld [tilespmem:s15+$0x12C00];
	v4 =	vperm.xlane v58, v57;
	v59 =	vperm.xlane v1, v57;
	_ =	sdelay $0x1  }
0x17e: {  	v2 =	vadd.f32 v4, v58;
	v1 =	vadd.f32 v59, v1;
	_ =	sdelay $0x1  }
0x17f: {  	p0 =	seq.s32 s31, $0xF;
	v1 =	vsel vm3, v1, v2  }
0x180: {  	s14 =	smul.u32 @!p0 $0x190, s31;
	v1 =	vadd.f32 v1, v5;
	_ =	sdelay $0x1  }
0x181: {  	s29 =	simm.s32 @!p0 $0x5C00;
	s1 =	sadd.s32 @!p0 $0x190, s14;
	[tilespmem:v60+s15+$0x0 ss:$0x1] =	vst.idx.msk $0xffff, v1;
	s15 =	simm.s32 @!p0 $0x68  }
0x182: {  	[tilespmem:s29], [sflag:$0x1] =	stream.indirect.gather @!p0 [hbm4b:s0+s15], $0x80, s1, s15, $0xb8;
	[tilespmem:$0x12DA0] =	vst v63  }
0x183: {  	s1 =	sadd.s32 @!p0 $0x1A90, s14;
	s29 =	simm.s32 @!p0 $0x12C00  }
0x184: {  	[tilespmem:s29], [sflag:$0x1] =	stream.indirect.gather @!p0 [hbm4b:s4+s15], $0x1, s1, s15, $0xb8;
	[tilespmem:$0x12DA0] =	vst v63  }
0x185: {  	s1 =	sadd.s32 @!p0 $0x1F8, s14;
	s15 =	simm.s32 @!p0 $0x60;
	s29 =	simm.s32 @!p0 $0x9000  }
0x186: {  	[tilespmem:s29], [sflag:$0x1] =	stream.indirect.gather @!p0 [hbm4b:s0+s15], $0x80, s1, s15, $0xb8;
	[tilespmem:$0x12DA0] =	vst v63  }
0x187: {  	s1 =	sadd.s32 @!p0 $0x1AF8, s14;
	s14 =	simm.s32 @!p0 $0x12C68  }
0x188: {  	[tilespmem:s14], [sflag:$0x1] =	stream.indirect.gather @!p0 [hbm4b:s4+s15], $0x1, s1, s15, $0xb8;
	[tilespmem:$0x12DA0] =	vst v63  }
0x189: {  	_ =	swait.ge [sflag:s25], $0x6400  }
0x18a: {  	[sflag:s25] =	ssyncset.done $0x0  }
0x18b: {  	[sflag:s25] =	ssyncadd.s32 $0xFFFF9C00  }
0x18c: {  	_ =	swait.ge [sflag:s25], $0xC8  }
0x18d: {  	s14 =	sshll.u32 s2, $0x7;
	[sflag:s25] =	ssyncset.done $0x0  }
0x18e: {  	s1 =	sand.u32 $0x3FFFFF80, s14;
	[sflag:s25] =	ssyncadd.s32 $0xFFFFFF38  }
0x18f: {  	v10 =	vld [tilespmem:s1+$0x3200]  }
0x190: {  	v11 =	vld [tilespmem:s1+$0x3210]  }
0x191: {  	v9 =	vld [tilespmem:s1+$0x3220]  }
0x192: {  	v8 =	vld [tilespmem:s1+$0x3230]  }
0x193: {  	v7 =	vld [tilespmem:s1+$0x3240]  }
0x194: {  	v62 =	vld [tilespmem:s1+$0x3250]  }
0x195: {  	v5 =	vld [tilespmem:s1+$0x3260]  }
0x196: {  	s15 =	simm.s32 $0x0;
	v4 =	vld [tilespmem:s1+$0x3270]  }
0x197: {  	v1 =	vld [tilespmem:s15+$0xCBF0]  }
0x198: {  	v2 =	vld [tilespmem:s15+$0xCB70]  }
0x199: {  	v3 =	vld [tilespmem:s15+$0xCAF0]  }
0x19a: {  	v12 =	vld [tilespmem:s15+$0xCA70]  }
0x19b: {  	v13 =	vld [tilespmem:s15+$0xC9F0]  }
0x19c: {  	v14 =	vld [tilespmem:s15+$0xC970]  }
0x19d: {  	v15 =	vld [tilespmem:s15+$0xC8F0]  }
0x19e: {  	v17 =	vld [tilespmem:s15+$0xC870]  }
0x19f: {  	v19 =	vld [tilespmem:s15+$0xC7F0]  }
0x1a0: {  	v34 =	vld [tilespmem:s15+$0xC770]  }
0x1a1: {  	v35 =	vld [tilespmem:s15+$0xC6F0]  }
0x1a2: {  	v36 =	vld [tilespmem:s15+$0xC670]  }
0x1a3: {  	v37 =	vld [tilespmem:s15+$0xC5F0]  }
0x1a4: {  	v38 =	vld [tilespmem:s15+$0xC570]  }
0x1a5: {  	v23 =	vld [tilespmem:s15+$0xCBE0]  }
0x1a6: {  	v25 =	vld [tilespmem:s15+$0xCB60]  }
0x1a7: {  	v39 =	vld [tilespmem:s15+$0xCAE0]  }
0x1a8: {  	v40 =	vld [tilespmem:s15+$0xCA60]  }
0x1a9: {  	v30 =	vld [tilespmem:s15+$0xC9E0]  }
0x1aa: {  	v32 =	vld [tilespmem:s15+$0xC960]  }
0x1ab: {  	v27 =	vld [tilespmem:s15+$0xC8E0]  }
0x1ac: {  	v29 =	vld [tilespmem:s15+$0xC860]  }
0x1ad: {  	v24 =	vld [tilespmem:s15+$0xC7E0]  }
0x1ae: {  	v28 =	vld [tilespmem:s15+$0xC760]  }
0x1af: {  	v21 =	vld [tilespmem:s15+$0xC6E0]  }
0x1b0: {  	v26 =	vld [tilespmem:s15+$0xC660]  }
0x1b1: {  	v18 =	vld [tilespmem:s15+$0xC5E0]  }
0x1b2: {  	v16 =	vld [tilespmem:s15+$0xC560]  }
0x1b3: {  	v41 =	vld [tilespmem:s15+$0xCBD0]  }
0x1b4: {  	v42 =	vld [tilespmem:s15+$0xCB50]  }
0x1b5: {  	v43 =	vld [tilespmem:s15+$0xCAD0]  }
0x1b6: {  	v44 =	vld [tilespmem:s15+$0xCA50]  }
0x1b7: {  	v33 =	vld [tilespmem:s15+$0xC9D0]  }
0x1b8: {  	v31 =	vld [tilespmem:s15+$0xC950]  }
0x1b9: {  	v20 =	vld [tilespmem:s15+$0xCB80]  }
0x1ba: {  	v22 =	vld [tilespmem:s15+$0xCB90]  }
0x1bb: {  	v61 =	vld [tilespmem:s15+$0xCBA0]  }
0x1bc: {  	v63 =	vld [tilespmem:s15+$0xCB00]  }
0x1bd: {  	v54 =	vld [tilespmem:s15+$0xCB10]  }
0x1be: {  	v48 =	vld [tilespmem:s15+$0xCBB0]  }
0x1bf: {  	v49 =	vld [tilespmem:s15+$0xCB20]  }
0x1c0: {  	v50 =	vld [tilespmem:s15+$0xCBC0]  }
0x1c1: {  	v51 =	vld [tilespmem:s15+$0xCB30];
	v20 =	vmul.f32 v20, v10;
	v22 =	vmul.f32 v22, v11  }
0x1c2: {  	v52 =	vld [tilespmem:s15+$0xCB40];
	v46 =	vmul.f32 v63, v10;
	v47 =	vmul.f32 v54, v11  }
0x1c3: {  	v60 =	vld [tilespmem:s15+$0xCA80];
	v45 =	vmul.f32 v61, v9;
	v22 =	vadd.f32 v22, v20  }
0x1c4: {  	v58 =	vmul.f32 v49, v9;
	v63 =	vld [tilespmem:s15+$0xCA90];
	v46 =	vadd.f32 v47, v46  }
0x1c5: {  	v48 =	vmul.f32 v48, v8;
	v59 =	vmul.f32 v50, v7;
	v50 =	vld [tilespmem:s15+$0xCA00];
	v45 =	vadd.f32 v45, v22  }
0x1c6: {  	v61 =	vmul.f32 v51, v8;
	v51 =	vld [tilespmem:s15+$0xC980];
	v46 =	vadd.f32 v58, v46  }
0x1c7: {  	v41 =	vmul.f32 v41, v62;
	v54 =	vmul.f32 v52, v7;
	v20 =	vld [tilespmem:s15+$0xC8D0];
	v45 =	vadd.f32 v48, v45  }
0x1c8: {  	v23 =	vmul.f32 v23, v5;
	v42 =	vmul.f32 v42, v62;
	v47 =	vld [tilespmem:s15+$0xC9A0];
	v46 =	vadd.f32 v61, v46  }
0x1c9: {  	v2 =	vmul.f32 v2, v4;
	v1 =	vmul.f32 v1, v4;
	v22 =	vld [tilespmem:s15+$0xC850];
	v45 =	vadd.f32 v59, v45  }
0x1ca: {  	v52 =	vmul.f32 v12, v4;
	v3 =	vmul.f32 v3, v4;
	v48 =	vld [tilespmem:s15+$0xCAA0];
	v46 =	vadd.f32 v54, v46  }
0x1cb: {  	v49 =	vmul.f32 v14, v4;
	v19 =	vmul.f32 v19, v4;
	v41 =	vadd.f32 v41, v45;
	v45 =	vld [tilespmem:s15+$0xCA10]  }
0x1cc: {  	v40 =	vmul.f32 v40, v5;
	v58 =	vmul.f32 v25, v5;
	v25 =	vadd.f32 v42, v46;
	v42 =	vld [tilespmem:s15+$0xC910]  }
0x1cd: {  	v39 =	vmul.f32 v39, v5;
	v43 =	vmul.f32 v43, v62;
	v23 =	vadd.f32 v23, v41;
	v41 =	vld [tilespmem:s15+$0xC900]  }
0x1ce: {  	v32 =	vmul.f32 v32, v5;
	v30 =	vmul.f32 v30, v5;
	v12 =	vadd.f32 v58, v25;
	v58 =	vld [tilespmem:s15+$0xC920]  }
0x1cf: {  	v33 =	vmul.f32 v33, v62;
	v53 =	vmul.f32 v50, v10;
	v61 =	vld [tilespmem:s15+$0xCA20]  }
0x1d0: {  	v59 =	vmul.f32 v60, v10;
	v60 =	vmul.f32 v63, v11;
	v1 =	vadd.f32 v1, v23;
	v23 =	vld [tilespmem:s15+$0xC990]  }
0x1d1: {  	v50 =	vmul.f32 v13, v4;
	v63 =	vld [tilespmem:s15+$0xCAB0];
	v54 =	vmul.f32 v48, v9  }
0x1d2: {  	v48 =	vld [tilespmem:s15+$0xCA30];
	v25 =	vadd.f32 v60, v59;
	v45 =	vmul.f32 v45, v11;
	v42 =	vmul.f32 v42, v11  }
0x1d3: {  	v2 =	vadd.f32 v2, v12;
	v41 =	vmul.f32 v41, v10;
	v12 =	vmul.f32 v58, v9;
	v58 =	vld [tilespmem:s15+$0xCA40]  }
0x1d4: {  	v14 =	vmul.f32 v61, v9;
	v13 =	vadd.f32 v54, v25;
	v54 =	vld [tilespmem:s15+$0xC7D0];
	v45 =	vadd.f32 v45, v53  }
0x1d5: {  	v51 =	vmul.f32 v51, v10;
	v59 =	vmul.f32 v23, v11;
	v41 =	vadd.f32 v42, v41;
	v42 =	vld [tilespmem:s15+$0xCAC0]  }
0x1d6: {  	v31 =	vmul.f32 v31, v62;
	v60 =	vmul.f32 v63, v8;
	v63 =	vadd.f32 v14, v45;
	v45 =	vld [tilespmem:s15+$0xC9B0]  }
0x1d7: {  	v16 =	vmul.f32 v16, v5;
	v47 =	vmul.f32 v47, v9;
	v61 =	vadd.f32 v59, v51;
	v51 =	vld [tilespmem:s15+$0xC930]  }
0x1d8: {  	v59 =	vmul.f32 v48, v8;
	v53 =	vmul.f32 v58, v7;
	v58 =	vld [tilespmem:s15+$0xC890]  }
0x1d9: {  	v13 =	vadd.f32 v60, v13;
	v23 =	vmul.f32 v17, v4;
	v60 =	vadd.f32 v47, v61;
	v61 =	vld [tilespmem:s15+$0xC940]  }
0x1da: {  	v17 =	vmul.f32 v34, v4;
	v34 =	vadd.f32 v59, v63;
	v63 =	vld [tilespmem:s15+$0xC9C0];
	v59 =	vperm.xlane v2, v0  }
0x1db: {  	v25 =	vmul.f32 v15, v4;
	v47 =	vld [tilespmem:s15+$0xC750];
	v42 =	vmul.f32 v42, v7  }
0x1dc: {  	v15 =	vmul.f32 v35, v4;
	v41 =	vadd.f32 v12, v41;
	v2 =	vadd.f32 v59, v2;
	v59 =	vld [tilespmem:s15+$0xC830]  }
0x1dd: {  	v48 =	vmul.f32 v51, v8;
	v42 =	vadd.f32 v42, v13;
	v13 =	vmul.f32 v37, v4;
	v37 =	vld [tilespmem:s15+$0xC650]  }
0x1de: {  	v14 =	vmul.f32 v36, v4;
	v51 =	vmul.f32 v45, v8;
	v45 =	vld [tilespmem:s15+$0xC5D0]  }
0x1df: {  	v12 =	vmul.f32 v38, v4;
	v34 =	vadd.f32 v53, v34;
	v38 =	vadd.f32 v48, v41;
	v41 =	vld [tilespmem:s15+$0xC6D0]  }
0x1e0: {  	v46 =	vmul.f32 v61, v7;
	v42 =	vadd.f32 v43, v42;
	v43 =	vld [tilespmem:s15+$0xC550];
	v36 =	vmul.f32 v63, v7  }
0x1e1: {  	v35 =	vadd.f32 v51, v60;
	v48 =	vmul.f32 v29, v5;
	v29 =	vmul.f32 v44, v62;
	v63 =	vld [tilespmem:s15+$0xC820]  }
0x1e2: {  	v44 =	vmul.f32 v27, v5;
	v27 =	vmul.f32 v28, v5;
	v38 =	vadd.f32 v46, v38;
	v46 =	vld [tilespmem:s15+$0xC8C0]  }
0x1e3: {  	v28 =	vmul.f32 v24, v5;
	v24 =	vmul.f32 v26, v5;
	v35 =	vadd.f32 v36, v35;
	v36 =	vld [tilespmem:s15+$0xC840]  }
0x1e4: {  	v26 =	vmul.f32 v21, v5;
	v29 =	vadd.f32 v29, v34;
	v21 =	vadd.f32 v39, v42;
	v39 =	vld [tilespmem:s15+$0xC880]  }
0x1e5: {  	v34 =	vld [tilespmem:s15+$0xC7C0];
	v37 =	vmul.f32 v37, v62;
	v33 =	vadd.f32 v33, v35;
	v31 =	vadd.f32 v31, v38  }
0x1e6: {  	v42 =	vld [tilespmem:s15+$0xC810];
	v29 =	vadd.f32 v40, v29;
	v3 =	vadd.f32 v3, v21;
	v38 =	vmul.f32 v58, v11  }
0x1e7: {  	v35 =	vld [tilespmem:s15+$0xC740];
	v41 =	vmul.f32 v41, v62;
	v43 =	vmul.f32 v43, v62;
	v30 =	vadd.f32 v30, v33  }
0x1e8: {  	v40 =	vld [tilespmem:s15+$0xC540];
	v21 =	vadd.f32 v32, v31;
	v31 =	vperm.xlane v1, v0;
	v29 =	vadd.f32 v52, v29  }
0x1e9: {  	v32 =	vld [tilespmem:s15+$0xC800];
	v52 =	vmul.f32 v22, v62;
	v39 =	vmul.f32 v39, v10;
	v30 =	vadd.f32 v50, v30  }
0x1ea: {  	v33 =	vld [tilespmem:s15+$0xC8B0];
	v49 =	vadd.f32 v49, v21;
	v21 =	vperm.xlane v3, v0;
	v60 =	vperm.xlane v29, v0  }
0x1eb: {  	v46 =	vmul.f32 v46, v7;
	v36 =	vmul.f32 v36, v7;
	v1 =	vadd.f32 v31, v1;
	v31 =	vld [tilespmem:s15+$0xC8A0]  }
0x1ec: {  	v50 =	vld [tilespmem:s15+$0xC6C0];
	v61 =	vperm.xlane v30, v0;
	v3 =	vadd.f32 v21, v3;
	v29 =	vadd.f32 v60, v29  }
0x1ed: {  	v58 =	vperm.xlane v49, v0;
	v21 =	vmul.f32 v18, v5;
	v18 =	vadd.f32 v38, v39;
	v38 =	vld [tilespmem:s15+$0xC640]  }
0x1ee: {  	v60 =	vmul.f32 v42, v11;
	v1 =	vsel vm0, v2, v1;
	v2 =	vld [tilespmem:s15+$0xC5C0];
	v32 =	vmul.f32 v32, v10  }
0x1ef: {  	v30 =	vadd.f32 v61, v30;
	v22 =	vadd.f32 v58, v49;
	v3 =	vsel vm0, v29, v3;
	v29 =	vld [tilespmem:s15+$0xC780]  }
0x1f0: {  	v61 =	vmul.f32 v63, v9;
	v49 =	vmul.f32 v54, v62;
	v54 =	vld [tilespmem:s15+$0xC700];
	v32 =	vadd.f32 v60, v32  }
0x1f1: {  	v42 =	vmul.f32 v20, v62;
	v58 =	vld [tilespmem:s15+$0xC710];
	v20 =	vmul.f32 v31, v9  }
0x1f2: {  	v39 =	vmul.f32 v59, v8;
	v31 =	vmul.f32 v33, v8;
	v60 =	vld [tilespmem:s15+$0xC7A0];
	v32 =	vadd.f32 v61, v32  }
0x1f3: {  	v63 =	vperm.xlane v3, v56;
	v22 =	vsel vm0, v22, v30;
	v30 =	vld [tilespmem:s15+$0xC790];
	v20 =	vadd.f32 v20, v18  }
0x1f4: {  	v34 =	vmul.f32 v34, v7;
	v35 =	vmul.f32 v35, v7;
	v32 =	vadd.f32 v39, v32;
	v39 =	vld [tilespmem:s15+$0xC7B0]  }
0x1f5: {  	v18 =	vperm.xlane v1, v56;
	v31 =	vadd.f32 v31, v20;
	v20 =	vadd.f32 v63, v3;
	v63 =	vld [tilespmem:s15+$0xC720]  }
0x1f6: {  	v61 =	vmul.f32 v29, v10;
	v29 =	vmul.f32 v45, v62;
	v45 =	vld [tilespmem:s15+$0xC6B0]  }
0x1f7: {  	v59 =	vperm.xlane v22, v56;
	v18 =	vadd.f32 v18, v1;
	v1 =	vmul.f32 v54, v10;
	v54 =	vld [tilespmem:s15+$0xC630]  }
0x1f8: {  	v40 =	vmul.f32 v40, v7;
	v53 =	vmul.f32 v58, v11;
	v58 =	vld [tilespmem:s15+$0xC680]  }
0x1f9: {  	v33 =	vmul.f32 v47, v62;
	v50 =	vmul.f32 v50, v7;
	v22 =	vadd.f32 v59, v22;
	v59 =	vld [tilespmem:s15+$0xC690]  }
0x1fa: {  	v3 =	vmul.f32 v60, v9;
	v60 =	vld [tilespmem:s15+$0xC610];
	v30 =	vmul.f32 v30, v11  }
0x1fb: {  	v38 =	vmul.f32 v38, v7;
	v31 =	vadd.f32 v46, v31;
	v46 =	vld [tilespmem:s15+$0xC730];
	v32 =	vadd.f32 v36, v32  }
0x1fc: {  	v2 =	vmul.f32 v2, v7;
	v1 =	vadd.f32 v53, v1;
	v30 =	vadd.f32 v30, v61;
	v61 =	vld [tilespmem:s15+$0xC6A0]  }
0x1fd: {  	v31 =	vadd.f32 v42, v31;
	v32 =	vadd.f32 v52, v32;
	v52 =	vld [tilespmem:s15+$0xC530];
	v36 =	vmul.f32 v63, v9  }
0x1fe: {  	v39 =	vmul.f32 v39, v8;
	v63 =	vld [tilespmem:s15+$0xC620];
	v45 =	vmul.f32 v45, v8;
	v3 =	vadd.f32 v3, v30  }
0x1ff: {  	v53 =	vmul.f32 v58, v10;
	v30 =	vld [tilespmem:s15+$0xC600];
	v31 =	vadd.f32 v44, v31;
	v32 =	vadd.f32 v48, v32  }
0x200: {  	v58 =	vld [tilespmem:s15+$0xC5A0];
	v44 =	vmul.f32 v60, v11;
	v1 =	vadd.f32 v36, v1;
	v46 =	vmul.f32 v46, v8  }
0x201: {  	v60 =	vld [tilespmem:s15+$0xC580];
	v3 =	vadd.f32 v39, v3;
	v25 =	vadd.f32 v25, v31;
	v39 =	vmul.f32 v54, v8  }
0x202: {  	v48 =	vld [tilespmem:s15+$0xC480];
	v23 =	vadd.f32 v23, v32;
	v54 =	vmul.f32 v59, v11;
	v1 =	vadd.f32 v46, v1  }
0x203: {  	v31 =	vld [tilespmem:s15+$0xC5B0];
	v36 =	vmul.f32 v61, v9;
	v32 =	vmul.f32 v52, v8;
	v3 =	vadd.f32 v34, v3  }
0x204: {  	v42 =	vadd.f32 v54, v53;
	v30 =	vmul.f32 v30, v10;
	v1 =	vadd.f32 v35, v1  }
0x205: {  	v59 =	vld [tilespmem:s15+$0xC520];
	v61 =	vmul.f32 v63, v9;
	v34 =	vmul.f32 v58, v9;
	v3 =	vadd.f32 v49, v3  }
0x206: {  	v58 =	vmul.f32 v60, v10;
	v49 =	vld [tilespmem:s15+$0xC490];
	v30 =	vadd.f32 v44, v30;
	v1 =	vadd.f32 v33, v1  }
0x207: {  	v36 =	vadd.f32 v36, v42;
	v42 =	vmul.f32 v48, v10;
	v3 =	vadd.f32 v28, v3;
	v28 =	vld [tilespmem:s15+$0xC500]  }
0x208: {  	v31 =	vmul.f32 v31, v8;
	v30 =	vadd.f32 v61, v30;
	v1 =	vadd.f32 v27, v1;
	v27 =	vld [tilespmem:s15+$0xC510]  }
0x209: {  	v63 =	vld [tilespmem:s15+$0xC590];
	v36 =	vadd.f32 v45, v36;
	v3 =	vadd.f32 v19, v3;
	v19 =	vperm.xlane v25, v0  }
0x20a: {  	v53 =	vld [tilespmem:s15+$0xC4A0];
	v30 =	vadd.f32 v39, v30;
	v1 =	vadd.f32 v17, v1;
	v17 =	vperm.xlane v23, v0  }
0x20b: {  	v35 =	vmul.f32 v59, v9;
	v36 =	vadd.f32 v50, v36;
	v19 =	vadd.f32 v19, v25;
	v25 =	vld [tilespmem:s15+$0xC400]  }
0x20c: {  	v39 =	vmul.f32 v49, v11;
	v30 =	vadd.f32 v38, v30;
	v17 =	vadd.f32 v17, v23;
	v23 =	vld [tilespmem:s15+$0xC410]  }
0x20d: {  	v36 =	vadd.f32 v41, v36;
	v28 =	vmul.f32 v28, v10;
	v27 =	vmul.f32 v27, v11  }
0x20e: {  	v54 =	vld [tilespmem:s15+$0xC420];
	v33 =	vmul.f32 v63, v11;
	v60 =	vadd.f32 v39, v42;
	v30 =	vadd.f32 v37, v30  }
0x20f: {  	v59 =	vld [tilespmem:s15+$0xC4B0];
	v51 =	vperm.xlane v3, v0;
	v26 =	vadd.f32 v26, v36;
	v27 =	vadd.f32 v27, v28  }
0x210: {  	v41 =	vmul.f32 v53, v9;
	v28 =	vadd.f32 v33, v58;
	v24 =	vadd.f32 v24, v30;
	v30 =	vld [tilespmem:s15+$0xC430]  }
0x211: {  	v15 =	vadd.f32 v15, v26;
	v26 =	vld [tilespmem:s15+$0xC4C0];
	v25 =	vmul.f32 v25, v10;
	v23 =	vmul.f32 v23, v11  }
0x212: {  	v52 =	vperm.xlane v1, v0;
	v28 =	vadd.f32 v34, v28;
	v14 =	vadd.f32 v14, v24;
	v24 =	vld [tilespmem:s15+$0xC440]  }
0x213: {  	v61 =	vld [tilespmem:s15+$0xC4D0];
	v3 =	vadd.f32 v51, v3;
	v23 =	vadd.f32 v23, v25;
	v25 =	vmul.f32 v54, v9  }
0x214: {  	v63 =	vld [tilespmem:s15+$0xC450];
	v36 =	vmul.f32 v59, v8;
	v27 =	vadd.f32 v35, v27;
	v28 =	vadd.f32 v31, v28  }
0x215: {  	v23 =	vadd.f32 v25, v23;
	v25 =	vmul.f32 v30, v8;
	v30 =	vadd.f32 v41, v60;
	v41 =	vld [tilespmem:s15+$0xC4E0]  }
0x216: {  	v42 =	vld [tilespmem:s15+$0xC460];
	v27 =	vadd.f32 v32, v27;
	v26 =	vmul.f32 v26, v7;
	v2 =	vadd.f32 v2, v28  }
0x217: {  	v23 =	vadd.f32 v25, v23;
	v24 =	vmul.f32 v24, v7;
	v25 =	vadd.f32 v36, v30;
	v30 =	vld [tilespmem:s15+$0xC4F0]  }
0x218: {  	v44 =	vmul.f32 v61, v62;
	v31 =	vld [tilespmem:s15+$0xC470];
	v27 =	vadd.f32 v40, v27;
	v2 =	vadd.f32 v29, v2  }
0x219: {  	v23 =	vadd.f32 v24, v23;
	v24 =	vmul.f32 v63, v62;
	v25 =	vadd.f32 v26, v25  }
0x21a: {  	v27 =	vadd.f32 v43, v27;
	v2 =	vadd.f32 v21, v2;
	v26 =	vmul.f32 v41, v5  }
0x21b: {  	v23 =	vadd.f32 v24, v23;
	v24 =	vmul.f32 v42, v5;
	v25 =	vadd.f32 v44, v25  }
0x21c: {  	v16 =	vadd.f32 v16, v27;
	v2 =	vadd.f32 v13, v2;
	v28 =	vmul.f32 v30, v4  }
0x21d: {  	v21 =	vadd.f32 v24, v23;
	v23 =	vmul.f32 v31, v4;
	v24 =	vadd.f32 v26, v25  }
0x21e: {  	v1 =	vadd.f32 v52, v1;
	v45 =	vperm.xlane v15, v0;
	v12 =	vadd.f32 v12, v16  }
0x21f: {  	v25 =	vperm.xlane v2, v0;
	v16 =	vadd.f32 v23, v21;
	v21 =	vadd.f32 v28, v24  }
0x220: {  	v13 =	vadd.f32 v45, v15;
	v23 =	vperm.xlane v14, v0;
	v24 =	vperm.xlane v12, v0  }
0x221: {  	v2 =	vadd.f32 v25, v2;
	v46 =	vperm.xlane v16, v0;
	v26 =	vperm.xlane v21, v0  }
0x222: {  	v17 =	vsel vm0, v17, v19;
	v14 =	vadd.f32 v23, v14;
	v12 =	vadd.f32 v24, v12  }
0x223: {  	v1 =	vsel vm0, v1, v3;
	v19 =	vadd.f32 v26, v21;
	v15 =	vadd.f32 v46, v16  }
0x224: {  	v49 =	vperm.xlane v17, v56;
	v48 =	vperm.xlane v1, v56;
	v47 =	vsel vm0, v14, v13  }
0x225: {  	v2 =	vsel vm0, v12, v2;
	v50 =	vperm.xlane v47, v56;
	v15 =	vsel vm0, v15, v19  }
0x226: {  	v1 =	vadd.f32 v48, v1;
	v19 =	vperm.xlane v2, v56;
	v16 =	vperm.xlane v15, v56  }
0x227: {  	v14 =	vadd.f32 v49, v17;
	v3 =	vadd.f32 v50, v47  }
0x228: {  	v52 =	vsel vm1, v20, v18;
	v2 =	vadd.f32 v19, v2;
	v51 =	vadd.f32 v16, v15  }
0x229: {  	v53 =	vperm.xlane v52, v55;
	v14 =	vsel vm1, v14, v22  }
0x22a: {  	v54 =	vperm.xlane v14, v55;
	v1 =	vsel vm1, v3, v1;
	v2 =	vsel vm1, v51, v2  }
0x22b: {  	v16 =	vperm.xlane v1, v55;
	v12 =	vperm.xlane v2, v55  }
0x22c: {  	v13 =	vadd.f32 v53, v52;
	v3 =	vadd.f32 v54, v14  }
0x22d: {  	v1 =	vadd.f32 v16, v1;
	v2 =	vadd.f32 v12, v2;
	_ =	sdelay $0x1  }
0x22e: {  	s2 =	simm.s32 $0x12CD0;
	v58 =	vsel vm2, v3, v13;
	v1 =	vsel vm2, v2, v1  }
0x22f: {  	v61 =	vld [tilespmem:s2+$0x0];
	v60 =	vperm.xlane v58, v57;
	v59 =	vperm.xlane v1, v57;
	_ =	sdelay $0x1  }
0x230: {  	v2 =	vadd.f32 v60, v58;
	v1 =	vadd.f32 v59, v1;
	_ =	sdelay $0x1  }
0x231: {  	v1 =	vsel vm3, v1, v2  }
0x232: {  	v1 =	vadd.f32 v1, v61;
	_ =	sdelay $0x1  }
0x233: {  	s1 =	simm.s32 $0x800;
	[tilespmem:s12+$0x0] =	vst v1  }
0x234: {  	v1 =	vld [tilespmem:s1+$0xCBF0]  }
0x235: {  	v2 =	vld [tilespmem:s1+$0xCB70]  }
0x236: {  	v20 =	vld [tilespmem:s1+$0xCAF0]  }
0x237: {  	v32 =	vld [tilespmem:s1+$0xCA70]  }
0x238: {  	v18 =	vld [tilespmem:s1+$0xC9F0]  }
0x239: {  	v19 =	vld [tilespmem:s1+$0xC970]  }
0x23a: {  	v28 =	vld [tilespmem:s1+$0xC8F0]  }
0x23b: {  	v30 =	vld [tilespmem:s1+$0xC870]  }
0x23c: {  	v25 =	vld [tilespmem:s1+$0xC7F0]  }
0x23d: {  	v27 =	vld [tilespmem:s1+$0xC770]  }
0x23e: {  	v17 =	vld [tilespmem:s1+$0xC6F0]  }
0x23f: {  	v16 =	vld [tilespmem:s1+$0xC670]  }
0x240: {  	v13 =	vld [tilespmem:s1+$0xC5F0]  }
0x241: {  	v12 =	vld [tilespmem:s1+$0xC570]  }
0x242: {  	v3 =	vld [tilespmem:s1+$0xCBE0]  }
0x243: {  	v31 =	vld [tilespmem:s1+$0xCB60]  }
0x244: {  	v37 =	vld [tilespmem:s1+$0xCAE0]  }
0x245: {  	v35 =	vld [tilespmem:s1+$0xCA60]  }
0x246: {  	v36 =	vld [tilespmem:s1+$0xC9E0]  }
0x247: {  	v34 =	vld [tilespmem:s1+$0xC960]  }
0x248: {  	v29 =	vld [tilespmem:s1+$0xC8E0]  }
0x249: {  	v26 =	vld [tilespmem:s1+$0xC860]  }
0x24a: {  	v23 =	vld [tilespmem:s1+$0xC7E0]  }
0x24b: {  	v24 =	vld [tilespmem:s1+$0xC760]  }
0x24c: {  	v14 =	vld [tilespmem:s1+$0xC6E0]  }
0x24d: {  	v22 =	vld [tilespmem:s1+$0xC660]  }
0x24e: {  	v15 =	vld [tilespmem:s1+$0xC5E0]  }
0x24f: {  	v21 =	vld [tilespmem:s1+$0xC560]  }
0x250: {  	v33 =	vld [tilespmem:s1+$0xCBD0]  }
0x251: {  	v38 =	vld [tilespmem:s1+$0xCB50]  }
0x252: {  	v39 =	vld [tilespmem:s1+$0xCAD0]  }
0x253: {  	v40 =	vld [tilespmem:s1+$0xCBC0]  }
0x254: {  	v41 =	vld [tilespmem:s1+$0xCB40]  }
0x255: {  	v63 =	vld [tilespmem:s1+$0xCB80]  }
0x256: {  	v52 =	vld [tilespmem:s1+$0xCB90]  }
0x257: {  	v53 =	vld [tilespmem:s1+$0xCBA0]  }
0x258: {  	v54 =	vld [tilespmem:s1+$0xCB00]  }
0x259: {  	v58 =	vld [tilespmem:s1+$0xCB10]  }
0x25a: {  	v59 =	vld [tilespmem:s1+$0xCBB0]  }
0x25b: {  	v60 =	vld [tilespmem:s1+$0xCB20]  }
0x25c: {  	v61 =	vld [tilespmem:s1+$0xCB30]  }
0x25d: {  	v49 =	vld [tilespmem:s1+$0xCAC0];
	v42 =	vmul.f32 v63, v10  }
0x25e: {  	v44 =	vld [tilespmem:s1+$0xCA40];
	v43 =	vmul.f32 v52, v11;
	v63 =	vmul.f32 v53, v9  }
0x25f: {  	v51 =	vld [tilespmem:s1+$0xCAB0];
	v45 =	vmul.f32 v54, v10;
	v46 =	vmul.f32 v58, v11  }
0x260: {  	v48 =	vld [tilespmem:s1+$0xCA20];
	v53 =	vmul.f32 v59, v8;
	v54 =	vmul.f32 v60, v9  }
0x261: {  	v47 =	vld [tilespmem:s1+$0xCAA0];
	v40 =	vmul.f32 v40, v7;
	v59 =	vmul.f32 v61, v8  }
0x262: {  	v58 =	vld [tilespmem:s1+$0xCA80];
	v33 =	vmul.f32 v33, v62;
	v41 =	vmul.f32 v41, v7  }
0x263: {  	v60 =	vld [tilespmem:s1+$0xCA90];
	v3 =	vmul.f32 v3, v5;
	v38 =	vmul.f32 v38, v62  }
0x264: {  	v61 =	vld [tilespmem:s1+$0xCA00];
	v1 =	vmul.f32 v1, v4;
	v31 =	vmul.f32 v31, v5;
	v42 =	vadd.f32 v43, v42  }
0x265: {  	v52 =	vld [tilespmem:s1+$0xC900];
	v2 =	vmul.f32 v2, v4;
	v48 =	vmul.f32 v48, v9;
	v45 =	vadd.f32 v46, v45  }
0x266: {  	v47 =	vmul.f32 v47, v9;
	v44 =	vmul.f32 v44, v7;
	v42 =	vadd.f32 v63, v42;
	v63 =	vld [tilespmem:s1+$0xCA10]  }
0x267: {  	v20 =	vmul.f32 v20, v4;
	v19 =	vmul.f32 v19, v4;
	v45 =	vadd.f32 v54, v45;
	v54 =	vld [tilespmem:s1+$0xC990]  }
0x268: {  	v37 =	vmul.f32 v37, v5;
	v50 =	vmul.f32 v60, v11;
	v60 =	vld [tilespmem:s1+$0xC9A0];
	v42 =	vadd.f32 v53, v42  }
0x269: {  	v35 =	vmul.f32 v35, v5;
	v36 =	vmul.f32 v36, v5;
	v45 =	vadd.f32 v59, v45;
	v53 =	vld [tilespmem:s1+$0xC910]  }
0x26a: {  	v34 =	vmul.f32 v34, v5;
	v40 =	vadd.f32 v40, v42;
	v42 =	vmul.f32 v61, v10;
	v61 =	vld [tilespmem:s1+$0xCA30]  }
0x26b: {  	v18 =	vmul.f32 v18, v4;
	v41 =	vadd.f32 v41, v45;
	v45 =	vmul.f32 v52, v10;
	v52 =	vld [tilespmem:s1+$0xC9B0]  }
0x26c: {  	v43 =	vmul.f32 v58, v10;
	v46 =	vmul.f32 v63, v11;
	v63 =	vld [tilespmem:s1+$0xC930]  }
0x26d: {  	v30 =	vmul.f32 v30, v4;
	v33 =	vadd.f32 v33, v40;
	v40 =	vld [tilespmem:s1+$0xC980];
	v38 =	vadd.f32 v38, v41  }
0x26e: {  	v28 =	vmul.f32 v28, v4;
	v59 =	vadd.f32 v50, v43;
	v43 =	vmul.f32 v60, v9;
	v60 =	vld [tilespmem:s1+$0xC9D0]  }
0x26f: {  	v25 =	vmul.f32 v25, v4;
	v29 =	vmul.f32 v29, v5;
	v58 =	vadd.f32 v31, v38;
	v31 =	vld [tilespmem:s1+$0xC920]  }
0x270: {  	v3 =	vadd.f32 v3, v33;
	v33 =	vmul.f32 v53, v11;
	v38 =	vadd.f32 v47, v59;
	v59 =	vld [tilespmem:s1+$0xC9C0]  }
0x271: {  	v42 =	vadd.f32 v46, v42;
	v53 =	vmul.f32 v51, v8;
	v51 =	vmul.f32 v32, v4;
	v32 =	vld [tilespmem:s1+$0xC6D0]  }
0x272: {  	v26 =	vmul.f32 v26, v5;
	v41 =	vmul.f32 v54, v11;
	v33 =	vadd.f32 v33, v45;
	v45 =	vld [tilespmem:s1+$0xCA50]  }
0x273: {  	v54 =	vadd.f32 v48, v42;
	v1 =	vadd.f32 v1, v3;
	v46 =	vmul.f32 v63, v8;
	v63 =	vld [tilespmem:s1+$0xC950]  }
0x274: {  	v48 =	vld [tilespmem:s1+$0xC8D0];
	v2 =	vadd.f32 v2, v58;
	v3 =	vmul.f32 v61, v8;
	v40 =	vmul.f32 v40, v10  }
0x275: {  	v58 =	vld [tilespmem:s1+$0xC940];
	v38 =	vadd.f32 v53, v38;
	v61 =	vmul.f32 v49, v7;
	v31 =	vmul.f32 v31, v9  }
0x276: {  	v47 =	vmul.f32 v52, v8;
	v53 =	vld [tilespmem:s1+$0xC880];
	v3 =	vadd.f32 v3, v54;
	v40 =	vadd.f32 v41, v40  }
0x277: {  	v49 =	vld [tilespmem:s1+$0xC810];
	v38 =	vadd.f32 v61, v38;
	v31 =	vadd.f32 v31, v33;
	v45 =	vmul.f32 v45, v62  }
0x278: {  	v54 =	vld [tilespmem:s1+$0xC890];
	v40 =	vadd.f32 v43, v40;
	v43 =	vmul.f32 v60, v62;
	v41 =	vmul.f32 v63, v62  }
0x279: {  	v61 =	vld [tilespmem:s1+$0xC800];
	v3 =	vadd.f32 v44, v3;
	v60 =	vperm.xlane v1, v0;
	v63 =	vperm.xlane v2, v0  }
0x27a: {  	v33 =	vld [tilespmem:s1+$0xC750];
	v46 =	vadd.f32 v46, v31;
	v31 =	vmul.f32 v39, v62;
	v50 =	vadd.f32 v47, v40  }
0x27b: {  	v52 =	vmul.f32 v59, v7;
	v59 =	vld [tilespmem:s1+$0xC8A0];
	v3 =	vadd.f32 v45, v3;
	v1 =	vadd.f32 v60, v1  }
0x27c: {  	v42 =	vmul.f32 v58, v7;
	v45 =	vld [tilespmem:s1+$0xC8B0];
	v2 =	vadd.f32 v63, v2;
	v38 =	vadd.f32 v31, v38  }
0x27d: {  	v40 =	vld [tilespmem:s1+$0xC850];
	v39 =	vadd.f32 v52, v50;
	v3 =	vadd.f32 v35, v3;
	v35 =	vmul.f32 v49, v11  }
0x27e: {  	v60 =	vld [tilespmem:s1+$0xC790];
	v42 =	vadd.f32 v42, v46;
	v46 =	vmul.f32 v23, v5;
	v23 =	vmul.f32 v14, v5  }
0x27f: {  	v31 =	vld [tilespmem:s1+$0xC7D0];
	v33 =	vmul.f32 v33, v62;
	v39 =	vadd.f32 v43, v39;
	v37 =	vadd.f32 v37, v38  }
0x280: {  	v47 =	vld [tilespmem:s1+$0xC710];
	v41 =	vadd.f32 v41, v42;
	v3 =	vadd.f32 v51, v3;
	v38 =	vmul.f32 v53, v10  }
0x281: {  	v43 =	vld [tilespmem:s1+$0xC830];
	v42 =	vmul.f32 v54, v11;
	v45 =	vmul.f32 v45, v8;
	v58 =	vadd.f32 v36, v39  }
0x282: {  	v51 =	vld [tilespmem:s1+$0xC820];
	v40 =	vmul.f32 v40, v62;
	v20 =	vadd.f32 v20, v37;
	v34 =	vadd.f32 v34, v41  }
0x283: {  	v54 =	vld [tilespmem:s1+$0xC8C0];
	v44 =	vperm.xlane v3, v0;
	v38 =	vadd.f32 v42, v38;
	v39 =	vmul.f32 v61, v10  }
0x284: {  	v36 =	vmul.f32 v59, v9;
	v59 =	vld [tilespmem:s1+$0xC780];
	v31 =	vmul.f32 v31, v62;
	v18 =	vadd.f32 v18, v58  }
0x285: {  	v61 =	vld [tilespmem:s1+$0xC700];
	v19 =	vadd.f32 v19, v34;
	v50 =	vperm.xlane v20, v0;
	v3 =	vadd.f32 v44, v3  }
0x286: {  	v34 =	vld [tilespmem:s1+$0xC650];
	v35 =	vadd.f32 v35, v39;
	v39 =	vmul.f32 v60, v11;
	v60 =	vmul.f32 v16, v4  }
0x287: {  	v44 =	vld [tilespmem:s1+$0xC5D0];
	v36 =	vadd.f32 v36, v38;
	v43 =	vmul.f32 v43, v8;
	v37 =	vmul.f32 v51, v9  }
0x288: {  	v1 =	vsel vm0, v2, v1;
	v58 =	vld [tilespmem:s1+$0xC840];
	v42 =	vmul.f32 v54, v7;
	v52 =	vperm.xlane v18, v0  }
0x289: {  	v54 =	vld [tilespmem:s1+$0xC720];
	v20 =	vadd.f32 v50, v20;
	v53 =	vperm.xlane v19, v0;
	v36 =	vadd.f32 v45, v36  }
0x28a: {  	v45 =	vmul.f32 v27, v4;
	v35 =	vadd.f32 v37, v35;
	v2 =	vmul.f32 v59, v10;
	v59 =	vld [tilespmem:s1+$0xC730]  }
0x28b: {  	v38 =	vmul.f32 v61, v10;
	v37 =	vmul.f32 v47, v11;
	v18 =	vadd.f32 v52, v18;
	v52 =	vld [tilespmem:s1+$0xC7A0]  }
0x28c: {  	v61 =	vmul.f32 v17, v4;
	v19 =	vadd.f32 v53, v19;
	v36 =	vadd.f32 v42, v36;
	v42 =	vld [tilespmem:s1+$0xC7C0]  }
0x28d: {  	v3 =	vsel vm0, v3, v20;
	v20 =	vperm.xlane v1, v56;
	v53 =	vmul.f32 v48, v62;
	v48 =	vld [tilespmem:s1+$0xC680]  }
0x28e: {  	v35 =	vadd.f32 v43, v35;
	v41 =	vmul.f32 v58, v7;
	v2 =	vadd.f32 v39, v2;
	v39 =	vld [tilespmem:s1+$0xC740]  }
0x28f: {  	v58 =	vld [tilespmem:s1+$0xC7B0];
	v27 =	vadd.f32 v37, v38;
	v43 =	vmul.f32 v24, v5;
	v6 =	vmul.f32 v34, v62  }
0x290: {  	v37 =	vld [tilespmem:s1+$0xC6C0];
	v63 =	vsel vm0, v19, v18;
	v19 =	vperm.xlane v3, v56;
	v50 =	vadd.f32 v20, v1  }
0x291: {  	v34 =	vld [tilespmem:s1+$0xC5A0];
	v36 =	vadd.f32 v53, v36;
	v47 =	vmul.f32 v54, v9;
	v18 =	vmul.f32 v22, v5  }
0x292: {  	v54 =	vld [tilespmem:s1+$0xC690];
	v51 =	vperm.xlane v63, v56;
	v35 =	vadd.f32 v41, v35;
	v19 =	vadd.f32 v19, v3  }
0x293: {  	v22 =	vld [tilespmem:s1+$0xC610];
	v53 =	vmul.f32 v44, v62;
	v29 =	vadd.f32 v29, v36;
	v27 =	vadd.f32 v47, v27  }
0x294: {  	v3 =	vld [tilespmem:s1+$0xC550];
	v38 =	vmul.f32 v59, v8;
	v59 =	vmul.f32 v15, v5;
	v20 =	vadd.f32 v51, v63  }
0x295: {  	v36 =	vld [tilespmem:s1+$0xC5C0];
	v1 =	vmul.f32 v52, v9;
	v35 =	vadd.f32 v40, v35;
	v51 =	vmul.f32 v12, v4  }
0x296: {  	v15 =	vld [tilespmem:s1+$0xC620];
	v52 =	vmul.f32 v13, v4;
	v49 =	vmul.f32 v58, v8;
	v28 =	vadd.f32 v28, v29  }
0x297: {  	v63 =	vld [tilespmem:s1+$0xC600];
	v58 =	vmul.f32 v21, v5;
	v27 =	vadd.f32 v38, v27;
	v12 =	vmul.f32 v39, v7  }
0x298: {  	v13 =	vld [tilespmem:s1+$0xC6B0];
	v21 =	vmul.f32 v42, v7;
	v1 =	vadd.f32 v1, v2;
	v26 =	vadd.f32 v26, v35  }
0x299: {  	v29 =	vld [tilespmem:s1+$0xC540];
	v22 =	vmul.f32 v22, v11;
	v14 =	vadd.f32 v12, v27;
	v27 =	vmul.f32 v32, v62  }
0x29a: {  	v1 =	vadd.f32 v49, v1;
	v47 =	vadd.f32 v30, v26;
	v30 =	vld [tilespmem:s1+$0xC6A0];
	v26 =	vmul.f32 v54, v11  }
0x29b: {  	v2 =	vld [tilespmem:s1+$0xC640];
	v54 =	vmul.f32 v3, v62;
	v3 =	vmul.f32 v37, v7  }
0x29c: {  	[tilespmem:$0x1FEE0] =	vst v11;
	v35 =	vld [tilespmem:s1+$0xC580];
	v11 =	vmul.f32 v15, v9;
	v36 =	vmul.f32 v36, v7;
	v1 =	vadd.f32 v21, v1  }
0x29d: {  	v15 =	vperm.xlane v28, v0;
	v21 =	vmul.f32 v48, v10;
	v48 =	vld [tilespmem:s1+$0xC630]  }
0x29e: {  	[tilespmem:$0x1FED0] =	vst v10;
	v41 =	vmul.f32 v63, v10;
	v10 =	vadd.f32 v33, v14;
	v1 =	vadd.f32 v31, v1;
	v31 =	vld [tilespmem:s1+$0xC5B0]  }
0x29f: {  	v63 =	vld [tilespmem:s1+$0xC530];
	v39 =	vmul.f32 v13, v8;
	v40 =	vadd.f32 v26, v21;
	v30 =	vmul.f32 v30, v9  }
0x2a0: {  	v32 =	vld [tilespmem:s1+$0xC500];
	v38 =	vmul.f32 v29, v7;
	v49 =	vadd.f32 v22, v41;
	v43 =	vadd.f32 v43, v10  }
0x2a1: {  	[tilespmem:$0x1FEB0] =	vst v4;
	v37 =	vld [tilespmem:s1+$0xC590];
	v2 =	vmul.f32 v2, v7;
	v1 =	vadd.f32 v46, v1;
	v30 =	vadd.f32 v30, v40  }
0x2a2: {  	[tilespmem:$0x1FEC0] =	vst v5;
	v33 =	vld [tilespmem:s1+$0xC520];
	v13 =	vadd.f32 v11, v49;
	v45 =	vadd.f32 v45, v43;
	v12 =	vmul.f32 v48, v8  }
0x2a3: {  	[tilespmem:$0x1FEF0] =	vst v62;
	v41 =	vld [tilespmem:s1+$0xC400];
	v42 =	vadd.f32 v25, v1;
	v29 =	vmul.f32 v31, v8;
	v14 =	vadd.f32 v39, v30  }
0x2a4: {  	[tilespmem:$0x1FF00] =	vst v9;
	v40 =	vld [tilespmem:s1+$0xC490];
	v31 =	vmul.f32 v63, v8;
	v62 =	vadd.f32 v12, v13;
	v63 =	vperm.xlane v47, v0  }
0x2a5: {  	[tilespmem:$0x1FF10] =	vst v7;
	v25 =	vadd.f32 v15, v28;
	v30 =	vld [tilespmem:s1+$0xC510];
	v46 =	vperm.xlane v42, v0;
	v44 =	vadd.f32 v3, v14  }
0x2a6: {  	s29 =	smov.u32 s12;
	s14 =	simm.s32 $0x4000;
	[tilespmem:$0x1FF20] =	vst v8;
	v39 =	vld [tilespmem:s1+$0xC480];
	v43 =	vadd.f32 v2, v62;
	v28 =	vadd.f32 v63, v47;
	v47 =	vperm.xlane v45, v0  }
.LBB2_5:
0x2a7: {  	v1 =	vld [tilespmem:s1+$0xC410]  }
0x2a8: {  	v10 =	vld [tilespmem:$0x1FF00]  }
0x2a9: {  	v62 =	vld [tilespmem:s1+$0xC4A0]  }
0x2aa: {  	v11 =	vld [tilespmem:$0x1FED0]  }
0x2ab: {  	v0 =	vld [tilespmem:$0x1FEE0]  }
0x2ac: {  	v12 =	vld [tilespmem:s1+$0xC420]  }
0x2ad: {  	v24 =	vld [tilespmem:s1+$0xC4B0]  }
0x2ae: {  	v13 =	vld [tilespmem:s1+$0xC4C0];
	v3 =	vadd.f32 v27, v44;
	v27 =	vadd.f32 v46, v42;
	v2 =	vmul.f32 v34, v10  }
0x2af: {  	v9 =	vld [tilespmem:$0x1FF20];
	v26 =	vadd.f32 v6, v43;
	v33 =	vmul.f32 v33, v10;
	v35 =	vmul.f32 v35, v11  }
0x2b0: {  	v48 =	vld [tilespmem:s1+$0xC460];
	v3 =	vadd.f32 v23, v3;
	v37 =	vmul.f32 v37, v0;
	v32 =	vmul.f32 v32, v11  }
0x2b1: {  	v23 =	vadd.f32 v18, v26;
	v26 =	vld [tilespmem:s1+$0xC430];
	v39 =	vmul.f32 v39, v11;
	v40 =	vmul.f32 v40, v0  }
0x2b2: {  	v8 =	vld [tilespmem:$0x1FF10];
	v63 =	vadd.f32 v47, v45;
	v17 =	vmul.f32 v41, v11;
	v1 =	vmul.f32 v1, v0  }
0x2b3: {  	v30 =	vmul.f32 v30, v0;
	v16 =	vadd.f32 v60, v23;
	v23 =	vld [tilespmem:s1+$0xC440];
	v34 =	vmul.f32 v62, v10  }
0x2b4: {  	v7 =	vld [tilespmem:$0x1FEF0];
	v1 =	vadd.f32 v1, v17;
	v17 =	vmul.f32 v12, v10;
	v44 =	vadd.f32 v40, v39  }
0x2b5: {  	v4 =	vld [tilespmem:$0x1FEB0];
	v24 =	vmul.f32 v24, v9;
	v30 =	vadd.f32 v30, v32;
	v14 =	vadd.f32 v37, v35  }
0x2b6: {  	v45 =	vld [tilespmem:s1+$0xC4D0];
	v1 =	vadd.f32 v17, v1;
	v17 =	vmul.f32 v26, v9;
	v26 =	vadd.f32 v34, v44  }
0x2b7: {  	v46 =	vld [tilespmem:s1+$0xC450];
	v30 =	vadd.f32 v33, v30;
	v2 =	vadd.f32 v2, v14  }
0x2b8: {  	v1 =	vadd.f32 v17, v1;
	v17 =	vmul.f32 v23, v8;
	v23 =	vadd.f32 v24, v26;
	v26 =	vld [tilespmem:s1+$0xC470]  }
0x2b9: {  	v6 =	vld [tilespmem:$0x1FEC0];
	v30 =	vadd.f32 v31, v30  }
0x2ba: {  	v47 =	vld [tilespmem:s1+$0xC4E0];
	v3 =	vadd.f32 v61, v3;
	v2 =	vadd.f32 v29, v2  }
0x2bb: {  	v49 =	vmul.f32 v13, v8;
	v29 =	vmul.f32 v45, v7;
	v30 =	vadd.f32 v38, v30  }
0x2bc: {  	v24 =	vld [tilespmem:s1+$0xC4F0];
	v2 =	vadd.f32 v36, v2;
	v1 =	vadd.f32 v17, v1;
	v17 =	vmul.f32 v46, v7  }
0x2bd: {  	v23 =	vadd.f32 v49, v23;
	v22 =	vadd.f32 v54, v30;
	v15 =	vmul.f32 v26, v4;
	v26 =	vld [tilespmem:$0x1FFC0]  }
0x2be: {  	v2 =	vadd.f32 v53, v2;
	v1 =	vadd.f32 v17, v1;
	v17 =	vmul.f32 v48, v6  }
0x2bf: {  	v31 =	vmul.f32 v47, v6;
	v21 =	vadd.f32 v29, v23;
	v14 =	vadd.f32 v58, v22  }
0x2c0: {  	v2 =	vadd.f32 v59, v2;
	v1 =	vadd.f32 v17, v1  }
0x2c1: {  	v23 =	vmul.f32 v24, v4;
	v17 =	vadd.f32 v31, v21;
	v12 =	vadd.f32 v51, v14  }
0x2c2: {  	v2 =	vadd.f32 v52, v2;
	v1 =	vadd.f32 v15, v1;
	v13 =	vperm.xlane v3, v26  }
0x2c3: {  	v59 =	vadd.f32 v23, v17;
	v60 =	vperm.xlane v16, v26;
	v17 =	vperm.xlane v12, v26  }
0x2c4: {  	v21 =	vperm.xlane v2, v26;
	v61 =	vperm.xlane v1, v26  }
0x2c5: {  	v22 =	vperm.xlane v59, v26;
	v3 =	vadd.f32 v13, v3;
	v15 =	vadd.f32 v60, v16  }
0x2c6: {  	v62 =	vsel vm0, v63, v27;
	v2 =	vadd.f32 v21, v2;
	v12 =	vadd.f32 v17, v12  }
0x2c7: {  	v16 =	vsel vm0, v28, v25;
	v14 =	vadd.f32 v22, v59;
	v1 =	vadd.f32 v61, v1  }
0x2c8: {  	v63 =	vperm.xlane v62, v56;
	v17 =	vperm.xlane v16, v56;
	v3 =	vsel vm0, v15, v3  }
0x2c9: {  	v1 =	vsel vm0, v1, v14;
	v2 =	vsel vm0, v12, v2;
	v32 =	vperm.xlane v3, v56  }
0x2ca: {  	v13 =	vadd.f32 v63, v62;
	v14 =	vperm.xlane v1, v56;
	v21 =	vperm.xlane v2, v56  }
0x2cb: {  	v16 =	vadd.f32 v17, v16;
	v3 =	vadd.f32 v32, v3  }
0x2cc: {  	v33 =	vsel vm1, v19, v50;
	v2 =	vadd.f32 v21, v2;
	v1 =	vadd.f32 v14, v1  }
0x2cd: {  	v35 =	vperm.xlane v33, v55;
	v34 =	vsel vm1, v16, v20  }
0x2ce: {  	v37 =	vperm.xlane v34, v55;
	v1 =	vsel vm1, v1, v2;
	v36 =	vsel vm1, v3, v13  }
0x2cf: {  	v38 =	vperm.xlane v1, v55;
	v16 =	vperm.xlane v36, v55  }
0x2d0: {  	v12 =	vadd.f32 v35, v33;
	v3 =	vadd.f32 v37, v34  }
0x2d1: {  	v2 =	vadd.f32 v16, v36;
	v1 =	vadd.f32 v38, v1;
	_ =	sdelay $0x1  }
0x2d2: {  	s2 =	sadd.s32 $0x10, s2;
	v39 =	vsel vm2, v3, v12;
	v1 =	vsel vm2, v1, v2  }
0x2d3: {  	v41 =	vld [tilespmem:s2+$0x0];
	v12 =	vperm.xlane v39, v57;
	v40 =	vperm.xlane v1, v57;
	_ =	sdelay $0x1  }
0x2d4: {  	v2 =	vadd.f32 v12, v39;
	v1 =	vadd.f32 v40, v1;
	_ =	sdelay $0x1  }
0x2d5: {  	v1 =	vsel vm3, v1, v2  }
0x2d6: {  	v1 =	vadd.f32 v1, v41  }
0x2d7: {  	s29 =	sadd.s32 $0x10, s29  }
0x2d8: {  	s1 =	sshra.s32 s14, $0x2;
	[tilespmem:s29+$0x0] =	vst v1  }
0x2d9: {  	v1 =	vld [tilespmem:s1+$0xCBF0]  }
0x2da: {  	v2 =	vld [tilespmem:s1+$0xCB70]  }
0x2db: {  	v3 =	vld [tilespmem:s1+$0xCAF0]  }
0x2dc: {  	v12 =	vld [tilespmem:s1+$0xCA70]  }
0x2dd: {  	v13 =	vld [tilespmem:s1+$0xC9F0]  }
0x2de: {  	v14 =	vld [tilespmem:s1+$0xC970]  }
0x2df: {  	v15 =	vld [tilespmem:s1+$0xC8F0]  }
0x2e0: {  	v16 =	vld [tilespmem:s1+$0xC870]  }
0x2e1: {  	v17 =	vld [tilespmem:s1+$0xC7F0]  }
0x2e2: {  	v21 =	vld [tilespmem:s1+$0xC770]  }
0x2e3: {  	v22 =	vld [tilespmem:s1+$0xC6F0]  }
0x2e4: {  	v23 =	vld [tilespmem:s1+$0xC670]  }
0x2e5: {  	v24 =	vld [tilespmem:s1+$0xC5F0]  }
0x2e6: {  	v18 =	vld [tilespmem:s1+$0xC570]  }
0x2e7: {  	v27 =	vld [tilespmem:s1+$0xCBE0]  }
0x2e8: {  	v30 =	vld [tilespmem:s1+$0xCB60]  }
0x2e9: {  	v32 =	vld [tilespmem:s1+$0xCAE0]  }
0x2ea: {  	v33 =	vld [tilespmem:s1+$0xCA60]  }
0x2eb: {  	v34 =	vld [tilespmem:s1+$0xC9E0]  }
0x2ec: {  	v35 =	vld [tilespmem:s1+$0xC960]  }
0x2ed: {  	v37 =	vld [tilespmem:s1+$0xC8E0]  }
0x2ee: {  	v39 =	vld [tilespmem:s1+$0xC860]  }
0x2ef: {  	v40 =	vld [tilespmem:s1+$0xC7E0]  }
0x2f0: {  	v46 =	vld [tilespmem:s1+$0xC760]  }
0x2f1: {  	v47 =	vld [tilespmem:s1+$0xC6E0]  }
0x2f2: {  	v48 =	vld [tilespmem:s1+$0xC660]  }
0x2f3: {  	v49 =	vld [tilespmem:s1+$0xC5E0]  }
0x2f4: {  	v50 =	vld [tilespmem:s1+$0xC560]  }
0x2f5: {  	v51 =	vld [tilespmem:s1+$0xCBD0]  }
0x2f6: {  	v52 =	vld [tilespmem:s1+$0xCB50]  }
0x2f7: {  	v53 =	vld [tilespmem:s1+$0xCAD0]  }
0x2f8: {  	v54 =	vld [tilespmem:s1+$0xCA50]  }
0x2f9: {  	v55 =	vld [tilespmem:s1+$0xC9D0]  }
0x2fa: {  	v56 =	vld [tilespmem:s1+$0xC950]  }
0x2fb: {  	v57 =	vld [tilespmem:s1+$0xC8D0]  }
0x2fc: {  	v58 =	vld [tilespmem:s1+$0xC850]  }
0x2fd: {  	v59 =	vld [tilespmem:s1+$0xC7D0]  }
0x2fe: {  	v60 =	vld [tilespmem:s1+$0xC750]  }
0x2ff: {  	v61 =	vld [tilespmem:s1+$0xC6D0]  }
0x300: {  	v62 =	vld [tilespmem:s1+$0xC650]  }
0x301: {  	v63 =	vld [tilespmem:s1+$0xC5D0];
	v43 =	vmul.f32 v2, v4;
	v44 =	vmul.f32 v1, v4  }
0x302: {  	v1 =	vld [tilespmem:s1+$0xC550];
	v25 =	vmul.f32 v12, v4;
	v36 =	vmul.f32 v3, v4  }
0x303: {  	v29 =	vmul.f32 v14, v4;
	v28 =	vmul.f32 v13, v4;
	v2 =	vld [tilespmem:s1+$0xCBC0]  }
0x304: {  	v42 =	vmul.f32 v16, v4;
	v45 =	vmul.f32 v15, v4;
	v3 =	vld [tilespmem:s1+$0xCB40]  }
0x305: {  	v5 =	vmul.f32 v21, v4;
	v12 =	vld [tilespmem:s1+$0xCAC0];
	v19 =	vmul.f32 v23, v4  }
0x306: {  	v13 =	vld [tilespmem:s1+$0xCA40];
	v31 =	vmul.f32 v18, v4;
	v20 =	vmul.f32 v24, v4  }
0x307: {  	v14 =	vld [tilespmem:s1+$0xC9C0];
	v16 =	vmul.f32 v30, v6;
	v38 =	vmul.f32 v35, v6  }
0x308: {  	v15 =	vld [tilespmem:s1+$0xC940];
	v41 =	vmul.f32 v34, v6;
	v34 =	vmul.f32 v37, v6  }
0x309: {  	v21 =	vld [tilespmem:s1+$0xC8C0];
	v18 =	vmul.f32 v48, v6;
	v30 =	vmul.f32 v47, v6  }
0x30a: {  	v23 =	vld [tilespmem:s1+$0xCBB0];
	v24 =	vmul.f32 v50, v6;
	v48 =	vmul.f32 v52, v7  }
0x30b: {  	v35 =	vld [tilespmem:s1+$0xCB90];
	v47 =	vmul.f32 v51, v7;
	v52 =	vmul.f32 v54, v7  }
0x30c: {  	v37 =	vld [tilespmem:s1+$0xCBA0];
	v50 =	vmul.f32 v56, v7;
	[tilespmem:$0x1FEA0] =	vst v5;
	v5 =	vmul.f32 v17, v4  }
0x30d: {  	v51 =	vmul.f32 v55, v7;
	[tilespmem:$0x1FE70] =	vst v42;
	v17 =	vmul.f32 v27, v6;
	v27 =	vld [tilespmem:s1+$0xCB80]  }
0x30e: {  	v54 =	vld [tilespmem:s1+$0xCB30];
	[tilespmem:$0x1FE90] =	vst v5;
	v5 =	vmul.f32 v22, v4;
	v4 =	vmul.f32 v46, v6  }
0x30f: {  	v55 =	vmul.f32 v58, v7;
	[tilespmem:$0x1FE60] =	vst v45;
	v42 =	vmul.f32 v33, v6;
	v46 =	vld [tilespmem:s1+$0xCB00]  }
0x310: {  	v45 =	vmul.f32 v32, v6;
	[tilespmem:$0x1FE80] =	vst v4;
	v4 =	vmul.f32 v49, v6;
	v49 =	vld [tilespmem:s1+$0xCB10]  }
0x311: {  	v58 =	vld [tilespmem:s1+$0xCA30];
	v33 =	vmul.f32 v39, v6;
	v39 =	vmul.f32 v53, v7  }
0x312: {  	v53 =	vld [tilespmem:s1+$0xCB20];
	v56 =	vmul.f32 v35, v0;
	v27 =	vmul.f32 v27, v11  }
0x313: {  	v32 =	vmul.f32 v40, v6;
	v40 =	vmul.f32 v57, v7;
	v57 =	vld [tilespmem:s1+$0xCAB0]  }
0x314: {  	v22 =	vld [tilespmem:s1+$0xC840];
	v35 =	vmul.f32 v59, v7;
	v27 =	vadd.f32 v56, v27;
	v56 =	vmul.f32 v37, v10  }
0x315: {  	v59 =	vld [tilespmem:s1+$0xCAA0];
	v46 =	vmul.f32 v46, v11;
	v49 =	vmul.f32 v49, v0  }
0x316: {  	v23 =	vmul.f32 v23, v9;
	v6 =	vmul.f32 v62, v7;
	v62 =	vld [tilespmem:s1+$0xCA90];
	v56 =	vadd.f32 v56, v27  }
0x317: {  	v2 =	vmul.f32 v2, v8;
	v37 =	vmul.f32 v60, v7;
	v60 =	vld [tilespmem:s1+$0xCA20];
	v46 =	vadd.f32 v49, v46  }
0x318: {  	v49 =	vmul.f32 v53, v10;
	v23 =	vadd.f32 v23, v56;
	v53 =	vmul.f32 v63, v7;
	v56 =	vld [tilespmem:s1+$0xCA00]  }
0x319: {  	v63 =	vmul.f32 v54, v9;
	v54 =	vmul.f32 v1, v7;
	v1 =	vld [tilespmem:s1+$0xCA10]  }
0x31a: {  	v27 =	vmul.f32 v61, v7;
	v61 =	vld [tilespmem:s1+$0xCA80];
	v46 =	vadd.f32 v49, v46  }
0x31b: {  	v2 =	vadd.f32 v2, v23;
	v23 =	vld [tilespmem:s1+$0xC980]  }
0x31c: {  	v3 =	vmul.f32 v3, v8;
	v49 =	vadd.f32 v63, v46;
	v63 =	vld [tilespmem:s1+$0xC990]  }
0x31d: {  	v2 =	vadd.f32 v47, v2;
	v46 =	vmul.f32 v22, v8;
	v47 =	vmul.f32 v21, v8;
	v21 =	vld [tilespmem:s1+$0xC900]  }
0x31e: {  	v22 =	vld [tilespmem:s1+$0xC910];
	v56 =	vmul.f32 v56, v11;
	v1 =	vmul.f32 v1, v0;
	v3 =	vadd.f32 v3, v49  }
0x31f: {  	v49 =	vmul.f32 v57, v9;
	v2 =	vadd.f32 v17, v2;
	v17 =	vld [tilespmem:s1+$0xC9A0];
	v57 =	vmul.f32 v60, v10  }
0x320: {  	v60 =	vmul.f32 v61, v11;
	v61 =	vmul.f32 v62, v0;
	v3 =	vadd.f32 v48, v3;
	v48 =	vld [tilespmem:s1+$0xC920]  }
0x321: {  	v1 =	vadd.f32 v1, v56;
	v2 =	vadd.f32 v44, v2;
	v44 =	vld [tilespmem:s1+$0xC9B0]  }
0x322: {  	v60 =	vadd.f32 v61, v60;
	v61 =	vld [tilespmem:s1+$0xC7C0]  }
0x323: {  	v59 =	vmul.f32 v59, v10;
	v1 =	vadd.f32 v57, v1;
	v57 =	vld [tilespmem:$0x1FFF0]  }
0x324: {  	v21 =	vmul.f32 v21, v11;
	v22 =	vmul.f32 v22, v0;
	v3 =	vadd.f32 v16, v3;
	v16 =	vld [tilespmem:s1+$0xC930]  }
0x325: {  	v23 =	vmul.f32 v23, v11;
	v62 =	vmul.f32 v63, v0;
	v56 =	vadd.f32 v59, v60;
	v59 =	vld [tilespmem:s1+$0xC6C0]  }
0x326: {  	v13 =	vmul.f32 v13, v8;
	v58 =	vmul.f32 v58, v9;
	v60 =	vld [tilespmem:s1+$0xC640];
	v21 =	vadd.f32 v22, v21  }
0x327: {  	v17 =	vmul.f32 v17, v10;
	v23 =	vadd.f32 v62, v23;
	v3 =	vadd.f32 v43, v3;
	v43 =	vld [tilespmem:s1+$0xC740]  }
0x328: {  	v1 =	vadd.f32 v58, v1;
	v22 =	vmul.f32 v48, v10;
	v48 =	vadd.f32 v49, v56;
	v56 =	vld [tilespmem:s1+$0xC8B0]  }
0x329: {  	v12 =	vmul.f32 v12, v8;
	v44 =	vmul.f32 v44, v9;
	v17 =	vadd.f32 v17, v23;
	v23 =	vld [tilespmem:s1+$0xC8A0]  }
0x32a: {  	v1 =	vadd.f32 v13, v1;
	v21 =	vadd.f32 v22, v21;
	v16 =	vmul.f32 v16, v9;
	v22 =	vld [tilespmem:s1+$0xC830]  }
0x32b: {  	v14 =	vmul.f32 v14, v8;
	v17 =	vadd.f32 v44, v17;
	v44 =	vmul.f32 v59, v8;
	v59 =	vmovc v4;
	v4 =	vld [tilespmem:$0x1FE60]  }
0x32c: {  	v1 =	vadd.f32 v52, v1;
	v16 =	vadd.f32 v16, v21;
	v21 =	vld [tilespmem:s1+$0xC820]  }
0x32d: {  	v15 =	vmul.f32 v15, v8;
	v12 =	vadd.f32 v12, v48;
	v14 =	vadd.f32 v14, v17;
	v17 =	vld [tilespmem:s1+$0xC880]  }
0x32e: {  	v52 =	vmov v20;
	v20 =	vperm.xlane v3, v26;
	v1 =	vadd.f32 v42, v1;
	v42 =	vld [tilespmem:s1+$0xC790]  }
0x32f: {  	v12 =	vadd.f32 v39, v12;
	v39 =	vadd.f32 v15, v16;
	v15 =	vmul.f32 v56, v9;
	v56 =	vld [tilespmem:$0x1FFD0]  }
0x330: {  	v48 =	vmul.f32 v43, v8;
	v1 =	vadd.f32 v25, v1;
	v25 =	vld [tilespmem:s1+$0xC540]  }
0x331: {  	v43 =	vmul.f32 v60, v8;
	v3 =	vadd.f32 v20, v3;
	v12 =	vadd.f32 v45, v12;
	v45 =	vld [tilespmem:s1+$0xC710]  }
0x332: {  	v14 =	vadd.f32 v51, v14;
	v51 =	vperm.xlane v2, v26;
	v16 =	vmul.f32 v22, v9;
	v22 =	vld [tilespmem:s1+$0xC890]  }
0x333: {  	v23 =	vmul.f32 v23, v10;
	v13 =	vadd.f32 v50, v39;
	v12 =	vadd.f32 v36, v12;
	v36 =	vld [tilespmem:s1+$0xC800]  }
0x334: {  	v14 =	vadd.f32 v41, v14;
	v41 =	vld [tilespmem:s1+$0xC5C0];
	v62 =	vperm.xlane v1, v26;
	v2 =	vadd.f32 v51, v2  }
0x335: {  	v60 =	vmovc v19;
	v21 =	vmul.f32 v21, v10;
	v13 =	vadd.f32 v38, v13;
	v38 =	vld [tilespmem:s1+$0xC810];
	v19 =	vperm.xlane v12, v26  }
0x336: {  	v39 =	vld [tilespmem:s1+$0xC7B0];
	v17 =	vmul.f32 v17, v11;
	v14 =	vadd.f32 v28, v14;
	v2 =	vsel vm0, v3, v2  }
0x337: {  	v13 =	vadd.f32 v29, v13;
	v12 =	vadd.f32 v19, v12;
	v19 =	vmul.f32 v22, v0;
	v22 =	vld [tilespmem:s1+$0xC780]  }
0x338: {  	v51 =	vld [tilespmem:s1+$0xC730];
	v1 =	vadd.f32 v62, v1;
	v62 =	vperm.xlane v2, v56;
	v63 =	vperm.xlane v14, v26  }
0x339: {  	v3 =	vld [tilespmem:s1+$0xC700];
	v36 =	vmul.f32 v36, v11;
	v20 =	vperm.xlane v13, v26;
	v17 =	vadd.f32 v19, v17  }
0x33a: {  	v50 =	vadd.f32 v62, v2;
	v2 =	vld [tilespmem:s1+$0xC720];
	v14 =	vadd.f32 v63, v14;
	v38 =	vmul.f32 v38, v0  }
0x33b: {  	v1 =	vsel vm0, v1, v12;
	v13 =	vadd.f32 v20, v13;
	v17 =	vadd.f32 v23, v17;
	v23 =	vld [tilespmem:s1+$0xC7A0]  }
0x33c: {  	v19 =	vadd.f32 v38, v36;
	v36 =	vmul.f32 v41, v8;
	v41 =	vmul.f32 v22, v11;
	v22 =	vld [tilespmem:s1+$0xC690]  }
0x33d: {  	v63 =	vperm.xlane v1, v56;
	v38 =	vmul.f32 v25, v8;
	v25 =	vld [tilespmem:s1+$0xC6A0]  }
0x33e: {  	v13 =	vsel vm0, v13, v14;
	v62 =	vadd.f32 v15, v17;
	v17 =	vld [tilespmem:s1+$0xC680]  }
0x33f: {  	v20 =	vadd.f32 v21, v19;
	v21 =	vperm.xlane v13, v56;
	v19 =	vadd.f32 v63, v1;
	v1 =	vld [tilespmem:s1+$0xC6B0]  }
0x340: {  	v49 =	vmul.f32 v61, v8;
	v12 =	vadd.f32 v47, v62;
	v47 =	vld [tilespmem:$0x1FE80]  }
0x341: {  	v3 =	vmul.f32 v3, v11;
	v63 =	vadd.f32 v16, v20;
	v20 =	vadd.f32 v21, v13;
	v13 =	vld [tilespmem:s1+$0xC630]  }
0x342: {  	v2 =	vmul.f32 v2, v10;
	v16 =	vmul.f32 v42, v0;
	v42 =	vld [tilespmem:s1+$0xC530]  }
0x343: {  	v21 =	vmul.f32 v45, v0;
	v12 =	vadd.f32 v40, v12;
	v22 =	vmul.f32 v22, v0;
	v40 =	vld [tilespmem:s1+$0xC490]  }
0x344: {  	v14 =	vadd.f32 v46, v63;
	v15 =	vadd.f32 v16, v41;
	v16 =	vmul.f32 v23, v10;
	v23 =	vld [tilespmem:s1+$0xC600]  }
0x345: {  	v3 =	vadd.f32 v21, v3;
	v21 =	vld [tilespmem:s1+$0xC610];
	v17 =	vmul.f32 v17, v11;
	v12 =	vadd.f32 v34, v12  }
0x346: {  	v41 =	vld [tilespmem:$0x1FE70];
	v14 =	vadd.f32 v55, v14;
	v15 =	vadd.f32 v16, v15;
	v16 =	vmul.f32 v39, v9  }
0x347: {  	v62 =	vmul.f32 v51, v9;
	v63 =	vld [tilespmem:s1+$0xC620];
	v2 =	vadd.f32 v2, v3;
	v17 =	vadd.f32 v22, v17  }
0x348: {  	v1 =	vmul.f32 v1, v9;
	v34 =	vld [tilespmem:s1+$0xC5A0];
	v12 =	vadd.f32 v4, v12;
	v15 =	vadd.f32 v16, v15  }
0x349: {  	v22 =	vmul.f32 v25, v10;
	v14 =	vadd.f32 v33, v14;
	v16 =	vld [tilespmem:s1+$0xC5B0];
	v2 =	vadd.f32 v62, v2  }
0x34a: {  	v55 =	vld [tilespmem:$0x1FFE0];
	v23 =	vmul.f32 v23, v11;
	v21 =	vmul.f32 v21, v0;
	v15 =	vadd.f32 v49, v15  }
0x34b: {  	v62 =	vld [tilespmem:$0x1FEA0];
	v3 =	vadd.f32 v41, v14;
	v2 =	vadd.f32 v48, v2;
	v49 =	vperm.xlane v12, v26  }
0x34c: {  	v45 =	vmul.f32 v63, v10;
	v48 =	vld [tilespmem:$0x1FE90];
	v21 =	vadd.f32 v21, v23;
	v15 =	vadd.f32 v35, v15  }
0x34d: {  	v39 =	vld [tilespmem:s1+$0xC480];
	v13 =	vmul.f32 v13, v9;
	v2 =	vadd.f32 v37, v2;
	v25 =	vadd.f32 v49, v12  }
0x34e: {  	p0 =	sne.s32 s14, $0x18000;
	v33 =	vld [tilespmem:s1+$0xC520];
	v29 =	vmul.f32 v16, v9;
	v16 =	vadd.f32 v22, v17;
	v46 =	vadd.f32 v45, v21  }
.Ltmp1:
0x34f: {  	v41 =	vld [tilespmem:s1+$0xC400];
	v15 =	vadd.f32 v32, v15;
	v2 =	vadd.f32 v47, v2;
	(pc) =	sbr.rel @p0 .LBB2_5-.Ltmp1, $4  }
0x350: {  	v35 =	vld [tilespmem:s1+$0xC580];
	v63 =	vperm.xlane v3, v26;
	v1 =	vadd.f32 v1, v16;
	v13 =	vadd.f32 v13, v46  }
0x351: {  	v51 =	vmovc v31;
	v31 =	vmul.f32 v42, v9;
	v37 =	vld [tilespmem:s1+$0xC590];
	v42 =	vadd.f32 v48, v15;
	v45 =	vadd.f32 v62, v2  }
0x352: {  	v58 =	vmovc v24;
	v23 =	vmov v30;
	v30 =	vld [tilespmem:s1+$0xC510];
	v28 =	vadd.f32 v63, v3;
	v44 =	vadd.f32 v44, v1  }
0x353: {  	s14 =	sadd.s32 $0x2000, s14;
	v61 =	vmovc v5;
	v32 =	vld [tilespmem:s1+$0xC500];
	v43 =	vadd.f32 v43, v13;
	v46 =	vperm.xlane v42, v26;
	v47 =	vperm.xlane v45, v26  }
0x354: {  	v1 =	vld [tilespmem:s1+$0xC410]  }
0x355: {  	v4 =	vld [tilespmem:$0x1FF00]  }
0x356: {  	v13 =	vld [tilespmem:s1+$0xC4A0]  }
0x357: {  	v5 =	vld [tilespmem:$0x1FED0]  }
0x358: {  	v0 =	vld [tilespmem:$0x1FEE0]  }
0x359: {  	v17 =	vld [tilespmem:s1+$0xC420]  }
0x35a: {  	v63 =	vld [tilespmem:s1+$0xC4B0]  }
0x35b: {  	v3 =	vadd.f32 v27, v44;
	v11 =	vld [tilespmem:s1+$0xC4C0];
	v12 =	vadd.f32 v46, v42  }
0x35c: {  	v44 =	vld [tilespmem:s1+$0xC450];
	v15 =	vadd.f32 v6, v43;
	v2 =	vmul.f32 v34, v4;
	v14 =	vmul.f32 v33, v4  }
0x35d: {  	v48 =	vld [tilespmem:s1+$0xC460];
	v16 =	vadd.f32 v47, v45;
	v21 =	vmul.f32 v35, v5;
	v22 =	vmul.f32 v37, v0  }
0x35e: {  	v45 =	vld [tilespmem:$0x1FF20];
	v3 =	vadd.f32 v23, v3;
	v24 =	vmul.f32 v32, v5;
	v26 =	vmul.f32 v30, v0  }
0x35f: {  	v49 =	vld [tilespmem:$0x1FF10];
	v15 =	vadd.f32 v18, v15;
	v39 =	vmul.f32 v39, v5;
	v40 =	vmul.f32 v40, v0  }
0x360: {  	v3 =	vadd.f32 v61, v3;
	v37 =	vld [tilespmem:s1+$0xC430];
	v10 =	vmul.f32 v41, v5;
	v1 =	vmul.f32 v1, v0  }
0x361: {  	v43 =	vld [tilespmem:s1+$0xC4D0];
	v15 =	vadd.f32 v60, v15;
	v13 =	vmul.f32 v13, v4;
	v24 =	vadd.f32 v26, v24  }
0x362: {  	v41 =	vld [tilespmem:s1+$0xC440];
	v9 =	vmul.f32 v17, v4;
	v21 =	vadd.f32 v22, v21;
	v42 =	vadd.f32 v40, v39  }
0x363: {  	v23 =	vmul.f32 v63, v45;
	v63 =	vld [tilespmem:$0x1FEF0];
	v1 =	vadd.f32 v1, v10;
	v14 =	vadd.f32 v14, v24  }
0x364: {  	v62 =	vld [tilespmem:s1+$0xC470];
	v2 =	vadd.f32 v2, v21;
	v46 =	vadd.f32 v13, v42  }
0x365: {  	v47 =	vld [tilespmem:s1+$0xC4E0];
	v1 =	vadd.f32 v9, v1;
	v8 =	vmul.f32 v37, v45;
	v14 =	vadd.f32 v31, v14  }
0x366: {  	v11 =	vmul.f32 v11, v49;
	v2 =	vadd.f32 v29, v2;
	v60 =	vadd.f32 v23, v46;
	v23 =	vld [tilespmem:$0x1FEC0]  }
0x367: {  	v30 =	vld [tilespmem:$0x1FEB0];
	v7 =	vmul.f32 v41, v49;
	v1 =	vadd.f32 v8, v1;
	v14 =	vadd.f32 v38, v14  }
0x368: {  	v61 =	vld [tilespmem:s1+$0xC4F0];
	v17 =	vmul.f32 v43, v63;
	v2 =	vadd.f32 v36, v2;
	v22 =	vadd.f32 v11, v60  }
0x369: {  	v35 =	vld [tilespmem:$0x1FFC0];
	v21 =	vmul.f32 v44, v63;
	v1 =	vadd.f32 v7, v1;
	v26 =	vadd.f32 v54, v14  }
0x36a: {  	v2 =	vadd.f32 v53, v2;
	v29 =	vadd.f32 v17, v22  }
0x36b: {  	v24 =	vmul.f32 v47, v23;
	v1 =	vadd.f32 v21, v1;
	v27 =	vmul.f32 v48, v23  }
0x36c: {  	v4 =	vmul.f32 v62, v30;
	v32 =	vadd.f32 v58, v26;
	v2 =	vadd.f32 v59, v2  }
0x36d: {  	v31 =	vmul.f32 v61, v30;
	v1 =	vadd.f32 v27, v1;
	v33 =	vadd.f32 v24, v29  }
0x36e: {  	v36 =	vperm.xlane v3, v35;
	v34 =	vadd.f32 v51, v32;
	v2 =	vadd.f32 v52, v2  }
0x36f: {  	v38 =	vperm.xlane v15, v35;
	v1 =	vadd.f32 v4, v1;
	v37 =	vadd.f32 v31, v33  }
0x370: {  	v3 =	vadd.f32 v36, v3;
	v39 =	vperm.xlane v34, v35;
	v40 =	vperm.xlane v2, v35  }
0x371: {  	v5 =	vadd.f32 v38, v15;
	v41 =	vperm.xlane v1, v35;
	v42 =	vperm.xlane v37, v35  }
0x372: {  	v43 =	vsel vm0, v28, v25;
	v2 =	vadd.f32 v40, v2;
	v6 =	vadd.f32 v39, v34  }
0x373: {  	v44 =	vsel vm0, v16, v12;
	v4 =	vadd.f32 v42, v37;
	v1 =	vadd.f32 v41, v1  }
0x374: {  	v45 =	vperm.xlane v44, v56;
	v46 =	vperm.xlane v43, v56;
	v3 =	vsel vm0, v5, v3  }
0x375: {  	v47 =	vperm.xlane v3, v56;
	v2 =	vsel vm0, v6, v2;
	v1 =	vsel vm0, v1, v4  }
0x376: {  	v7 =	vadd.f32 v46, v43;
	v49 =	vperm.xlane v2, v56;
	v48 =	vperm.xlane v1, v56  }
0x377: {  	v5 =	vadd.f32 v45, v44;
	v3 =	vadd.f32 v47, v3  }
0x378: {  	v51 =	vsel vm1, v19, v50;
	v2 =	vadd.f32 v49, v2;
	v1 =	vadd.f32 v48, v1  }
0x379: {  	v52 =	vsel vm1, v7, v20;
	v53 =	vperm.xlane v51, v55  }
0x37a: {  	v58 =	vperm.xlane v52, v55;
	v54 =	vsel vm1, v3, v5;
	v1 =	vsel vm1, v1, v2  }
0x37b: {  	v60 =	vperm.xlane v54, v55;
	v59 =	vperm.xlane v1, v55  }
0x37c: {  	v3 =	vadd.f32 v58, v52;
	v4 =	vadd.f32 v53, v51  }
0x37d: {  	v2 =	vadd.f32 v60, v54;
	v1 =	vadd.f32 v59, v1;
	_ =	sdelay $0x1  }
0x37e: {  	s15 =	sadd.s32 $0x10, s2;
	v61 =	vsel vm2, v3, v4;
	v1 =	vsel vm2, v1, v2  }
0x37f: {  	v63 =	vld [tilespmem:s15+$0x0];
	v4 =	vperm.xlane v61, v57;
	v62 =	vperm.xlane v1, v57  }
0x380: {  	s31 =	sadd.s32 $0x1, s31  }
0x381: {  	p0 =	sne.s32 s31, $0x10;
	v2 =	vadd.f32 v4, v61;
	v1 =	vadd.f32 v62, v1  }
.Ltmp2:
0x382: {  	_ = 	snop;
	(pc) =	sbr.rel @p0 .LBB2_2-.Ltmp2, $4  }
0x383: {  	v1 =	vsel vm3, v1, v2  }
0x384: {  	v1 =	vadd.f32 v1, v63  }
0x385: {  	s29 =	sadd.s32 $0x10, s29  }
0x386: {  	s30 =	sadd.s32 $0x1A0, s30;
	s12 =	sadd.s32 $0x1A0, s12;
	[tilespmem:s29+$0x0] =	vst v1  }
0x387: {  	s28 =	sadd.s32 $0x1, s28  }
0x388: {  	p0 =	sne.s32 s28, s9  }
.Ltmp3:
0x389: {  	_ = 	snop;
	(pc) =	sbr.rel @p0 .LBB2_1-.Ltmp3, $4  }
0x38a: {  	[hbm4b:s8+s3] =	stream.linear.scatter [tilespmem:s26], [sflag:$0x3], $0x1A00, $0x38;
	[tilespmem:$0x12DA0] =	vst v63  }
0x38b: {  	_ =	swait.ge [sflag:s10], $0x1A00  }
0x38c: {  	[sflag:s10] =	ssyncset.done $0x0  }
0x38d: {  	[sflag:s10] =	ssyncadd.s32 $0xFFFFE600  }
0x38e: {  	_ =	sfence.sel $0x180000  }
0x38f: {  	[bflag:$0x0] =	sbarrier.arrive $0xFFFF  }
0x390: {  	_ =	strace $0x9000004A  }
0x391: {  	s0 =	stileid.u32;
	[bflag:$0x2] =	sbarrier.arrive $0xFFFF  }
0x392: {  	p0 =	sne.s32 s0, $0x0;
	s0 =	rddreg [dreg:$0x3]  }
0x393: {  	s0 =	sadd.s32 @!p0 $0x100000, s0  }
0x394: {  	[sflag:s0] =	ssyncadd.tile.s32 @!p0 $0x1;
	_ =	shalt  }
.Lfunc_end2:
_tile_overlayer_lowered:
.L_overlay_start_2:
0x395: {  	(tag) =	ssettag $0x2  }
0x396: {  	s0 =	rddreg [dreg:$0x0];
	s2 =	stileid.u32  }
0x397: {  	s1 =	rddreg [dreg:$0x1];
	p0 =	sne.s32 s2, $0x0  }
0x398: {  	s3 =	rddreg [dreg:$0x2];
	[bflag:$0x3] =	sbarrier.arrive $0xFFFF;
	s2 =	simm.s32 @!p0 $0x1C03  }
0x399: {  	[timem:s3], [sflag:s2] =	dma.local @!p0 [hbm:s0], s1  }
0x39a: {  	s0 =	simm.s32 @!p0 $0x3  }
0x39b: {  	_ =	swait.ge @!p0 [sflag:s0], s1  }
0x39c: {  	s1 =	ssub.s32 @!p0 $0x0, s1;
	[sflag:s0] =	ssyncset.done @!p0 $0x0  }
0x39d: {  	[sflag:s0] =	ssyncadd.s32 @!p0 s1  }
0x39e: {  	[bflag:$0x3] =	sbarrier.arrive $0xFFFF  }
0x39f: {  	_ =	shalt  }

</sc_bundles>
